<compile_context>
chip_gen: v7x
topology: tpu7x:2x2x1
jax: 0.10.2.dev20260603
libtpu: 0.0.44.dev20260713+nightly
codegen_flags: <defaults>
</compile_context>

<pallas_src>
import functools

import jax
import jax.numpy as jnp
from jax import lax
from jax.experimental import pallas as pl
from jax.experimental.pallas import tpu as pltpu
from jax.experimental.pallas import tpu_sc as plsc

R, C = 128, 32768
N = R * C
K = int(N * 10 / 100)
NC, NS, L = 2, 16, 16
NW = NC * NS
PER_TILE = N // NW
CH = 16384
NCH = PER_TILE // CH
UNROLL = 16
B1 = 2048
B2 = 2048

_mesh = plsc.VectorSubcoreMesh(core_axis_name="c", subcore_axis_name="s")
_sc_params = pltpu.CompilerParams(needs_layout_passes=False,
                                  use_tc_tiling_on_sc=False)


def _bce_body(x_ref, t_ref, o_ref):
    x = x_ref[...]
    t = t_ref[...]
    bce = jnp.maximum(x, 0.0) - x * t + jnp.log1p(jnp.exp(-jnp.abs(x)))
    o_ref[...] = bce.reshape(-1)


_bce_call = pl.pallas_call(
    _bce_body,
    grid=(16,),
    in_specs=[pl.BlockSpec((8, C), lambda i: (i, 0)),
              pl.BlockSpec((8, C), lambda i: (i, 0))],
    out_specs=pl.BlockSpec((8 * C, ), lambda i: (i, )),
    out_shape=jax.ShapeDtypeStruct((N, ), jnp.float32),
)


def _zero_hist(hist, nbins):
    zeros = jnp.zeros((L,), jnp.int32)

    def z(i, carry):
        for u in range(8):
            hist[i * 8 + u] = zeros
        return carry

    lax.fori_loop(0, nbins // 8, z, 0)


def _stream_prime(hbm, tile_base, buf0, buf1, sem0, sem1):
    pltpu.async_copy(hbm.at[pl.ds(tile_base, CH)], buf0, sem0)
    pltpu.async_copy(hbm.at[pl.ds(tile_base + CH, CH)], buf1, sem1)


def _stream(hbm, tile_base, buf0, buf1, sem0, sem1, proc, carry):
    def outer(g, c):
        base = tile_base + g * 2 * CH
        pltpu.make_async_copy(hbm.at[pl.ds(base, CH)], buf0, sem0).wait()
        c = proc(buf0, c)
        pltpu.async_copy(hbm.at[pl.ds(base + 2 * CH, CH)], buf0, sem0)
        pltpu.make_async_copy(hbm.at[pl.ds(base + CH, CH)], buf1, sem1).wait()
        c = proc(buf1, c)
        pltpu.async_copy(hbm.at[pl.ds(base + 3 * CH, CH)], buf1, sem1)
        return c

    carry = lax.fori_loop(0, NCH // 2 - 1, outer, carry)
    base = tile_base + (NCH - 2) * CH
    pltpu.make_async_copy(hbm.at[pl.ds(base, CH)], buf0, sem0).wait()
    carry = proc(buf0, carry)
    pltpu.make_async_copy(hbm.at[pl.ds(base + CH, CH)], buf1, sem1).wait()
    return proc(buf1, carry)


def _lane_reduce(hist, hist_red, nbins):
    iota = lax.iota(jnp.int32, L)

    def grp(g, carry):
        bin_ids = g * L + iota
        w = jnp.zeros((L,), jnp.int32)
        for l in range(L):
            lane = jnp.full((L,), l, jnp.int32)
            w = w + plsc.load_gather(hist, [bin_ids, lane])
        hist_red[pl.ds(g * L, L)] = w
        return carry

    lax.fori_loop(0, nbins // L, grp, 0)


@functools.partial(
    pl.kernel,
    out_type=jax.ShapeDtypeStruct((NW, B1), jnp.int32),
    mesh=_mesh,
    compiler_params=_sc_params,
    scratch_types=[
        pltpu.VMEM((CH,), jnp.float32),
        pltpu.VMEM((CH,), jnp.float32),
        pltpu.VMEM((B1, L), jnp.int32),
        pltpu.VMEM((B1,), jnp.int32),
        pltpu.SemaphoreType.DMA,
        pltpu.SemaphoreType.DMA,
    ],
)
def _sc_pass1(bce_hbm, h1_out, buf0, buf1, hist, hist_red, sem0, sem1):
    wid = lax.axis_index("c") * NS + lax.axis_index("s")
    _stream_prime(bce_hbm, wid * PER_TILE, buf0, buf1, sem0, sem1)
    _zero_hist(hist, B1)
    lanes = lax.iota(jnp.int32, L)
    ones = jnp.ones((L,), jnp.int32)

    def proc(buf, carry):
        def vec(vi, c2):
            base = vi * (L * UNROLL)
            idxs = []
            for u in range(UNROLL):
                v = buf[pl.ds(base + u * L, L)]
                bits = plsc.bitcast(v, jnp.int32)
                idxs.append(lax.shift_right_logical(bits, 20))
            for idx in idxs:
                plsc.addupdate_scatter(hist, [idx, lanes], ones)
            return c2

        return lax.fori_loop(0, CH // (L * UNROLL), vec, carry)

    _stream(bce_hbm, wid * PER_TILE, buf0, buf1, sem0, sem1, proc, 0)
    _lane_reduce(hist, hist_red, B1)
    pltpu.sync_copy(hist_red, h1_out.at[wid])


@functools.partial(
    pl.kernel,
    out_type=(jax.ShapeDtypeStruct((NW, B2), jnp.int32),
              jax.ShapeDtypeStruct((NW, L), jnp.float32)),
    mesh=_mesh,
    compiler_params=_sc_params,
    scratch_types=[
        pltpu.VMEM((CH,), jnp.float32),
        pltpu.VMEM((CH,), jnp.float32),
        pltpu.VMEM((B2, L), jnp.int32),
        pltpu.VMEM((B2,), jnp.int32),
        pltpu.VMEM((L,), jnp.int32),
        pltpu.VMEM((L,), jnp.float32),
        pltpu.SemaphoreType.DMA,
        pltpu.SemaphoreType.DMA,
    ],
)
def _sc_pass2(bce_hbm, params_hbm, h2_out, sums_out, buf0, buf1,
              hist, hist_red, pbuf, sbuf, sem0, sem1):
    wid = lax.axis_index("c") * NS + lax.axis_index("s")
    _stream_prime(bce_hbm, wid * PER_TILE, buf0, buf1, sem0, sem1)
    pltpu.sync_copy(params_hbm.at[pl.ds(0, L)], pbuf)
    a_vec = pbuf[...]
    _zero_hist(hist, B2)
    lanes = lax.iota(jnp.int32, L)
    ones = jnp.ones((L,), jnp.int32)
    zero = jnp.zeros((L,), jnp.float32)

    def proc(buf, accs):
        def vec(vi, accs2):
            base = vi * (L * UNROLL)
            vals, tops, mids = [], [], []
            for u in range(UNROLL):
                v = buf[pl.ds(base + u * L, L)]
                bits = plsc.bitcast(v, jnp.int32)
                vals.append(v)
                tops.append(lax.shift_right_logical(bits, 20))
                mids.append(
                    jnp.bitwise_and(lax.shift_right_logical(bits, 9), B2 - 1))
            for u in range(UNROLL):
                plsc.addupdate_scatter(hist, [mids[u], lanes], ones,
                                       mask=tops[u] == a_vec)
            return tuple(
                accs2[u] + jnp.where(tops[u] > a_vec, vals[u], 0.0)
                for u in range(UNROLL))

        return lax.fori_loop(0, CH // (L * UNROLL), vec, accs)

    accs = _stream(bce_hbm, wid * PER_TILE, buf0, buf1, sem0, sem1, proc,
                   (zero,) * UNROLL)
    accs = list(accs)
    while len(accs) > 1:
        accs = [a + b for a, b in zip(accs[::2], accs[1::2])]
    sbuf[...] = accs[0]
    _lane_reduce(hist, hist_red, B2)
    pltpu.sync_copy(hist_red, h2_out.at[wid])
    pltpu.sync_copy(sbuf, sums_out.at[wid])


def _suffix_scan(t16x128):
    s = t16x128
    for sh in (1, 2, 4, 8, 16, 32, 64):
        s = s + jnp.concatenate(
            [s[:, sh:], jnp.zeros((16, sh), jnp.float32)], axis=1)
    rows = s[:, 0:1]
    gi = lax.broadcasted_iota(jnp.int32, (16, 16), 0)
    gj = lax.broadcasted_iota(jnp.int32, (16, 16), 1)
    below = jnp.sum(jnp.where(gi > gj, rows, 0.0), axis=0)
    return s + below[:, None]


def _flat_iota_i():
    return (lax.broadcasted_iota(jnp.int32, (16, 128), 0) * 128
            + lax.broadcasted_iota(jnp.int32, (16, 128), 1))


def _flat_iota():
    return _flat_iota_i().astype(jnp.float32)


def _scan1_body(h1_ref, p_ref):
    t = jnp.sum(h1_ref[...].astype(jnp.float32), axis=0)
    t = t.reshape(16, 128)
    s = _suffix_scan(t)
    msk = (s >= float(K)).astype(jnp.float32)
    a_star = jnp.sum(msk) - 1.0
    above = jnp.sum(jnp.where(_flat_iota() > a_star, t, 0.0))
    kp = float(K) - above
    ri = lax.broadcasted_iota(jnp.int32, (8, 128), 0)
    p = jnp.where(ri == 0, a_star.astype(jnp.int32),
                  jnp.where(ri == 1, kp.astype(jnp.int32), 0))
    p_ref[...] = p


_scan1_call = pl.pallas_call(
    _scan1_body,
    out_shape=jax.ShapeDtypeStruct((8, 128), jnp.int32),
)


def _final_body(h2_ref, sums_ref, p_ref, o_ref):
    u = jnp.sum(h2_ref[...].astype(jnp.float32), axis=0)
    u = u.reshape(16, 128)
    a_star = p_ref[0, 0]
    kp = p_ref[1, 0].astype(jnp.float32)
    s = _suffix_scan(u)
    msk = (s >= kp).astype(jnp.float32)
    b_star = jnp.sum(msk) - 1.0
    flat = _flat_iota()
    above2 = jnp.sum(jnp.where(flat > b_star, u, 0.0))
    k2 = kp - above2
    flat_i = _flat_iota_i()
    vbits = jnp.bitwise_or(
        jnp.bitwise_or(lax.shift_left(a_star, 20), lax.shift_left(flat_i, 9)),
        256)
    vhat = lax.bitcast_convert_type(vbits, jnp.float32)
    sum_mid = jnp.sum(jnp.where(flat > b_star, u * vhat, 0.0))
    v_b = jnp.sum(jnp.where(flat == b_star, vhat, 0.0))
    total = jnp.sum(sums_ref[...]) + sum_mid + k2 * v_b
    o_ref[...] = jnp.broadcast_to(total / float(K), (1, 1))


_final_call = pl.pallas_call(
    _final_body,
    out_shape=jax.ShapeDtypeStruct((1, 1), jnp.float32),
)


def kernel(inputs, targets):
    bce_flat = _bce_call(inputs, targets)
    h1 = _sc_pass1(bce_flat)
    params = _scan1_call(h1)
    h2, sums = _sc_pass2(bce_flat, params.reshape(-1))
    out = _final_call(h2, sums, params)
    return out.reshape(())

# --- scband reference (transcript-rebuilt; emitter-appended) ---
"""Pipeline reference for scband-top-kloss-14293651161090 (READ-ONLY COPY).

The authoritative reference and input builder live on the scoring server;
editing this copy changes nothing except your own understanding.
"""

import jax, jax.numpy as jnp
import numpy as np

K_PCT = 10  # init_kwargs k


def setup_inputs(seed: int = 0) -> dict:
    key = jax.random.key(seed)
    k1, k2 = jax.random.split(key)
    inputs = jax.random.normal(k1, (128, 32768), dtype=jnp.float32)
    targets = jax.random.uniform(k2, (128, 32768), dtype=jnp.float32)
    return {"inputs": inputs, "targets": targets}


def _bce_with_logits(x, t):
    # numerically stable BCE-with-logits, reduction='none', pos_weight=None
    return jnp.maximum(x, 0.0) - x * t + jnp.log1p(jnp.exp(-jnp.abs(x)))


def reference(inputs, targets):
    bce = _bce_with_logits(inputs, targets)
    num_losses = int(np.prod(bce.shape))
    k = int(num_losses * K_PCT / 100)
    topk_vals, _ = jax.lax.top_k(bce.reshape(-1), k)
    # reduction == 'mean'
    return jnp.mean(topk_vals)

if __name__ == "__main__":
    import jax
    _d = setup_inputs()
    print(jax.jit(kernel)(*tuple(_d.values())))

</pallas_src>

<mosaic_0001>
#map = affine_map<(d0, d1) -> (0)>
#map1 = affine_map<(d0, d1) -> (0, 0)>
module attributes {stable_mosaic.version = 14 : i64} {
  func.func @_sc_pass2(%arg0: i32, %arg1: i32, %arg2: memref<4194304xf32, #tpu.memory_space<hbm>>, %arg3: memref<1024xi32, #tpu.memory_space<hbm>>, %arg4: memref<32x2048xi32, #tpu.memory_space<hbm>>, %arg5: memref<32x16xf32, #tpu.memory_space<hbm>>, %arg6: memref<16384xf32, #tpu.memory_space<vmem>>, %arg7: memref<16384xf32, #tpu.memory_space<vmem>>, %arg8: memref<2048x16xi32, #tpu.memory_space<vmem>>, %arg9: memref<2048xi32, #tpu.memory_space<vmem>>, %arg10: memref<16xi32, #tpu.memory_space<vmem>>, %arg11: memref<16xf32, #tpu.memory_space<vmem>>, %arg12: memref<!tpu.dma_semaphore, #tpu.memory_space<semaphore_mem>>, %arg13: memref<!tpu.dma_semaphore, #tpu.memory_space<semaphore_mem>>) attributes {dimension_semantics = [#tpu.dimension_semantics<core_parallel>, #tpu.dimension_semantics<subcore_parallel>], iteration_bounds = array<i64: 2, 16>, scalar_prefetch = 0 : i64, scratch_operands = 8 : i64, tpu.core_type = #tpu.core_type<sc_vector_subcore>, window_params = [{transform_indices = #map}, {transform_indices = #map}, {transform_indices = #map1}, {transform_indices = #map1}]} {
    %mul3A = arith.constant 16 : i32
    %mul3A_0 = arith.muli %arg0, %mul3A : i32
    %add3A = arith.addi %mul3A_0, %arg1 : i32
    %mul3A_1 = arith.constant 131072 : i32
    %mul3A_2 = arith.muli %add3A, %mul3A_1 : i32
    %dma_start3A = tpu.memref_slice %arg2[%mul3A_2] : memref<4194304xf32, #tpu.memory_space<hbm>> -> memref<16384xf32, #tpu.memory_space<hbm>>
    %dma_start3A_3 = tpu.memref_slice %arg2[%mul3A_2] : memref<4194304xf32, #tpu.memory_space<hbm>> -> memref<16384xf32, #tpu.memory_space<hbm>>
    tpu.enqueue_dma source(%dma_start3A_3 : memref<16384xf32, #tpu.memory_space<hbm>>) target(%arg6 : memref<16384xf32, #tpu.memory_space<vmem>>) target_semaphore(%arg12 : memref<!tpu.dma_semaphore, #tpu.memory_space<semaphore_mem>>)
    %add3A_4 = arith.constant 16384 : i32
    %add3A_5 = arith.addi %mul3A_2, %add3A_4 : i32
    %dma_start3A_6 = tpu.memref_slice %arg2[%add3A_5] : memref<4194304xf32, #tpu.memory_space<hbm>> -> memref<16384xf32, #tpu.memory_space<hbm>>
    %dma_start3A_7 = tpu.memref_slice %arg2[%add3A_5] : memref<4194304xf32, #tpu.memory_space<hbm>> -> memref<16384xf32, #tpu.memory_space<hbm>>
    tpu.enqueue_dma source(%dma_start3A_7 : memref<16384xf32, #tpu.memory_space<hbm>>) target(%arg7 : memref<16384xf32, #tpu.memory_space<vmem>>) target_semaphore(%arg13 : memref<!tpu.dma_semaphore, #tpu.memory_space<semaphore_mem>>)
    "tpu.region"() ({
      %run_scoped3A = tpu.sem_alloc : memref<!tpu.dma_semaphore, #tpu.memory_space<semaphore_mem>>
      %dma_start3A_69 = arith.constant 0 : i32
      %dma_start3A_70 = tpu.memref_slice %arg3[%dma_start3A_69] : memref<1024xi32, #tpu.memory_space<hbm>> -> memref<16xi32, #tpu.memory_space<hbm>>
      %dma_start3A_71 = arith.constant 0 : i32
      %dma_start3A_72 = tpu.memref_slice %arg3[%dma_start3A_71] : memref<1024xi32, #tpu.memory_space<hbm>> -> memref<16xi32, #tpu.memory_space<hbm>>
      tpu.enqueue_dma source(%dma_start3A_72 : memref<16xi32, #tpu.memory_space<hbm>>) target(%arg10 : memref<16xi32, #tpu.memory_space<vmem>>) target_semaphore(%run_scoped3A : memref<!tpu.dma_semaphore, #tpu.memory_space<semaphore_mem>>)
      %dma_wait3A_73 = arith.constant 0 : i32
      %dma_wait3A_74 = tpu.memref_slice %arg3[%dma_wait3A_73] : memref<1024xi32, #tpu.memory_space<hbm>> -> memref<16xi32, #tpu.memory_space<hbm>>
      %dma_wait3A_75 = arith.constant 0 : i32
      %dma_wait3A_76 = tpu.memref_slice %arg3[%dma_wait3A_75] : memref<1024xi32, #tpu.memory_space<hbm>> -> memref<16xi32, #tpu.memory_space<hbm>>
      tpu.wait_dma2 semaphore(%run_scoped3A : memref<!tpu.dma_semaphore, #tpu.memory_space<semaphore_mem>>) src(%dma_wait3A_76 : memref<16xi32, #tpu.memory_space<hbm>>) dst(%arg10 : memref<16xi32, #tpu.memory_space<vmem>>)
      tpu.yield
    }) : () -> ()
    %get3A = arith.constant 0 : index
    %get3A_8 = tpu.vector_load %arg10[%get3A] {strides = array<i32>} : memref<16xi32, #tpu.memory_space<vmem>>, vector<16xi32>,
    %broadcast_in_dim3A = arith.constant 0 : i32
    %broadcast_in_dim3A_9 = vector.broadcast %broadcast_in_dim3A : i32 to vector<16xi32>
    %scan3A = arith.constant 0 : i32
    %scan3A_10 = arith.constant 0 : i32
    %scan3A_11 = arith.constant 256 : i32
    %scan3A_12 = arith.addi %scan3A_10, %scan3A_11 : i32
    %scan3A_13 = arith.constant 1 : i32
    scf.for %scan3A_69 = %scan3A_10 to %scan3A_12 step %scan3A_13  : i32 {
      %mul3A_70 = arith.constant 8 : i32
      %mul3A_71 = arith.muli %scan3A_69, %mul3A_70 : i32
      %add3A_72 = arith.constant 0 : i32
      %add3A_73 = arith.addi %mul3A_71, %add3A_72 : i32
      %swap3A_74 = arith.index_cast %add3A_73 : i32 to index
      %swap3A_75 = arith.constant 0 : index
      %swap3A_76 = tpu.vector_load %arg8[%swap3A_74, %swap3A_75] {strides = array<i32>} : memref<2048x16xi32, #tpu.memory_space<vmem>>, vector<16xi32>,
      tpu.vector_store %arg8[%swap3A_74, %swap3A_75], %broadcast_in_dim3A_9 {strides = array<i32>} : memref<2048x16xi32, #tpu.memory_space<vmem>>, vector<16xi32>,
      %mul3A_77 = arith.constant 8 : i32
      %mul3A_78 = arith.muli %scan3A_69, %mul3A_77 : i32
      %add3A_79 = arith.constant 1 : i32
      %add3A_80 = arith.addi %mul3A_78, %add3A_79 : i32
      %swap3A_81 = arith.index_cast %add3A_80 : i32 to index
      %swap3A_82 = arith.constant 0 : index
      %swap3A_83 = tpu.vector_load %arg8[%swap3A_81, %swap3A_82] {strides = array<i32>} : memref<2048x16xi32, #tpu.memory_space<vmem>>, vector<16xi32>,
      tpu.vector_store %arg8[%swap3A_81, %swap3A_82], %broadcast_in_dim3A_9 {strides = array<i32>} : memref<2048x16xi32, #tpu.memory_space<vmem>>, vector<16xi32>,
      %mul3A_84 = arith.constant 8 : i32
      %mul3A_85 = arith.muli %scan3A_69, %mul3A_84 : i32
      %add3A_86 = arith.constant 2 : i32
      %add3A_87 = arith.addi %mul3A_85, %add3A_86 : i32
      %swap3A_88 = arith.index_cast %add3A_87 : i32 to index
      %swap3A_89 = arith.constant 0 : index
      %swap3A_90 = tpu.vector_load %arg8[%swap3A_88, %swap3A_89] {strides = array<i32>} : memref<2048x16xi32, #tpu.memory_space<vmem>>, vector<16xi32>,
      tpu.vector_store %arg8[%swap3A_88, %swap3A_89], %broadcast_in_dim3A_9 {strides = array<i32>} : memref<2048x16xi32, #tpu.memory_space<vmem>>, vector<16xi32>,
      %mul3A_91 = arith.constant 8 : i32
      %mul3A_92 = arith.muli %scan3A_69, %mul3A_91 : i32
      %add3A_93 = arith.constant 3 : i32
      %add3A_94 = arith.addi %mul3A_92, %add3A_93 : i32
      %swap3A_95 = arith.index_cast %add3A_94 : i32 to index
      %swap3A_96 = arith.constant 0 : index
      %swap3A_97 = tpu.vector_load %arg8[%swap3A_95, %swap3A_96] {strides = array<i32>} : memref<2048x16xi32, #tpu.memory_space<vmem>>, vector<16xi32>,
      tpu.vector_store %arg8[%swap3A_95, %swap3A_96], %broadcast_in_dim3A_9 {strides = array<i32>} : memref<2048x16xi32, #tpu.memory_space<vmem>>, vector<16xi32>,
      %mul3A_98 = arith.constant 8 : i32
      %mul3A_99 = arith.muli %scan3A_69, %mul3A_98 : i32
      %add3A_100 = arith.constant 4 : i32
      %add3A_101 = arith.addi %mul3A_99, %add3A_100 : i32
      %swap3A_102 = arith.index_cast %add3A_101 : i32 to index
      %swap3A_103 = arith.constant 0 : index
      %swap3A_104 = tpu.vector_load %arg8[%swap3A_102, %swap3A_103] {strides = array<i32>} : memref<2048x16xi32, #tpu.memory_space<vmem>>, vector<16xi32>,
      tpu.vector_store %arg8[%swap3A_102, %swap3A_103], %broadcast_in_dim3A_9 {strides = array<i32>} : memref<2048x16xi32, #tpu.memory_space<vmem>>, vector<16xi32>,
      %mul3A_105 = arith.constant 8 : i32
      %mul3A_106 = arith.muli %scan3A_69, %mul3A_105 : i32
      %add3A_107 = arith.constant 5 : i32
      %add3A_108 = arith.addi %mul3A_106, %add3A_107 : i32
      %swap3A_109 = arith.index_cast %add3A_108 : i32 to index
      %swap3A_110 = arith.constant 0 : index
      %swap3A_111 = tpu.vector_load %arg8[%swap3A_109, %swap3A_110] {strides = array<i32>} : memref<2048x16xi32, #tpu.memory_space<vmem>>, vector<16xi32>,
      tpu.vector_store %arg8[%swap3A_109, %swap3A_110], %broadcast_in_dim3A_9 {strides = array<i32>} : memref<2048x16xi32, #tpu.memory_space<vmem>>, vector<16xi32>,
      %mul3A_112 = arith.constant 8 : i32
      %mul3A_113 = arith.muli %scan3A_69, %mul3A_112 : i32
      %add3A_114 = arith.constant 6 : i32
      %add3A_115 = arith.addi %mul3A_113, %add3A_114 : i32
      %swap3A_116 = arith.index_cast %add3A_115 : i32 to index
      %swap3A_117 = arith.constant 0 : index
      %swap3A_118 = tpu.vector_load %arg8[%swap3A_116, %swap3A_117] {strides = array<i32>} : memref<2048x16xi32, #tpu.memory_space<vmem>>, vector<16xi32>,
      tpu.vector_store %arg8[%swap3A_116, %swap3A_117], %broadcast_in_dim3A_9 {strides = array<i32>} : memref<2048x16xi32, #tpu.memory_space<vmem>>, vector<16xi32>,
      %mul3A_119 = arith.constant 8 : i32
      %mul3A_120 = arith.muli %scan3A_69, %mul3A_119 : i32
      %add3A_121 = arith.constant 7 : i32
      %add3A_122 = arith.addi %mul3A_120, %add3A_121 : i32
      %swap3A_123 = arith.index_cast %add3A_122 : i32 to index
      %swap3A_124 = arith.constant 0 : index
      %swap3A_125 = tpu.vector_load %arg8[%swap3A_123, %swap3A_124] {strides = array<i32>} : memref<2048x16xi32, #tpu.memory_space<vmem>>, vector<16xi32>,
      tpu.vector_store %arg8[%swap3A_123, %swap3A_124], %broadcast_in_dim3A_9 {strides = array<i32>} : memref<2048x16xi32, #tpu.memory_space<vmem>>, vector<16xi32>,
    }
    %scan3A_14 = arith.constant 256 : i32
    %iota3A = tpu.iota {dimensions = array<i32: 0>} : vector<16xi32>
    %broadcast_in_dim3A_15 = arith.constant 1 : i32
    %broadcast_in_dim3A_16 = vector.broadcast %broadcast_in_dim3A_15 : i32 to vector<16xi32>
    %broadcast_in_dim3A_17 = arith.constant 0.000000e+00 : f32
    %broadcast_in_dim3A_18 = vector.broadcast %broadcast_in_dim3A_17 : f32 to vector<16xf32>
    %mul3A_19 = arith.constant 131072 : i32
    %mul3A_20 = arith.muli %add3A, %mul3A_19 : i32
    %scan3A_21 = arith.constant 0 : i32
    %scan3A_22 = arith.constant 3 : i32
    %scan3A_23 = arith.addi %scan3A_21, %scan3A_22 : i32
    %scan3A_24 = arith.constant 1 : i32
    %scan3A_25:16 = scf.for %scan3A_69 = %scan3A_21 to %scan3A_23 step %scan3A_24 iter_args(%scan3A_70 = %broadcast_in_dim3A_18, %scan3A_71 = %broadcast_in_dim3A_18, %scan3A_72 = %broadcast_in_dim3A_18, %scan3A_73 = %broadcast_in_dim3A_18, %scan3A_74 = %broadcast_in_dim3A_18, %scan3A_75 = %broadcast_in_dim3A_18, %scan3A_76 = %broadcast_in_dim3A_18, %scan3A_77 = %broadcast_in_dim3A_18, %scan3A_78 = %broadcast_in_dim3A_18, %scan3A_79 = %broadcast_in_dim3A_18, %scan3A_80 = %broadcast_in_dim3A_18, %scan3A_81 = %broadcast_in_dim3A_18, %scan3A_82 = %broadcast_in_dim3A_18, %scan3A_83 = %broadcast_in_dim3A_18, %scan3A_84 = %broadcast_in_dim3A_18, %scan3A_85 = %broadcast_in_dim3A_18) -> (vector<16xf32>, vector<16xf32>, vector<16xf32>, vector<16xf32>, vector<16xf32>, vector<16xf32>, vector<16xf32>, vector<16xf32>, vector<16xf32>, vector<16xf32>, vector<16xf32>, vector<16xf32>, vector<16xf32>, vector<16xf32>, vector<16xf32>, vector<16xf32>)  : i32 {
      %mul3A_86 = arith.constant 2 : i32
      %mul3A_87 = arith.muli %scan3A_69, %mul3A_86 : i32
      %mul3A_88 = arith.constant 16384 : i32
      %mul3A_89 = arith.muli %mul3A_87, %mul3A_88 : i32
      %add3A_90 = arith.addi %mul3A_20, %mul3A_89 : i32
      %dma_wait3A_91 = tpu.memref_slice %arg2[%add3A_90] : memref<4194304xf32, #tpu.memory_space<hbm>> -> memref<16384xf32, #tpu.memory_space<hbm>>
      %dma_wait3A_92 = tpu.memref_slice %arg2[%add3A_90] : memref<4194304xf32, #tpu.memory_space<hbm>> -> memref<16384xf32, #tpu.memory_space<hbm>>
      tpu.wait_dma2 semaphore(%arg12 : memref<!tpu.dma_semaphore, #tpu.memory_space<semaphore_mem>>) src(%dma_wait3A_92 : memref<16384xf32, #tpu.memory_space<hbm>>) dst(%arg6 : memref<16384xf32, #tpu.memory_space<vmem>>)
      %scan3A_93 = arith.constant 0 : i32
      %scan3A_94 = arith.constant 64 : i32
      %scan3A_95 = arith.addi %scan3A_93, %scan3A_94 : i32
      %scan3A_96 = arith.constant 1 : i32
      %scan3A_97:16 = scf.for %scan3A_117 = %scan3A_93 to %scan3A_95 step %scan3A_96 iter_args(%scan3A_118 = %scan3A_70, %scan3A_119 = %scan3A_71, %scan3A_120 = %scan3A_72, %scan3A_121 = %scan3A_73, %scan3A_122 = %scan3A_74, %scan3A_123 = %scan3A_75, %scan3A_124 = %scan3A_76, %scan3A_125 = %scan3A_77, %scan3A_126 = %scan3A_78, %scan3A_127 = %scan3A_79, %scan3A_128 = %scan3A_80, %scan3A_129 = %scan3A_81, %scan3A_130 = %scan3A_82, %scan3A_131 = %scan3A_83, %scan3A_132 = %scan3A_84, %scan3A_133 = %scan3A_85) -> (vector<16xf32>, vector<16xf32>, vector<16xf32>, vector<16xf32>, vector<16xf32>, vector<16xf32>, vector<16xf32>, vector<16xf32>, vector<16xf32>, vector<16xf32>, vector<16xf32>, vector<16xf32>, vector<16xf32>, vector<16xf32>, vector<16xf32>, vector<16xf32>)  : i32 {
        %mul3A_134 = arith.constant 256 : i32
        %mul3A_135 = arith.muli %scan3A_117, %mul3A_134 : i32
        %add3A_136 = arith.constant 0 : i32
        %add3A_137 = arith.addi %mul3A_135, %add3A_136 : i32
        %get3A_138 = arith.index_cast %add3A_137 : i32 to index
        %get3A_139 = tpu.vector_load %arg6[%get3A_138] {strides = array<i32>} : memref<16384xf32, #tpu.memory_space<vmem>>, vector<16xf32>,
        %bitcast3A = vector.bitcast %get3A_139 : vector<16xf32> to vector<16xi32>
        %shift_right_logical3A = arith.constant 20 : i32
        %shift_right_logical3A_140 = vector.broadcast %shift_right_logical3A : i32 to vector<16xi32>
        %shift_right_logical3A_141 = arith.shrui %bitcast3A, %shift_right_logical3A_140 : vector<16xi32>
        %shift_right_logical3A_142 = arith.constant 9 : i32
        %shift_right_logical3A_143 = vector.broadcast %shift_right_logical3A_142 : i32 to vector<16xi32>
        %shift_right_logical3A_144 = arith.shrui %bitcast3A, %shift_right_logical3A_143 : vector<16xi32>
        %and3A = arith.constant 2047 : i32
        %and3A_145 = vector.broadcast %and3A : i32 to vector<16xi32>
        %and3A_146 = arith.andi %shift_right_logical3A_144, %and3A_145 : vector<16xi32>
        %add3A_147 = arith.constant 16 : i32
        %add3A_148 = arith.addi %mul3A_135, %add3A_147 : i32
        %get3A_149 = arith.index_cast %add3A_148 : i32 to index
        %get3A_150 = tpu.vector_load %arg6[%get3A_149] {strides = array<i32>} : memref<16384xf32, #tpu.memory_space<vmem>>, vector<16xf32>,
        %bitcast3A_151 = vector.bitcast %get3A_150 : vector<16xf32> to vector<16xi32>
        %shift_right_logical3A_152 = arith.constant 20 : i32
        %shift_right_logical3A_153 = vector.broadcast %shift_right_logical3A_152 : i32 to vector<16xi32>
        %shift_right_logical3A_154 = arith.shrui %bitcast3A_151, %shift_right_logical3A_153 : vector<16xi32>
        %shift_right_logical3A_155 = arith.constant 9 : i32
        %shift_right_logical3A_156 = vector.broadcast %shift_right_logical3A_155 : i32 to vector<16xi32>
        %shift_right_logical3A_157 = arith.shrui %bitcast3A_151, %shift_right_logical3A_156 : vector<16xi32>
        %and3A_158 = arith.constant 2047 : i32
        %and3A_159 = vector.broadcast %and3A_158 : i32 to vector<16xi32>
        %and3A_160 = arith.andi %shift_right_logical3A_157, %and3A_159 : vector<16xi32>
        %add3A_161 = arith.constant 32 : i32
        %add3A_162 = arith.addi %mul3A_135, %add3A_161 : i32
        %get3A_163 = arith.index_cast %add3A_162 : i32 to index
        %get3A_164 = tpu.vector_load %arg6[%get3A_163] {strides = array<i32>} : memref<16384xf32, #tpu.memory_space<vmem>>, vector<16xf32>,
        %bitcast3A_165 = vector.bitcast %get3A_164 : vector<16xf32> to vector<16xi32>
        %shift_right_logical3A_166 = arith.constant 20 : i32
        %shift_right_logical3A_167 = vector.broadcast %shift_right_logical3A_166 : i32 to vector<16xi32>
        %shift_right_logical3A_168 = arith.shrui %bitcast3A_165, %shift_right_logical3A_167 : vector<16xi32>
        %shift_right_logical3A_169 = arith.constant 9 : i32
        %shift_right_logical3A_170 = vector.broadcast %shift_right_logical3A_169 : i32 to vector<16xi32>
        %shift_right_logical3A_171 = arith.shrui %bitcast3A_165, %shift_right_logical3A_170 : vector<16xi32>
        %and3A_172 = arith.constant 2047 : i32
        %and3A_173 = vector.broadcast %and3A_172 : i32 to vector<16xi32>
        %and3A_174 = arith.andi %shift_right_logical3A_171, %and3A_173 : vector<16xi32>
        %add3A_175 = arith.constant 48 : i32
        %add3A_176 = arith.addi %mul3A_135, %add3A_175 : i32
        %get3A_177 = arith.index_cast %add3A_176 : i32 to index
        %get3A_178 = tpu.vector_load %arg6[%get3A_177] {strides = array<i32>} : memref<16384xf32, #tpu.memory_space<vmem>>, vector<16xf32>,
        %bitcast3A_179 = vector.bitcast %get3A_178 : vector<16xf32> to vector<16xi32>
        %shift_right_logical3A_180 = arith.constant 20 : i32
        %shift_right_logical3A_181 = vector.broadcast %shift_right_logical3A_180 : i32 to vector<16xi32>
        %shift_right_logical3A_182 = arith.shrui %bitcast3A_179, %shift_right_logical3A_181 : vector<16xi32>
        %shift_right_logical3A_183 = arith.constant 9 : i32
        %shift_right_logical3A_184 = vector.broadcast %shift_right_logical3A_183 : i32 to vector<16xi32>
        %shift_right_logical3A_185 = arith.shrui %bitcast3A_179, %shift_right_logical3A_184 : vector<16xi32>
        %and3A_186 = arith.constant 2047 : i32
        %and3A_187 = vector.broadcast %and3A_186 : i32 to vector<16xi32>
        %and3A_188 = arith.andi %shift_right_logical3A_185, %and3A_187 : vector<16xi32>
        %add3A_189 = arith.constant 64 : i32
        %add3A_190 = arith.addi %mul3A_135, %add3A_189 : i32
        %get3A_191 = arith.index_cast %add3A_190 : i32 to index
        %get3A_192 = tpu.vector_load %arg6[%get3A_191] {strides = array<i32>} : memref<16384xf32, #tpu.memory_space<vmem>>, vector<16xf32>,
        %bitcast3A_193 = vector.bitcast %get3A_192 : vector<16xf32> to vector<16xi32>
        %shift_right_logical3A_194 = arith.constant 20 : i32
        %shift_right_logical3A_195 = vector.broadcast %shift_right_logical3A_194 : i32 to vector<16xi32>
        %shift_right_logical3A_196 = arith.shrui %bitcast3A_193, %shift_right_logical3A_195 : vector<16xi32>
        %shift_right_logical3A_197 = arith.constant 9 : i32
        %shift_right_logical3A_198 = vector.broadcast %shift_right_logical3A_197 : i32 to vector<16xi32>
        %shift_right_logical3A_199 = arith.shrui %bitcast3A_193, %shift_right_logical3A_198 : vector<16xi32>
        %and3A_200 = arith.constant 2047 : i32
        %and3A_201 = vector.broadcast %and3A_200 : i32 to vector<16xi32>
        %and3A_202 = arith.andi %shift_right_logical3A_199, %and3A_201 : vector<16xi32>
        %add3A_203 = arith.constant 80 : i32
        %add3A_204 = arith.addi %mul3A_135, %add3A_203 : i32
        %get3A_205 = arith.index_cast %add3A_204 : i32 to index
        %get3A_206 = tpu.vector_load %arg6[%get3A_205] {strides = array<i32>} : memref<16384xf32, #tpu.memory_space<vmem>>, vector<16xf32>,
        %bitcast3A_207 = vector.bitcast %get3A_206 : vector<16xf32> to vector<16xi32>
        %shift_right_logical3A_208 = arith.constant 20 : i32
        %shift_right_logical3A_209 = vector.broadcast %shift_right_logical3A_208 : i32 to vector<16xi32>
        %shift_right_logical3A_210 = arith.shrui %bitcast3A_207, %shift_right_logical3A_209 : vector<16xi32>
        %shift_right_logical3A_211 = arith.constant 9 : i32
        %shift_right_logical3A_212 = vector.broadcast %shift_right_logical3A_211 : i32 to vector<16xi32>
        %shift_right_logical3A_213 = arith.shrui %bitcast3A_207, %shift_right_logical3A_212 : vector<16xi32>
        %and3A_214 = arith.constant 2047 : i32
        %and3A_215 = vector.broadcast %and3A_214 : i32 to vector<16xi32>
        %and3A_216 = arith.andi %shift_right_logical3A_213, %and3A_215 : vector<16xi32>
        %add3A_217 = arith.constant 96 : i32
        %add3A_218 = arith.addi %mul3A_135, %add3A_217 : i32
        %get3A_219 = arith.index_cast %add3A_218 : i32 to index
        %get3A_220 = tpu.vector_load %arg6[%get3A_219] {strides = array<i32>} : memref<16384xf32, #tpu.memory_space<vmem>>, vector<16xf32>,
        %bitcast3A_221 = vector.bitcast %get3A_220 : vector<16xf32> to vector<16xi32>
        %shift_right_logical3A_222 = arith.constant 20 : i32
        %shift_right_logical3A_223 = vector.broadcast %shift_right_logical3A_222 : i32 to vector<16xi32>
        %shift_right_logical3A_224 = arith.shrui %bitcast3A_221, %shift_right_logical3A_223 : vector<16xi32>
        %shift_right_logical3A_225 = arith.constant 9 : i32
        %shift_right_logical3A_226 = vector.broadcast %shift_right_logical3A_225 : i32 to vector<16xi32>
        %shift_right_logical3A_227 = arith.shrui %bitcast3A_221, %shift_right_logical3A_226 : vector<16xi32>
        %and3A_228 = arith.constant 2047 : i32
        %and3A_229 = vector.broadcast %and3A_228 : i32 to vector<16xi32>
        %and3A_230 = arith.andi %shift_right_logical3A_227, %and3A_229 : vector<16xi32>
        %add3A_231 = arith.constant 112 : i32
        %add3A_232 = arith.addi %mul3A_135, %add3A_231 : i32
        %get3A_233 = arith.index_cast %add3A_232 : i32 to index
        %get3A_234 = tpu.vector_load %arg6[%get3A_233] {strides = array<i32>} : memref<16384xf32, #tpu.memory_space<vmem>>, vector<16xf32>,
        %bitcast3A_235 = vector.bitcast %get3A_234 : vector<16xf32> to vector<16xi32>
        %shift_right_logical3A_236 = arith.constant 20 : i32
        %shift_right_logical3A_237 = vector.broadcast %shift_right_logical3A_236 : i32 to vector<16xi32>
        %shift_right_logical3A_238 = arith.shrui %bitcast3A_235, %shift_right_logical3A_237 : vector<16xi32>
        %shift_right_logical3A_239 = arith.constant 9 : i32
        %shift_right_logical3A_240 = vector.broadcast %shift_right_logical3A_239 : i32 to vector<16xi32>
        %shift_right_logical3A_241 = arith.shrui %bitcast3A_235, %shift_right_logical3A_240 : vector<16xi32>
        %and3A_242 = arith.constant 2047 : i32
        %and3A_243 = vector.broadcast %and3A_242 : i32 to vector<16xi32>
        %and3A_244 = arith.andi %shift_right_logical3A_241, %and3A_243 : vector<16xi32>
        %add3A_245 = arith.constant 128 : i32
        %add3A_246 = arith.addi %mul3A_135, %add3A_245 : i32
        %get3A_247 = arith.index_cast %add3A_246 : i32 to index
        %get3A_248 = tpu.vector_load %arg6[%get3A_247] {strides = array<i32>} : memref<16384xf32, #tpu.memory_space<vmem>>, vector<16xf32>,
        %bitcast3A_249 = vector.bitcast %get3A_248 : vector<16xf32> to vector<16xi32>
        %shift_right_logical3A_250 = arith.constant 20 : i32
        %shift_right_logical3A_251 = vector.broadcast %shift_right_logical3A_250 : i32 to vector<16xi32>
        %shift_right_logical3A_252 = arith.shrui %bitcast3A_249, %shift_right_logical3A_251 : vector<16xi32>
        %shift_right_logical3A_253 = arith.constant 9 : i32
        %shift_right_logical3A_254 = vector.broadcast %shift_right_logical3A_253 : i32 to vector<16xi32>
        %shift_right_logical3A_255 = arith.shrui %bitcast3A_249, %shift_right_logical3A_254 : vector<16xi32>
        %and3A_256 = arith.constant 2047 : i32
        %and3A_257 = vector.broadcast %and3A_256 : i32 to vector<16xi32>
        %and3A_258 = arith.andi %shift_right_logical3A_255, %and3A_257 : vector<16xi32>
        %add3A_259 = arith.constant 144 : i32
        %add3A_260 = arith.addi %mul3A_135, %add3A_259 : i32
        %get3A_261 = arith.index_cast %add3A_260 : i32 to index
        %get3A_262 = tpu.vector_load %arg6[%get3A_261] {strides = array<i32>} : memref<16384xf32, #tpu.memory_space<vmem>>, vector<16xf32>,
        %bitcast3A_263 = vector.bitcast %get3A_262 : vector<16xf32> to vector<16xi32>
        %shift_right_logical3A_264 = arith.constant 20 : i32
        %shift_right_logical3A_265 = vector.broadcast %shift_right_logical3A_264 : i32 to vector<16xi32>
        %shift_right_logical3A_266 = arith.shrui %bitcast3A_263, %shift_right_logical3A_265 : vector<16xi32>
        %shift_right_logical3A_267 = arith.constant 9 : i32
        %shift_right_logical3A_268 = vector.broadcast %shift_right_logical3A_267 : i32 to vector<16xi32>
        %shift_right_logical3A_269 = arith.shrui %bitcast3A_263, %shift_right_logical3A_268 : vector<16xi32>
        %and3A_270 = arith.constant 2047 : i32
        %and3A_271 = vector.broadcast %and3A_270 : i32 to vector<16xi32>
        %and3A_272 = arith.andi %shift_right_logical3A_269, %and3A_271 : vector<16xi32>
        %add3A_273 = arith.constant 160 : i32
        %add3A_274 = arith.addi %mul3A_135, %add3A_273 : i32
        %get3A_275 = arith.index_cast %add3A_274 : i32 to index
        %get3A_276 = tpu.vector_load %arg6[%get3A_275] {strides = array<i32>} : memref<16384xf32, #tpu.memory_space<vmem>>, vector<16xf32>,
        %bitcast3A_277 = vector.bitcast %get3A_276 : vector<16xf32> to vector<16xi32>
        %shift_right_logical3A_278 = arith.constant 20 : i32
        %shift_right_logical3A_279 = vector.broadcast %shift_right_logical3A_278 : i32 to vector<16xi32>
        %shift_right_logical3A_280 = arith.shrui %bitcast3A_277, %shift_right_logical3A_279 : vector<16xi32>
        %shift_right_logical3A_281 = arith.constant 9 : i32
        %shift_right_logical3A_282 = vector.broadcast %shift_right_logical3A_281 : i32 to vector<16xi32>
        %shift_right_logical3A_283 = arith.shrui %bitcast3A_277, %shift_right_logical3A_282 : vector<16xi32>
        %and3A_284 = arith.constant 2047 : i32
        %and3A_285 = vector.broadcast %and3A_284 : i32 to vector<16xi32>
        %and3A_286 = arith.andi %shift_right_logical3A_283, %and3A_285 : vector<16xi32>
        %add3A_287 = arith.constant 176 : i32
        %add3A_288 = arith.addi %mul3A_135, %add3A_287 : i32
        %get3A_289 = arith.index_cast %add3A_288 : i32 to index
        %get3A_290 = tpu.vector_load %arg6[%get3A_289] {strides = array<i32>} : memref<16384xf32, #tpu.memory_space<vmem>>, vector<16xf32>,
        %bitcast3A_291 = vector.bitcast %get3A_290 : vector<16xf32> to vector<16xi32>
        %shift_right_logical3A_292 = arith.constant 20 : i32
        %shift_right_logical3A_293 = vector.broadcast %shift_right_logical3A_292 : i32 to vector<16xi32>
        %shift_right_logical3A_294 = arith.shrui %bitcast3A_291, %shift_right_logical3A_293 : vector<16xi32>
        %shift_right_logical3A_295 = arith.constant 9 : i32
        %shift_right_logical3A_296 = vector.broadcast %shift_right_logical3A_295 : i32 to vector<16xi32>
        %shift_right_logical3A_297 = arith.shrui %bitcast3A_291, %shift_right_logical3A_296 : vector<16xi32>
        %and3A_298 = arith.constant 2047 : i32
        %and3A_299 = vector.broadcast %and3A_298 : i32 to vector<16xi32>
        %and3A_300 = arith.andi %shift_right_logical3A_297, %and3A_299 : vector<16xi32>
        %add3A_301 = arith.constant 192 : i32
        %add3A_302 = arith.addi %mul3A_135, %add3A_301 : i32
        %get3A_303 = arith.index_cast %add3A_302 : i32 to index
        %get3A_304 = tpu.vector_load %arg6[%get3A_303] {strides = array<i32>} : memref<16384xf32, #tpu.memory_space<vmem>>, vector<16xf32>,
        %bitcast3A_305 = vector.bitcast %get3A_304 : vector<16xf32> to vector<16xi32>
        %shift_right_logical3A_306 = arith.constant 20 : i32
        %shift_right_logical3A_307 = vector.broadcast %shift_right_logical3A_306 : i32 to vector<16xi32>
        %shift_right_logical3A_308 = arith.shrui %bitcast3A_305, %shift_right_logical3A_307 : vector<16xi32>
        %shift_right_logical3A_309 = arith.constant 9 : i32
        %shift_right_logical3A_310 = vector.broadcast %shift_right_logical3A_309 : i32 to vector<16xi32>
        %shift_right_logical3A_311 = arith.shrui %bitcast3A_305, %shift_right_logical3A_310 : vector<16xi32>
        %and3A_312 = arith.constant 2047 : i32
        %and3A_313 = vector.broadcast %and3A_312 : i32 to vector<16xi32>
        %and3A_314 = arith.andi %shift_right_logical3A_311, %and3A_313 : vector<16xi32>
        %add3A_315 = arith.constant 208 : i32
        %add3A_316 = arith.addi %mul3A_135, %add3A_315 : i32
        %get3A_317 = arith.index_cast %add3A_316 : i32 to index
        %get3A_318 = tpu.vector_load %arg6[%get3A_317] {strides = array<i32>} : memref<16384xf32, #tpu.memory_space<vmem>>, vector<16xf32>,
        %bitcast3A_319 = vector.bitcast %get3A_318 : vector<16xf32> to vector<16xi32>
        %shift_right_logical3A_320 = arith.constant 20 : i32
        %shift_right_logical3A_321 = vector.broadcast %shift_right_logical3A_320 : i32 to vector<16xi32>
        %shift_right_logical3A_322 = arith.shrui %bitcast3A_319, %shift_right_logical3A_321 : vector<16xi32>
        %shift_right_logical3A_323 = arith.constant 9 : i32
        %shift_right_logical3A_324 = vector.broadcast %shift_right_logical3A_323 : i32 to vector<16xi32>
        %shift_right_logical3A_325 = arith.shrui %bitcast3A_319, %shift_right_logical3A_324 : vector<16xi32>
        %and3A_326 = arith.constant 2047 : i32
        %and3A_327 = vector.broadcast %and3A_326 : i32 to vector<16xi32>
        %and3A_328 = arith.andi %shift_right_logical3A_325, %and3A_327 : vector<16xi32>
        %add3A_329 = arith.constant 224 : i32
        %add3A_330 = arith.addi %mul3A_135, %add3A_329 : i32
        %get3A_331 = arith.index_cast %add3A_330 : i32 to index
        %get3A_332 = tpu.vector_load %arg6[%get3A_331] {strides = array<i32>} : memref<16384xf32, #tpu.memory_space<vmem>>, vector<16xf32>,
        %bitcast3A_333 = vector.bitcast %get3A_332 : vector<16xf32> to vector<16xi32>
        %shift_right_logical3A_334 = arith.constant 20 : i32
        %shift_right_logical3A_335 = vector.broadcast %shift_right_logical3A_334 : i32 to vector<16xi32>
        %shift_right_logical3A_336 = arith.shrui %bitcast3A_333, %shift_right_logical3A_335 : vector<16xi32>
        %shift_right_logical3A_337 = arith.constant 9 : i32
        %shift_right_logical3A_338 = vector.broadcast %shift_right_logical3A_337 : i32 to vector<16xi32>
        %shift_right_logical3A_339 = arith.shrui %bitcast3A_333, %shift_right_logical3A_338 : vector<16xi32>
        %and3A_340 = arith.constant 2047 : i32
        %and3A_341 = vector.broadcast %and3A_340 : i32 to vector<16xi32>
        %and3A_342 = arith.andi %shift_right_logical3A_339, %and3A_341 : vector<16xi32>
        %add3A_343 = arith.constant 240 : i32
        %add3A_344 = arith.addi %mul3A_135, %add3A_343 : i32
        %get3A_345 = arith.index_cast %add3A_344 : i32 to index
        %get3A_346 = tpu.vector_load %arg6[%get3A_345] {strides = array<i32>} : memref<16384xf32, #tpu.memory_space<vmem>>, vector<16xf32>,
        %bitcast3A_347 = vector.bitcast %get3A_346 : vector<16xf32> to vector<16xi32>
        %shift_right_logical3A_348 = arith.constant 20 : i32
        %shift_right_logical3A_349 = vector.broadcast %shift_right_logical3A_348 : i32 to vector<16xi32>
        %shift_right_logical3A_350 = arith.shrui %bitcast3A_347, %shift_right_logical3A_349 : vector<16xi32>
        %shift_right_logical3A_351 = arith.constant 9 : i32
        %shift_right_logical3A_352 = vector.broadcast %shift_right_logical3A_351 : i32 to vector<16xi32>
        %shift_right_logical3A_353 = arith.shrui %bitcast3A_347, %shift_right_logical3A_352 : vector<16xi32>
        %and3A_354 = arith.constant 2047 : i32
        %and3A_355 = vector.broadcast %and3A_354 : i32 to vector<16xi32>
        %and3A_356 = arith.andi %shift_right_logical3A_353, %and3A_355 : vector<16xi32>
        %eq3A = arith.cmpi eq, %shift_right_logical3A_141, %get3A_8 : vector<16xi32>
        tpu.vector_store_idx %arg8[%and3A_146, %iota3A], %broadcast_in_dim3A_16 masked %eq3A {add = true} : memref<2048x16xi32, #tpu.memory_space<vmem>>[vector<16xi32>, vector<16xi32>], vector<16xi32>, vector<16xi1>
        %eq3A_357 = arith.cmpi eq, %shift_right_logical3A_154, %get3A_8 : vector<16xi32>
        tpu.vector_store_idx %arg8[%and3A_160, %iota3A], %broadcast_in_dim3A_16 masked %eq3A_357 {add = true} : memref<2048x16xi32, #tpu.memory_space<vmem>>[vector<16xi32>, vector<16xi32>], vector<16xi32>, vector<16xi1>
        %eq3A_358 = arith.cmpi eq, %shift_right_logical3A_168, %get3A_8 : vector<16xi32>
        tpu.vector_store_idx %arg8[%and3A_174, %iota3A], %broadcast_in_dim3A_16 masked %eq3A_358 {add = true} : memref<2048x16xi32, #tpu.memory_space<vmem>>[vector<16xi32>, vector<16xi32>], vector<16xi32>, vector<16xi1>
        %eq3A_359 = arith.cmpi eq, %shift_right_logical3A_182, %get3A_8 : vector<16xi32>
        tpu.vector_store_idx %arg8[%and3A_188, %iota3A], %broadcast_in_dim3A_16 masked %eq3A_359 {add = true} : memref<2048x16xi32, #tpu.memory_space<vmem>>[vector<16xi32>, vector<16xi32>], vector<16xi32>, vector<16xi1>
        %eq3A_360 = arith.cmpi eq, %shift_right_logical3A_196, %get3A_8 : vector<16xi32>
        tpu.vector_store_idx %arg8[%and3A_202, %iota3A], %broadcast_in_dim3A_16 masked %eq3A_360 {add = true} : memref<2048x16xi32, #tpu.memory_space<vmem>>[vector<16xi32>, vector<16xi32>], vector<16xi32>, vector<16xi1>
        %eq3A_361 = arith.cmpi eq, %shift_right_logical3A_210, %get3A_8 : vector<16xi32>
        tpu.vector_store_idx %arg8[%and3A_216, %iota3A], %broadcast_in_dim3A_16 masked %eq3A_361 {add = true} : memref<2048x16xi32, #tpu.memory_space<vmem>>[vector<16xi32>, vector<16xi32>], vector<16xi32>, vector<16xi1>
        %eq3A_362 = arith.cmpi eq, %shift_right_logical3A_224, %get3A_8 : vector<16xi32>
        tpu.vector_store_idx %arg8[%and3A_230, %iota3A], %broadcast_in_dim3A_16 masked %eq3A_362 {add = true} : memref<2048x16xi32, #tpu.memory_space<vmem>>[vector<16xi32>, vector<16xi32>], vector<16xi32>, vector<16xi1>
        %eq3A_363 = arith.cmpi eq, %shift_right_logical3A_238, %get3A_8 : vector<16xi32>
        tpu.vector_store_idx %arg8[%and3A_244, %iota3A], %broadcast_in_dim3A_16 masked %eq3A_363 {add = true} : memref<2048x16xi32, #tpu.memory_space<vmem>>[vector<16xi32>, vector<16xi32>], vector<16xi32>, vector<16xi1>
        %eq3A_364 = arith.cmpi eq, %shift_right_logical3A_252, %get3A_8 : vector<16xi32>
        tpu.vector_store_idx %arg8[%and3A_258, %iota3A], %broadcast_in_dim3A_16 masked %eq3A_364 {add = true} : memref<2048x16xi32, #tpu.memory_space<vmem>>[vector<16xi32>, vector<16xi32>], vector<16xi32>, vector<16xi1>
        %eq3A_365 = arith.cmpi eq, %shift_right_logical3A_266, %get3A_8 : vector<16xi32>
        tpu.vector_store_idx %arg8[%and3A_272, %iota3A], %broadcast_in_dim3A_16 masked %eq3A_365 {add = true} : memref<2048x16xi32, #tpu.memory_space<vmem>>[vector<16xi32>, vector<16xi32>], vector<16xi32>, vector<16xi1>
        %eq3A_366 = arith.cmpi eq, %shift_right_logical3A_280, %get3A_8 : vector<16xi32>
        tpu.vector_store_idx %arg8[%and3A_286, %iota3A], %broadcast_in_dim3A_16 masked %eq3A_366 {add = true} : memref<2048x16xi32, #tpu.memory_space<vmem>>[vector<16xi32>, vector<16xi32>], vector<16xi32>, vector<16xi1>
        %eq3A_367 = arith.cmpi eq, %shift_right_logical3A_294, %get3A_8 : vector<16xi32>
        tpu.vector_store_idx %arg8[%and3A_300, %iota3A], %broadcast_in_dim3A_16 masked %eq3A_367 {add = true} : memref<2048x16xi32, #tpu.memory_space<vmem>>[vector<16xi32>, vector<16xi32>], vector<16xi32>, vector<16xi1>
        %eq3A_368 = arith.cmpi eq, %shift_right_logical3A_308, %get3A_8 : vector<16xi32>
        tpu.vector_store_idx %arg8[%and3A_314, %iota3A], %broadcast_in_dim3A_16 masked %eq3A_368 {add = true} : memref<2048x16xi32, #tpu.memory_space<vmem>>[vector<16xi32>, vector<16xi32>], vector<16xi32>, vector<16xi1>
        %eq3A_369 = arith.cmpi eq, %shift_right_logical3A_322, %get3A_8 : vector<16xi32>
        tpu.vector_store_idx %arg8[%and3A_328, %iota3A], %broadcast_in_dim3A_16 masked %eq3A_369 {add = true} : memref<2048x16xi32, #tpu.memory_space<vmem>>[vector<16xi32>, vector<16xi32>], vector<16xi32>, vector<16xi1>
        %eq3A_370 = arith.cmpi eq, %shift_right_logical3A_336, %get3A_8 : vector<16xi32>
        tpu.vector_store_idx %arg8[%and3A_342, %iota3A], %broadcast_in_dim3A_16 masked %eq3A_370 {add = true} : memref<2048x16xi32, #tpu.memory_space<vmem>>[vector<16xi32>, vector<16xi32>], vector<16xi32>, vector<16xi1>
        %eq3A_371 = arith.cmpi eq, %shift_right_logical3A_350, %get3A_8 : vector<16xi32>
        tpu.vector_store_idx %arg8[%and3A_356, %iota3A], %broadcast_in_dim3A_16 masked %eq3A_371 {add = true} : memref<2048x16xi32, #tpu.memory_space<vmem>>[vector<16xi32>, vector<16xi32>], vector<16xi32>, vector<16xi1>
        %gt3A = arith.cmpi sgt, %shift_right_logical3A_141, %get3A_8 : vector<16xi32>
        %jit3A = arith.constant 0.000000e+00 : f32
        %broadcast_in_dim3A_372 = vector.broadcast %jit3A : f32 to vector<16xf32>
        %select_n3A = arith.select %gt3A, %get3A_139, %broadcast_in_dim3A_372 : vector<16xi1>, vector<16xf32>
        %add3A_373 = arith.addf %scan3A_118, %select_n3A : vector<16xf32>
        %gt3A_374 = arith.cmpi sgt, %shift_right_logical3A_154, %get3A_8 : vector<16xi32>
        %jit3A_375 = arith.constant 0.000000e+00 : f32
        %broadcast_in_dim3A_376 = vector.broadcast %jit3A_375 : f32 to vector<16xf32>
        %select_n3A_377 = arith.select %gt3A_374, %get3A_150, %broadcast_in_dim3A_376 : vector<16xi1>, vector<16xf32>
        %add3A_378 = arith.addf %scan3A_119, %select_n3A_377 : vector<16xf32>
        %gt3A_379 = arith.cmpi sgt, %shift_right_logical3A_168, %get3A_8 : vector<16xi32>
        %jit3A_380 = arith.constant 0.000000e+00 : f32
        %broadcast_in_dim3A_381 = vector.broadcast %jit3A_380 : f32 to vector<16xf32>
        %select_n3A_382 = arith.select %gt3A_379, %get3A_164, %broadcast_in_dim3A_381 : vector<16xi1>, vector<16xf32>
        %add3A_383 = arith.addf %scan3A_120, %select_n3A_382 : vector<16xf32>
        %gt3A_384 = arith.cmpi sgt, %shift_right_logical3A_182, %get3A_8 : vector<16xi32>
        %jit3A_385 = arith.constant 0.000000e+00 : f32
        %broadcast_in_dim3A_386 = vector.broadcast %jit3A_385 : f32 to vector<16xf32>
        %select_n3A_387 = arith.select %gt3A_384, %get3A_178, %broadcast_in_dim3A_386 : vector<16xi1>, vector<16xf32>
        %add3A_388 = arith.addf %scan3A_121, %select_n3A_387 : vector<16xf32>
        %gt3A_389 = arith.cmpi sgt, %shift_right_logical3A_196, %get3A_8 : vector<16xi32>
        %jit3A_390 = arith.constant 0.000000e+00 : f32
        %broadcast_in_dim3A_391 = vector.broadcast %jit3A_390 : f32 to vector<16xf32>
        %select_n3A_392 = arith.select %gt3A_389, %get3A_192, %broadcast_in_dim3A_391 : vector<16xi1>, vector<16xf32>
        %add3A_393 = arith.addf %scan3A_122, %select_n3A_392 : vector<16xf32>
        %gt3A_394 = arith.cmpi sgt, %shift_right_logical3A_210, %get3A_8 : vector<16xi32>
        %jit3A_395 = arith.constant 0.000000e+00 : f32
        %broadcast_in_dim3A_396 = vector.broadcast %jit3A_395 : f32 to vector<16xf32>
        %select_n3A_397 = arith.select %gt3A_394, %get3A_206, %broadcast_in_dim3A_396 : vector<16xi1>, vector<16xf32>
        %add3A_398 = arith.addf %scan3A_123, %select_n3A_397 : vector<16xf32>
        %gt3A_399 = arith.cmpi sgt, %shift_right_logical3A_224, %get3A_8 : vector<16xi32>
        %jit3A_400 = arith.constant 0.000000e+00 : f32
        %broadcast_in_dim3A_401 = vector.broadcast %jit3A_400 : f32 to vector<16xf32>
        %select_n3A_402 = arith.select %gt3A_399, %get3A_220, %broadcast_in_dim3A_401 : vector<16xi1>, vector<16xf32>
        %add3A_403 = arith.addf %scan3A_124, %select_n3A_402 : vector<16xf32>
        %gt3A_404 = arith.cmpi sgt, %shift_right_logical3A_238, %get3A_8 : vector<16xi32>
        %jit3A_405 = arith.constant 0.000000e+00 : f32
        %broadcast_in_dim3A_406 = vector.broadcast %jit3A_405 : f32 to vector<16xf32>
        %select_n3A_407 = arith.select %gt3A_404, %get3A_234, %broadcast_in_dim3A_406 : vector<16xi1>, vector<16xf32>
        %add3A_408 = arith.addf %scan3A_125, %select_n3A_407 : vector<16xf32>
        %gt3A_409 = arith.cmpi sgt, %shift_right_logical3A_252, %get3A_8 : vector<16xi32>
        %jit3A_410 = arith.constant 0.000000e+00 : f32
        %broadcast_in_dim3A_411 = vector.broadcast %jit3A_410 : f32 to vector<16xf32>
        %select_n3A_412 = arith.select %gt3A_409, %get3A_248, %broadcast_in_dim3A_411 : vector<16xi1>, vector<16xf32>
        %add3A_413 = arith.addf %scan3A_126, %select_n3A_412 : vector<16xf32>
        %gt3A_414 = arith.cmpi sgt, %shift_right_logical3A_266, %get3A_8 : vector<16xi32>
        %jit3A_415 = arith.constant 0.000000e+00 : f32
        %broadcast_in_dim3A_416 = vector.broadcast %jit3A_415 : f32 to vector<16xf32>
        %select_n3A_417 = arith.select %gt3A_414, %get3A_262, %broadcast_in_dim3A_416 : vector<16xi1>, vector<16xf32>
        %add3A_418 = arith.addf %scan3A_127, %select_n3A_417 : vector<16xf32>
        %gt3A_419 = arith.cmpi sgt, %shift_right_logical3A_280, %get3A_8 : vector<16xi32>
        %jit3A_420 = arith.constant 0.000000e+00 : f32
        %broadcast_in_dim3A_421 = vector.broadcast %jit3A_420 : f32 to vector<16xf32>
        %select_n3A_422 = arith.select %gt3A_419, %get3A_276, %broadcast_in_dim3A_421 : vector<16xi1>, vector<16xf32>
        %add3A_423 = arith.addf %scan3A_128, %select_n3A_422 : vector<16xf32>
        %gt3A_424 = arith.cmpi sgt, %shift_right_logical3A_294, %get3A_8 : vector<16xi32>
        %jit3A_425 = arith.constant 0.000000e+00 : f32
        %broadcast_in_dim3A_426 = vector.broadcast %jit3A_425 : f32 to vector<16xf32>
        %select_n3A_427 = arith.select %gt3A_424, %get3A_290, %broadcast_in_dim3A_426 : vector<16xi1>, vector<16xf32>
        %add3A_428 = arith.addf %scan3A_129, %select_n3A_427 : vector<16xf32>
        %gt3A_429 = arith.cmpi sgt, %shift_right_logical3A_308, %get3A_8 : vector<16xi32>
        %jit3A_430 = arith.constant 0.000000e+00 : f32
        %broadcast_in_dim3A_431 = vector.broadcast %jit3A_430 : f32 to vector<16xf32>
        %select_n3A_432 = arith.select %gt3A_429, %get3A_304, %broadcast_in_dim3A_431 : vector<16xi1>, vector<16xf32>
        %add3A_433 = arith.addf %scan3A_130, %select_n3A_432 : vector<16xf32>
        %gt3A_434 = arith.cmpi sgt, %shift_right_logical3A_322, %get3A_8 : vector<16xi32>
        %jit3A_435 = arith.constant 0.000000e+00 : f32
        %broadcast_in_dim3A_436 = vector.broadcast %jit3A_435 : f32 to vector<16xf32>
        %select_n3A_437 = arith.select %gt3A_434, %get3A_318, %broadcast_in_dim3A_436 : vector<16xi1>, vector<16xf32>
        %add3A_438 = arith.addf %scan3A_131, %select_n3A_437 : vector<16xf32>
        %gt3A_439 = arith.cmpi sgt, %shift_right_logical3A_336, %get3A_8 : vector<16xi32>
        %jit3A_440 = arith.constant 0.000000e+00 : f32
        %broadcast_in_dim3A_441 = vector.broadcast %jit3A_440 : f32 to vector<16xf32>
        %select_n3A_442 = arith.select %gt3A_439, %get3A_332, %broadcast_in_dim3A_441 : vector<16xi1>, vector<16xf32>
        %add3A_443 = arith.addf %scan3A_132, %select_n3A_442 : vector<16xf32>
        %gt3A_444 = arith.cmpi sgt, %shift_right_logical3A_350, %get3A_8 : vector<16xi32>
        %jit3A_445 = arith.constant 0.000000e+00 : f32
        %broadcast_in_dim3A_446 = vector.broadcast %jit3A_445 : f32 to vector<16xf32>
        %select_n3A_447 = arith.select %gt3A_444, %get3A_346, %broadcast_in_dim3A_446 : vector<16xi1>, vector<16xf32>
        %add3A_448 = arith.addf %scan3A_133, %select_n3A_447 : vector<16xf32>
        scf.yield %add3A_373, %add3A_378, %add3A_383, %add3A_388, %add3A_393, %add3A_398, %add3A_403, %add3A_408, %add3A_413, %add3A_418, %add3A_423, %add3A_428, %add3A_433, %add3A_438, %add3A_443, %add3A_448 : vector<16xf32>, vector<16xf32>, vector<16xf32>, vector<16xf32>, vector<16xf32>, vector<16xf32>, vector<16xf32>, vector<16xf32>, vector<16xf32>, vector<16xf32>, vector<16xf32>, vector<16xf32>, vector<16xf32>, vector<16xf32>, vector<16xf32>, vector<16xf32>
      }
      %scan3A_98 = arith.constant 64 : i32
      %add3A_99 = arith.constant 32768 : i32
      %add3A_100 = arith.addi %add3A_90, %add3A_99 : i32
      %dma_start3A_101 = tpu.memref_slice %arg2[%add3A_100] : memref<4194304xf32, #tpu.memory_space<hbm>> -> memref<16384xf32, #tpu.memory_space<hbm>>
      %dma_start3A_102 = tpu.memref_slice %arg2[%add3A_100] : memref<4194304xf32, #tpu.memory_space<hbm>> -> memref<16384xf32, #tpu.memory_space<hbm>>
      tpu.enqueue_dma source(%dma_start3A_102 : memref<16384xf32, #tpu.memory_space<hbm>>) target(%arg6 : memref<16384xf32, #tpu.memory_space<vmem>>) target_semaphore(%arg12 : memref<!tpu.dma_semaphore, #tpu.memory_space<semaphore_mem>>)
      %add3A_103 = arith.constant 16384 : i32
      %add3A_104 = arith.addi %add3A_90, %add3A_103 : i32
      %dma_wait3A_105 = tpu.memref_slice %arg2[%add3A_104] : memref<4194304xf32, #tpu.memory_space<hbm>> -> memref<16384xf32, #tpu.memory_space<hbm>>
      %dma_wait3A_106 = tpu.memref_slice %arg2[%add3A_104] : memref<4194304xf32, #tpu.memory_space<hbm>> -> memref<16384xf32, #tpu.memory_space<hbm>>
      tpu.wait_dma2 semaphore(%arg13 : memref<!tpu.dma_semaphore, #tpu.memory_space<semaphore_mem>>) src(%dma_wait3A_106 : memref<16384xf32, #tpu.memory_space<hbm>>) dst(%arg7 : memref<16384xf32, #tpu.memory_space<vmem>>)
      %scan3A_107 = arith.constant 0 : i32
      %scan3A_108 = arith.constant 64 : i32
      %scan3A_109 = arith.addi %scan3A_107, %scan3A_108 : i32
      %scan3A_110 = arith.constant 1 : i32
      %scan3A_111:16 = scf.for %scan3A_117 = %scan3A_107 to %scan3A_109 step %scan3A_110 iter_args(%scan3A_118 = %scan3A_97#0, %scan3A_119 = %scan3A_97#1, %scan3A_120 = %scan3A_97#2, %scan3A_121 = %scan3A_97#3, %scan3A_122 = %scan3A_97#4, %scan3A_123 = %scan3A_97#5, %scan3A_124 = %scan3A_97#6, %scan3A_125 = %scan3A_97#7, %scan3A_126 = %scan3A_97#8, %scan3A_127 = %scan3A_97#9, %scan3A_128 = %scan3A_97#10, %scan3A_129 = %scan3A_97#11, %scan3A_130 = %scan3A_97#12, %scan3A_131 = %scan3A_97#13, %scan3A_132 = %scan3A_97#14, %scan3A_133 = %scan3A_97#15) -> (vector<16xf32>, vector<16xf32>, vector<16xf32>, vector<16xf32>, vector<16xf32>, vector<16xf32>, vector<16xf32>, vector<16xf32>, vector<16xf32>, vector<16xf32>, vector<16xf32>, vector<16xf32>, vector<16xf32>, vector<16xf32>, vector<16xf32>, vector<16xf32>)  : i32 {
        %mul3A_134 = arith.constant 256 : i32
        %mul3A_135 = arith.muli %scan3A_117, %mul3A_134 : i32
        %add3A_136 = arith.constant 0 : i32
        %add3A_137 = arith.addi %mul3A_135, %add3A_136 : i32
        %get3A_138 = arith.index_cast %add3A_137 : i32 to index
        %get3A_139 = tpu.vector_load %arg7[%get3A_138] {strides = array<i32>} : memref<16384xf32, #tpu.memory_space<vmem>>, vector<16xf32>,
        %bitcast3A = vector.bitcast %get3A_139 : vector<16xf32> to vector<16xi32>
        %shift_right_logical3A = arith.constant 20 : i32
        %shift_right_logical3A_140 = vector.broadcast %shift_right_logical3A : i32 to vector<16xi32>
        %shift_right_logical3A_141 = arith.shrui %bitcast3A, %shift_right_logical3A_140 : vector<16xi32>
        %shift_right_logical3A_142 = arith.constant 9 : i32
        %shift_right_logical3A_143 = vector.broadcast %shift_right_logical3A_142 : i32 to vector<16xi32>
        %shift_right_logical3A_144 = arith.shrui %bitcast3A, %shift_right_logical3A_143 : vector<16xi32>
        %and3A = arith.constant 2047 : i32
        %and3A_145 = vector.broadcast %and3A : i32 to vector<16xi32>
        %and3A_146 = arith.andi %shift_right_logical3A_144, %and3A_145 : vector<16xi32>
        %add3A_147 = arith.constant 16 : i32
        %add3A_148 = arith.addi %mul3A_135, %add3A_147 : i32
        %get3A_149 = arith.index_cast %add3A_148 : i32 to index
        %get3A_150 = tpu.vector_load %arg7[%get3A_149] {strides = array<i32>} : memref<16384xf32, #tpu.memory_space<vmem>>, vector<16xf32>,
        %bitcast3A_151 = vector.bitcast %get3A_150 : vector<16xf32> to vector<16xi32>
        %shift_right_logical3A_152 = arith.constant 20 : i32
        %shift_right_logical3A_153 = vector.broadcast %shift_right_logical3A_152 : i32 to vector<16xi32>
        %shift_right_logical3A_154 = arith.shrui %bitcast3A_151, %shift_right_logical3A_153 : vector<16xi32>
        %shift_right_logical3A_155 = arith.constant 9 : i32
        %shift_right_logical3A_156 = vector.broadcast %shift_right_logical3A_155 : i32 to vector<16xi32>
        %shift_right_logical3A_157 = arith.shrui %bitcast3A_151, %shift_right_logical3A_156 : vector<16xi32>
        %and3A_158 = arith.constant 2047 : i32
        %and3A_159 = vector.broadcast %and3A_158 : i32 to vector<16xi32>
        %and3A_160 = arith.andi %shift_right_logical3A_157, %and3A_159 : vector<16xi32>
        %add3A_161 = arith.constant 32 : i32
        %add3A_162 = arith.addi %mul3A_135, %add3A_161 : i32
        %get3A_163 = arith.index_cast %add3A_162 : i32 to index
        %get3A_164 = tpu.vector_load %arg7[%get3A_163] {strides = array<i32>} : memref<16384xf32, #tpu.memory_space<vmem>>, vector<16xf32>,
        %bitcast3A_165 = vector.bitcast %get3A_164 : vector<16xf32> to vector<16xi32>
        %shift_right_logical3A_166 = arith.constant 20 : i32
        %shift_right_logical3A_167 = vector.broadcast %shift_right_logical3A_166 : i32 to vector<16xi32>
        %shift_right_logical3A_168 = arith.shrui %bitcast3A_165, %shift_right_logical3A_167 : vector<16xi32>
        %shift_right_logical3A_169 = arith.constant 9 : i32
        %shift_right_logical3A_170 = vector.broadcast %shift_right_logical3A_169 : i32 to vector<16xi32>
        %shift_right_logical3A_171 = arith.shrui %bitcast3A_165, %shift_right_logical3A_170 : vector<16xi32>
        %and3A_172 = arith.constant 2047 : i32
        %and3A_173 = vector.broadcast %and3A_172 : i32 to vector<16xi32>
        %and3A_174 = arith.andi %shift_right_logical3A_171, %and3A_173 : vector<16xi32>
        %add3A_175 = arith.constant 48 : i32
        %add3A_176 = arith.addi %mul3A_135, %add3A_175 : i32
        %get3A_177 = arith.index_cast %add3A_176 : i32 to index
        %get3A_178 = tpu.vector_load %arg7[%get3A_177] {strides = array<i32>} : memref<16384xf32, #tpu.memory_space<vmem>>, vector<16xf32>,
        %bitcast3A_179 = vector.bitcast %get3A_178 : vector<16xf32> to vector<16xi32>
        %shift_right_logical3A_180 = arith.constant 20 : i32
        %shift_right_logical3A_181 = vector.broadcast %shift_right_logical3A_180 : i32 to vector<16xi32>
        %shift_right_logical3A_182 = arith.shrui %bitcast3A_179, %shift_right_logical3A_181 : vector<16xi32>
        %shift_right_logical3A_183 = arith.constant 9 : i32
        %shift_right_logical3A_184 = vector.broadcast %shift_right_logical3A_183 : i32 to vector<16xi32>
        %shift_right_logical3A_185 = arith.shrui %bitcast3A_179, %shift_right_logical3A_184 : vector<16xi32>
        %and3A_186 = arith.constant 2047 : i32
        %and3A_187 = vector.broadcast %and3A_186 : i32 to vector<16xi32>
        %and3A_188 = arith.andi %shift_right_logical3A_185, %and3A_187 : vector<16xi32>
        %add3A_189 = arith.constant 64 : i32
        %add3A_190 = arith.addi %mul3A_135, %add3A_189 : i32
        %get3A_191 = arith.index_cast %add3A_190 : i32 to index
        %get3A_192 = tpu.vector_load %arg7[%get3A_191] {strides = array<i32>} : memref<16384xf32, #tpu.memory_space<vmem>>, vector<16xf32>,
        %bitcast3A_193 = vector.bitcast %get3A_192 : vector<16xf32> to vector<16xi32>
        %shift_right_logical3A_194 = arith.constant 20 : i32
        %shift_right_logical3A_195 = vector.broadcast %shift_right_logical3A_194 : i32 to vector<16xi32>
        %shift_right_logical3A_196 = arith.shrui %bitcast3A_193, %shift_right_logical3A_195 : vector<16xi32>
        %shift_right_logical3A_197 = arith.constant 9 : i32
        %shift_right_logical3A_198 = vector.broadcast %shift_right_logical3A_197 : i32 to vector<16xi32>
        %shift_right_logical3A_199 = arith.shrui %bitcast3A_193, %shift_right_logical3A_198 : vector<16xi32>
        %and3A_200 = arith.constant 2047 : i32
        %and3A_201 = vector.broadcast %and3A_200 : i32 to vector<16xi32>
        %and3A_202 = arith.andi %shift_right_logical3A_199, %and3A_201 : vector<16xi32>
        %add3A_203 = arith.constant 80 : i32
        %add3A_204 = arith.addi %mul3A_135, %add3A_203 : i32
        %get3A_205 = arith.index_cast %add3A_204 : i32 to index
        %get3A_206 = tpu.vector_load %arg7[%get3A_205] {strides = array<i32>} : memref<16384xf32, #tpu.memory_space<vmem>>, vector<16xf32>,
        %bitcast3A_207 = vector.bitcast %get3A_206 : vector<16xf32> to vector<16xi32>
        %shift_right_logical3A_208 = arith.constant 20 : i32
        %shift_right_logical3A_209 = vector.broadcast %shift_right_logical3A_208 : i32 to vector<16xi32>
        %shift_right_logical3A_210 = arith.shrui %bitcast3A_207, %shift_right_logical3A_209 : vector<16xi32>
        %shift_right_logical3A_211 = arith.constant 9 : i32
        %shift_right_logical3A_212 = vector.broadcast %shift_right_logical3A_211 : i32 to vector<16xi32>
        %shift_right_logical3A_213 = arith.shrui %bitcast3A_207, %shift_right_logical3A_212 : vector<16xi32>
        %and3A_214 = arith.constant 2047 : i32
        %and3A_215 = vector.broadcast %and3A_214 : i32 to vector<16xi32>
        %and3A_216 = arith.andi %shift_right_logical3A_213, %and3A_215 : vector<16xi32>
        %add3A_217 = arith.constant 96 : i32
        %add3A_218 = arith.addi %mul3A_135, %add3A_217 : i32
        %get3A_219 = arith.index_cast %add3A_218 : i32 to index
        %get3A_220 = tpu.vector_load %arg7[%get3A_219] {strides = array<i32>} : memref<16384xf32, #tpu.memory_space<vmem>>, vector<16xf32>,
        %bitcast3A_221 = vector.bitcast %get3A_220 : vector<16xf32> to vector<16xi32>
        %shift_right_logical3A_222 = arith.constant 20 : i32
        %shift_right_logical3A_223 = vector.broadcast %shift_right_logical3A_222 : i32 to vector<16xi32>
        %shift_right_logical3A_224 = arith.shrui %bitcast3A_221, %shift_right_logical3A_223 : vector<16xi32>
        %shift_right_logical3A_225 = arith.constant 9 : i32
        %shift_right_logical3A_226 = vector.broadcast %shift_right_logical3A_225 : i32 to vector<16xi32>
        %shift_right_logical3A_227 = arith.shrui %bitcast3A_221, %shift_right_logical3A_226 : vector<16xi32>
        %and3A_228 = arith.constant 2047 : i32
        %and3A_229 = vector.broadcast %and3A_228 : i32 to vector<16xi32>
        %and3A_230 = arith.andi %shift_right_logical3A_227, %and3A_229 : vector<16xi32>
        %add3A_231 = arith.constant 112 : i32
        %add3A_232 = arith.addi %mul3A_135, %add3A_231 : i32
        %get3A_233 = arith.index_cast %add3A_232 : i32 to index
        %get3A_234 = tpu.vector_load %arg7[%get3A_233] {strides = array<i32>} : memref<16384xf32, #tpu.memory_space<vmem>>, vector<16xf32>,
        %bitcast3A_235 = vector.bitcast %get3A_234 : vector<16xf32> to vector<16xi32>
        %shift_right_logical3A_236 = arith.constant 20 : i32
        %shift_right_logical3A_237 = vector.broadcast %shift_right_logical3A_236 : i32 to vector<16xi32>
        %shift_right_logical3A_238 = arith.shrui %bitcast3A_235, %shift_right_logical3A_237 : vector<16xi32>
        %shift_right_logical3A_239 = arith.constant 9 : i32
        %shift_right_logical3A_240 = vector.broadcast %shift_right_logical3A_239 : i32 to vector<16xi32>
        %shift_right_logical3A_241 = arith.shrui %bitcast3A_235, %shift_right_logical3A_240 : vector<16xi32>
        %and3A_242 = arith.constant 2047 : i32
        %and3A_243 = vector.broadcast %and3A_242 : i32 to vector<16xi32>
        %and3A_244 = arith.andi %shift_right_logical3A_241, %and3A_243 : vector<16xi32>
        %add3A_245 = arith.constant 128 : i32
        %add3A_246 = arith.addi %mul3A_135, %add3A_245 : i32
        %get3A_247 = arith.index_cast %add3A_246 : i32 to index
        %get3A_248 = tpu.vector_load %arg7[%get3A_247] {strides = array<i32>} : memref<16384xf32, #tpu.memory_space<vmem>>, vector<16xf32>,
        %bitcast3A_249 = vector.bitcast %get3A_248 : vector<16xf32> to vector<16xi32>
        %shift_right_logical3A_250 = arith.constant 20 : i32
        %shift_right_logical3A_251 = vector.broadcast %shift_right_logical3A_250 : i32 to vector<16xi32>
        %shift_right_logical3A_252 = arith.shrui %bitcast3A_249, %shift_right_logical3A_251 : vector<16xi32>
        %shift_right_logical3A_253 = arith.constant 9 : i32
        %shift_right_logical3A_254 = vector.broadcast %shift_right_logical3A_253 : i32 to vector<16xi32>
        %shift_right_logical3A_255 = arith.shrui %bitcast3A_249, %shift_right_logical3A_254 : vector<16xi32>
        %and3A_256 = arith.constant 2047 : i32
        %and3A_257 = vector.broadcast %and3A_256 : i32 to vector<16xi32>
        %and3A_258 = arith.andi %shift_right_logical3A_255, %and3A_257 : vector<16xi32>
        %add3A_259 = arith.constant 144 : i32
        %add3A_260 = arith.addi %mul3A_135, %add3A_259 : i32
        %get3A_261 = arith.index_cast %add3A_260 : i32 to index
        %get3A_262 = tpu.vector_load %arg7[%get3A_261] {strides = array<i32>} : memref<16384xf32, #tpu.memory_space<vmem>>, vector<16xf32>,
        %bitcast3A_263 = vector.bitcast %get3A_262 : vector<16xf32> to vector<16xi32>
        %shift_right_logical3A_264 = arith.constant 20 : i32
        %shift_right_logical3A_265 = vector.broadcast %shift_right_logical3A_264 : i32 to vector<16xi32>
        %shift_right_logical3A_266 = arith.shrui %bitcast3A_263, %shift_right_logical3A_265 : vector<16xi32>
        %shift_right_logical3A_267 = arith.constant 9 : i32
        %shift_right_logical3A_268 = vector.broadcast %shift_right_logical3A_267 : i32 to vector<16xi32>
        %shift_right_logical3A_269 = arith.shrui %bitcast3A_263, %shift_right_logical3A_268 : vector<16xi32>
        %and3A_270 = arith.constant 2047 : i32
        %and3A_271 = vector.broadcast %and3A_270 : i32 to vector<16xi32>
        %and3A_272 = arith.andi %shift_right_logical3A_269, %and3A_271 : vector<16xi32>
        %add3A_273 = arith.constant 160 : i32
        %add3A_274 = arith.addi %mul3A_135, %add3A_273 : i32
        %get3A_275 = arith.index_cast %add3A_274 : i32 to index
        %get3A_276 = tpu.vector_load %arg7[%get3A_275] {strides = array<i32>} : memref<16384xf32, #tpu.memory_space<vmem>>, vector<16xf32>,
        %bitcast3A_277 = vector.bitcast %get3A_276 : vector<16xf32> to vector<16xi32>
        %shift_right_logical3A_278 = arith.constant 20 : i32
        %shift_right_logical3A_279 = vector.broadcast %shift_right_logical3A_278 : i32 to vector<16xi32>
        %shift_right_logical3A_280 = arith.shrui %bitcast3A_277, %shift_right_logical3A_279 : vector<16xi32>
        %shift_right_logical3A_281 = arith.constant 9 : i32
        %shift_right_logical3A_282 = vector.broadcast %shift_right_logical3A_281 : i32 to vector<16xi32>
        %shift_right_logical3A_283 = arith.shrui %bitcast3A_277, %shift_right_logical3A_282 : vector<16xi32>
        %and3A_284 = arith.constant 2047 : i32
        %and3A_285 = vector.broadcast %and3A_284 : i32 to vector<16xi32>
        %and3A_286 = arith.andi %shift_right_logical3A_283, %and3A_285 : vector<16xi32>
        %add3A_287 = arith.constant 176 : i32
        %add3A_288 = arith.addi %mul3A_135, %add3A_287 : i32
        %get3A_289 = arith.index_cast %add3A_288 : i32 to index
        %get3A_290 = tpu.vector_load %arg7[%get3A_289] {strides = array<i32>} : memref<16384xf32, #tpu.memory_space<vmem>>, vector<16xf32>,
        %bitcast3A_291 = vector.bitcast %get3A_290 : vector<16xf32> to vector<16xi32>
        %shift_right_logical3A_292 = arith.constant 20 : i32
        %shift_right_logical3A_293 = vector.broadcast %shift_right_logical3A_292 : i32 to vector<16xi32>
        %shift_right_logical3A_294 = arith.shrui %bitcast3A_291, %shift_right_logical3A_293 : vector<16xi32>
        %shift_right_logical3A_295 = arith.constant 9 : i32
        %shift_right_logical3A_296 = vector.broadcast %shift_right_logical3A_295 : i32 to vector<16xi32>
        %shift_right_logical3A_297 = arith.shrui %bitcast3A_291, %shift_right_logical3A_296 : vector<16xi32>
        %and3A_298 = arith.constant 2047 : i32
        %and3A_299 = vector.broadcast %and3A_298 : i32 to vector<16xi32>
        %and3A_300 = arith.andi %shift_right_logical3A_297, %and3A_299 : vector<16xi32>
        %add3A_301 = arith.constant 192 : i32
        %add3A_302 = arith.addi %mul3A_135, %add3A_301 : i32
        %get3A_303 = arith.index_cast %add3A_302 : i32 to index
        %get3A_304 = tpu.vector_load %arg7[%get3A_303] {strides = array<i32>} : memref<16384xf32, #tpu.memory_space<vmem>>, vector<16xf32>,
        %bitcast3A_305 = vector.bitcast %get3A_304 : vector<16xf32> to vector<16xi32>
        %shift_right_logical3A_306 = arith.constant 20 : i32
        %shift_right_logical3A_307 = vector.broadcast %shift_right_logical3A_306 : i32 to vector<16xi32>
        %shift_right_logical3A_308 = arith.shrui %bitcast3A_305, %shift_right_logical3A_307 : vector<16xi32>
        %shift_right_logical3A_309 = arith.constant 9 : i32
        %shift_right_logical3A_310 = vector.broadcast %shift_right_logical3A_309 : i32 to vector<16xi32>
        %shift_right_logical3A_311 = arith.shrui %bitcast3A_305, %shift_right_logical3A_310 : vector<16xi32>
        %and3A_312 = arith.constant 2047 : i32
        %and3A_313 = vector.broadcast %and3A_312 : i32 to vector<16xi32>
        %and3A_314 = arith.andi %shift_right_logical3A_311, %and3A_313 : vector<16xi32>
        %add3A_315 = arith.constant 208 : i32
        %add3A_316 = arith.addi %mul3A_135, %add3A_315 : i32
        %get3A_317 = arith.index_cast %add3A_316 : i32 to index
        %get3A_318 = tpu.vector_load %arg7[%get3A_317] {strides = array<i32>} : memref<16384xf32, #tpu.memory_space<vmem>>, vector<16xf32>,
        %bitcast3A_319 = vector.bitcast %get3A_318 : vector<16xf32> to vector<16xi32>
        %shift_right_logical3A_320 = arith.constant 20 : i32
        %shift_right_logical3A_321 = vector.broadcast %shift_right_logical3A_320 : i32 to vector<16xi32>
        %shift_right_logical3A_322 = arith.shrui %bitcast3A_319, %shift_right_logical3A_321 : vector<16xi32>
        %shift_right_logical3A_323 = arith.constant 9 : i32
        %shift_right_logical3A_324 = vector.broadcast %shift_right_logical3A_323 : i32 to vector<16xi32>
        %shift_right_logical3A_325 = arith.shrui %bitcast3A_319, %shift_right_logical3A_324 : vector<16xi32>
        %and3A_326 = arith.constant 2047 : i32
        %and3A_327 = vector.broadcast %and3A_326 : i32 to vector<16xi32>
        %and3A_328 = arith.andi %shift_right_logical3A_325, %and3A_327 : vector<16xi32>
        %add3A_329 = arith.constant 224 : i32
        %add3A_330 = arith.addi %mul3A_135, %add3A_329 : i32
        %get3A_331 = arith.index_cast %add3A_330 : i32 to index
        %get3A_332 = tpu.vector_load %arg7[%get3A_331] {strides = array<i32>} : memref<16384xf32, #tpu.memory_space<vmem>>, vector<16xf32>,
        %bitcast3A_333 = vector.bitcast %get3A_332 : vector<16xf32> to vector<16xi32>
        %shift_right_logical3A_334 = arith.constant 20 : i32
        %shift_right_logical3A_335 = vector.broadcast %shift_right_logical3A_334 : i32 to vector<16xi32>
        %shift_right_logical3A_336 = arith.shrui %bitcast3A_333, %shift_right_logical3A_335 : vector<16xi32>
        %shift_right_logical3A_337 = arith.constant 9 : i32
        %shift_right_logical3A_338 = vector.broadcast %shift_right_logical3A_337 : i32 to vector<16xi32>
        %shift_right_logical3A_339 = arith.shrui %bitcast3A_333, %shift_right_logical3A_338 : vector<16xi32>
        %and3A_340 = arith.constant 2047 : i32
        %and3A_341 = vector.broadcast %and3A_340 : i32 to vector<16xi32>
        %and3A_342 = arith.andi %shift_right_logical3A_339, %and3A_341 : vector<16xi32>
        %add3A_343 = arith.constant 240 : i32
        %add3A_344 = arith.addi %mul3A_135, %add3A_343 : i32
        %get3A_345 = arith.index_cast %add3A_344 : i32 to index
        %get3A_346 = tpu.vector_load %arg7[%get3A_345] {strides = array<i32>} : memref<16384xf32, #tpu.memory_space<vmem>>, vector<16xf32>,
        %bitcast3A_347 = vector.bitcast %get3A_346 : vector<16xf32> to vector<16xi32>
        %shift_right_logical3A_348 = arith.constant 20 : i32
        %shift_right_logical3A_349 = vector.broadcast %shift_right_logical3A_348 : i32 to vector<16xi32>
        %shift_right_logical3A_350 = arith.shrui %bitcast3A_347, %shift_right_logical3A_349 : vector<16xi32>
        %shift_right_logical3A_351 = arith.constant 9 : i32
        %shift_right_logical3A_352 = vector.broadcast %shift_right_logical3A_351 : i32 to vector<16xi32>
        %shift_right_logical3A_353 = arith.shrui %bitcast3A_347, %shift_right_logical3A_352 : vector<16xi32>
        %and3A_354 = arith.constant 2047 : i32
        %and3A_355 = vector.broadcast %and3A_354 : i32 to vector<16xi32>
        %and3A_356 = arith.andi %shift_right_logical3A_353, %and3A_355 : vector<16xi32>
        %eq3A = arith.cmpi eq, %shift_right_logical3A_141, %get3A_8 : vector<16xi32>
        tpu.vector_store_idx %arg8[%and3A_146, %iota3A], %broadcast_in_dim3A_16 masked %eq3A {add = true} : memref<2048x16xi32, #tpu.memory_space<vmem>>[vector<16xi32>, vector<16xi32>], vector<16xi32>, vector<16xi1>
        %eq3A_357 = arith.cmpi eq, %shift_right_logical3A_154, %get3A_8 : vector<16xi32>
        tpu.vector_store_idx %arg8[%and3A_160, %iota3A], %broadcast_in_dim3A_16 masked %eq3A_357 {add = true} : memref<2048x16xi32, #tpu.memory_space<vmem>>[vector<16xi32>, vector<16xi32>], vector<16xi32>, vector<16xi1>
        %eq3A_358 = arith.cmpi eq, %shift_right_logical3A_168, %get3A_8 : vector<16xi32>
        tpu.vector_store_idx %arg8[%and3A_174, %iota3A], %broadcast_in_dim3A_16 masked %eq3A_358 {add = true} : memref<2048x16xi32, #tpu.memory_space<vmem>>[vector<16xi32>, vector<16xi32>], vector<16xi32>, vector<16xi1>
        %eq3A_359 = arith.cmpi eq, %shift_right_logical3A_182, %get3A_8 : vector<16xi32>
        tpu.vector_store_idx %arg8[%and3A_188, %iota3A], %broadcast_in_dim3A_16 masked %eq3A_359 {add = true} : memref<2048x16xi32, #tpu.memory_space<vmem>>[vector<16xi32>, vector<16xi32>], vector<16xi32>, vector<16xi1>
        %eq3A_360 = arith.cmpi eq, %shift_right_logical3A_196, %get3A_8 : vector<16xi32>
        tpu.vector_store_idx %arg8[%and3A_202, %iota3A], %broadcast_in_dim3A_16 masked %eq3A_360 {add = true} : memref<2048x16xi32, #tpu.memory_space<vmem>>[vector<16xi32>, vector<16xi32>], vector<16xi32>, vector<16xi1>
        %eq3A_361 = arith.cmpi eq, %shift_right_logical3A_210, %get3A_8 : vector<16xi32>
        tpu.vector_store_idx %arg8[%and3A_216, %iota3A], %broadcast_in_dim3A_16 masked %eq3A_361 {add = true} : memref<2048x16xi32, #tpu.memory_space<vmem>>[vector<16xi32>, vector<16xi32>], vector<16xi32>, vector<16xi1>
        %eq3A_362 = arith.cmpi eq, %shift_right_logical3A_224, %get3A_8 : vector<16xi32>
        tpu.vector_store_idx %arg8[%and3A_230, %iota3A], %broadcast_in_dim3A_16 masked %eq3A_362 {add = true} : memref<2048x16xi32, #tpu.memory_space<vmem>>[vector<16xi32>, vector<16xi32>], vector<16xi32>, vector<16xi1>
        %eq3A_363 = arith.cmpi eq, %shift_right_logical3A_238, %get3A_8 : vector<16xi32>
        tpu.vector_store_idx %arg8[%and3A_244, %iota3A], %broadcast_in_dim3A_16 masked %eq3A_363 {add = true} : memref<2048x16xi32, #tpu.memory_space<vmem>>[vector<16xi32>, vector<16xi32>], vector<16xi32>, vector<16xi1>
        %eq3A_364 = arith.cmpi eq, %shift_right_logical3A_252, %get3A_8 : vector<16xi32>
        tpu.vector_store_idx %arg8[%and3A_258, %iota3A], %broadcast_in_dim3A_16 masked %eq3A_364 {add = true} : memref<2048x16xi32, #tpu.memory_space<vmem>>[vector<16xi32>, vector<16xi32>], vector<16xi32>, vector<16xi1>
        %eq3A_365 = arith.cmpi eq, %shift_right_logical3A_266, %get3A_8 : vector<16xi32>
        tpu.vector_store_idx %arg8[%and3A_272, %iota3A], %broadcast_in_dim3A_16 masked %eq3A_365 {add = true} : memref<2048x16xi32, #tpu.memory_space<vmem>>[vector<16xi32>, vector<16xi32>], vector<16xi32>, vector<16xi1>
        %eq3A_366 = arith.cmpi eq, %shift_right_logical3A_280, %get3A_8 : vector<16xi32>
        tpu.vector_store_idx %arg8[%and3A_286, %iota3A], %broadcast_in_dim3A_16 masked %eq3A_366 {add = true} : memref<2048x16xi32, #tpu.memory_space<vmem>>[vector<16xi32>, vector<16xi32>], vector<16xi32>, vector<16xi1>
        %eq3A_367 = arith.cmpi eq, %shift_right_logical3A_294, %get3A_8 : vector<16xi32>
        tpu.vector_store_idx %arg8[%and3A_300, %iota3A], %broadcast_in_dim3A_16 masked %eq3A_367 {add = true} : memref<2048x16xi32, #tpu.memory_space<vmem>>[vector<16xi32>, vector<16xi32>], vector<16xi32>, vector<16xi1>
        %eq3A_368 = arith.cmpi eq, %shift_right_logical3A_308, %get3A_8 : vector<16xi32>
        tpu.vector_store_idx %arg8[%and3A_314, %iota3A], %broadcast_in_dim3A_16 masked %eq3A_368 {add = true} : memref<2048x16xi32, #tpu.memory_space<vmem>>[vector<16xi32>, vector<16xi32>], vector<16xi32>, vector<16xi1>
        %eq3A_369 = arith.cmpi eq, %shift_right_logical3A_322, %get3A_8 : vector<16xi32>
        tpu.vector_store_idx %arg8[%and3A_328, %iota3A], %broadcast_in_dim3A_16 masked %eq3A_369 {add = true} : memref<2048x16xi32, #tpu.memory_space<vmem>>[vector<16xi32>, vector<16xi32>], vector<16xi32>, vector<16xi1>
        %eq3A_370 = arith.cmpi eq, %shift_right_logical3A_336, %get3A_8 : vector<16xi32>
        tpu.vector_store_idx %arg8[%and3A_342, %iota3A], %broadcast_in_dim3A_16 masked %eq3A_370 {add = true} : memref<2048x16xi32, #tpu.memory_space<vmem>>[vector<16xi32>, vector<16xi32>], vector<16xi32>, vector<16xi1>
        %eq3A_371 = arith.cmpi eq, %shift_right_logical3A_350, %get3A_8 : vector<16xi32>
        tpu.vector_store_idx %arg8[%and3A_356, %iota3A], %broadcast_in_dim3A_16 masked %eq3A_371 {add = true} : memref<2048x16xi32, #tpu.memory_space<vmem>>[vector<16xi32>, vector<16xi32>], vector<16xi32>, vector<16xi1>
        %gt3A = arith.cmpi sgt, %shift_right_logical3A_141, %get3A_8 : vector<16xi32>
        %jit3A = arith.constant 0.000000e+00 : f32
        %broadcast_in_dim3A_372 = vector.broadcast %jit3A : f32 to vector<16xf32>
        %select_n3A = arith.select %gt3A, %get3A_139, %broadcast_in_dim3A_372 : vector<16xi1>, vector<16xf32>
        %add3A_373 = arith.addf %scan3A_118, %select_n3A : vector<16xf32>
        %gt3A_374 = arith.cmpi sgt, %shift_right_logical3A_154, %get3A_8 : vector<16xi32>
        %jit3A_375 = arith.constant 0.000000e+00 : f32
        %broadcast_in_dim3A_376 = vector.broadcast %jit3A_375 : f32 to vector<16xf32>
        %select_n3A_377 = arith.select %gt3A_374, %get3A_150, %broadcast_in_dim3A_376 : vector<16xi1>, vector<16xf32>
        %add3A_378 = arith.addf %scan3A_119, %select_n3A_377 : vector<16xf32>
        %gt3A_379 = arith.cmpi sgt, %shift_right_logical3A_168, %get3A_8 : vector<16xi32>
        %jit3A_380 = arith.constant 0.000000e+00 : f32
        %broadcast_in_dim3A_381 = vector.broadcast %jit3A_380 : f32 to vector<16xf32>
        %select_n3A_382 = arith.select %gt3A_379, %get3A_164, %broadcast_in_dim3A_381 : vector<16xi1>, vector<16xf32>
        %add3A_383 = arith.addf %scan3A_120, %select_n3A_382 : vector<16xf32>
        %gt3A_384 = arith.cmpi sgt, %shift_right_logical3A_182, %get3A_8 : vector<16xi32>
        %jit3A_385 = arith.constant 0.000000e+00 : f32
        %broadcast_in_dim3A_386 = vector.broadcast %jit3A_385 : f32 to vector<16xf32>
        %select_n3A_387 = arith.select %gt3A_384, %get3A_178, %broadcast_in_dim3A_386 : vector<16xi1>, vector<16xf32>
        %add3A_388 = arith.addf %scan3A_121, %select_n3A_387 : vector<16xf32>
        %gt3A_389 = arith.cmpi sgt, %shift_right_logical3A_196, %get3A_8 : vector<16xi32>
        %jit3A_390 = arith.constant 0.000000e+00 : f32
        %broadcast_in_dim3A_391 = vector.broadcast %jit3A_390 : f32 to vector<16xf32>
        %select_n3A_392 = arith.select %gt3A_389, %get3A_192, %broadcast_in_dim3A_391 : vector<16xi1>, vector<16xf32>
        %add3A_393 = arith.addf %scan3A_122, %select_n3A_392 : vector<16xf32>
        %gt3A_394 = arith.cmpi sgt, %shift_right_logical3A_210, %get3A_8 : vector<16xi32>
        %jit3A_395 = arith.constant 0.000000e+00 : f32
        %broadcast_in_dim3A_396 = vector.broadcast %jit3A_395 : f32 to vector<16xf32>
        %select_n3A_397 = arith.select %gt3A_394, %get3A_206, %broadcast_in_dim3A_396 : vector<16xi1>, vector<16xf32>
        %add3A_398 = arith.addf %scan3A_123, %select_n3A_397 : vector<16xf32>
        %gt3A_399 = arith.cmpi sgt, %shift_right_logical3A_224, %get3A_8 : vector<16xi32>
        %jit3A_400 = arith.constant 0.000000e+00 : f32
        %broadcast_in_dim3A_401 = vector.broadcast %jit3A_400 : f32 to vector<16xf32>
        %select_n3A_402 = arith.select %gt3A_399, %get3A_220, %broadcast_in_dim3A_401 : vector<16xi1>, vector<16xf32>
        %add3A_403 = arith.addf %scan3A_124, %select_n3A_402 : vector<16xf32>
        %gt3A_404 = arith.cmpi sgt, %shift_right_logical3A_238, %get3A_8 : vector<16xi32>
        %jit3A_405 = arith.constant 0.000000e+00 : f32
        %broadcast_in_dim3A_406 = vector.broadcast %jit3A_405 : f32 to vector<16xf32>
        %select_n3A_407 = arith.select %gt3A_404, %get3A_234, %broadcast_in_dim3A_406 : vector<16xi1>, vector<16xf32>
        %add3A_408 = arith.addf %scan3A_125, %select_n3A_407 : vector<16xf32>
        %gt3A_409 = arith.cmpi sgt, %shift_right_logical3A_252, %get3A_8 : vector<16xi32>
        %jit3A_410 = arith.constant 0.000000e+00 : f32
        %broadcast_in_dim3A_411 = vector.broadcast %jit3A_410 : f32 to vector<16xf32>
        %select_n3A_412 = arith.select %gt3A_409, %get3A_248, %broadcast_in_dim3A_411 : vector<16xi1>, vector<16xf32>
        %add3A_413 = arith.addf %scan3A_126, %select_n3A_412 : vector<16xf32>
        %gt3A_414 = arith.cmpi sgt, %shift_right_logical3A_266, %get3A_8 : vector<16xi32>
        %jit3A_415 = arith.constant 0.000000e+00 : f32
        %broadcast_in_dim3A_416 = vector.broadcast %jit3A_415 : f32 to vector<16xf32>
        %select_n3A_417 = arith.select %gt3A_414, %get3A_262, %broadcast_in_dim3A_416 : vector<16xi1>, vector<16xf32>
        %add3A_418 = arith.addf %scan3A_127, %select_n3A_417 : vector<16xf32>
        %gt3A_419 = arith.cmpi sgt, %shift_right_logical3A_280, %get3A_8 : vector<16xi32>
        %jit3A_420 = arith.constant 0.000000e+00 : f32
        %broadcast_in_dim3A_421 = vector.broadcast %jit3A_420 : f32 to vector<16xf32>
        %select_n3A_422 = arith.select %gt3A_419, %get3A_276, %broadcast_in_dim3A_421 : vector<16xi1>, vector<16xf32>
        %add3A_423 = arith.addf %scan3A_128, %select_n3A_422 : vector<16xf32>
        %gt3A_424 = arith.cmpi sgt, %shift_right_logical3A_294, %get3A_8 : vector<16xi32>
        %jit3A_425 = arith.constant 0.000000e+00 : f32
        %broadcast_in_dim3A_426 = vector.broadcast %jit3A_425 : f32 to vector<16xf32>
        %select_n3A_427 = arith.select %gt3A_424, %get3A_290, %broadcast_in_dim3A_426 : vector<16xi1>, vector<16xf32>
        %add3A_428 = arith.addf %scan3A_129, %select_n3A_427 : vector<16xf32>
        %gt3A_429 = arith.cmpi sgt, %shift_right_logical3A_308, %get3A_8 : vector<16xi32>
        %jit3A_430 = arith.constant 0.000000e+00 : f32
        %broadcast_in_dim3A_431 = vector.broadcast %jit3A_430 : f32 to vector<16xf32>
        %select_n3A_432 = arith.select %gt3A_429, %get3A_304, %broadcast_in_dim3A_431 : vector<16xi1>, vector<16xf32>
        %add3A_433 = arith.addf %scan3A_130, %select_n3A_432 : vector<16xf32>
        %gt3A_434 = arith.cmpi sgt, %shift_right_logical3A_322, %get3A_8 : vector<16xi32>
        %jit3A_435 = arith.constant 0.000000e+00 : f32
        %broadcast_in_dim3A_436 = vector.broadcast %jit3A_435 : f32 to vector<16xf32>
        %select_n3A_437 = arith.select %gt3A_434, %get3A_318, %broadcast_in_dim3A_436 : vector<16xi1>, vector<16xf32>
        %add3A_438 = arith.addf %scan3A_131, %select_n3A_437 : vector<16xf32>
        %gt3A_439 = arith.cmpi sgt, %shift_right_logical3A_336, %get3A_8 : vector<16xi32>
        %jit3A_440 = arith.constant 0.000000e+00 : f32
        %broadcast_in_dim3A_441 = vector.broadcast %jit3A_440 : f32 to vector<16xf32>
        %select_n3A_442 = arith.select %gt3A_439, %get3A_332, %broadcast_in_dim3A_441 : vector<16xi1>, vector<16xf32>
        %add3A_443 = arith.addf %scan3A_132, %select_n3A_442 : vector<16xf32>
        %gt3A_444 = arith.cmpi sgt, %shift_right_logical3A_350, %get3A_8 : vector<16xi32>
        %jit3A_445 = arith.constant 0.000000e+00 : f32
        %broadcast_in_dim3A_446 = vector.broadcast %jit3A_445 : f32 to vector<16xf32>
        %select_n3A_447 = arith.select %gt3A_444, %get3A_346, %broadcast_in_dim3A_446 : vector<16xi1>, vector<16xf32>
        %add3A_448 = arith.addf %scan3A_133, %select_n3A_447 : vector<16xf32>
        scf.yield %add3A_373, %add3A_378, %add3A_383, %add3A_388, %add3A_393, %add3A_398, %add3A_403, %add3A_408, %add3A_413, %add3A_418, %add3A_423, %add3A_428, %add3A_433, %add3A_438, %add3A_443, %add3A_448 : vector<16xf32>, vector<16xf32>, vector<16xf32>, vector<16xf32>, vector<16xf32>, vector<16xf32>, vector<16xf32>, vector<16xf32>, vector<16xf32>, vector<16xf32>, vector<16xf32>, vector<16xf32>, vector<16xf32>, vector<16xf32>, vector<16xf32>, vector<16xf32>
      }
      %scan3A_112 = arith.constant 64 : i32
      %add3A_113 = arith.constant 49152 : i32
      %add3A_114 = arith.addi %add3A_90, %add3A_113 : i32
      %dma_start3A_115 = tpu.memref_slice %arg2[%add3A_114] : memref<4194304xf32, #tpu.memory_space<hbm>> -> memref<16384xf32, #tpu.memory_space<hbm>>
      %dma_start3A_116 = tpu.memref_slice %arg2[%add3A_114] : memref<4194304xf32, #tpu.memory_space<hbm>> -> memref<16384xf32, #tpu.memory_space<hbm>>
      tpu.enqueue_dma source(%dma_start3A_116 : memref<16384xf32, #tpu.memory_space<hbm>>) target(%arg7 : memref<16384xf32, #tpu.memory_space<vmem>>) target_semaphore(%arg13 : memref<!tpu.dma_semaphore, #tpu.memory_space<semaphore_mem>>)
      scf.yield %scan3A_111#0, %scan3A_111#1, %scan3A_111#2, %scan3A_111#3, %scan3A_111#4, %scan3A_111#5, %scan3A_111#6, %scan3A_111#7, %scan3A_111#8, %scan3A_111#9, %scan3A_111#10, %scan3A_111#11, %scan3A_111#12, %scan3A_111#13, %scan3A_111#14, %scan3A_111#15 : vector<16xf32>, vector<16xf32>, vector<16xf32>, vector<16xf32>, vector<16xf32>, vector<16xf32>, vector<16xf32>, vector<16xf32>, vector<16xf32>, vector<16xf32>, vector<16xf32>, vector<16xf32>, vector<16xf32>, vector<16xf32>, vector<16xf32>, vector<16xf32>
    }
    %scan3A_26 = arith.constant 3 : i32
    %add3A_27 = arith.constant 98304 : i32
    %add3A_28 = arith.addi %mul3A_20, %add3A_27 : i32
    %dma_wait3A = tpu.memref_slice %arg2[%add3A_28] : memref<4194304xf32, #tpu.memory_space<hbm>> -> memref<16384xf32, #tpu.memory_space<hbm>>
    %dma_wait3A_29 = tpu.memref_slice %arg2[%add3A_28] : memref<4194304xf32, #tpu.memory_space<hbm>> -> memref<16384xf32, #tpu.memory_space<hbm>>
    tpu.wait_dma2 semaphore(%arg12 : memref<!tpu.dma_semaphore, #tpu.memory_space<semaphore_mem>>) src(%dma_wait3A_29 : memref<16384xf32, #tpu.memory_space<hbm>>) dst(%arg6 : memref<16384xf32, #tpu.memory_space<vmem>>)
    %scan3A_30 = arith.constant 0 : i32
    %scan3A_31 = arith.constant 64 : i32
    %scan3A_32 = arith.addi %scan3A_30, %scan3A_31 : i32
    %scan3A_33 = arith.constant 1 : i32
    %scan3A_34:16 = scf.for %scan3A_69 = %scan3A_30 to %scan3A_32 step %scan3A_33 iter_args(%scan3A_70 = %scan3A_25#0, %scan3A_71 = %scan3A_25#1, %scan3A_72 = %scan3A_25#2, %scan3A_73 = %scan3A_25#3, %scan3A_74 = %scan3A_25#4, %scan3A_75 = %scan3A_25#5, %scan3A_76 = %scan3A_25#6, %scan3A_77 = %scan3A_25#7, %scan3A_78 = %scan3A_25#8, %scan3A_79 = %scan3A_25#9, %scan3A_80 = %scan3A_25#10, %scan3A_81 = %scan3A_25#11, %scan3A_82 = %scan3A_25#12, %scan3A_83 = %scan3A_25#13, %scan3A_84 = %scan3A_25#14, %scan3A_85 = %scan3A_25#15) -> (vector<16xf32>, vector<16xf32>, vector<16xf32>, vector<16xf32>, vector<16xf32>, vector<16xf32>, vector<16xf32>, vector<16xf32>, vector<16xf32>, vector<16xf32>, vector<16xf32>, vector<16xf32>, vector<16xf32>, vector<16xf32>, vector<16xf32>, vector<16xf32>)  : i32 {
      %mul3A_86 = arith.constant 256 : i32
      %mul3A_87 = arith.muli %scan3A_69, %mul3A_86 : i32
      %add3A_88 = arith.constant 0 : i32
      %add3A_89 = arith.addi %mul3A_87, %add3A_88 : i32
      %get3A_90 = arith.index_cast %add3A_89 : i32 to index
      %get3A_91 = tpu.vector_load %arg6[%get3A_90] {strides = array<i32>} : memref<16384xf32, #tpu.memory_space<vmem>>, vector<16xf32>,
      %bitcast3A = vector.bitcast %get3A_91 : vector<16xf32> to vector<16xi32>
      %shift_right_logical3A = arith.constant 20 : i32
      %shift_right_logical3A_92 = vector.broadcast %shift_right_logical3A : i32 to vector<16xi32>
      %shift_right_logical3A_93 = arith.shrui %bitcast3A, %shift_right_logical3A_92 : vector<16xi32>
      %shift_right_logical3A_94 = arith.constant 9 : i32
      %shift_right_logical3A_95 = vector.broadcast %shift_right_logical3A_94 : i32 to vector<16xi32>
      %shift_right_logical3A_96 = arith.shrui %bitcast3A, %shift_right_logical3A_95 : vector<16xi32>
      %and3A = arith.constant 2047 : i32
      %and3A_97 = vector.broadcast %and3A : i32 to vector<16xi32>
      %and3A_98 = arith.andi %shift_right_logical3A_96, %and3A_97 : vector<16xi32>
      %add3A_99 = arith.constant 16 : i32
      %add3A_100 = arith.addi %mul3A_87, %add3A_99 : i32
      %get3A_101 = arith.index_cast %add3A_100 : i32 to index
      %get3A_102 = tpu.vector_load %arg6[%get3A_101] {strides = array<i32>} : memref<16384xf32, #tpu.memory_space<vmem>>, vector<16xf32>,
      %bitcast3A_103 = vector.bitcast %get3A_102 : vector<16xf32> to vector<16xi32>
      %shift_right_logical3A_104 = arith.constant 20 : i32
      %shift_right_logical3A_105 = vector.broadcast %shift_right_logical3A_104 : i32 to vector<16xi32>
      %shift_right_logical3A_106 = arith.shrui %bitcast3A_103, %shift_right_logical3A_105 : vector<16xi32>
      %shift_right_logical3A_107 = arith.constant 9 : i32
      %shift_right_logical3A_108 = vector.broadcast %shift_right_logical3A_107 : i32 to vector<16xi32>
      %shift_right_logical3A_109 = arith.shrui %bitcast3A_103, %shift_right_logical3A_108 : vector<16xi32>
      %and3A_110 = arith.constant 2047 : i32
      %and3A_111 = vector.broadcast %and3A_110 : i32 to vector<16xi32>
      %and3A_112 = arith.andi %shift_right_logical3A_109, %and3A_111 : vector<16xi32>
      %add3A_113 = arith.constant 32 : i32
      %add3A_114 = arith.addi %mul3A_87, %add3A_113 : i32
      %get3A_115 = arith.index_cast %add3A_114 : i32 to index
      %get3A_116 = tpu.vector_load %arg6[%get3A_115] {strides = array<i32>} : memref<16384xf32, #tpu.memory_space<vmem>>, vector<16xf32>,
      %bitcast3A_117 = vector.bitcast %get3A_116 : vector<16xf32> to vector<16xi32>
      %shift_right_logical3A_118 = arith.constant 20 : i32
      %shift_right_logical3A_119 = vector.broadcast %shift_right_logical3A_118 : i32 to vector<16xi32>
      %shift_right_logical3A_120 = arith.shrui %bitcast3A_117, %shift_right_logical3A_119 : vector<16xi32>
      %shift_right_logical3A_121 = arith.constant 9 : i32
      %shift_right_logical3A_122 = vector.broadcast %shift_right_logical3A_121 : i32 to vector<16xi32>
      %shift_right_logical3A_123 = arith.shrui %bitcast3A_117, %shift_right_logical3A_122 : vector<16xi32>
      %and3A_124 = arith.constant 2047 : i32
      %and3A_125 = vector.broadcast %and3A_124 : i32 to vector<16xi32>
      %and3A_126 = arith.andi %shift_right_logical3A_123, %and3A_125 : vector<16xi32>
      %add3A_127 = arith.constant 48 : i32
      %add3A_128 = arith.addi %mul3A_87, %add3A_127 : i32
      %get3A_129 = arith.index_cast %add3A_128 : i32 to index
      %get3A_130 = tpu.vector_load %arg6[%get3A_129] {strides = array<i32>} : memref<16384xf32, #tpu.memory_space<vmem>>, vector<16xf32>,
      %bitcast3A_131 = vector.bitcast %get3A_130 : vector<16xf32> to vector<16xi32>
      %shift_right_logical3A_132 = arith.constant 20 : i32
      %shift_right_logical3A_133 = vector.broadcast %shift_right_logical3A_132 : i32 to vector<16xi32>
      %shift_right_logical3A_134 = arith.shrui %bitcast3A_131, %shift_right_logical3A_133 : vector<16xi32>
      %shift_right_logical3A_135 = arith.constant 9 : i32
      %shift_right_logical3A_136 = vector.broadcast %shift_right_logical3A_135 : i32 to vector<16xi32>
      %shift_right_logical3A_137 = arith.shrui %bitcast3A_131, %shift_right_logical3A_136 : vector<16xi32>
      %and3A_138 = arith.constant 2047 : i32
      %and3A_139 = vector.broadcast %and3A_138 : i32 to vector<16xi32>
      %and3A_140 = arith.andi %shift_right_logical3A_137, %and3A_139 : vector<16xi32>
      %add3A_141 = arith.constant 64 : i32
      %add3A_142 = arith.addi %mul3A_87, %add3A_141 : i32
      %get3A_143 = arith.index_cast %add3A_142 : i32 to index
      %get3A_144 = tpu.vector_load %arg6[%get3A_143] {strides = array<i32>} : memref<16384xf32, #tpu.memory_space<vmem>>, vector<16xf32>,
      %bitcast3A_145 = vector.bitcast %get3A_144 : vector<16xf32> to vector<16xi32>
      %shift_right_logical3A_146 = arith.constant 20 : i32
      %shift_right_logical3A_147 = vector.broadcast %shift_right_logical3A_146 : i32 to vector<16xi32>
      %shift_right_logical3A_148 = arith.shrui %bitcast3A_145, %shift_right_logical3A_147 : vector<16xi32>
      %shift_right_logical3A_149 = arith.constant 9 : i32
      %shift_right_logical3A_150 = vector.broadcast %shift_right_logical3A_149 : i32 to vector<16xi32>
      %shift_right_logical3A_151 = arith.shrui %bitcast3A_145, %shift_right_logical3A_150 : vector<16xi32>
      %and3A_152 = arith.constant 2047 : i32
      %and3A_153 = vector.broadcast %and3A_152 : i32 to vector<16xi32>
      %and3A_154 = arith.andi %shift_right_logical3A_151, %and3A_153 : vector<16xi32>
      %add3A_155 = arith.constant 80 : i32
      %add3A_156 = arith.addi %mul3A_87, %add3A_155 : i32
      %get3A_157 = arith.index_cast %add3A_156 : i32 to index
      %get3A_158 = tpu.vector_load %arg6[%get3A_157] {strides = array<i32>} : memref<16384xf32, #tpu.memory_space<vmem>>, vector<16xf32>,
      %bitcast3A_159 = vector.bitcast %get3A_158 : vector<16xf32> to vector<16xi32>
      %shift_right_logical3A_160 = arith.constant 20 : i32
      %shift_right_logical3A_161 = vector.broadcast %shift_right_logical3A_160 : i32 to vector<16xi32>
      %shift_right_logical3A_162 = arith.shrui %bitcast3A_159, %shift_right_logical3A_161 : vector<16xi32>
      %shift_right_logical3A_163 = arith.constant 9 : i32
      %shift_right_logical3A_164 = vector.broadcast %shift_right_logical3A_163 : i32 to vector<16xi32>
      %shift_right_logical3A_165 = arith.shrui %bitcast3A_159, %shift_right_logical3A_164 : vector<16xi32>
      %and3A_166 = arith.constant 2047 : i32
      %and3A_167 = vector.broadcast %and3A_166 : i32 to vector<16xi32>
      %and3A_168 = arith.andi %shift_right_logical3A_165, %and3A_167 : vector<16xi32>
      %add3A_169 = arith.constant 96 : i32
      %add3A_170 = arith.addi %mul3A_87, %add3A_169 : i32
      %get3A_171 = arith.index_cast %add3A_170 : i32 to index
      %get3A_172 = tpu.vector_load %arg6[%get3A_171] {strides = array<i32>} : memref<16384xf32, #tpu.memory_space<vmem>>, vector<16xf32>,
      %bitcast3A_173 = vector.bitcast %get3A_172 : vector<16xf32> to vector<16xi32>
      %shift_right_logical3A_174 = arith.constant 20 : i32
      %shift_right_logical3A_175 = vector.broadcast %shift_right_logical3A_174 : i32 to vector<16xi32>
      %shift_right_logical3A_176 = arith.shrui %bitcast3A_173, %shift_right_logical3A_175 : vector<16xi32>
      %shift_right_logical3A_177 = arith.constant 9 : i32
      %shift_right_logical3A_178 = vector.broadcast %shift_right_logical3A_177 : i32 to vector<16xi32>
      %shift_right_logical3A_179 = arith.shrui %bitcast3A_173, %shift_right_logical3A_178 : vector<16xi32>
      %and3A_180 = arith.constant 2047 : i32
      %and3A_181 = vector.broadcast %and3A_180 : i32 to vector<16xi32>
      %and3A_182 = arith.andi %shift_right_logical3A_179, %and3A_181 : vector<16xi32>
      %add3A_183 = arith.constant 112 : i32
      %add3A_184 = arith.addi %mul3A_87, %add3A_183 : i32
      %get3A_185 = arith.index_cast %add3A_184 : i32 to index
      %get3A_186 = tpu.vector_load %arg6[%get3A_185] {strides = array<i32>} : memref<16384xf32, #tpu.memory_space<vmem>>, vector<16xf32>,
      %bitcast3A_187 = vector.bitcast %get3A_186 : vector<16xf32> to vector<16xi32>
      %shift_right_logical3A_188 = arith.constant 20 : i32
      %shift_right_logical3A_189 = vector.broadcast %shift_right_logical3A_188 : i32 to vector<16xi32>
      %shift_right_logical3A_190 = arith.shrui %bitcast3A_187, %shift_right_logical3A_189 : vector<16xi32>
      %shift_right_logical3A_191 = arith.constant 9 : i32
      %shift_right_logical3A_192 = vector.broadcast %shift_right_logical3A_191 : i32 to vector<16xi32>
      %shift_right_logical3A_193 = arith.shrui %bitcast3A_187, %shift_right_logical3A_192 : vector<16xi32>
      %and3A_194 = arith.constant 2047 : i32
      %and3A_195 = vector.broadcast %and3A_194 : i32 to vector<16xi32>
      %and3A_196 = arith.andi %shift_right_logical3A_193, %and3A_195 : vector<16xi32>
      %add3A_197 = arith.constant 128 : i32
      %add3A_198 = arith.addi %mul3A_87, %add3A_197 : i32
      %get3A_199 = arith.index_cast %add3A_198 : i32 to index
      %get3A_200 = tpu.vector_load %arg6[%get3A_199] {strides = array<i32>} : memref<16384xf32, #tpu.memory_space<vmem>>, vector<16xf32>,
      %bitcast3A_201 = vector.bitcast %get3A_200 : vector<16xf32> to vector<16xi32>
      %shift_right_logical3A_202 = arith.constant 20 : i32
      %shift_right_logical3A_203 = vector.broadcast %shift_right_logical3A_202 : i32 to vector<16xi32>
      %shift_right_logical3A_204 = arith.shrui %bitcast3A_201, %shift_right_logical3A_203 : vector<16xi32>
      %shift_right_logical3A_205 = arith.constant 9 : i32
      %shift_right_logical3A_206 = vector.broadcast %shift_right_logical3A_205 : i32 to vector<16xi32>
      %shift_right_logical3A_207 = arith.shrui %bitcast3A_201, %shift_right_logical3A_206 : vector<16xi32>
      %and3A_208 = arith.constant 2047 : i32
      %and3A_209 = vector.broadcast %and3A_208 : i32 to vector<16xi32>
      %and3A_210 = arith.andi %shift_right_logical3A_207, %and3A_209 : vector<16xi32>
      %add3A_211 = arith.constant 144 : i32
      %add3A_212 = arith.addi %mul3A_87, %add3A_211 : i32
      %get3A_213 = arith.index_cast %add3A_212 : i32 to index
      %get3A_214 = tpu.vector_load %arg6[%get3A_213] {strides = array<i32>} : memref<16384xf32, #tpu.memory_space<vmem>>, vector<16xf32>,
      %bitcast3A_215 = vector.bitcast %get3A_214 : vector<16xf32> to vector<16xi32>
      %shift_right_logical3A_216 = arith.constant 20 : i32
      %shift_right_logical3A_217 = vector.broadcast %shift_right_logical3A_216 : i32 to vector<16xi32>
      %shift_right_logical3A_218 = arith.shrui %bitcast3A_215, %shift_right_logical3A_217 : vector<16xi32>
      %shift_right_logical3A_219 = arith.constant 9 : i32
      %shift_right_logical3A_220 = vector.broadcast %shift_right_logical3A_219 : i32 to vector<16xi32>
      %shift_right_logical3A_221 = arith.shrui %bitcast3A_215, %shift_right_logical3A_220 : vector<16xi32>
      %and3A_222 = arith.constant 2047 : i32
      %and3A_223 = vector.broadcast %and3A_222 : i32 to vector<16xi32>
      %and3A_224 = arith.andi %shift_right_logical3A_221, %and3A_223 : vector<16xi32>
      %add3A_225 = arith.constant 160 : i32
      %add3A_226 = arith.addi %mul3A_87, %add3A_225 : i32
      %get3A_227 = arith.index_cast %add3A_226 : i32 to index
      %get3A_228 = tpu.vector_load %arg6[%get3A_227] {strides = array<i32>} : memref<16384xf32, #tpu.memory_space<vmem>>, vector<16xf32>,
      %bitcast3A_229 = vector.bitcast %get3A_228 : vector<16xf32> to vector<16xi32>
      %shift_right_logical3A_230 = arith.constant 20 : i32
      %shift_right_logical3A_231 = vector.broadcast %shift_right_logical3A_230 : i32 to vector<16xi32>
      %shift_right_logical3A_232 = arith.shrui %bitcast3A_229, %shift_right_logical3A_231 : vector<16xi32>
      %shift_right_logical3A_233 = arith.constant 9 : i32
      %shift_right_logical3A_234 = vector.broadcast %shift_right_logical3A_233 : i32 to vector<16xi32>
      %shift_right_logical3A_235 = arith.shrui %bitcast3A_229, %shift_right_logical3A_234 : vector<16xi32>
      %and3A_236 = arith.constant 2047 : i32
      %and3A_237 = vector.broadcast %and3A_236 : i32 to vector<16xi32>
      %and3A_238 = arith.andi %shift_right_logical3A_235, %and3A_237 : vector<16xi32>
      %add3A_239 = arith.constant 176 : i32
      %add3A_240 = arith.addi %mul3A_87, %add3A_239 : i32
      %get3A_241 = arith.index_cast %add3A_240 : i32 to index
      %get3A_242 = tpu.vector_load %arg6[%get3A_241] {strides = array<i32>} : memref<16384xf32, #tpu.memory_space<vmem>>, vector<16xf32>,
      %bitcast3A_243 = vector.bitcast %get3A_242 : vector<16xf32> to vector<16xi32>
      %shift_right_logical3A_244 = arith.constant 20 : i32
      %shift_right_logical3A_245 = vector.broadcast %shift_right_logical3A_244 : i32 to vector<16xi32>
      %shift_right_logical3A_246 = arith.shrui %bitcast3A_243, %shift_right_logical3A_245 : vector<16xi32>
      %shift_right_logical3A_247 = arith.constant 9 : i32
      %shift_right_logical3A_248 = vector.broadcast %shift_right_logical3A_247 : i32 to vector<16xi32>
      %shift_right_logical3A_249 = arith.shrui %bitcast3A_243, %shift_right_logical3A_248 : vector<16xi32>
      %and3A_250 = arith.constant 2047 : i32
      %and3A_251 = vector.broadcast %and3A_250 : i32 to vector<16xi32>
      %and3A_252 = arith.andi %shift_right_logical3A_249, %and3A_251 : vector<16xi32>
      %add3A_253 = arith.constant 192 : i32
      %add3A_254 = arith.addi %mul3A_87, %add3A_253 : i32
      %get3A_255 = arith.index_cast %add3A_254 : i32 to index
      %get3A_256 = tpu.vector_load %arg6[%get3A_255] {strides = array<i32>} : memref<16384xf32, #tpu.memory_space<vmem>>, vector<16xf32>,
      %bitcast3A_257 = vector.bitcast %get3A_256 : vector<16xf32> to vector<16xi32>
      %shift_right_logical3A_258 = arith.constant 20 : i32
      %shift_right_logical3A_259 = vector.broadcast %shift_right_logical3A_258 : i32 to vector<16xi32>
      %shift_right_logical3A_260 = arith.shrui %bitcast3A_257, %shift_right_logical3A_259 : vector<16xi32>
      %shift_right_logical3A_261 = arith.constant 9 : i32
      %shift_right_logical3A_262 = vector.broadcast %shift_right_logical3A_261 : i32 to vector<16xi32>
      %shift_right_logical3A_263 = arith.shrui %bitcast3A_257, %shift_right_logical3A_262 : vector<16xi32>
      %and3A_264 = arith.constant 2047 : i32
      %and3A_265 = vector.broadcast %and3A_264 : i32 to vector<16xi32>
      %and3A_266 = arith.andi %shift_right_logical3A_263, %and3A_265 : vector<16xi32>
      %add3A_267 = arith.constant 208 : i32
      %add3A_268 = arith.addi %mul3A_87, %add3A_267 : i32
      %get3A_269 = arith.index_cast %add3A_268 : i32 to index
      %get3A_270 = tpu.vector_load %arg6[%get3A_269] {strides = array<i32>} : memref<16384xf32, #tpu.memory_space<vmem>>, vector<16xf32>,
      %bitcast3A_271 = vector.bitcast %get3A_270 : vector<16xf32> to vector<16xi32>
      %shift_right_logical3A_272 = arith.constant 20 : i32
      %shift_right_logical3A_273 = vector.broadcast %shift_right_logical3A_272 : i32 to vector<16xi32>
      %shift_right_logical3A_274 = arith.shrui %bitcast3A_271, %shift_right_logical3A_273 : vector<16xi32>
      %shift_right_logical3A_275 = arith.constant 9 : i32
      %shift_right_logical3A_276 = vector.broadcast %shift_right_logical3A_275 : i32 to vector<16xi32>
      %shift_right_logical3A_277 = arith.shrui %bitcast3A_271, %shift_right_logical3A_276 : vector<16xi32>
      %and3A_278 = arith.constant 2047 : i32
      %and3A_279 = vector.broadcast %and3A_278 : i32 to vector<16xi32>
      %and3A_280 = arith.andi %shift_right_logical3A_277, %and3A_279 : vector<16xi32>
      %add3A_281 = arith.constant 224 : i32
      %add3A_282 = arith.addi %mul3A_87, %add3A_281 : i32
      %get3A_283 = arith.index_cast %add3A_282 : i32 to index
      %get3A_284 = tpu.vector_load %arg6[%get3A_283] {strides = array<i32>} : memref<16384xf32, #tpu.memory_space<vmem>>, vector<16xf32>,
      %bitcast3A_285 = vector.bitcast %get3A_284 : vector<16xf32> to vector<16xi32>
      %shift_right_logical3A_286 = arith.constant 20 : i32
      %shift_right_logical3A_287 = vector.broadcast %shift_right_logical3A_286 : i32 to vector<16xi32>
      %shift_right_logical3A_288 = arith.shrui %bitcast3A_285, %shift_right_logical3A_287 : vector<16xi32>
      %shift_right_logical3A_289 = arith.constant 9 : i32
      %shift_right_logical3A_290 = vector.broadcast %shift_right_logical3A_289 : i32 to vector<16xi32>
      %shift_right_logical3A_291 = arith.shrui %bitcast3A_285, %shift_right_logical3A_290 : vector<16xi32>
      %and3A_292 = arith.constant 2047 : i32
      %and3A_293 = vector.broadcast %and3A_292 : i32 to vector<16xi32>
      %and3A_294 = arith.andi %shift_right_logical3A_291, %and3A_293 : vector<16xi32>
      %add3A_295 = arith.constant 240 : i32
      %add3A_296 = arith.addi %mul3A_87, %add3A_295 : i32
      %get3A_297 = arith.index_cast %add3A_296 : i32 to index
      %get3A_298 = tpu.vector_load %arg6[%get3A_297] {strides = array<i32>} : memref<16384xf32, #tpu.memory_space<vmem>>, vector<16xf32>,
      %bitcast3A_299 = vector.bitcast %get3A_298 : vector<16xf32> to vector<16xi32>
      %shift_right_logical3A_300 = arith.constant 20 : i32
      %shift_right_logical3A_301 = vector.broadcast %shift_right_logical3A_300 : i32 to vector<16xi32>
      %shift_right_logical3A_302 = arith.shrui %bitcast3A_299, %shift_right_logical3A_301 : vector<16xi32>
      %shift_right_logical3A_303 = arith.constant 9 : i32
      %shift_right_logical3A_304 = vector.broadcast %shift_right_logical3A_303 : i32 to vector<16xi32>
      %shift_right_logical3A_305 = arith.shrui %bitcast3A_299, %shift_right_logical3A_304 : vector<16xi32>
      %and3A_306 = arith.constant 2047 : i32
      %and3A_307 = vector.broadcast %and3A_306 : i32 to vector<16xi32>
      %and3A_308 = arith.andi %shift_right_logical3A_305, %and3A_307 : vector<16xi32>
      %eq3A = arith.cmpi eq, %shift_right_logical3A_93, %get3A_8 : vector<16xi32>
      tpu.vector_store_idx %arg8[%and3A_98, %iota3A], %broadcast_in_dim3A_16 masked %eq3A {add = true} : memref<2048x16xi32, #tpu.memory_space<vmem>>[vector<16xi32>, vector<16xi32>], vector<16xi32>, vector<16xi1>
      %eq3A_309 = arith.cmpi eq, %shift_right_logical3A_106, %get3A_8 : vector<16xi32>
      tpu.vector_store_idx %arg8[%and3A_112, %iota3A], %broadcast_in_dim3A_16 masked %eq3A_309 {add = true} : memref<2048x16xi32, #tpu.memory_space<vmem>>[vector<16xi32>, vector<16xi32>], vector<16xi32>, vector<16xi1>
      %eq3A_310 = arith.cmpi eq, %shift_right_logical3A_120, %get3A_8 : vector<16xi32>
      tpu.vector_store_idx %arg8[%and3A_126, %iota3A], %broadcast_in_dim3A_16 masked %eq3A_310 {add = true} : memref<2048x16xi32, #tpu.memory_space<vmem>>[vector<16xi32>, vector<16xi32>], vector<16xi32>, vector<16xi1>
      %eq3A_311 = arith.cmpi eq, %shift_right_logical3A_134, %get3A_8 : vector<16xi32>
      tpu.vector_store_idx %arg8[%and3A_140, %iota3A], %broadcast_in_dim3A_16 masked %eq3A_311 {add = true} : memref<2048x16xi32, #tpu.memory_space<vmem>>[vector<16xi32>, vector<16xi32>], vector<16xi32>, vector<16xi1>
      %eq3A_312 = arith.cmpi eq, %shift_right_logical3A_148, %get3A_8 : vector<16xi32>
      tpu.vector_store_idx %arg8[%and3A_154, %iota3A], %broadcast_in_dim3A_16 masked %eq3A_312 {add = true} : memref<2048x16xi32, #tpu.memory_space<vmem>>[vector<16xi32>, vector<16xi32>], vector<16xi32>, vector<16xi1>
      %eq3A_313 = arith.cmpi eq, %shift_right_logical3A_162, %get3A_8 : vector<16xi32>
      tpu.vector_store_idx %arg8[%and3A_168, %iota3A], %broadcast_in_dim3A_16 masked %eq3A_313 {add = true} : memref<2048x16xi32, #tpu.memory_space<vmem>>[vector<16xi32>, vector<16xi32>], vector<16xi32>, vector<16xi1>
      %eq3A_314 = arith.cmpi eq, %shift_right_logical3A_176, %get3A_8 : vector<16xi32>
      tpu.vector_store_idx %arg8[%and3A_182, %iota3A], %broadcast_in_dim3A_16 masked %eq3A_314 {add = true} : memref<2048x16xi32, #tpu.memory_space<vmem>>[vector<16xi32>, vector<16xi32>], vector<16xi32>, vector<16xi1>
      %eq3A_315 = arith.cmpi eq, %shift_right_logical3A_190, %get3A_8 : vector<16xi32>
      tpu.vector_store_idx %arg8[%and3A_196, %iota3A], %broadcast_in_dim3A_16 masked %eq3A_315 {add = true} : memref<2048x16xi32, #tpu.memory_space<vmem>>[vector<16xi32>, vector<16xi32>], vector<16xi32>, vector<16xi1>
      %eq3A_316 = arith.cmpi eq, %shift_right_logical3A_204, %get3A_8 : vector<16xi32>
      tpu.vector_store_idx %arg8[%and3A_210, %iota3A], %broadcast_in_dim3A_16 masked %eq3A_316 {add = true} : memref<2048x16xi32, #tpu.memory_space<vmem>>[vector<16xi32>, vector<16xi32>], vector<16xi32>, vector<16xi1>
      %eq3A_317 = arith.cmpi eq, %shift_right_logical3A_218, %get3A_8 : vector<16xi32>
      tpu.vector_store_idx %arg8[%and3A_224, %iota3A], %broadcast_in_dim3A_16 masked %eq3A_317 {add = true} : memref<2048x16xi32, #tpu.memory_space<vmem>>[vector<16xi32>, vector<16xi32>], vector<16xi32>, vector<16xi1>
      %eq3A_318 = arith.cmpi eq, %shift_right_logical3A_232, %get3A_8 : vector<16xi32>
      tpu.vector_store_idx %arg8[%and3A_238, %iota3A], %broadcast_in_dim3A_16 masked %eq3A_318 {add = true} : memref<2048x16xi32, #tpu.memory_space<vmem>>[vector<16xi32>, vector<16xi32>], vector<16xi32>, vector<16xi1>
      %eq3A_319 = arith.cmpi eq, %shift_right_logical3A_246, %get3A_8 : vector<16xi32>
      tpu.vector_store_idx %arg8[%and3A_252, %iota3A], %broadcast_in_dim3A_16 masked %eq3A_319 {add = true} : memref<2048x16xi32, #tpu.memory_space<vmem>>[vector<16xi32>, vector<16xi32>], vector<16xi32>, vector<16xi1>
      %eq3A_320 = arith.cmpi eq, %shift_right_logical3A_260, %get3A_8 : vector<16xi32>
      tpu.vector_store_idx %arg8[%and3A_266, %iota3A], %broadcast_in_dim3A_16 masked %eq3A_320 {add = true} : memref<2048x16xi32, #tpu.memory_space<vmem>>[vector<16xi32>, vector<16xi32>], vector<16xi32>, vector<16xi1>
      %eq3A_321 = arith.cmpi eq, %shift_right_logical3A_274, %get3A_8 : vector<16xi32>
      tpu.vector_store_idx %arg8[%and3A_280, %iota3A], %broadcast_in_dim3A_16 masked %eq3A_321 {add = true} : memref<2048x16xi32, #tpu.memory_space<vmem>>[vector<16xi32>, vector<16xi32>], vector<16xi32>, vector<16xi1>
      %eq3A_322 = arith.cmpi eq, %shift_right_logical3A_288, %get3A_8 : vector<16xi32>
      tpu.vector_store_idx %arg8[%and3A_294, %iota3A], %broadcast_in_dim3A_16 masked %eq3A_322 {add = true} : memref<2048x16xi32, #tpu.memory_space<vmem>>[vector<16xi32>, vector<16xi32>], vector<16xi32>, vector<16xi1>
      %eq3A_323 = arith.cmpi eq, %shift_right_logical3A_302, %get3A_8 : vector<16xi32>
      tpu.vector_store_idx %arg8[%and3A_308, %iota3A], %broadcast_in_dim3A_16 masked %eq3A_323 {add = true} : memref<2048x16xi32, #tpu.memory_space<vmem>>[vector<16xi32>, vector<16xi32>], vector<16xi32>, vector<16xi1>
      %gt3A = arith.cmpi sgt, %shift_right_logical3A_93, %get3A_8 : vector<16xi32>
      %jit3A = arith.constant 0.000000e+00 : f32
      %broadcast_in_dim3A_324 = vector.broadcast %jit3A : f32 to vector<16xf32>
      %select_n3A = arith.select %gt3A, %get3A_91, %broadcast_in_dim3A_324 : vector<16xi1>, vector<16xf32>
      %add3A_325 = arith.addf %scan3A_70, %select_n3A : vector<16xf32>
      %gt3A_326 = arith.cmpi sgt, %shift_right_logical3A_106, %get3A_8 : vector<16xi32>
      %jit3A_327 = arith.constant 0.000000e+00 : f32
      %broadcast_in_dim3A_328 = vector.broadcast %jit3A_327 : f32 to vector<16xf32>
      %select_n3A_329 = arith.select %gt3A_326, %get3A_102, %broadcast_in_dim3A_328 : vector<16xi1>, vector<16xf32>
      %add3A_330 = arith.addf %scan3A_71, %select_n3A_329 : vector<16xf32>
      %gt3A_331 = arith.cmpi sgt, %shift_right_logical3A_120, %get3A_8 : vector<16xi32>
      %jit3A_332 = arith.constant 0.000000e+00 : f32
      %broadcast_in_dim3A_333 = vector.broadcast %jit3A_332 : f32 to vector<16xf32>
      %select_n3A_334 = arith.select %gt3A_331, %get3A_116, %broadcast_in_dim3A_333 : vector<16xi1>, vector<16xf32>
      %add3A_335 = arith.addf %scan3A_72, %select_n3A_334 : vector<16xf32>
      %gt3A_336 = arith.cmpi sgt, %shift_right_logical3A_134, %get3A_8 : vector<16xi32>
      %jit3A_337 = arith.constant 0.000000e+00 : f32
      %broadcast_in_dim3A_338 = vector.broadcast %jit3A_337 : f32 to vector<16xf32>
      %select_n3A_339 = arith.select %gt3A_336, %get3A_130, %broadcast_in_dim3A_338 : vector<16xi1>, vector<16xf32>
      %add3A_340 = arith.addf %scan3A_73, %select_n3A_339 : vector<16xf32>
      %gt3A_341 = arith.cmpi sgt, %shift_right_logical3A_148, %get3A_8 : vector<16xi32>
      %jit3A_342 = arith.constant 0.000000e+00 : f32
      %broadcast_in_dim3A_343 = vector.broadcast %jit3A_342 : f32 to vector<16xf32>
      %select_n3A_344 = arith.select %gt3A_341, %get3A_144, %broadcast_in_dim3A_343 : vector<16xi1>, vector<16xf32>
      %add3A_345 = arith.addf %scan3A_74, %select_n3A_344 : vector<16xf32>
      %gt3A_346 = arith.cmpi sgt, %shift_right_logical3A_162, %get3A_8 : vector<16xi32>
      %jit3A_347 = arith.constant 0.000000e+00 : f32
      %broadcast_in_dim3A_348 = vector.broadcast %jit3A_347 : f32 to vector<16xf32>
      %select_n3A_349 = arith.select %gt3A_346, %get3A_158, %broadcast_in_dim3A_348 : vector<16xi1>, vector<16xf32>
      %add3A_350 = arith.addf %scan3A_75, %select_n3A_349 : vector<16xf32>
      %gt3A_351 = arith.cmpi sgt, %shift_right_logical3A_176, %get3A_8 : vector<16xi32>
      %jit3A_352 = arith.constant 0.000000e+00 : f32
      %broadcast_in_dim3A_353 = vector.broadcast %jit3A_352 : f32 to vector<16xf32>
      %select_n3A_354 = arith.select %gt3A_351, %get3A_172, %broadcast_in_dim3A_353 : vector<16xi1>, vector<16xf32>
      %add3A_355 = arith.addf %scan3A_76, %select_n3A_354 : vector<16xf32>
      %gt3A_356 = arith.cmpi sgt, %shift_right_logical3A_190, %get3A_8 : vector<16xi32>
      %jit3A_357 = arith.constant 0.000000e+00 : f32
      %broadcast_in_dim3A_358 = vector.broadcast %jit3A_357 : f32 to vector<16xf32>
      %select_n3A_359 = arith.select %gt3A_356, %get3A_186, %broadcast_in_dim3A_358 : vector<16xi1>, vector<16xf32>
      %add3A_360 = arith.addf %scan3A_77, %select_n3A_359 : vector<16xf32>
      %gt3A_361 = arith.cmpi sgt, %shift_right_logical3A_204, %get3A_8 : vector<16xi32>
      %jit3A_362 = arith.constant 0.000000e+00 : f32
      %broadcast_in_dim3A_363 = vector.broadcast %jit3A_362 : f32 to vector<16xf32>
      %select_n3A_364 = arith.select %gt3A_361, %get3A_200, %broadcast_in_dim3A_363 : vector<16xi1>, vector<16xf32>
      %add3A_365 = arith.addf %scan3A_78, %select_n3A_364 : vector<16xf32>
      %gt3A_366 = arith.cmpi sgt, %shift_right_logical3A_218, %get3A_8 : vector<16xi32>
      %jit3A_367 = arith.constant 0.000000e+00 : f32
      %broadcast_in_dim3A_368 = vector.broadcast %jit3A_367 : f32 to vector<16xf32>
      %select_n3A_369 = arith.select %gt3A_366, %get3A_214, %broadcast_in_dim3A_368 : vector<16xi1>, vector<16xf32>
      %add3A_370 = arith.addf %scan3A_79, %select_n3A_369 : vector<16xf32>
      %gt3A_371 = arith.cmpi sgt, %shift_right_logical3A_232, %get3A_8 : vector<16xi32>
      %jit3A_372 = arith.constant 0.000000e+00 : f32
      %broadcast_in_dim3A_373 = vector.broadcast %jit3A_372 : f32 to vector<16xf32>
      %select_n3A_374 = arith.select %gt3A_371, %get3A_228, %broadcast_in_dim3A_373 : vector<16xi1>, vector<16xf32>
      %add3A_375 = arith.addf %scan3A_80, %select_n3A_374 : vector<16xf32>
      %gt3A_376 = arith.cmpi sgt, %shift_right_logical3A_246, %get3A_8 : vector<16xi32>
      %jit3A_377 = arith.constant 0.000000e+00 : f32
      %broadcast_in_dim3A_378 = vector.broadcast %jit3A_377 : f32 to vector<16xf32>
      %select_n3A_379 = arith.select %gt3A_376, %get3A_242, %broadcast_in_dim3A_378 : vector<16xi1>, vector<16xf32>
      %add3A_380 = arith.addf %scan3A_81, %select_n3A_379 : vector<16xf32>
      %gt3A_381 = arith.cmpi sgt, %shift_right_logical3A_260, %get3A_8 : vector<16xi32>
      %jit3A_382 = arith.constant 0.000000e+00 : f32
      %broadcast_in_dim3A_383 = vector.broadcast %jit3A_382 : f32 to vector<16xf32>
      %select_n3A_384 = arith.select %gt3A_381, %get3A_256, %broadcast_in_dim3A_383 : vector<16xi1>, vector<16xf32>
      %add3A_385 = arith.addf %scan3A_82, %select_n3A_384 : vector<16xf32>
      %gt3A_386 = arith.cmpi sgt, %shift_right_logical3A_274, %get3A_8 : vector<16xi32>
      %jit3A_387 = arith.constant 0.000000e+00 : f32
      %broadcast_in_dim3A_388 = vector.broadcast %jit3A_387 : f32 to vector<16xf32>
      %select_n3A_389 = arith.select %gt3A_386, %get3A_270, %broadcast_in_dim3A_388 : vector<16xi1>, vector<16xf32>
      %add3A_390 = arith.addf %scan3A_83, %select_n3A_389 : vector<16xf32>
      %gt3A_391 = arith.cmpi sgt, %shift_right_logical3A_288, %get3A_8 : vector<16xi32>
      %jit3A_392 = arith.constant 0.000000e+00 : f32
      %broadcast_in_dim3A_393 = vector.broadcast %jit3A_392 : f32 to vector<16xf32>
      %select_n3A_394 = arith.select %gt3A_391, %get3A_284, %broadcast_in_dim3A_393 : vector<16xi1>, vector<16xf32>
      %add3A_395 = arith.addf %scan3A_84, %select_n3A_394 : vector<16xf32>
      %gt3A_396 = arith.cmpi sgt, %shift_right_logical3A_302, %get3A_8 : vector<16xi32>
      %jit3A_397 = arith.constant 0.000000e+00 : f32
      %broadcast_in_dim3A_398 = vector.broadcast %jit3A_397 : f32 to vector<16xf32>
      %select_n3A_399 = arith.select %gt3A_396, %get3A_298, %broadcast_in_dim3A_398 : vector<16xi1>, vector<16xf32>
      %add3A_400 = arith.addf %scan3A_85, %select_n3A_399 : vector<16xf32>
      scf.yield %add3A_325, %add3A_330, %add3A_335, %add3A_340, %add3A_345, %add3A_350, %add3A_355, %add3A_360, %add3A_365, %add3A_370, %add3A_375, %add3A_380, %add3A_385, %add3A_390, %add3A_395, %add3A_400 : vector<16xf32>, vector<16xf32>, vector<16xf32>, vector<16xf32>, vector<16xf32>, vector<16xf32>, vector<16xf32>, vector<16xf32>, vector<16xf32>, vector<16xf32>, vector<16xf32>, vector<16xf32>, vector<16xf32>, vector<16xf32>, vector<16xf32>, vector<16xf32>
    }
    %scan3A_35 = arith.constant 64 : i32
    %add3A_36 = arith.constant 16384 : i32
    %add3A_37 = arith.addi %add3A_28, %add3A_36 : i32
    %dma_wait3A_38 = tpu.memref_slice %arg2[%add3A_37] : memref<4194304xf32, #tpu.memory_space<hbm>> -> memref<16384xf32, #tpu.memory_space<hbm>>
    %dma_wait3A_39 = tpu.memref_slice %arg2[%add3A_37] : memref<4194304xf32, #tpu.memory_space<hbm>> -> memref<16384xf32, #tpu.memory_space<hbm>>
    tpu.wait_dma2 semaphore(%arg13 : memref<!tpu.dma_semaphore, #tpu.memory_space<semaphore_mem>>) src(%dma_wait3A_39 : memref<16384xf32, #tpu.memory_space<hbm>>) dst(%arg7 : memref<16384xf32, #tpu.memory_space<vmem>>)
    %scan3A_40 = arith.constant 0 : i32
    %scan3A_41 = arith.constant 64 : i32
    %scan3A_42 = arith.addi %scan3A_40, %scan3A_41 : i32
    %scan3A_43 = arith.constant 1 : i32
    %scan3A_44:16 = scf.for %scan3A_69 = %scan3A_40 to %scan3A_42 step %scan3A_43 iter_args(%scan3A_70 = %scan3A_34#0, %scan3A_71 = %scan3A_34#1, %scan3A_72 = %scan3A_34#2, %scan3A_73 = %scan3A_34#3, %scan3A_74 = %scan3A_34#4, %scan3A_75 = %scan3A_34#5, %scan3A_76 = %scan3A_34#6, %scan3A_77 = %scan3A_34#7, %scan3A_78 = %scan3A_34#8, %scan3A_79 = %scan3A_34#9, %scan3A_80 = %scan3A_34#10, %scan3A_81 = %scan3A_34#11, %scan3A_82 = %scan3A_34#12, %scan3A_83 = %scan3A_34#13, %scan3A_84 = %scan3A_34#14, %scan3A_85 = %scan3A_34#15) -> (vector<16xf32>, vector<16xf32>, vector<16xf32>, vector<16xf32>, vector<16xf32>, vector<16xf32>, vector<16xf32>, vector<16xf32>, vector<16xf32>, vector<16xf32>, vector<16xf32>, vector<16xf32>, vector<16xf32>, vector<16xf32>, vector<16xf32>, vector<16xf32>)  : i32 {
      %mul3A_86 = arith.constant 256 : i32
      %mul3A_87 = arith.muli %scan3A_69, %mul3A_86 : i32
      %add3A_88 = arith.constant 0 : i32
      %add3A_89 = arith.addi %mul3A_87, %add3A_88 : i32
      %get3A_90 = arith.index_cast %add3A_89 : i32 to index
      %get3A_91 = tpu.vector_load %arg7[%get3A_90] {strides = array<i32>} : memref<16384xf32, #tpu.memory_space<vmem>>, vector<16xf32>,
      %bitcast3A = vector.bitcast %get3A_91 : vector<16xf32> to vector<16xi32>
      %shift_right_logical3A = arith.constant 20 : i32
      %shift_right_logical3A_92 = vector.broadcast %shift_right_logical3A : i32 to vector<16xi32>
      %shift_right_logical3A_93 = arith.shrui %bitcast3A, %shift_right_logical3A_92 : vector<16xi32>
      %shift_right_logical3A_94 = arith.constant 9 : i32
      %shift_right_logical3A_95 = vector.broadcast %shift_right_logical3A_94 : i32 to vector<16xi32>
      %shift_right_logical3A_96 = arith.shrui %bitcast3A, %shift_right_logical3A_95 : vector<16xi32>
      %and3A = arith.constant 2047 : i32
      %and3A_97 = vector.broadcast %and3A : i32 to vector<16xi32>
      %and3A_98 = arith.andi %shift_right_logical3A_96, %and3A_97 : vector<16xi32>
      %add3A_99 = arith.constant 16 : i32
      %add3A_100 = arith.addi %mul3A_87, %add3A_99 : i32
      %get3A_101 = arith.index_cast %add3A_100 : i32 to index
      %get3A_102 = tpu.vector_load %arg7[%get3A_101] {strides = array<i32>} : memref<16384xf32, #tpu.memory_space<vmem>>, vector<16xf32>,
      %bitcast3A_103 = vector.bitcast %get3A_102 : vector<16xf32> to vector<16xi32>
      %shift_right_logical3A_104 = arith.constant 20 : i32
      %shift_right_logical3A_105 = vector.broadcast %shift_right_logical3A_104 : i32 to vector<16xi32>
      %shift_right_logical3A_106 = arith.shrui %bitcast3A_103, %shift_right_logical3A_105 : vector<16xi32>
      %shift_right_logical3A_107 = arith.constant 9 : i32
      %shift_right_logical3A_108 = vector.broadcast %shift_right_logical3A_107 : i32 to vector<16xi32>
      %shift_right_logical3A_109 = arith.shrui %bitcast3A_103, %shift_right_logical3A_108 : vector<16xi32>
      %and3A_110 = arith.constant 2047 : i32
      %and3A_111 = vector.broadcast %and3A_110 : i32 to vector<16xi32>
      %and3A_112 = arith.andi %shift_right_logical3A_109, %and3A_111 : vector<16xi32>
      %add3A_113 = arith.constant 32 : i32
      %add3A_114 = arith.addi %mul3A_87, %add3A_113 : i32
      %get3A_115 = arith.index_cast %add3A_114 : i32 to index
      %get3A_116 = tpu.vector_load %arg7[%get3A_115] {strides = array<i32>} : memref<16384xf32, #tpu.memory_space<vmem>>, vector<16xf32>,
      %bitcast3A_117 = vector.bitcast %get3A_116 : vector<16xf32> to vector<16xi32>
      %shift_right_logical3A_118 = arith.constant 20 : i32
      %shift_right_logical3A_119 = vector.broadcast %shift_right_logical3A_118 : i32 to vector<16xi32>
      %shift_right_logical3A_120 = arith.shrui %bitcast3A_117, %shift_right_logical3A_119 : vector<16xi32>
      %shift_right_logical3A_121 = arith.constant 9 : i32
      %shift_right_logical3A_122 = vector.broadcast %shift_right_logical3A_121 : i32 to vector<16xi32>
      %shift_right_logical3A_123 = arith.shrui %bitcast3A_117, %shift_right_logical3A_122 : vector<16xi32>
      %and3A_124 = arith.constant 2047 : i32
      %and3A_125 = vector.broadcast %and3A_124 : i32 to vector<16xi32>
      %and3A_126 = arith.andi %shift_right_logical3A_123, %and3A_125 : vector<16xi32>
      %add3A_127 = arith.constant 48 : i32
      %add3A_128 = arith.addi %mul3A_87, %add3A_127 : i32
      %get3A_129 = arith.index_cast %add3A_128 : i32 to index
      %get3A_130 = tpu.vector_load %arg7[%get3A_129] {strides = array<i32>} : memref<16384xf32, #tpu.memory_space<vmem>>, vector<16xf32>,
      %bitcast3A_131 = vector.bitcast %get3A_130 : vector<16xf32> to vector<16xi32>
      %shift_right_logical3A_132 = arith.constant 20 : i32
      %shift_right_logical3A_133 = vector.broadcast %shift_right_logical3A_132 : i32 to vector<16xi32>
      %shift_right_logical3A_134 = arith.shrui %bitcast3A_131, %shift_right_logical3A_133 : vector<16xi32>
      %shift_right_logical3A_135 = arith.constant 9 : i32
      %shift_right_logical3A_136 = vector.broadcast %shift_right_logical3A_135 : i32 to vector<16xi32>
      %shift_right_logical3A_137 = arith.shrui %bitcast3A_131, %shift_right_logical3A_136 : vector<16xi32>
      %and3A_138 = arith.constant 2047 : i32
      %and3A_139 = vector.broadcast %and3A_138 : i32 to vector<16xi32>
      %and3A_140 = arith.andi %shift_right_logical3A_137, %and3A_139 : vector<16xi32>
      %add3A_141 = arith.constant 64 : i32
      %add3A_142 = arith.addi %mul3A_87, %add3A_141 : i32
      %get3A_143 = arith.index_cast %add3A_142 : i32 to index
      %get3A_144 = tpu.vector_load %arg7[%get3A_143] {strides = array<i32>} : memref<16384xf32, #tpu.memory_space<vmem>>, vector<16xf32>,
      %bitcast3A_145 = vector.bitcast %get3A_144 : vector<16xf32> to vector<16xi32>
      %shift_right_logical3A_146 = arith.constant 20 : i32
      %shift_right_logical3A_147 = vector.broadcast %shift_right_logical3A_146 : i32 to vector<16xi32>
      %shift_right_logical3A_148 = arith.shrui %bitcast3A_145, %shift_right_logical3A_147 : vector<16xi32>
      %shift_right_logical3A_149 = arith.constant 9 : i32
      %shift_right_logical3A_150 = vector.broadcast %shift_right_logical3A_149 : i32 to vector<16xi32>
      %shift_right_logical3A_151 = arith.shrui %bitcast3A_145, %shift_right_logical3A_150 : vector<16xi32>
      %and3A_152 = arith.constant 2047 : i32
      %and3A_153 = vector.broadcast %and3A_152 : i32 to vector<16xi32>
      %and3A_154 = arith.andi %shift_right_logical3A_151, %and3A_153 : vector<16xi32>
      %add3A_155 = arith.constant 80 : i32
      %add3A_156 = arith.addi %mul3A_87, %add3A_155 : i32
      %get3A_157 = arith.index_cast %add3A_156 : i32 to index
      %get3A_158 = tpu.vector_load %arg7[%get3A_157] {strides = array<i32>} : memref<16384xf32, #tpu.memory_space<vmem>>, vector<16xf32>,
      %bitcast3A_159 = vector.bitcast %get3A_158 : vector<16xf32> to vector<16xi32>
      %shift_right_logical3A_160 = arith.constant 20 : i32
      %shift_right_logical3A_161 = vector.broadcast %shift_right_logical3A_160 : i32 to vector<16xi32>
      %shift_right_logical3A_162 = arith.shrui %bitcast3A_159, %shift_right_logical3A_161 : vector<16xi32>
      %shift_right_logical3A_163 = arith.constant 9 : i32
      %shift_right_logical3A_164 = vector.broadcast %shift_right_logical3A_163 : i32 to vector<16xi32>
      %shift_right_logical3A_165 = arith.shrui %bitcast3A_159, %shift_right_logical3A_164 : vector<16xi32>
      %and3A_166 = arith.constant 2047 : i32
      %and3A_167 = vector.broadcast %and3A_166 : i32 to vector<16xi32>
      %and3A_168 = arith.andi %shift_right_logical3A_165, %and3A_167 : vector<16xi32>
      %add3A_169 = arith.constant 96 : i32
      %add3A_170 = arith.addi %mul3A_87, %add3A_169 : i32
      %get3A_171 = arith.index_cast %add3A_170 : i32 to index
      %get3A_172 = tpu.vector_load %arg7[%get3A_171] {strides = array<i32>} : memref<16384xf32, #tpu.memory_space<vmem>>, vector<16xf32>,
      %bitcast3A_173 = vector.bitcast %get3A_172 : vector<16xf32> to vector<16xi32>
      %shift_right_logical3A_174 = arith.constant 20 : i32
      %shift_right_logical3A_175 = vector.broadcast %shift_right_logical3A_174 : i32 to vector<16xi32>
      %shift_right_logical3A_176 = arith.shrui %bitcast3A_173, %shift_right_logical3A_175 : vector<16xi32>
      %shift_right_logical3A_177 = arith.constant 9 : i32
      %shift_right_logical3A_178 = vector.broadcast %shift_right_logical3A_177 : i32 to vector<16xi32>
      %shift_right_logical3A_179 = arith.shrui %bitcast3A_173, %shift_right_logical3A_178 : vector<16xi32>
      %and3A_180 = arith.constant 2047 : i32
      %and3A_181 = vector.broadcast %and3A_180 : i32 to vector<16xi32>
      %and3A_182 = arith.andi %shift_right_logical3A_179, %and3A_181 : vector<16xi32>
      %add3A_183 = arith.constant 112 : i32
      %add3A_184 = arith.addi %mul3A_87, %add3A_183 : i32
      %get3A_185 = arith.index_cast %add3A_184 : i32 to index
      %get3A_186 = tpu.vector_load %arg7[%get3A_185] {strides = array<i32>} : memref<16384xf32, #tpu.memory_space<vmem>>, vector<16xf32>,
      %bitcast3A_187 = vector.bitcast %get3A_186 : vector<16xf32> to vector<16xi32>
      %shift_right_logical3A_188 = arith.constant 20 : i32
      %shift_right_logical3A_189 = vector.broadcast %shift_right_logical3A_188 : i32 to vector<16xi32>
      %shift_right_logical3A_190 = arith.shrui %bitcast3A_187, %shift_right_logical3A_189 : vector<16xi32>
      %shift_right_logical3A_191 = arith.constant 9 : i32
      %shift_right_logical3A_192 = vector.broadcast %shift_right_logical3A_191 : i32 to vector<16xi32>
      %shift_right_logical3A_193 = arith.shrui %bitcast3A_187, %shift_right_logical3A_192 : vector<16xi32>
      %and3A_194 = arith.constant 2047 : i32
      %and3A_195 = vector.broadcast %and3A_194 : i32 to vector<16xi32>
      %and3A_196 = arith.andi %shift_right_logical3A_193, %and3A_195 : vector<16xi32>
      %add3A_197 = arith.constant 128 : i32
      %add3A_198 = arith.addi %mul3A_87, %add3A_197 : i32
      %get3A_199 = arith.index_cast %add3A_198 : i32 to index
      %get3A_200 = tpu.vector_load %arg7[%get3A_199] {strides = array<i32>} : memref<16384xf32, #tpu.memory_space<vmem>>, vector<16xf32>,
      %bitcast3A_201 = vector.bitcast %get3A_200 : vector<16xf32> to vector<16xi32>
      %shift_right_logical3A_202 = arith.constant 20 : i32
      %shift_right_logical3A_203 = vector.broadcast %shift_right_logical3A_202 : i32 to vector<16xi32>
      %shift_right_logical3A_204 = arith.shrui %bitcast3A_201, %shift_right_logical3A_203 : vector<16xi32>
      %shift_right_logical3A_205 = arith.constant 9 : i32
      %shift_right_logical3A_206 = vector.broadcast %shift_right_logical3A_205 : i32 to vector<16xi32>
      %shift_right_logical3A_207 = arith.shrui %bitcast3A_201, %shift_right_logical3A_206 : vector<16xi32>
      %and3A_208 = arith.constant 2047 : i32
      %and3A_209 = vector.broadcast %and3A_208 : i32 to vector<16xi32>
      %and3A_210 = arith.andi %shift_right_logical3A_207, %and3A_209 : vector<16xi32>
      %add3A_211 = arith.constant 144 : i32
      %add3A_212 = arith.addi %mul3A_87, %add3A_211 : i32
      %get3A_213 = arith.index_cast %add3A_212 : i32 to index
      %get3A_214 = tpu.vector_load %arg7[%get3A_213] {strides = array<i32>} : memref<16384xf32, #tpu.memory_space<vmem>>, vector<16xf32>,
      %bitcast3A_215 = vector.bitcast %get3A_214 : vector<16xf32> to vector<16xi32>
      %shift_right_logical3A_216 = arith.constant 20 : i32
      %shift_right_logical3A_217 = vector.broadcast %shift_right_logical3A_216 : i32 to vector<16xi32>
      %shift_right_logical3A_218 = arith.shrui %bitcast3A_215, %shift_right_logical3A_217 : vector<16xi32>
      %shift_right_logical3A_219 = arith.constant 9 : i32
      %shift_right_logical3A_220 = vector.broadcast %shift_right_logical3A_219 : i32 to vector<16xi32>
      %shift_right_logical3A_221 = arith.shrui %bitcast3A_215, %shift_right_logical3A_220 : vector<16xi32>
      %and3A_222 = arith.constant 2047 : i32
      %and3A_223 = vector.broadcast %and3A_222 : i32 to vector<16xi32>
      %and3A_224 = arith.andi %shift_right_logical3A_221, %and3A_223 : vector<16xi32>
      %add3A_225 = arith.constant 160 : i32
      %add3A_226 = arith.addi %mul3A_87, %add3A_225 : i32
      %get3A_227 = arith.index_cast %add3A_226 : i32 to index
      %get3A_228 = tpu.vector_load %arg7[%get3A_227] {strides = array<i32>} : memref<16384xf32, #tpu.memory_space<vmem>>, vector<16xf32>,
      %bitcast3A_229 = vector.bitcast %get3A_228 : vector<16xf32> to vector<16xi32>
      %shift_right_logical3A_230 = arith.constant 20 : i32
      %shift_right_logical3A_231 = vector.broadcast %shift_right_logical3A_230 : i32 to vector<16xi32>
      %shift_right_logical3A_232 = arith.shrui %bitcast3A_229, %shift_right_logical3A_231 : vector<16xi32>
      %shift_right_logical3A_233 = arith.constant 9 : i32
      %shift_right_logical3A_234 = vector.broadcast %shift_right_logical3A_233 : i32 to vector<16xi32>
      %shift_right_logical3A_235 = arith.shrui %bitcast3A_229, %shift_right_logical3A_234 : vector<16xi32>
      %and3A_236 = arith.constant 2047 : i32
      %and3A_237 = vector.broadcast %and3A_236 : i32 to vector<16xi32>
      %and3A_238 = arith.andi %shift_right_logical3A_235, %and3A_237 : vector<16xi32>
      %add3A_239 = arith.constant 176 : i32
      %add3A_240 = arith.addi %mul3A_87, %add3A_239 : i32
      %get3A_241 = arith.index_cast %add3A_240 : i32 to index
      %get3A_242 = tpu.vector_load %arg7[%get3A_241] {strides = array<i32>} : memref<16384xf32, #tpu.memory_space<vmem>>, vector<16xf32>,
      %bitcast3A_243 = vector.bitcast %get3A_242 : vector<16xf32> to vector<16xi32>
      %shift_right_logical3A_244 = arith.constant 20 : i32
      %shift_right_logical3A_245 = vector.broadcast %shift_right_logical3A_244 : i32 to vector<16xi32>
      %shift_right_logical3A_246 = arith.shrui %bitcast3A_243, %shift_right_logical3A_245 : vector<16xi32>
      %shift_right_logical3A_247 = arith.constant 9 : i32
      %shift_right_logical3A_248 = vector.broadcast %shift_right_logical3A_247 : i32 to vector<16xi32>
      %shift_right_logical3A_249 = arith.shrui %bitcast3A_243, %shift_right_logical3A_248 : vector<16xi32>
      %and3A_250 = arith.constant 2047 : i32
      %and3A_251 = vector.broadcast %and3A_250 : i32 to vector<16xi32>
      %and3A_252 = arith.andi %shift_right_logical3A_249, %and3A_251 : vector<16xi32>
      %add3A_253 = arith.constant 192 : i32
      %add3A_254 = arith.addi %mul3A_87, %add3A_253 : i32
      %get3A_255 = arith.index_cast %add3A_254 : i32 to index
      %get3A_256 = tpu.vector_load %arg7[%get3A_255] {strides = array<i32>} : memref<16384xf32, #tpu.memory_space<vmem>>, vector<16xf32>,
      %bitcast3A_257 = vector.bitcast %get3A_256 : vector<16xf32> to vector<16xi32>
      %shift_right_logical3A_258 = arith.constant 20 : i32
      %shift_right_logical3A_259 = vector.broadcast %shift_right_logical3A_258 : i32 to vector<16xi32>
      %shift_right_logical3A_260 = arith.shrui %bitcast3A_257, %shift_right_logical3A_259 : vector<16xi32>
      %shift_right_logical3A_261 = arith.constant 9 : i32
      %shift_right_logical3A_262 = vector.broadcast %shift_right_logical3A_261 : i32 to vector<16xi32>
      %shift_right_logical3A_263 = arith.shrui %bitcast3A_257, %shift_right_logical3A_262 : vector<16xi32>
      %and3A_264 = arith.constant 2047 : i32
      %and3A_265 = vector.broadcast %and3A_264 : i32 to vector<16xi32>
      %and3A_266 = arith.andi %shift_right_logical3A_263, %and3A_265 : vector<16xi32>
      %add3A_267 = arith.constant 208 : i32
      %add3A_268 = arith.addi %mul3A_87, %add3A_267 : i32
      %get3A_269 = arith.index_cast %add3A_268 : i32 to index
      %get3A_270 = tpu.vector_load %arg7[%get3A_269] {strides = array<i32>} : memref<16384xf32, #tpu.memory_space<vmem>>, vector<16xf32>,
      %bitcast3A_271 = vector.bitcast %get3A_270 : vector<16xf32> to vector<16xi32>
      %shift_right_logical3A_272 = arith.constant 20 : i32
      %shift_right_logical3A_273 = vector.broadcast %shift_right_logical3A_272 : i32 to vector<16xi32>
      %shift_right_logical3A_274 = arith.shrui %bitcast3A_271, %shift_right_logical3A_273 : vector<16xi32>
      %shift_right_logical3A_275 = arith.constant 9 : i32
      %shift_right_logical3A_276 = vector.broadcast %shift_right_logical3A_275 : i32 to vector<16xi32>
      %shift_right_logical3A_277 = arith.shrui %bitcast3A_271, %shift_right_logical3A_276 : vector<16xi32>
      %and3A_278 = arith.constant 2047 : i32
      %and3A_279 = vector.broadcast %and3A_278 : i32 to vector<16xi32>
      %and3A_280 = arith.andi %shift_right_logical3A_277, %and3A_279 : vector<16xi32>
      %add3A_281 = arith.constant 224 : i32
      %add3A_282 = arith.addi %mul3A_87, %add3A_281 : i32
      %get3A_283 = arith.index_cast %add3A_282 : i32 to index
      %get3A_284 = tpu.vector_load %arg7[%get3A_283] {strides = array<i32>} : memref<16384xf32, #tpu.memory_space<vmem>>, vector<16xf32>,
      %bitcast3A_285 = vector.bitcast %get3A_284 : vector<16xf32> to vector<16xi32>
      %shift_right_logical3A_286 = arith.constant 20 : i32
      %shift_right_logical3A_287 = vector.broadcast %shift_right_logical3A_286 : i32 to vector<16xi32>
      %shift_right_logical3A_288 = arith.shrui %bitcast3A_285, %shift_right_logical3A_287 : vector<16xi32>
      %shift_right_logical3A_289 = arith.constant 9 : i32
      %shift_right_logical3A_290 = vector.broadcast %shift_right_logical3A_289 : i32 to vector<16xi32>
      %shift_right_logical3A_291 = arith.shrui %bitcast3A_285, %shift_right_logical3A_290 : vector<16xi32>
      %and3A_292 = arith.constant 2047 : i32
      %and3A_293 = vector.broadcast %and3A_292 : i32 to vector<16xi32>
      %and3A_294 = arith.andi %shift_right_logical3A_291, %and3A_293 : vector<16xi32>
      %add3A_295 = arith.constant 240 : i32
      %add3A_296 = arith.addi %mul3A_87, %add3A_295 : i32
      %get3A_297 = arith.index_cast %add3A_296 : i32 to index
      %get3A_298 = tpu.vector_load %arg7[%get3A_297] {strides = array<i32>} : memref<16384xf32, #tpu.memory_space<vmem>>, vector<16xf32>,
      %bitcast3A_299 = vector.bitcast %get3A_298 : vector<16xf32> to vector<16xi32>
      %shift_right_logical3A_300 = arith.constant 20 : i32
      %shift_right_logical3A_301 = vector.broadcast %shift_right_logical3A_300 : i32 to vector<16xi32>
      %shift_right_logical3A_302 = arith.shrui %bitcast3A_299, %shift_right_logical3A_301 : vector<16xi32>
      %shift_right_logical3A_303 = arith.constant 9 : i32
      %shift_right_logical3A_304 = vector.broadcast %shift_right_logical3A_303 : i32 to vector<16xi32>
      %shift_right_logical3A_305 = arith.shrui %bitcast3A_299, %shift_right_logical3A_304 : vector<16xi32>
      %and3A_306 = arith.constant 2047 : i32
      %and3A_307 = vector.broadcast %and3A_306 : i32 to vector<16xi32>
      %and3A_308 = arith.andi %shift_right_logical3A_305, %and3A_307 : vector<16xi32>
      %eq3A = arith.cmpi eq, %shift_right_logical3A_93, %get3A_8 : vector<16xi32>
      tpu.vector_store_idx %arg8[%and3A_98, %iota3A], %broadcast_in_dim3A_16 masked %eq3A {add = true} : memref<2048x16xi32, #tpu.memory_space<vmem>>[vector<16xi32>, vector<16xi32>], vector<16xi32>, vector<16xi1>
      %eq3A_309 = arith.cmpi eq, %shift_right_logical3A_106, %get3A_8 : vector<16xi32>
      tpu.vector_store_idx %arg8[%and3A_112, %iota3A], %broadcast_in_dim3A_16 masked %eq3A_309 {add = true} : memref<2048x16xi32, #tpu.memory_space<vmem>>[vector<16xi32>, vector<16xi32>], vector<16xi32>, vector<16xi1>
      %eq3A_310 = arith.cmpi eq, %shift_right_logical3A_120, %get3A_8 : vector<16xi32>
      tpu.vector_store_idx %arg8[%and3A_126, %iota3A], %broadcast_in_dim3A_16 masked %eq3A_310 {add = true} : memref<2048x16xi32, #tpu.memory_space<vmem>>[vector<16xi32>, vector<16xi32>], vector<16xi32>, vector<16xi1>
      %eq3A_311 = arith.cmpi eq, %shift_right_logical3A_134, %get3A_8 : vector<16xi32>
      tpu.vector_store_idx %arg8[%and3A_140, %iota3A], %broadcast_in_dim3A_16 masked %eq3A_311 {add = true} : memref<2048x16xi32, #tpu.memory_space<vmem>>[vector<16xi32>, vector<16xi32>], vector<16xi32>, vector<16xi1>
      %eq3A_312 = arith.cmpi eq, %shift_right_logical3A_148, %get3A_8 : vector<16xi32>
      tpu.vector_store_idx %arg8[%and3A_154, %iota3A], %broadcast_in_dim3A_16 masked %eq3A_312 {add = true} : memref<2048x16xi32, #tpu.memory_space<vmem>>[vector<16xi32>, vector<16xi32>], vector<16xi32>, vector<16xi1>
      %eq3A_313 = arith.cmpi eq, %shift_right_logical3A_162, %get3A_8 : vector<16xi32>
      tpu.vector_store_idx %arg8[%and3A_168, %iota3A], %broadcast_in_dim3A_16 masked %eq3A_313 {add = true} : memref<2048x16xi32, #tpu.memory_space<vmem>>[vector<16xi32>, vector<16xi32>], vector<16xi32>, vector<16xi1>
      %eq3A_314 = arith.cmpi eq, %shift_right_logical3A_176, %get3A_8 : vector<16xi32>
      tpu.vector_store_idx %arg8[%and3A_182, %iota3A], %broadcast_in_dim3A_16 masked %eq3A_314 {add = true} : memref<2048x16xi32, #tpu.memory_space<vmem>>[vector<16xi32>, vector<16xi32>], vector<16xi32>, vector<16xi1>
      %eq3A_315 = arith.cmpi eq, %shift_right_logical3A_190, %get3A_8 : vector<16xi32>
      tpu.vector_store_idx %arg8[%and3A_196, %iota3A], %broadcast_in_dim3A_16 masked %eq3A_315 {add = true} : memref<2048x16xi32, #tpu.memory_space<vmem>>[vector<16xi32>, vector<16xi32>], vector<16xi32>, vector<16xi1>
      %eq3A_316 = arith.cmpi eq, %shift_right_logical3A_204, %get3A_8 : vector<16xi32>
      tpu.vector_store_idx %arg8[%and3A_210, %iota3A], %broadcast_in_dim3A_16 masked %eq3A_316 {add = true} : memref<2048x16xi32, #tpu.memory_space<vmem>>[vector<16xi32>, vector<16xi32>], vector<16xi32>, vector<16xi1>
      %eq3A_317 = arith.cmpi eq, %shift_right_logical3A_218, %get3A_8 : vector<16xi32>
      tpu.vector_store_idx %arg8[%and3A_224, %iota3A], %broadcast_in_dim3A_16 masked %eq3A_317 {add = true} : memref<2048x16xi32, #tpu.memory_space<vmem>>[vector<16xi32>, vector<16xi32>], vector<16xi32>, vector<16xi1>
      %eq3A_318 = arith.cmpi eq, %shift_right_logical3A_232, %get3A_8 : vector<16xi32>
      tpu.vector_store_idx %arg8[%and3A_238, %iota3A], %broadcast_in_dim3A_16 masked %eq3A_318 {add = true} : memref<2048x16xi32, #tpu.memory_space<vmem>>[vector<16xi32>, vector<16xi32>], vector<16xi32>, vector<16xi1>
      %eq3A_319 = arith.cmpi eq, %shift_right_logical3A_246, %get3A_8 : vector<16xi32>
      tpu.vector_store_idx %arg8[%and3A_252, %iota3A], %broadcast_in_dim3A_16 masked %eq3A_319 {add = true} : memref<2048x16xi32, #tpu.memory_space<vmem>>[vector<16xi32>, vector<16xi32>], vector<16xi32>, vector<16xi1>
      %eq3A_320 = arith.cmpi eq, %shift_right_logical3A_260, %get3A_8 : vector<16xi32>
      tpu.vector_store_idx %arg8[%and3A_266, %iota3A], %broadcast_in_dim3A_16 masked %eq3A_320 {add = true} : memref<2048x16xi32, #tpu.memory_space<vmem>>[vector<16xi32>, vector<16xi32>], vector<16xi32>, vector<16xi1>
      %eq3A_321 = arith.cmpi eq, %shift_right_logical3A_274, %get3A_8 : vector<16xi32>
      tpu.vector_store_idx %arg8[%and3A_280, %iota3A], %broadcast_in_dim3A_16 masked %eq3A_321 {add = true} : memref<2048x16xi32, #tpu.memory_space<vmem>>[vector<16xi32>, vector<16xi32>], vector<16xi32>, vector<16xi1>
      %eq3A_322 = arith.cmpi eq, %shift_right_logical3A_288, %get3A_8 : vector<16xi32>
      tpu.vector_store_idx %arg8[%and3A_294, %iota3A], %broadcast_in_dim3A_16 masked %eq3A_322 {add = true} : memref<2048x16xi32, #tpu.memory_space<vmem>>[vector<16xi32>, vector<16xi32>], vector<16xi32>, vector<16xi1>
      %eq3A_323 = arith.cmpi eq, %shift_right_logical3A_302, %get3A_8 : vector<16xi32>
      tpu.vector_store_idx %arg8[%and3A_308, %iota3A], %broadcast_in_dim3A_16 masked %eq3A_323 {add = true} : memref<2048x16xi32, #tpu.memory_space<vmem>>[vector<16xi32>, vector<16xi32>], vector<16xi32>, vector<16xi1>
      %gt3A = arith.cmpi sgt, %shift_right_logical3A_93, %get3A_8 : vector<16xi32>
      %jit3A = arith.constant 0.000000e+00 : f32
      %broadcast_in_dim3A_324 = vector.broadcast %jit3A : f32 to vector<16xf32>
      %select_n3A = arith.select %gt3A, %get3A_91, %broadcast_in_dim3A_324 : vector<16xi1>, vector<16xf32>
      %add3A_325 = arith.addf %scan3A_70, %select_n3A : vector<16xf32>
      %gt3A_326 = arith.cmpi sgt, %shift_right_logical3A_106, %get3A_8 : vector<16xi32>
      %jit3A_327 = arith.constant 0.000000e+00 : f32
      %broadcast_in_dim3A_328 = vector.broadcast %jit3A_327 : f32 to vector<16xf32>
      %select_n3A_329 = arith.select %gt3A_326, %get3A_102, %broadcast_in_dim3A_328 : vector<16xi1>, vector<16xf32>
      %add3A_330 = arith.addf %scan3A_71, %select_n3A_329 : vector<16xf32>
      %gt3A_331 = arith.cmpi sgt, %shift_right_logical3A_120, %get3A_8 : vector<16xi32>
      %jit3A_332 = arith.constant 0.000000e+00 : f32
      %broadcast_in_dim3A_333 = vector.broadcast %jit3A_332 : f32 to vector<16xf32>
      %select_n3A_334 = arith.select %gt3A_331, %get3A_116, %broadcast_in_dim3A_333 : vector<16xi1>, vector<16xf32>
      %add3A_335 = arith.addf %scan3A_72, %select_n3A_334 : vector<16xf32>
      %gt3A_336 = arith.cmpi sgt, %shift_right_logical3A_134, %get3A_8 : vector<16xi32>
      %jit3A_337 = arith.constant 0.000000e+00 : f32
      %broadcast_in_dim3A_338 = vector.broadcast %jit3A_337 : f32 to vector<16xf32>
      %select_n3A_339 = arith.select %gt3A_336, %get3A_130, %broadcast_in_dim3A_338 : vector<16xi1>, vector<16xf32>
      %add3A_340 = arith.addf %scan3A_73, %select_n3A_339 : vector<16xf32>
      %gt3A_341 = arith.cmpi sgt, %shift_right_logical3A_148, %get3A_8 : vector<16xi32>
      %jit3A_342 = arith.constant 0.000000e+00 : f32
      %broadcast_in_dim3A_343 = vector.broadcast %jit3A_342 : f32 to vector<16xf32>
      %select_n3A_344 = arith.select %gt3A_341, %get3A_144, %broadcast_in_dim3A_343 : vector<16xi1>, vector<16xf32>
      %add3A_345 = arith.addf %scan3A_74, %select_n3A_344 : vector<16xf32>
      %gt3A_346 = arith.cmpi sgt, %shift_right_logical3A_162, %get3A_8 : vector<16xi32>
      %jit3A_347 = arith.constant 0.000000e+00 : f32
      %broadcast_in_dim3A_348 = vector.broadcast %jit3A_347 : f32 to vector<16xf32>
      %select_n3A_349 = arith.select %gt3A_346, %get3A_158, %broadcast_in_dim3A_348 : vector<16xi1>, vector<16xf32>
      %add3A_350 = arith.addf %scan3A_75, %select_n3A_349 : vector<16xf32>
      %gt3A_351 = arith.cmpi sgt, %shift_right_logical3A_176, %get3A_8 : vector<16xi32>
      %jit3A_352 = arith.constant 0.000000e+00 : f32
      %broadcast_in_dim3A_353 = vector.broadcast %jit3A_352 : f32 to vector<16xf32>
      %select_n3A_354 = arith.select %gt3A_351, %get3A_172, %broadcast_in_dim3A_353 : vector<16xi1>, vector<16xf32>
      %add3A_355 = arith.addf %scan3A_76, %select_n3A_354 : vector<16xf32>
      %gt3A_356 = arith.cmpi sgt, %shift_right_logical3A_190, %get3A_8 : vector<16xi32>
      %jit3A_357 = arith.constant 0.000000e+00 : f32
      %broadcast_in_dim3A_358 = vector.broadcast %jit3A_357 : f32 to vector<16xf32>
      %select_n3A_359 = arith.select %gt3A_356, %get3A_186, %broadcast_in_dim3A_358 : vector<16xi1>, vector<16xf32>
      %add3A_360 = arith.addf %scan3A_77, %select_n3A_359 : vector<16xf32>
      %gt3A_361 = arith.cmpi sgt, %shift_right_logical3A_204, %get3A_8 : vector<16xi32>
      %jit3A_362 = arith.constant 0.000000e+00 : f32
      %broadcast_in_dim3A_363 = vector.broadcast %jit3A_362 : f32 to vector<16xf32>
      %select_n3A_364 = arith.select %gt3A_361, %get3A_200, %broadcast_in_dim3A_363 : vector<16xi1>, vector<16xf32>
      %add3A_365 = arith.addf %scan3A_78, %select_n3A_364 : vector<16xf32>
      %gt3A_366 = arith.cmpi sgt, %shift_right_logical3A_218, %get3A_8 : vector<16xi32>
      %jit3A_367 = arith.constant 0.000000e+00 : f32
      %broadcast_in_dim3A_368 = vector.broadcast %jit3A_367 : f32 to vector<16xf32>
      %select_n3A_369 = arith.select %gt3A_366, %get3A_214, %broadcast_in_dim3A_368 : vector<16xi1>, vector<16xf32>
      %add3A_370 = arith.addf %scan3A_79, %select_n3A_369 : vector<16xf32>
      %gt3A_371 = arith.cmpi sgt, %shift_right_logical3A_232, %get3A_8 : vector<16xi32>
      %jit3A_372 = arith.constant 0.000000e+00 : f32
      %broadcast_in_dim3A_373 = vector.broadcast %jit3A_372 : f32 to vector<16xf32>
      %select_n3A_374 = arith.select %gt3A_371, %get3A_228, %broadcast_in_dim3A_373 : vector<16xi1>, vector<16xf32>
      %add3A_375 = arith.addf %scan3A_80, %select_n3A_374 : vector<16xf32>
      %gt3A_376 = arith.cmpi sgt, %shift_right_logical3A_246, %get3A_8 : vector<16xi32>
      %jit3A_377 = arith.constant 0.000000e+00 : f32
      %broadcast_in_dim3A_378 = vector.broadcast %jit3A_377 : f32 to vector<16xf32>
      %select_n3A_379 = arith.select %gt3A_376, %get3A_242, %broadcast_in_dim3A_378 : vector<16xi1>, vector<16xf32>
      %add3A_380 = arith.addf %scan3A_81, %select_n3A_379 : vector<16xf32>
      %gt3A_381 = arith.cmpi sgt, %shift_right_logical3A_260, %get3A_8 : vector<16xi32>
      %jit3A_382 = arith.constant 0.000000e+00 : f32
      %broadcast_in_dim3A_383 = vector.broadcast %jit3A_382 : f32 to vector<16xf32>
      %select_n3A_384 = arith.select %gt3A_381, %get3A_256, %broadcast_in_dim3A_383 : vector<16xi1>, vector<16xf32>
      %add3A_385 = arith.addf %scan3A_82, %select_n3A_384 : vector<16xf32>
      %gt3A_386 = arith.cmpi sgt, %shift_right_logical3A_274, %get3A_8 : vector<16xi32>
      %jit3A_387 = arith.constant 0.000000e+00 : f32
      %broadcast_in_dim3A_388 = vector.broadcast %jit3A_387 : f32 to vector<16xf32>
      %select_n3A_389 = arith.select %gt3A_386, %get3A_270, %broadcast_in_dim3A_388 : vector<16xi1>, vector<16xf32>
      %add3A_390 = arith.addf %scan3A_83, %select_n3A_389 : vector<16xf32>
      %gt3A_391 = arith.cmpi sgt, %shift_right_logical3A_288, %get3A_8 : vector<16xi32>
      %jit3A_392 = arith.constant 0.000000e+00 : f32
      %broadcast_in_dim3A_393 = vector.broadcast %jit3A_392 : f32 to vector<16xf32>
      %select_n3A_394 = arith.select %gt3A_391, %get3A_284, %broadcast_in_dim3A_393 : vector<16xi1>, vector<16xf32>
      %add3A_395 = arith.addf %scan3A_84, %select_n3A_394 : vector<16xf32>
      %gt3A_396 = arith.cmpi sgt, %shift_right_logical3A_302, %get3A_8 : vector<16xi32>
      %jit3A_397 = arith.constant 0.000000e+00 : f32
      %broadcast_in_dim3A_398 = vector.broadcast %jit3A_397 : f32 to vector<16xf32>
      %select_n3A_399 = arith.select %gt3A_396, %get3A_298, %broadcast_in_dim3A_398 : vector<16xi1>, vector<16xf32>
      %add3A_400 = arith.addf %scan3A_85, %select_n3A_399 : vector<16xf32>
      scf.yield %add3A_325, %add3A_330, %add3A_335, %add3A_340, %add3A_345, %add3A_350, %add3A_355, %add3A_360, %add3A_365, %add3A_370, %add3A_375, %add3A_380, %add3A_385, %add3A_390, %add3A_395, %add3A_400 : vector<16xf32>, vector<16xf32>, vector<16xf32>, vector<16xf32>, vector<16xf32>, vector<16xf32>, vector<16xf32>, vector<16xf32>, vector<16xf32>, vector<16xf32>, vector<16xf32>, vector<16xf32>, vector<16xf32>, vector<16xf32>, vector<16xf32>, vector<16xf32>
    }
    %scan3A_45 = arith.constant 64 : i32
    %add3A_46 = arith.addf %scan3A_44#0, %scan3A_44#1 : vector<16xf32>
    %add3A_47 = arith.addf %scan3A_44#2, %scan3A_44#3 : vector<16xf32>
    %add3A_48 = arith.addf %scan3A_44#4, %scan3A_44#5 : vector<16xf32>
    %add3A_49 = arith.addf %scan3A_44#6, %scan3A_44#7 : vector<16xf32>
    %add3A_50 = arith.addf %scan3A_44#8, %scan3A_44#9 : vector<16xf32>
    %add3A_51 = arith.addf %scan3A_44#10, %scan3A_44#11 : vector<16xf32>
    %add3A_52 = arith.addf %scan3A_44#12, %scan3A_44#13 : vector<16xf32>
    %add3A_53 = arith.addf %scan3A_44#14, %scan3A_44#15 : vector<16xf32>
    %add3A_54 = arith.addf %add3A_46, %add3A_47 : vector<16xf32>
    %add3A_55 = arith.addf %add3A_48, %add3A_49 : vector<16xf32>
    %add3A_56 = arith.addf %add3A_50, %add3A_51 : vector<16xf32>
    %add3A_57 = arith.addf %add3A_52, %add3A_53 : vector<16xf32>
    %add3A_58 = arith.addf %add3A_54, %add3A_55 : vector<16xf32>
    %add3A_59 = arith.addf %add3A_56, %add3A_57 : vector<16xf32>
    %add3A_60 = arith.addf %add3A_58, %add3A_59 : vector<16xf32>
    %swap3A = arith.constant 0 : index
    %swap3A_61 = tpu.vector_load %arg11[%swap3A] {strides = array<i32>} : memref<16xf32, #tpu.memory_space<vmem>>, vector<16xf32>,
    tpu.vector_store %arg11[%swap3A], %add3A_60 {strides = array<i32>} : memref<16xf32, #tpu.memory_space<vmem>>, vector<16xf32>,
    %iota3A_62 = tpu.iota {dimensions = array<i32: 0>} : vector<16xi32>
    %scan3A_63 = arith.constant 0 : i32
    %scan3A_64 = arith.constant 0 : i32
    %scan3A_65 = arith.constant 128 : i32
    %scan3A_66 = arith.addi %scan3A_64, %scan3A_65 : i32
    %scan3A_67 = arith.constant 1 : i32
    scf.for %scan3A_69 = %scan3A_64 to %scan3A_66 step %scan3A_67  : i32 {
      %mul3A_70 = arith.constant 16 : i32
      %mul3A_71 = arith.muli %scan3A_69, %mul3A_70 : i32
      %add3A_72 = vector.broadcast %mul3A_71 : i32 to vector<16xi32>
      %add3A_73 = arith.addi %add3A_72, %iota3A_62 : vector<16xi32>
      %broadcast_in_dim3A_74 = arith.constant 0 : i32
      %broadcast_in_dim3A_75 = vector.broadcast %broadcast_in_dim3A_74 : i32 to vector<16xi32>
      %broadcast_in_dim3A_76 = arith.constant 0 : i32
      %broadcast_in_dim3A_77 = vector.broadcast %broadcast_in_dim3A_76 : i32 to vector<16xi32>
      %gather3A = tpu.vector_load_idx %arg8[%add3A_73, %broadcast_in_dim3A_77] : memref<2048x16xi32, #tpu.memory_space<vmem>>[vector<16xi32>, vector<16xi32>], vector<16xi32>,
      %add3A_78 = arith.addi %broadcast_in_dim3A_75, %gather3A : vector<16xi32>
      %broadcast_in_dim3A_79 = arith.constant 1 : i32
      %broadcast_in_dim3A_80 = vector.broadcast %broadcast_in_dim3A_79 : i32 to vector<16xi32>
      %gather3A_81 = tpu.vector_load_idx %arg8[%add3A_73, %broadcast_in_dim3A_80] : memref<2048x16xi32, #tpu.memory_space<vmem>>[vector<16xi32>, vector<16xi32>], vector<16xi32>,
      %add3A_82 = arith.addi %add3A_78, %gather3A_81 : vector<16xi32>
      %broadcast_in_dim3A_83 = arith.constant 2 : i32
      %broadcast_in_dim3A_84 = vector.broadcast %broadcast_in_dim3A_83 : i32 to vector<16xi32>
      %gather3A_85 = tpu.vector_load_idx %arg8[%add3A_73, %broadcast_in_dim3A_84] : memref<2048x16xi32, #tpu.memory_space<vmem>>[vector<16xi32>, vector<16xi32>], vector<16xi32>,
      %add3A_86 = arith.addi %add3A_82, %gather3A_85 : vector<16xi32>
      %broadcast_in_dim3A_87 = arith.constant 3 : i32
      %broadcast_in_dim3A_88 = vector.broadcast %broadcast_in_dim3A_87 : i32 to vector<16xi32>
      %gather3A_89 = tpu.vector_load_idx %arg8[%add3A_73, %broadcast_in_dim3A_88] : memref<2048x16xi32, #tpu.memory_space<vmem>>[vector<16xi32>, vector<16xi32>], vector<16xi32>,
      %add3A_90 = arith.addi %add3A_86, %gather3A_89 : vector<16xi32>
      %broadcast_in_dim3A_91 = arith.constant 4 : i32
      %broadcast_in_dim3A_92 = vector.broadcast %broadcast_in_dim3A_91 : i32 to vector<16xi32>
      %gather3A_93 = tpu.vector_load_idx %arg8[%add3A_73, %broadcast_in_dim3A_92] : memref<2048x16xi32, #tpu.memory_space<vmem>>[vector<16xi32>, vector<16xi32>], vector<16xi32>,
      %add3A_94 = arith.addi %add3A_90, %gather3A_93 : vector<16xi32>
      %broadcast_in_dim3A_95 = arith.constant 5 : i32
      %broadcast_in_dim3A_96 = vector.broadcast %broadcast_in_dim3A_95 : i32 to vector<16xi32>
      %gather3A_97 = tpu.vector_load_idx %arg8[%add3A_73, %broadcast_in_dim3A_96] : memref<2048x16xi32, #tpu.memory_space<vmem>>[vector<16xi32>, vector<16xi32>], vector<16xi32>,
      %add3A_98 = arith.addi %add3A_94, %gather3A_97 : vector<16xi32>
      %broadcast_in_dim3A_99 = arith.constant 6 : i32
      %broadcast_in_dim3A_100 = vector.broadcast %broadcast_in_dim3A_99 : i32 to vector<16xi32>
      %gather3A_101 = tpu.vector_load_idx %arg8[%add3A_73, %broadcast_in_dim3A_100] : memref<2048x16xi32, #tpu.memory_space<vmem>>[vector<16xi32>, vector<16xi32>], vector<16xi32>,
      %add3A_102 = arith.addi %add3A_98, %gather3A_101 : vector<16xi32>
      %broadcast_in_dim3A_103 = arith.constant 7 : i32
      %broadcast_in_dim3A_104 = vector.broadcast %broadcast_in_dim3A_103 : i32 to vector<16xi32>
      %gather3A_105 = tpu.vector_load_idx %arg8[%add3A_73, %broadcast_in_dim3A_104] : memref<2048x16xi32, #tpu.memory_space<vmem>>[vector<16xi32>, vector<16xi32>], vector<16xi32>,
      %add3A_106 = arith.addi %add3A_102, %gather3A_105 : vector<16xi32>
      %broadcast_in_dim3A_107 = arith.constant 8 : i32
      %broadcast_in_dim3A_108 = vector.broadcast %broadcast_in_dim3A_107 : i32 to vector<16xi32>
      %gather3A_109 = tpu.vector_load_idx %arg8[%add3A_73, %broadcast_in_dim3A_108] : memref<2048x16xi32, #tpu.memory_space<vmem>>[vector<16xi32>, vector<16xi32>], vector<16xi32>,
      %add3A_110 = arith.addi %add3A_106, %gather3A_109 : vector<16xi32>
      %broadcast_in_dim3A_111 = arith.constant 9 : i32
      %broadcast_in_dim3A_112 = vector.broadcast %broadcast_in_dim3A_111 : i32 to vector<16xi32>
      %gather3A_113 = tpu.vector_load_idx %arg8[%add3A_73, %broadcast_in_dim3A_112] : memref<2048x16xi32, #tpu.memory_space<vmem>>[vector<16xi32>, vector<16xi32>], vector<16xi32>,
      %add3A_114 = arith.addi %add3A_110, %gather3A_113 : vector<16xi32>
      %broadcast_in_dim3A_115 = arith.constant 10 : i32
      %broadcast_in_dim3A_116 = vector.broadcast %broadcast_in_dim3A_115 : i32 to vector<16xi32>
      %gather3A_117 = tpu.vector_load_idx %arg8[%add3A_73, %broadcast_in_dim3A_116] : memref<2048x16xi32, #tpu.memory_space<vmem>>[vector<16xi32>, vector<16xi32>], vector<16xi32>,
      %add3A_118 = arith.addi %add3A_114, %gather3A_117 : vector<16xi32>
      %broadcast_in_dim3A_119 = arith.constant 11 : i32
      %broadcast_in_dim3A_120 = vector.broadcast %broadcast_in_dim3A_119 : i32 to vector<16xi32>
      %gather3A_121 = tpu.vector_load_idx %arg8[%add3A_73, %broadcast_in_dim3A_120] : memref<2048x16xi32, #tpu.memory_space<vmem>>[vector<16xi32>, vector<16xi32>], vector<16xi32>,
      %add3A_122 = arith.addi %add3A_118, %gather3A_121 : vector<16xi32>
      %broadcast_in_dim3A_123 = arith.constant 12 : i32
      %broadcast_in_dim3A_124 = vector.broadcast %broadcast_in_dim3A_123 : i32 to vector<16xi32>
      %gather3A_125 = tpu.vector_load_idx %arg8[%add3A_73, %broadcast_in_dim3A_124] : memref<2048x16xi32, #tpu.memory_space<vmem>>[vector<16xi32>, vector<16xi32>], vector<16xi32>,
      %add3A_126 = arith.addi %add3A_122, %gather3A_125 : vector<16xi32>
      %broadcast_in_dim3A_127 = arith.constant 13 : i32
      %broadcast_in_dim3A_128 = vector.broadcast %broadcast_in_dim3A_127 : i32 to vector<16xi32>
      %gather3A_129 = tpu.vector_load_idx %arg8[%add3A_73, %broadcast_in_dim3A_128] : memref<2048x16xi32, #tpu.memory_space<vmem>>[vector<16xi32>, vector<16xi32>], vector<16xi32>,
      %add3A_130 = arith.addi %add3A_126, %gather3A_129 : vector<16xi32>
      %broadcast_in_dim3A_131 = arith.constant 14 : i32
      %broadcast_in_dim3A_132 = vector.broadcast %broadcast_in_dim3A_131 : i32 to vector<16xi32>
      %gather3A_133 = tpu.vector_load_idx %arg8[%add3A_73, %broadcast_in_dim3A_132] : memref<2048x16xi32, #tpu.memory_space<vmem>>[vector<16xi32>, vector<16xi32>], vector<16xi32>,
      %add3A_134 = arith.addi %add3A_130, %gather3A_133 : vector<16xi32>
      %broadcast_in_dim3A_135 = arith.constant 15 : i32
      %broadcast_in_dim3A_136 = vector.broadcast %broadcast_in_dim3A_135 : i32 to vector<16xi32>
      %gather3A_137 = tpu.vector_load_idx %arg8[%add3A_73, %broadcast_in_dim3A_136] : memref<2048x16xi32, #tpu.memory_space<vmem>>[vector<16xi32>, vector<16xi32>], vector<16xi32>,
      %add3A_138 = arith.addi %add3A_134, %gather3A_137 : vector<16xi32>
      %mul3A_139 = arith.constant 16 : i32
      %mul3A_140 = arith.muli %scan3A_69, %mul3A_139 : i32
      %swap3A_141 = arith.index_cast %mul3A_140 : i32 to index
      %swap3A_142 = tpu.vector_load %arg9[%swap3A_141] {strides = array<i32>} : memref<2048xi32, #tpu.memory_space<vmem>>, vector<16xi32>,
      tpu.vector_store %arg9[%swap3A_141], %add3A_138 {strides = array<i32>} : memref<2048xi32, #tpu.memory_space<vmem>>, vector<16xi32>,
    }
    %scan3A_68 = arith.constant 128 : i32
    "tpu.region"() ({
      %run_scoped3A = tpu.sem_alloc : memref<!tpu.dma_semaphore, #tpu.memory_space<semaphore_mem>>
      %dma_start3A_69 = arith.constant 0 : i32
      %dma_start3A_70 = tpu.memref_slice %arg4[%add3A, %dma_start3A_69] : memref<32x2048xi32, #tpu.memory_space<hbm>> -> memref<1x2048xi32, #tpu.memory_space<hbm>>
      %dma_start3A_71 = tpu.memref_squeeze %dma_start3A_70 : memref<1x2048xi32, #tpu.memory_space<hbm>> -> memref<2048xi32, #tpu.memory_space<hbm>>
      %dma_start3A_72 = arith.constant 0 : i32
      %dma_start3A_73 = tpu.memref_slice %arg4[%add3A, %dma_start3A_72] : memref<32x2048xi32, #tpu.memory_space<hbm>> -> memref<1x2048xi32, #tpu.memory_space<hbm>>
      %dma_start3A_74 = tpu.memref_squeeze %dma_start3A_73 : memref<1x2048xi32, #tpu.memory_space<hbm>> -> memref<2048xi32, #tpu.memory_space<hbm>>
      tpu.enqueue_dma source(%arg9 : memref<2048xi32, #tpu.memory_space<vmem>>) target(%dma_start3A_74 : memref<2048xi32, #tpu.memory_space<hbm>>) target_semaphore(%run_scoped3A : memref<!tpu.dma_semaphore, #tpu.memory_space<semaphore_mem>>)
      %dma_wait3A_75 = arith.constant 0 : i32
      %dma_wait3A_76 = tpu.memref_slice %arg4[%add3A, %dma_wait3A_75] : memref<32x2048xi32, #tpu.memory_space<hbm>> -> memref<1x2048xi32, #tpu.memory_space<hbm>>
      %dma_wait3A_77 = tpu.memref_squeeze %dma_wait3A_76 : memref<1x2048xi32, #tpu.memory_space<hbm>> -> memref<2048xi32, #tpu.memory_space<hbm>>
      %dma_wait3A_78 = arith.constant 0 : i32
      %dma_wait3A_79 = tpu.memref_slice %arg4[%add3A, %dma_wait3A_78] : memref<32x2048xi32, #tpu.memory_space<hbm>> -> memref<1x2048xi32, #tpu.memory_space<hbm>>
      %dma_wait3A_80 = tpu.memref_squeeze %dma_wait3A_79 : memref<1x2048xi32, #tpu.memory_space<hbm>> -> memref<2048xi32, #tpu.memory_space<hbm>>
      tpu.wait_dma2 semaphore(%run_scoped3A : memref<!tpu.dma_semaphore, #tpu.memory_space<semaphore_mem>>) src(%arg9 : memref<2048xi32, #tpu.memory_space<vmem>>) dst(%dma_wait3A_80 : memref<2048xi32, #tpu.memory_space<hbm>>)
      tpu.yield
    }) : () -> ()
    "tpu.region"() ({
      %run_scoped3A = tpu.sem_alloc : memref<!tpu.dma_semaphore, #tpu.memory_space<semaphore_mem>>
      %dma_start3A_69 = arith.constant 0 : i32
      %dma_start3A_70 = tpu.memref_slice %arg5[%add3A, %dma_start3A_69] : memref<32x16xf32, #tpu.memory_space<hbm>> -> memref<1x16xf32, #tpu.memory_space<hbm>>
      %dma_start3A_71 = tpu.memref_squeeze %dma_start3A_70 : memref<1x16xf32, #tpu.memory_space<hbm>> -> memref<16xf32, #tpu.memory_space<hbm>>
      %dma_start3A_72 = arith.constant 0 : i32
      %dma_start3A_73 = tpu.memref_slice %arg5[%add3A, %dma_start3A_72] : memref<32x16xf32, #tpu.memory_space<hbm>> -> memref<1x16xf32, #tpu.memory_space<hbm>>
      %dma_start3A_74 = tpu.memref_squeeze %dma_start3A_73 : memref<1x16xf32, #tpu.memory_space<hbm>> -> memref<16xf32, #tpu.memory_space<hbm>>
      tpu.enqueue_dma source(%arg11 : memref<16xf32, #tpu.memory_space<vmem>>) target(%dma_start3A_74 : memref<16xf32, #tpu.memory_space<hbm>>) target_semaphore(%run_scoped3A : memref<!tpu.dma_semaphore, #tpu.memory_space<semaphore_mem>>)
      %dma_wait3A_75 = arith.constant 0 : i32
      %dma_wait3A_76 = tpu.memref_slice %arg5[%add3A, %dma_wait3A_75] : memref<32x16xf32, #tpu.memory_space<hbm>> -> memref<1x16xf32, #tpu.memory_space<hbm>>
      %dma_wait3A_77 = tpu.memref_squeeze %dma_wait3A_76 : memref<1x16xf32, #tpu.memory_space<hbm>> -> memref<16xf32, #tpu.memory_space<hbm>>
      %dma_wait3A_78 = arith.constant 0 : i32
      %dma_wait3A_79 = tpu.memref_slice %arg5[%add3A, %dma_wait3A_78] : memref<32x16xf32, #tpu.memory_space<hbm>> -> memref<1x16xf32, #tpu.memory_space<hbm>>
      %dma_wait3A_80 = tpu.memref_squeeze %dma_wait3A_79 : memref<1x16xf32, #tpu.memory_space<hbm>> -> memref<16xf32, #tpu.memory_space<hbm>>
      tpu.wait_dma2 semaphore(%run_scoped3A : memref<!tpu.dma_semaphore, #tpu.memory_space<semaphore_mem>>) src(%arg11 : memref<16xf32, #tpu.memory_space<vmem>>) dst(%dma_wait3A_80 : memref<16xf32, #tpu.memory_space<hbm>>)
      tpu.yield
    }) : () -> ()
    return
  }
}

#map = affine_map<(d0, d1) -> (0)>
#map1 = affine_map<(d0, d1) -> (0, 0)>
module attributes {stable_mosaic.version = 14 : i64} {
  func.func @_sc_pass1(%arg0: i32, %arg1: i32, %arg2: memref<4194304xf32, #tpu.memory_space<hbm>>, %arg3: memref<32x2048xi32, #tpu.memory_space<hbm>>, %arg4: memref<16384xf32, #tpu.memory_space<vmem>>, %arg5: memref<16384xf32, #tpu.memory_space<vmem>>, %arg6: memref<2048x16xi32, #tpu.memory_space<vmem>>, %arg7: memref<2048xi32, #tpu.memory_space<vmem>>, %arg8: memref<!tpu.dma_semaphore, #tpu.memory_space<semaphore_mem>>, %arg9: memref<!tpu.dma_semaphore, #tpu.memory_space<semaphore_mem>>) attributes {dimension_semantics = [#tpu.dimension_semantics<core_parallel>, #tpu.dimension_semantics<subcore_parallel>], iteration_bounds = array<i64: 2, 16>, scalar_prefetch = 0 : i64, scratch_operands = 6 : i64, tpu.core_type = #tpu.core_type<sc_vector_subcore>, window_params = [{transform_indices = #map}, {transform_indices = #map1}]} {
    %mul3A = arith.constant 16 : i32
    %mul3A_0 = arith.muli %arg0, %mul3A : i32
    %add3A = arith.addi %mul3A_0, %arg1 : i32
    %mul3A_1 = arith.constant 131072 : i32
    %mul3A_2 = arith.muli %add3A, %mul3A_1 : i32
    %dma_start3A = tpu.memref_slice %arg2[%mul3A_2] : memref<4194304xf32, #tpu.memory_space<hbm>> -> memref<16384xf32, #tpu.memory_space<hbm>>
    %dma_start3A_3 = tpu.memref_slice %arg2[%mul3A_2] : memref<4194304xf32, #tpu.memory_space<hbm>> -> memref<16384xf32, #tpu.memory_space<hbm>>
    tpu.enqueue_dma source(%dma_start3A_3 : memref<16384xf32, #tpu.memory_space<hbm>>) target(%arg4 : memref<16384xf32, #tpu.memory_space<vmem>>) target_semaphore(%arg8 : memref<!tpu.dma_semaphore, #tpu.memory_space<semaphore_mem>>)
    %add3A_4 = arith.constant 16384 : i32
    %add3A_5 = arith.addi %mul3A_2, %add3A_4 : i32
    %dma_start3A_6 = tpu.memref_slice %arg2[%add3A_5] : memref<4194304xf32, #tpu.memory_space<hbm>> -> memref<16384xf32, #tpu.memory_space<hbm>>
    %dma_start3A_7 = tpu.memref_slice %arg2[%add3A_5] : memref<4194304xf32, #tpu.memory_space<hbm>> -> memref<16384xf32, #tpu.memory_space<hbm>>
    tpu.enqueue_dma source(%dma_start3A_7 : memref<16384xf32, #tpu.memory_space<hbm>>) target(%arg5 : memref<16384xf32, #tpu.memory_space<vmem>>) target_semaphore(%arg9 : memref<!tpu.dma_semaphore, #tpu.memory_space<semaphore_mem>>)
    %broadcast_in_dim3A = arith.constant 0 : i32
    %broadcast_in_dim3A_8 = vector.broadcast %broadcast_in_dim3A : i32 to vector<16xi32>
    %scan3A = arith.constant 0 : i32
    %scan3A_9 = arith.constant 0 : i32
    %scan3A_10 = arith.constant 256 : i32
    %scan3A_11 = arith.addi %scan3A_9, %scan3A_10 : i32
    %scan3A_12 = arith.constant 1 : i32
    scf.for %scan3A_50 = %scan3A_9 to %scan3A_11 step %scan3A_12  : i32 {
      %mul3A_51 = arith.constant 8 : i32
      %mul3A_52 = arith.muli %scan3A_50, %mul3A_51 : i32
      %add3A_53 = arith.constant 0 : i32
      %add3A_54 = arith.addi %mul3A_52, %add3A_53 : i32
      %swap3A = arith.index_cast %add3A_54 : i32 to index
      %swap3A_55 = arith.constant 0 : index
      %swap3A_56 = tpu.vector_load %arg6[%swap3A, %swap3A_55] {strides = array<i32>} : memref<2048x16xi32, #tpu.memory_space<vmem>>, vector<16xi32>,
      tpu.vector_store %arg6[%swap3A, %swap3A_55], %broadcast_in_dim3A_8 {strides = array<i32>} : memref<2048x16xi32, #tpu.memory_space<vmem>>, vector<16xi32>,
      %mul3A_57 = arith.constant 8 : i32
      %mul3A_58 = arith.muli %scan3A_50, %mul3A_57 : i32
      %add3A_59 = arith.constant 1 : i32
      %add3A_60 = arith.addi %mul3A_58, %add3A_59 : i32
      %swap3A_61 = arith.index_cast %add3A_60 : i32 to index
      %swap3A_62 = arith.constant 0 : index
      %swap3A_63 = tpu.vector_load %arg6[%swap3A_61, %swap3A_62] {strides = array<i32>} : memref<2048x16xi32, #tpu.memory_space<vmem>>, vector<16xi32>,
      tpu.vector_store %arg6[%swap3A_61, %swap3A_62], %broadcast_in_dim3A_8 {strides = array<i32>} : memref<2048x16xi32, #tpu.memory_space<vmem>>, vector<16xi32>,
      %mul3A_64 = arith.constant 8 : i32
      %mul3A_65 = arith.muli %scan3A_50, %mul3A_64 : i32
      %add3A_66 = arith.constant 2 : i32
      %add3A_67 = arith.addi %mul3A_65, %add3A_66 : i32
      %swap3A_68 = arith.index_cast %add3A_67 : i32 to index
      %swap3A_69 = arith.constant 0 : index
      %swap3A_70 = tpu.vector_load %arg6[%swap3A_68, %swap3A_69] {strides = array<i32>} : memref<2048x16xi32, #tpu.memory_space<vmem>>, vector<16xi32>,
      tpu.vector_store %arg6[%swap3A_68, %swap3A_69], %broadcast_in_dim3A_8 {strides = array<i32>} : memref<2048x16xi32, #tpu.memory_space<vmem>>, vector<16xi32>,
      %mul3A_71 = arith.constant 8 : i32
      %mul3A_72 = arith.muli %scan3A_50, %mul3A_71 : i32
      %add3A_73 = arith.constant 3 : i32
      %add3A_74 = arith.addi %mul3A_72, %add3A_73 : i32
      %swap3A_75 = arith.index_cast %add3A_74 : i32 to index
      %swap3A_76 = arith.constant 0 : index
      %swap3A_77 = tpu.vector_load %arg6[%swap3A_75, %swap3A_76] {strides = array<i32>} : memref<2048x16xi32, #tpu.memory_space<vmem>>, vector<16xi32>,
      tpu.vector_store %arg6[%swap3A_75, %swap3A_76], %broadcast_in_dim3A_8 {strides = array<i32>} : memref<2048x16xi32, #tpu.memory_space<vmem>>, vector<16xi32>,
      %mul3A_78 = arith.constant 8 : i32
      %mul3A_79 = arith.muli %scan3A_50, %mul3A_78 : i32
      %add3A_80 = arith.constant 4 : i32
      %add3A_81 = arith.addi %mul3A_79, %add3A_80 : i32
      %swap3A_82 = arith.index_cast %add3A_81 : i32 to index
      %swap3A_83 = arith.constant 0 : index
      %swap3A_84 = tpu.vector_load %arg6[%swap3A_82, %swap3A_83] {strides = array<i32>} : memref<2048x16xi32, #tpu.memory_space<vmem>>, vector<16xi32>,
      tpu.vector_store %arg6[%swap3A_82, %swap3A_83], %broadcast_in_dim3A_8 {strides = array<i32>} : memref<2048x16xi32, #tpu.memory_space<vmem>>, vector<16xi32>,
      %mul3A_85 = arith.constant 8 : i32
      %mul3A_86 = arith.muli %scan3A_50, %mul3A_85 : i32
      %add3A_87 = arith.constant 5 : i32
      %add3A_88 = arith.addi %mul3A_86, %add3A_87 : i32
      %swap3A_89 = arith.index_cast %add3A_88 : i32 to index
      %swap3A_90 = arith.constant 0 : index
      %swap3A_91 = tpu.vector_load %arg6[%swap3A_89, %swap3A_90] {strides = array<i32>} : memref<2048x16xi32, #tpu.memory_space<vmem>>, vector<16xi32>,
      tpu.vector_store %arg6[%swap3A_89, %swap3A_90], %broadcast_in_dim3A_8 {strides = array<i32>} : memref<2048x16xi32, #tpu.memory_space<vmem>>, vector<16xi32>,
      %mul3A_92 = arith.constant 8 : i32
      %mul3A_93 = arith.muli %scan3A_50, %mul3A_92 : i32
      %add3A_94 = arith.constant 6 : i32
      %add3A_95 = arith.addi %mul3A_93, %add3A_94 : i32
      %swap3A_96 = arith.index_cast %add3A_95 : i32 to index
      %swap3A_97 = arith.constant 0 : index
      %swap3A_98 = tpu.vector_load %arg6[%swap3A_96, %swap3A_97] {strides = array<i32>} : memref<2048x16xi32, #tpu.memory_space<vmem>>, vector<16xi32>,
      tpu.vector_store %arg6[%swap3A_96, %swap3A_97], %broadcast_in_dim3A_8 {strides = array<i32>} : memref<2048x16xi32, #tpu.memory_space<vmem>>, vector<16xi32>,
      %mul3A_99 = arith.constant 8 : i32
      %mul3A_100 = arith.muli %scan3A_50, %mul3A_99 : i32
      %add3A_101 = arith.constant 7 : i32
      %add3A_102 = arith.addi %mul3A_100, %add3A_101 : i32
      %swap3A_103 = arith.index_cast %add3A_102 : i32 to index
      %swap3A_104 = arith.constant 0 : index
      %swap3A_105 = tpu.vector_load %arg6[%swap3A_103, %swap3A_104] {strides = array<i32>} : memref<2048x16xi32, #tpu.memory_space<vmem>>, vector<16xi32>,
      tpu.vector_store %arg6[%swap3A_103, %swap3A_104], %broadcast_in_dim3A_8 {strides = array<i32>} : memref<2048x16xi32, #tpu.memory_space<vmem>>, vector<16xi32>,
    }
    %scan3A_13 = arith.constant 256 : i32
    %iota3A = tpu.iota {dimensions = array<i32: 0>} : vector<16xi32>
    %broadcast_in_dim3A_14 = arith.constant 1 : i32
    %broadcast_in_dim3A_15 = vector.broadcast %broadcast_in_dim3A_14 : i32 to vector<16xi32>
    %mul3A_16 = arith.constant 131072 : i32
    %mul3A_17 = arith.muli %add3A, %mul3A_16 : i32
    %scan3A_18 = arith.constant 0 : i32
    %scan3A_19 = arith.constant 0 : i32
    %scan3A_20 = arith.constant 3 : i32
    %scan3A_21 = arith.addi %scan3A_19, %scan3A_20 : i32
    %scan3A_22 = arith.constant 1 : i32
    scf.for %scan3A_50 = %scan3A_19 to %scan3A_21 step %scan3A_22  : i32 {
      %mul3A_51 = arith.constant 2 : i32
      %mul3A_52 = arith.muli %scan3A_50, %mul3A_51 : i32
      %mul3A_53 = arith.constant 16384 : i32
      %mul3A_54 = arith.muli %mul3A_52, %mul3A_53 : i32
      %add3A_55 = arith.addi %mul3A_17, %mul3A_54 : i32
      %dma_wait3A_56 = tpu.memref_slice %arg2[%add3A_55] : memref<4194304xf32, #tpu.memory_space<hbm>> -> memref<16384xf32, #tpu.memory_space<hbm>>
      %dma_wait3A_57 = tpu.memref_slice %arg2[%add3A_55] : memref<4194304xf32, #tpu.memory_space<hbm>> -> memref<16384xf32, #tpu.memory_space<hbm>>
      tpu.wait_dma2 semaphore(%arg8 : memref<!tpu.dma_semaphore, #tpu.memory_space<semaphore_mem>>) src(%dma_wait3A_57 : memref<16384xf32, #tpu.memory_space<hbm>>) dst(%arg4 : memref<16384xf32, #tpu.memory_space<vmem>>)
      %scan3A_58 = arith.constant 0 : i32
      %scan3A_59 = arith.constant 64 : i32
      %scan3A_60 = arith.addi %scan3A_58, %scan3A_59 : i32
      %scan3A_61 = arith.constant 1 : i32
      scf.for %scan3A_80 = %scan3A_58 to %scan3A_60 step %scan3A_61  : i32 {
        %mul3A_81 = arith.constant 256 : i32
        %mul3A_82 = arith.muli %scan3A_80, %mul3A_81 : i32
        %add3A_83 = arith.constant 0 : i32
        %add3A_84 = arith.addi %mul3A_82, %add3A_83 : i32
        %get3A = arith.index_cast %add3A_84 : i32 to index
        %get3A_85 = tpu.vector_load %arg4[%get3A] {strides = array<i32>} : memref<16384xf32, #tpu.memory_space<vmem>>, vector<16xf32>,
        %bitcast3A = vector.bitcast %get3A_85 : vector<16xf32> to vector<16xi32>
        %shift_right_logical3A = arith.constant 20 : i32
        %shift_right_logical3A_86 = vector.broadcast %shift_right_logical3A : i32 to vector<16xi32>
        %shift_right_logical3A_87 = arith.shrui %bitcast3A, %shift_right_logical3A_86 : vector<16xi32>
        %add3A_88 = arith.constant 16 : i32
        %add3A_89 = arith.addi %mul3A_82, %add3A_88 : i32
        %get3A_90 = arith.index_cast %add3A_89 : i32 to index
        %get3A_91 = tpu.vector_load %arg4[%get3A_90] {strides = array<i32>} : memref<16384xf32, #tpu.memory_space<vmem>>, vector<16xf32>,
        %bitcast3A_92 = vector.bitcast %get3A_91 : vector<16xf32> to vector<16xi32>
        %shift_right_logical3A_93 = arith.constant 20 : i32
        %shift_right_logical3A_94 = vector.broadcast %shift_right_logical3A_93 : i32 to vector<16xi32>
        %shift_right_logical3A_95 = arith.shrui %bitcast3A_92, %shift_right_logical3A_94 : vector<16xi32>
        %add3A_96 = arith.constant 32 : i32
        %add3A_97 = arith.addi %mul3A_82, %add3A_96 : i32
        %get3A_98 = arith.index_cast %add3A_97 : i32 to index
        %get3A_99 = tpu.vector_load %arg4[%get3A_98] {strides = array<i32>} : memref<16384xf32, #tpu.memory_space<vmem>>, vector<16xf32>,
        %bitcast3A_100 = vector.bitcast %get3A_99 : vector<16xf32> to vector<16xi32>
        %shift_right_logical3A_101 = arith.constant 20 : i32
        %shift_right_logical3A_102 = vector.broadcast %shift_right_logical3A_101 : i32 to vector<16xi32>
        %shift_right_logical3A_103 = arith.shrui %bitcast3A_100, %shift_right_logical3A_102 : vector<16xi32>
        %add3A_104 = arith.constant 48 : i32
        %add3A_105 = arith.addi %mul3A_82, %add3A_104 : i32
        %get3A_106 = arith.index_cast %add3A_105 : i32 to index
        %get3A_107 = tpu.vector_load %arg4[%get3A_106] {strides = array<i32>} : memref<16384xf32, #tpu.memory_space<vmem>>, vector<16xf32>,
        %bitcast3A_108 = vector.bitcast %get3A_107 : vector<16xf32> to vector<16xi32>
        %shift_right_logical3A_109 = arith.constant 20 : i32
        %shift_right_logical3A_110 = vector.broadcast %shift_right_logical3A_109 : i32 to vector<16xi32>
        %shift_right_logical3A_111 = arith.shrui %bitcast3A_108, %shift_right_logical3A_110 : vector<16xi32>
        %add3A_112 = arith.constant 64 : i32
        %add3A_113 = arith.addi %mul3A_82, %add3A_112 : i32
        %get3A_114 = arith.index_cast %add3A_113 : i32 to index
        %get3A_115 = tpu.vector_load %arg4[%get3A_114] {strides = array<i32>} : memref<16384xf32, #tpu.memory_space<vmem>>, vector<16xf32>,
        %bitcast3A_116 = vector.bitcast %get3A_115 : vector<16xf32> to vector<16xi32>
        %shift_right_logical3A_117 = arith.constant 20 : i32
        %shift_right_logical3A_118 = vector.broadcast %shift_right_logical3A_117 : i32 to vector<16xi32>
        %shift_right_logical3A_119 = arith.shrui %bitcast3A_116, %shift_right_logical3A_118 : vector<16xi32>
        %add3A_120 = arith.constant 80 : i32
        %add3A_121 = arith.addi %mul3A_82, %add3A_120 : i32
        %get3A_122 = arith.index_cast %add3A_121 : i32 to index
        %get3A_123 = tpu.vector_load %arg4[%get3A_122] {strides = array<i32>} : memref<16384xf32, #tpu.memory_space<vmem>>, vector<16xf32>,
        %bitcast3A_124 = vector.bitcast %get3A_123 : vector<16xf32> to vector<16xi32>
        %shift_right_logical3A_125 = arith.constant 20 : i32
        %shift_right_logical3A_126 = vector.broadcast %shift_right_logical3A_125 : i32 to vector<16xi32>
        %shift_right_logical3A_127 = arith.shrui %bitcast3A_124, %shift_right_logical3A_126 : vector<16xi32>
        %add3A_128 = arith.constant 96 : i32
        %add3A_129 = arith.addi %mul3A_82, %add3A_128 : i32
        %get3A_130 = arith.index_cast %add3A_129 : i32 to index
        %get3A_131 = tpu.vector_load %arg4[%get3A_130] {strides = array<i32>} : memref<16384xf32, #tpu.memory_space<vmem>>, vector<16xf32>,
        %bitcast3A_132 = vector.bitcast %get3A_131 : vector<16xf32> to vector<16xi32>
        %shift_right_logical3A_133 = arith.constant 20 : i32
        %shift_right_logical3A_134 = vector.broadcast %shift_right_logical3A_133 : i32 to vector<16xi32>
        %shift_right_logical3A_135 = arith.shrui %bitcast3A_132, %shift_right_logical3A_134 : vector<16xi32>
        %add3A_136 = arith.constant 112 : i32
        %add3A_137 = arith.addi %mul3A_82, %add3A_136 : i32
        %get3A_138 = arith.index_cast %add3A_137 : i32 to index
        %get3A_139 = tpu.vector_load %arg4[%get3A_138] {strides = array<i32>} : memref<16384xf32, #tpu.memory_space<vmem>>, vector<16xf32>,
        %bitcast3A_140 = vector.bitcast %get3A_139 : vector<16xf32> to vector<16xi32>
        %shift_right_logical3A_141 = arith.constant 20 : i32
        %shift_right_logical3A_142 = vector.broadcast %shift_right_logical3A_141 : i32 to vector<16xi32>
        %shift_right_logical3A_143 = arith.shrui %bitcast3A_140, %shift_right_logical3A_142 : vector<16xi32>
        %add3A_144 = arith.constant 128 : i32
        %add3A_145 = arith.addi %mul3A_82, %add3A_144 : i32
        %get3A_146 = arith.index_cast %add3A_145 : i32 to index
        %get3A_147 = tpu.vector_load %arg4[%get3A_146] {strides = array<i32>} : memref<16384xf32, #tpu.memory_space<vmem>>, vector<16xf32>,
        %bitcast3A_148 = vector.bitcast %get3A_147 : vector<16xf32> to vector<16xi32>
        %shift_right_logical3A_149 = arith.constant 20 : i32
        %shift_right_logical3A_150 = vector.broadcast %shift_right_logical3A_149 : i32 to vector<16xi32>
        %shift_right_logical3A_151 = arith.shrui %bitcast3A_148, %shift_right_logical3A_150 : vector<16xi32>
        %add3A_152 = arith.constant 144 : i32
        %add3A_153 = arith.addi %mul3A_82, %add3A_152 : i32
        %get3A_154 = arith.index_cast %add3A_153 : i32 to index
        %get3A_155 = tpu.vector_load %arg4[%get3A_154] {strides = array<i32>} : memref<16384xf32, #tpu.memory_space<vmem>>, vector<16xf32>,
        %bitcast3A_156 = vector.bitcast %get3A_155 : vector<16xf32> to vector<16xi32>
        %shift_right_logical3A_157 = arith.constant 20 : i32
        %shift_right_logical3A_158 = vector.broadcast %shift_right_logical3A_157 : i32 to vector<16xi32>
        %shift_right_logical3A_159 = arith.shrui %bitcast3A_156, %shift_right_logical3A_158 : vector<16xi32>
        %add3A_160 = arith.constant 160 : i32
        %add3A_161 = arith.addi %mul3A_82, %add3A_160 : i32
        %get3A_162 = arith.index_cast %add3A_161 : i32 to index
        %get3A_163 = tpu.vector_load %arg4[%get3A_162] {strides = array<i32>} : memref<16384xf32, #tpu.memory_space<vmem>>, vector<16xf32>,
        %bitcast3A_164 = vector.bitcast %get3A_163 : vector<16xf32> to vector<16xi32>
        %shift_right_logical3A_165 = arith.constant 20 : i32
        %shift_right_logical3A_166 = vector.broadcast %shift_right_logical3A_165 : i32 to vector<16xi32>
        %shift_right_logical3A_167 = arith.shrui %bitcast3A_164, %shift_right_logical3A_166 : vector<16xi32>
        %add3A_168 = arith.constant 176 : i32
        %add3A_169 = arith.addi %mul3A_82, %add3A_168 : i32
        %get3A_170 = arith.index_cast %add3A_169 : i32 to index
        %get3A_171 = tpu.vector_load %arg4[%get3A_170] {strides = array<i32>} : memref<16384xf32, #tpu.memory_space<vmem>>, vector<16xf32>,
        %bitcast3A_172 = vector.bitcast %get3A_171 : vector<16xf32> to vector<16xi32>
        %shift_right_logical3A_173 = arith.constant 20 : i32
        %shift_right_logical3A_174 = vector.broadcast %shift_right_logical3A_173 : i32 to vector<16xi32>
        %shift_right_logical3A_175 = arith.shrui %bitcast3A_172, %shift_right_logical3A_174 : vector<16xi32>
        %add3A_176 = arith.constant 192 : i32
        %add3A_177 = arith.addi %mul3A_82, %add3A_176 : i32
        %get3A_178 = arith.index_cast %add3A_177 : i32 to index
        %get3A_179 = tpu.vector_load %arg4[%get3A_178] {strides = array<i32>} : memref<16384xf32, #tpu.memory_space<vmem>>, vector<16xf32>,
        %bitcast3A_180 = vector.bitcast %get3A_179 : vector<16xf32> to vector<16xi32>
        %shift_right_logical3A_181 = arith.constant 20 : i32
        %shift_right_logical3A_182 = vector.broadcast %shift_right_logical3A_181 : i32 to vector<16xi32>
        %shift_right_logical3A_183 = arith.shrui %bitcast3A_180, %shift_right_logical3A_182 : vector<16xi32>
        %add3A_184 = arith.constant 208 : i32
        %add3A_185 = arith.addi %mul3A_82, %add3A_184 : i32
        %get3A_186 = arith.index_cast %add3A_185 : i32 to index
        %get3A_187 = tpu.vector_load %arg4[%get3A_186] {strides = array<i32>} : memref<16384xf32, #tpu.memory_space<vmem>>, vector<16xf32>,
        %bitcast3A_188 = vector.bitcast %get3A_187 : vector<16xf32> to vector<16xi32>
        %shift_right_logical3A_189 = arith.constant 20 : i32
        %shift_right_logical3A_190 = vector.broadcast %shift_right_logical3A_189 : i32 to vector<16xi32>
        %shift_right_logical3A_191 = arith.shrui %bitcast3A_188, %shift_right_logical3A_190 : vector<16xi32>
        %add3A_192 = arith.constant 224 : i32
        %add3A_193 = arith.addi %mul3A_82, %add3A_192 : i32
        %get3A_194 = arith.index_cast %add3A_193 : i32 to index
        %get3A_195 = tpu.vector_load %arg4[%get3A_194] {strides = array<i32>} : memref<16384xf32, #tpu.memory_space<vmem>>, vector<16xf32>,
        %bitcast3A_196 = vector.bitcast %get3A_195 : vector<16xf32> to vector<16xi32>
        %shift_right_logical3A_197 = arith.constant 20 : i32
        %shift_right_logical3A_198 = vector.broadcast %shift_right_logical3A_197 : i32 to vector<16xi32>
        %shift_right_logical3A_199 = arith.shrui %bitcast3A_196, %shift_right_logical3A_198 : vector<16xi32>
        %add3A_200 = arith.constant 240 : i32
        %add3A_201 = arith.addi %mul3A_82, %add3A_200 : i32
        %get3A_202 = arith.index_cast %add3A_201 : i32 to index
        %get3A_203 = tpu.vector_load %arg4[%get3A_202] {strides = array<i32>} : memref<16384xf32, #tpu.memory_space<vmem>>, vector<16xf32>,
        %bitcast3A_204 = vector.bitcast %get3A_203 : vector<16xf32> to vector<16xi32>
        %shift_right_logical3A_205 = arith.constant 20 : i32
        %shift_right_logical3A_206 = vector.broadcast %shift_right_logical3A_205 : i32 to vector<16xi32>
        %shift_right_logical3A_207 = arith.shrui %bitcast3A_204, %shift_right_logical3A_206 : vector<16xi32>
        tpu.vector_store_idx %arg6[%shift_right_logical3A_87, %iota3A], %broadcast_in_dim3A_15 {add = true} : memref<2048x16xi32, #tpu.memory_space<vmem>>[vector<16xi32>, vector<16xi32>], vector<16xi32>,
        tpu.vector_store_idx %arg6[%shift_right_logical3A_95, %iota3A], %broadcast_in_dim3A_15 {add = true} : memref<2048x16xi32, #tpu.memory_space<vmem>>[vector<16xi32>, vector<16xi32>], vector<16xi32>,
        tpu.vector_store_idx %arg6[%shift_right_logical3A_103, %iota3A], %broadcast_in_dim3A_15 {add = true} : memref<2048x16xi32, #tpu.memory_space<vmem>>[vector<16xi32>, vector<16xi32>], vector<16xi32>,
        tpu.vector_store_idx %arg6[%shift_right_logical3A_111, %iota3A], %broadcast_in_dim3A_15 {add = true} : memref<2048x16xi32, #tpu.memory_space<vmem>>[vector<16xi32>, vector<16xi32>], vector<16xi32>,
        tpu.vector_store_idx %arg6[%shift_right_logical3A_119, %iota3A], %broadcast_in_dim3A_15 {add = true} : memref<2048x16xi32, #tpu.memory_space<vmem>>[vector<16xi32>, vector<16xi32>], vector<16xi32>,
        tpu.vector_store_idx %arg6[%shift_right_logical3A_127, %iota3A], %broadcast_in_dim3A_15 {add = true} : memref<2048x16xi32, #tpu.memory_space<vmem>>[vector<16xi32>, vector<16xi32>], vector<16xi32>,
        tpu.vector_store_idx %arg6[%shift_right_logical3A_135, %iota3A], %broadcast_in_dim3A_15 {add = true} : memref<2048x16xi32, #tpu.memory_space<vmem>>[vector<16xi32>, vector<16xi32>], vector<16xi32>,
        tpu.vector_store_idx %arg6[%shift_right_logical3A_143, %iota3A], %broadcast_in_dim3A_15 {add = true} : memref<2048x16xi32, #tpu.memory_space<vmem>>[vector<16xi32>, vector<16xi32>], vector<16xi32>,
        tpu.vector_store_idx %arg6[%shift_right_logical3A_151, %iota3A], %broadcast_in_dim3A_15 {add = true} : memref<2048x16xi32, #tpu.memory_space<vmem>>[vector<16xi32>, vector<16xi32>], vector<16xi32>,
        tpu.vector_store_idx %arg6[%shift_right_logical3A_159, %iota3A], %broadcast_in_dim3A_15 {add = true} : memref<2048x16xi32, #tpu.memory_space<vmem>>[vector<16xi32>, vector<16xi32>], vector<16xi32>,
        tpu.vector_store_idx %arg6[%shift_right_logical3A_167, %iota3A], %broadcast_in_dim3A_15 {add = true} : memref<2048x16xi32, #tpu.memory_space<vmem>>[vector<16xi32>, vector<16xi32>], vector<16xi32>,
        tpu.vector_store_idx %arg6[%shift_right_logical3A_175, %iota3A], %broadcast_in_dim3A_15 {add = true} : memref<2048x16xi32, #tpu.memory_space<vmem>>[vector<16xi32>, vector<16xi32>], vector<16xi32>,
        tpu.vector_store_idx %arg6[%shift_right_logical3A_183, %iota3A], %broadcast_in_dim3A_15 {add = true} : memref<2048x16xi32, #tpu.memory_space<vmem>>[vector<16xi32>, vector<16xi32>], vector<16xi32>,
        tpu.vector_store_idx %arg6[%shift_right_logical3A_191, %iota3A], %broadcast_in_dim3A_15 {add = true} : memref<2048x16xi32, #tpu.memory_space<vmem>>[vector<16xi32>, vector<16xi32>], vector<16xi32>,
        tpu.vector_store_idx %arg6[%shift_right_logical3A_199, %iota3A], %broadcast_in_dim3A_15 {add = true} : memref<2048x16xi32, #tpu.memory_space<vmem>>[vector<16xi32>, vector<16xi32>], vector<16xi32>,
        tpu.vector_store_idx %arg6[%shift_right_logical3A_207, %iota3A], %broadcast_in_dim3A_15 {add = true} : memref<2048x16xi32, #tpu.memory_space<vmem>>[vector<16xi32>, vector<16xi32>], vector<16xi32>,
      }
      %scan3A_62 = arith.constant 64 : i32
      %add3A_63 = arith.constant 32768 : i32
      %add3A_64 = arith.addi %add3A_55, %add3A_63 : i32
      %dma_start3A_65 = tpu.memref_slice %arg2[%add3A_64] : memref<4194304xf32, #tpu.memory_space<hbm>> -> memref<16384xf32, #tpu.memory_space<hbm>>
      %dma_start3A_66 = tpu.memref_slice %arg2[%add3A_64] : memref<4194304xf32, #tpu.memory_space<hbm>> -> memref<16384xf32, #tpu.memory_space<hbm>>
      tpu.enqueue_dma source(%dma_start3A_66 : memref<16384xf32, #tpu.memory_space<hbm>>) target(%arg4 : memref<16384xf32, #tpu.memory_space<vmem>>) target_semaphore(%arg8 : memref<!tpu.dma_semaphore, #tpu.memory_space<semaphore_mem>>)
      %add3A_67 = arith.constant 16384 : i32
      %add3A_68 = arith.addi %add3A_55, %add3A_67 : i32
      %dma_wait3A_69 = tpu.memref_slice %arg2[%add3A_68] : memref<4194304xf32, #tpu.memory_space<hbm>> -> memref<16384xf32, #tpu.memory_space<hbm>>
      %dma_wait3A_70 = tpu.memref_slice %arg2[%add3A_68] : memref<4194304xf32, #tpu.memory_space<hbm>> -> memref<16384xf32, #tpu.memory_space<hbm>>
      tpu.wait_dma2 semaphore(%arg9 : memref<!tpu.dma_semaphore, #tpu.memory_space<semaphore_mem>>) src(%dma_wait3A_70 : memref<16384xf32, #tpu.memory_space<hbm>>) dst(%arg5 : memref<16384xf32, #tpu.memory_space<vmem>>)
      %scan3A_71 = arith.constant 0 : i32
      %scan3A_72 = arith.constant 64 : i32
      %scan3A_73 = arith.addi %scan3A_71, %scan3A_72 : i32
      %scan3A_74 = arith.constant 1 : i32
      scf.for %scan3A_80 = %scan3A_71 to %scan3A_73 step %scan3A_74  : i32 {
        %mul3A_81 = arith.constant 256 : i32
        %mul3A_82 = arith.muli %scan3A_80, %mul3A_81 : i32
        %add3A_83 = arith.constant 0 : i32
        %add3A_84 = arith.addi %mul3A_82, %add3A_83 : i32
        %get3A = arith.index_cast %add3A_84 : i32 to index
        %get3A_85 = tpu.vector_load %arg5[%get3A] {strides = array<i32>} : memref<16384xf32, #tpu.memory_space<vmem>>, vector<16xf32>,
        %bitcast3A = vector.bitcast %get3A_85 : vector<16xf32> to vector<16xi32>
        %shift_right_logical3A = arith.constant 20 : i32
        %shift_right_logical3A_86 = vector.broadcast %shift_right_logical3A : i32 to vector<16xi32>
        %shift_right_logical3A_87 = arith.shrui %bitcast3A, %shift_right_logical3A_86 : vector<16xi32>
        %add3A_88 = arith.constant 16 : i32
        %add3A_89 = arith.addi %mul3A_82, %add3A_88 : i32
        %get3A_90 = arith.index_cast %add3A_89 : i32 to index
        %get3A_91 = tpu.vector_load %arg5[%get3A_90] {strides = array<i32>} : memref<16384xf32, #tpu.memory_space<vmem>>, vector<16xf32>,
        %bitcast3A_92 = vector.bitcast %get3A_91 : vector<16xf32> to vector<16xi32>
        %shift_right_logical3A_93 = arith.constant 20 : i32
        %shift_right_logical3A_94 = vector.broadcast %shift_right_logical3A_93 : i32 to vector<16xi32>
        %shift_right_logical3A_95 = arith.shrui %bitcast3A_92, %shift_right_logical3A_94 : vector<16xi32>
        %add3A_96 = arith.constant 32 : i32
        %add3A_97 = arith.addi %mul3A_82, %add3A_96 : i32
        %get3A_98 = arith.index_cast %add3A_97 : i32 to index
        %get3A_99 = tpu.vector_load %arg5[%get3A_98] {strides = array<i32>} : memref<16384xf32, #tpu.memory_space<vmem>>, vector<16xf32>,
        %bitcast3A_100 = vector.bitcast %get3A_99 : vector<16xf32> to vector<16xi32>
        %shift_right_logical3A_101 = arith.constant 20 : i32
        %shift_right_logical3A_102 = vector.broadcast %shift_right_logical3A_101 : i32 to vector<16xi32>
        %shift_right_logical3A_103 = arith.shrui %bitcast3A_100, %shift_right_logical3A_102 : vector<16xi32>
        %add3A_104 = arith.constant 48 : i32
        %add3A_105 = arith.addi %mul3A_82, %add3A_104 : i32
        %get3A_106 = arith.index_cast %add3A_105 : i32 to index
        %get3A_107 = tpu.vector_load %arg5[%get3A_106] {strides = array<i32>} : memref<16384xf32, #tpu.memory_space<vmem>>, vector<16xf32>,
        %bitcast3A_108 = vector.bitcast %get3A_107 : vector<16xf32> to vector<16xi32>
        %shift_right_logical3A_109 = arith.constant 20 : i32
        %shift_right_logical3A_110 = vector.broadcast %shift_right_logical3A_109 : i32 to vector<16xi32>
        %shift_right_logical3A_111 = arith.shrui %bitcast3A_108, %shift_right_logical3A_110 : vector<16xi32>
        %add3A_112 = arith.constant 64 : i32
        %add3A_113 = arith.addi %mul3A_82, %add3A_112 : i32
        %get3A_114 = arith.index_cast %add3A_113 : i32 to index
        %get3A_115 = tpu.vector_load %arg5[%get3A_114] {strides = array<i32>} : memref<16384xf32, #tpu.memory_space<vmem>>, vector<16xf32>,
        %bitcast3A_116 = vector.bitcast %get3A_115 : vector<16xf32> to vector<16xi32>
        %shift_right_logical3A_117 = arith.constant 20 : i32
        %shift_right_logical3A_118 = vector.broadcast %shift_right_logical3A_117 : i32 to vector<16xi32>
        %shift_right_logical3A_119 = arith.shrui %bitcast3A_116, %shift_right_logical3A_118 : vector<16xi32>
        %add3A_120 = arith.constant 80 : i32
        %add3A_121 = arith.addi %mul3A_82, %add3A_120 : i32
        %get3A_122 = arith.index_cast %add3A_121 : i32 to index
        %get3A_123 = tpu.vector_load %arg5[%get3A_122] {strides = array<i32>} : memref<16384xf32, #tpu.memory_space<vmem>>, vector<16xf32>,
        %bitcast3A_124 = vector.bitcast %get3A_123 : vector<16xf32> to vector<16xi32>
        %shift_right_logical3A_125 = arith.constant 20 : i32
        %shift_right_logical3A_126 = vector.broadcast %shift_right_logical3A_125 : i32 to vector<16xi32>
        %shift_right_logical3A_127 = arith.shrui %bitcast3A_124, %shift_right_logical3A_126 : vector<16xi32>
        %add3A_128 = arith.constant 96 : i32
        %add3A_129 = arith.addi %mul3A_82, %add3A_128 : i32
        %get3A_130 = arith.index_cast %add3A_129 : i32 to index
        %get3A_131 = tpu.vector_load %arg5[%get3A_130] {strides = array<i32>} : memref<16384xf32, #tpu.memory_space<vmem>>, vector<16xf32>,
        %bitcast3A_132 = vector.bitcast %get3A_131 : vector<16xf32> to vector<16xi32>
        %shift_right_logical3A_133 = arith.constant 20 : i32
        %shift_right_logical3A_134 = vector.broadcast %shift_right_logical3A_133 : i32 to vector<16xi32>
        %shift_right_logical3A_135 = arith.shrui %bitcast3A_132, %shift_right_logical3A_134 : vector<16xi32>
        %add3A_136 = arith.constant 112 : i32
        %add3A_137 = arith.addi %mul3A_82, %add3A_136 : i32
        %get3A_138 = arith.index_cast %add3A_137 : i32 to index
        %get3A_139 = tpu.vector_load %arg5[%get3A_138] {strides = array<i32>} : memref<16384xf32, #tpu.memory_space<vmem>>, vector<16xf32>,
        %bitcast3A_140 = vector.bitcast %get3A_139 : vector<16xf32> to vector<16xi32>
        %shift_right_logical3A_141 = arith.constant 20 : i32
        %shift_right_logical3A_142 = vector.broadcast %shift_right_logical3A_141 : i32 to vector<16xi32>
        %shift_right_logical3A_143 = arith.shrui %bitcast3A_140, %shift_right_logical3A_142 : vector<16xi32>
        %add3A_144 = arith.constant 128 : i32
        %add3A_145 = arith.addi %mul3A_82, %add3A_144 : i32
        %get3A_146 = arith.index_cast %add3A_145 : i32 to index
        %get3A_147 = tpu.vector_load %arg5[%get3A_146] {strides = array<i32>} : memref<16384xf32, #tpu.memory_space<vmem>>, vector<16xf32>,
        %bitcast3A_148 = vector.bitcast %get3A_147 : vector<16xf32> to vector<16xi32>
        %shift_right_logical3A_149 = arith.constant 20 : i32
        %shift_right_logical3A_150 = vector.broadcast %shift_right_logical3A_149 : i32 to vector<16xi32>
        %shift_right_logical3A_151 = arith.shrui %bitcast3A_148, %shift_right_logical3A_150 : vector<16xi32>
        %add3A_152 = arith.constant 144 : i32
        %add3A_153 = arith.addi %mul3A_82, %add3A_152 : i32
        %get3A_154 = arith.index_cast %add3A_153 : i32 to index
        %get3A_155 = tpu.vector_load %arg5[%get3A_154] {strides = array<i32>} : memref<16384xf32, #tpu.memory_space<vmem>>, vector<16xf32>,
        %bitcast3A_156 = vector.bitcast %get3A_155 : vector<16xf32> to vector<16xi32>
        %shift_right_logical3A_157 = arith.constant 20 : i32
        %shift_right_logical3A_158 = vector.broadcast %shift_right_logical3A_157 : i32 to vector<16xi32>
        %shift_right_logical3A_159 = arith.shrui %bitcast3A_156, %shift_right_logical3A_158 : vector<16xi32>
        %add3A_160 = arith.constant 160 : i32
        %add3A_161 = arith.addi %mul3A_82, %add3A_160 : i32
        %get3A_162 = arith.index_cast %add3A_161 : i32 to index
        %get3A_163 = tpu.vector_load %arg5[%get3A_162] {strides = array<i32>} : memref<16384xf32, #tpu.memory_space<vmem>>, vector<16xf32>,
        %bitcast3A_164 = vector.bitcast %get3A_163 : vector<16xf32> to vector<16xi32>
        %shift_right_logical3A_165 = arith.constant 20 : i32
        %shift_right_logical3A_166 = vector.broadcast %shift_right_logical3A_165 : i32 to vector<16xi32>
        %shift_right_logical3A_167 = arith.shrui %bitcast3A_164, %shift_right_logical3A_166 : vector<16xi32>
        %add3A_168 = arith.constant 176 : i32
        %add3A_169 = arith.addi %mul3A_82, %add3A_168 : i32
        %get3A_170 = arith.index_cast %add3A_169 : i32 to index
        %get3A_171 = tpu.vector_load %arg5[%get3A_170] {strides = array<i32>} : memref<16384xf32, #tpu.memory_space<vmem>>, vector<16xf32>,
        %bitcast3A_172 = vector.bitcast %get3A_171 : vector<16xf32> to vector<16xi32>
        %shift_right_logical3A_173 = arith.constant 20 : i32
        %shift_right_logical3A_174 = vector.broadcast %shift_right_logical3A_173 : i32 to vector<16xi32>
        %shift_right_logical3A_175 = arith.shrui %bitcast3A_172, %shift_right_logical3A_174 : vector<16xi32>
        %add3A_176 = arith.constant 192 : i32
        %add3A_177 = arith.addi %mul3A_82, %add3A_176 : i32
        %get3A_178 = arith.index_cast %add3A_177 : i32 to index
        %get3A_179 = tpu.vector_load %arg5[%get3A_178] {strides = array<i32>} : memref<16384xf32, #tpu.memory_space<vmem>>, vector<16xf32>,
        %bitcast3A_180 = vector.bitcast %get3A_179 : vector<16xf32> to vector<16xi32>
        %shift_right_logical3A_181 = arith.constant 20 : i32
        %shift_right_logical3A_182 = vector.broadcast %shift_right_logical3A_181 : i32 to vector<16xi32>
        %shift_right_logical3A_183 = arith.shrui %bitcast3A_180, %shift_right_logical3A_182 : vector<16xi32>
        %add3A_184 = arith.constant 208 : i32
        %add3A_185 = arith.addi %mul3A_82, %add3A_184 : i32
        %get3A_186 = arith.index_cast %add3A_185 : i32 to index
        %get3A_187 = tpu.vector_load %arg5[%get3A_186] {strides = array<i32>} : memref<16384xf32, #tpu.memory_space<vmem>>, vector<16xf32>,
        %bitcast3A_188 = vector.bitcast %get3A_187 : vector<16xf32> to vector<16xi32>
        %shift_right_logical3A_189 = arith.constant 20 : i32
        %shift_right_logical3A_190 = vector.broadcast %shift_right_logical3A_189 : i32 to vector<16xi32>
        %shift_right_logical3A_191 = arith.shrui %bitcast3A_188, %shift_right_logical3A_190 : vector<16xi32>
        %add3A_192 = arith.constant 224 : i32
        %add3A_193 = arith.addi %mul3A_82, %add3A_192 : i32
        %get3A_194 = arith.index_cast %add3A_193 : i32 to index
        %get3A_195 = tpu.vector_load %arg5[%get3A_194] {strides = array<i32>} : memref<16384xf32, #tpu.memory_space<vmem>>, vector<16xf32>,
        %bitcast3A_196 = vector.bitcast %get3A_195 : vector<16xf32> to vector<16xi32>
        %shift_right_logical3A_197 = arith.constant 20 : i32
        %shift_right_logical3A_198 = vector.broadcast %shift_right_logical3A_197 : i32 to vector<16xi32>
        %shift_right_logical3A_199 = arith.shrui %bitcast3A_196, %shift_right_logical3A_198 : vector<16xi32>
        %add3A_200 = arith.constant 240 : i32
        %add3A_201 = arith.addi %mul3A_82, %add3A_200 : i32
        %get3A_202 = arith.index_cast %add3A_201 : i32 to index
        %get3A_203 = tpu.vector_load %arg5[%get3A_202] {strides = array<i32>} : memref<16384xf32, #tpu.memory_space<vmem>>, vector<16xf32>,
        %bitcast3A_204 = vector.bitcast %get3A_203 : vector<16xf32> to vector<16xi32>
        %shift_right_logical3A_205 = arith.constant 20 : i32
        %shift_right_logical3A_206 = vector.broadcast %shift_right_logical3A_205 : i32 to vector<16xi32>
        %shift_right_logical3A_207 = arith.shrui %bitcast3A_204, %shift_right_logical3A_206 : vector<16xi32>
        tpu.vector_store_idx %arg6[%shift_right_logical3A_87, %iota3A], %broadcast_in_dim3A_15 {add = true} : memref<2048x16xi32, #tpu.memory_space<vmem>>[vector<16xi32>, vector<16xi32>], vector<16xi32>,
        tpu.vector_store_idx %arg6[%shift_right_logical3A_95, %iota3A], %broadcast_in_dim3A_15 {add = true} : memref<2048x16xi32, #tpu.memory_space<vmem>>[vector<16xi32>, vector<16xi32>], vector<16xi32>,
        tpu.vector_store_idx %arg6[%shift_right_logical3A_103, %iota3A], %broadcast_in_dim3A_15 {add = true} : memref<2048x16xi32, #tpu.memory_space<vmem>>[vector<16xi32>, vector<16xi32>], vector<16xi32>,
        tpu.vector_store_idx %arg6[%shift_right_logical3A_111, %iota3A], %broadcast_in_dim3A_15 {add = true} : memref<2048x16xi32, #tpu.memory_space<vmem>>[vector<16xi32>, vector<16xi32>], vector<16xi32>,
        tpu.vector_store_idx %arg6[%shift_right_logical3A_119, %iota3A], %broadcast_in_dim3A_15 {add = true} : memref<2048x16xi32, #tpu.memory_space<vmem>>[vector<16xi32>, vector<16xi32>], vector<16xi32>,
        tpu.vector_store_idx %arg6[%shift_right_logical3A_127, %iota3A], %broadcast_in_dim3A_15 {add = true} : memref<2048x16xi32, #tpu.memory_space<vmem>>[vector<16xi32>, vector<16xi32>], vector<16xi32>,
        tpu.vector_store_idx %arg6[%shift_right_logical3A_135, %iota3A], %broadcast_in_dim3A_15 {add = true} : memref<2048x16xi32, #tpu.memory_space<vmem>>[vector<16xi32>, vector<16xi32>], vector<16xi32>,
        tpu.vector_store_idx %arg6[%shift_right_logical3A_143, %iota3A], %broadcast_in_dim3A_15 {add = true} : memref<2048x16xi32, #tpu.memory_space<vmem>>[vector<16xi32>, vector<16xi32>], vector<16xi32>,
        tpu.vector_store_idx %arg6[%shift_right_logical3A_151, %iota3A], %broadcast_in_dim3A_15 {add = true} : memref<2048x16xi32, #tpu.memory_space<vmem>>[vector<16xi32>, vector<16xi32>], vector<16xi32>,
        tpu.vector_store_idx %arg6[%shift_right_logical3A_159, %iota3A], %broadcast_in_dim3A_15 {add = true} : memref<2048x16xi32, #tpu.memory_space<vmem>>[vector<16xi32>, vector<16xi32>], vector<16xi32>,
        tpu.vector_store_idx %arg6[%shift_right_logical3A_167, %iota3A], %broadcast_in_dim3A_15 {add = true} : memref<2048x16xi32, #tpu.memory_space<vmem>>[vector<16xi32>, vector<16xi32>], vector<16xi32>,
        tpu.vector_store_idx %arg6[%shift_right_logical3A_175, %iota3A], %broadcast_in_dim3A_15 {add = true} : memref<2048x16xi32, #tpu.memory_space<vmem>>[vector<16xi32>, vector<16xi32>], vector<16xi32>,
        tpu.vector_store_idx %arg6[%shift_right_logical3A_183, %iota3A], %broadcast_in_dim3A_15 {add = true} : memref<2048x16xi32, #tpu.memory_space<vmem>>[vector<16xi32>, vector<16xi32>], vector<16xi32>,
        tpu.vector_store_idx %arg6[%shift_right_logical3A_191, %iota3A], %broadcast_in_dim3A_15 {add = true} : memref<2048x16xi32, #tpu.memory_space<vmem>>[vector<16xi32>, vector<16xi32>], vector<16xi32>,
        tpu.vector_store_idx %arg6[%shift_right_logical3A_199, %iota3A], %broadcast_in_dim3A_15 {add = true} : memref<2048x16xi32, #tpu.memory_space<vmem>>[vector<16xi32>, vector<16xi32>], vector<16xi32>,
        tpu.vector_store_idx %arg6[%shift_right_logical3A_207, %iota3A], %broadcast_in_dim3A_15 {add = true} : memref<2048x16xi32, #tpu.memory_space<vmem>>[vector<16xi32>, vector<16xi32>], vector<16xi32>,
      }
      %scan3A_75 = arith.constant 64 : i32
      %add3A_76 = arith.constant 49152 : i32
      %add3A_77 = arith.addi %add3A_55, %add3A_76 : i32
      %dma_start3A_78 = tpu.memref_slice %arg2[%add3A_77] : memref<4194304xf32, #tpu.memory_space<hbm>> -> memref<16384xf32, #tpu.memory_space<hbm>>
      %dma_start3A_79 = tpu.memref_slice %arg2[%add3A_77] : memref<4194304xf32, #tpu.memory_space<hbm>> -> memref<16384xf32, #tpu.memory_space<hbm>>
      tpu.enqueue_dma source(%dma_start3A_79 : memref<16384xf32, #tpu.memory_space<hbm>>) target(%arg5 : memref<16384xf32, #tpu.memory_space<vmem>>) target_semaphore(%arg9 : memref<!tpu.dma_semaphore, #tpu.memory_space<semaphore_mem>>)
    }
    %scan3A_23 = arith.constant 3 : i32
    %add3A_24 = arith.constant 98304 : i32
    %add3A_25 = arith.addi %mul3A_17, %add3A_24 : i32
    %dma_wait3A = tpu.memref_slice %arg2[%add3A_25] : memref<4194304xf32, #tpu.memory_space<hbm>> -> memref<16384xf32, #tpu.memory_space<hbm>>
    %dma_wait3A_26 = tpu.memref_slice %arg2[%add3A_25] : memref<4194304xf32, #tpu.memory_space<hbm>> -> memref<16384xf32, #tpu.memory_space<hbm>>
    tpu.wait_dma2 semaphore(%arg8 : memref<!tpu.dma_semaphore, #tpu.memory_space<semaphore_mem>>) src(%dma_wait3A_26 : memref<16384xf32, #tpu.memory_space<hbm>>) dst(%arg4 : memref<16384xf32, #tpu.memory_space<vmem>>)
    %scan3A_27 = arith.constant 0 : i32
    %scan3A_28 = arith.constant 0 : i32
    %scan3A_29 = arith.constant 64 : i32
    %scan3A_30 = arith.addi %scan3A_28, %scan3A_29 : i32
    %scan3A_31 = arith.constant 1 : i32
    scf.for %scan3A_50 = %scan3A_28 to %scan3A_30 step %scan3A_31  : i32 {
      %mul3A_51 = arith.constant 256 : i32
      %mul3A_52 = arith.muli %scan3A_50, %mul3A_51 : i32
      %add3A_53 = arith.constant 0 : i32
      %add3A_54 = arith.addi %mul3A_52, %add3A_53 : i32
      %get3A = arith.index_cast %add3A_54 : i32 to index
      %get3A_55 = tpu.vector_load %arg4[%get3A] {strides = array<i32>} : memref<16384xf32, #tpu.memory_space<vmem>>, vector<16xf32>,
      %bitcast3A = vector.bitcast %get3A_55 : vector<16xf32> to vector<16xi32>
      %shift_right_logical3A = arith.constant 20 : i32
      %shift_right_logical3A_56 = vector.broadcast %shift_right_logical3A : i32 to vector<16xi32>
      %shift_right_logical3A_57 = arith.shrui %bitcast3A, %shift_right_logical3A_56 : vector<16xi32>
      %add3A_58 = arith.constant 16 : i32
      %add3A_59 = arith.addi %mul3A_52, %add3A_58 : i32
      %get3A_60 = arith.index_cast %add3A_59 : i32 to index
      %get3A_61 = tpu.vector_load %arg4[%get3A_60] {strides = array<i32>} : memref<16384xf32, #tpu.memory_space<vmem>>, vector<16xf32>,
      %bitcast3A_62 = vector.bitcast %get3A_61 : vector<16xf32> to vector<16xi32>
      %shift_right_logical3A_63 = arith.constant 20 : i32
      %shift_right_logical3A_64 = vector.broadcast %shift_right_logical3A_63 : i32 to vector<16xi32>
      %shift_right_logical3A_65 = arith.shrui %bitcast3A_62, %shift_right_logical3A_64 : vector<16xi32>
      %add3A_66 = arith.constant 32 : i32
      %add3A_67 = arith.addi %mul3A_52, %add3A_66 : i32
      %get3A_68 = arith.index_cast %add3A_67 : i32 to index
      %get3A_69 = tpu.vector_load %arg4[%get3A_68] {strides = array<i32>} : memref<16384xf32, #tpu.memory_space<vmem>>, vector<16xf32>,
      %bitcast3A_70 = vector.bitcast %get3A_69 : vector<16xf32> to vector<16xi32>
      %shift_right_logical3A_71 = arith.constant 20 : i32
      %shift_right_logical3A_72 = vector.broadcast %shift_right_logical3A_71 : i32 to vector<16xi32>
      %shift_right_logical3A_73 = arith.shrui %bitcast3A_70, %shift_right_logical3A_72 : vector<16xi32>
      %add3A_74 = arith.constant 48 : i32
      %add3A_75 = arith.addi %mul3A_52, %add3A_74 : i32
      %get3A_76 = arith.index_cast %add3A_75 : i32 to index
      %get3A_77 = tpu.vector_load %arg4[%get3A_76] {strides = array<i32>} : memref<16384xf32, #tpu.memory_space<vmem>>, vector<16xf32>,
      %bitcast3A_78 = vector.bitcast %get3A_77 : vector<16xf32> to vector<16xi32>
      %shift_right_logical3A_79 = arith.constant 20 : i32
      %shift_right_logical3A_80 = vector.broadcast %shift_right_logical3A_79 : i32 to vector<16xi32>
      %shift_right_logical3A_81 = arith.shrui %bitcast3A_78, %shift_right_logical3A_80 : vector<16xi32>
      %add3A_82 = arith.constant 64 : i32
      %add3A_83 = arith.addi %mul3A_52, %add3A_82 : i32
      %get3A_84 = arith.index_cast %add3A_83 : i32 to index
      %get3A_85 = tpu.vector_load %arg4[%get3A_84] {strides = array<i32>} : memref<16384xf32, #tpu.memory_space<vmem>>, vector<16xf32>,
      %bitcast3A_86 = vector.bitcast %get3A_85 : vector<16xf32> to vector<16xi32>
      %shift_right_logical3A_87 = arith.constant 20 : i32
      %shift_right_logical3A_88 = vector.broadcast %shift_right_logical3A_87 : i32 to vector<16xi32>
      %shift_right_logical3A_89 = arith.shrui %bitcast3A_86, %shift_right_logical3A_88 : vector<16xi32>
      %add3A_90 = arith.constant 80 : i32
      %add3A_91 = arith.addi %mul3A_52, %add3A_90 : i32
      %get3A_92 = arith.index_cast %add3A_91 : i32 to index
      %get3A_93 = tpu.vector_load %arg4[%get3A_92] {strides = array<i32>} : memref<16384xf32, #tpu.memory_space<vmem>>, vector<16xf32>,
      %bitcast3A_94 = vector.bitcast %get3A_93 : vector<16xf32> to vector<16xi32>
      %shift_right_logical3A_95 = arith.constant 20 : i32
      %shift_right_logical3A_96 = vector.broadcast %shift_right_logical3A_95 : i32 to vector<16xi32>
      %shift_right_logical3A_97 = arith.shrui %bitcast3A_94, %shift_right_logical3A_96 : vector<16xi32>
      %add3A_98 = arith.constant 96 : i32
      %add3A_99 = arith.addi %mul3A_52, %add3A_98 : i32
      %get3A_100 = arith.index_cast %add3A_99 : i32 to index
      %get3A_101 = tpu.vector_load %arg4[%get3A_100] {strides = array<i32>} : memref<16384xf32, #tpu.memory_space<vmem>>, vector<16xf32>,
      %bitcast3A_102 = vector.bitcast %get3A_101 : vector<16xf32> to vector<16xi32>
      %shift_right_logical3A_103 = arith.constant 20 : i32
      %shift_right_logical3A_104 = vector.broadcast %shift_right_logical3A_103 : i32 to vector<16xi32>
      %shift_right_logical3A_105 = arith.shrui %bitcast3A_102, %shift_right_logical3A_104 : vector<16xi32>
      %add3A_106 = arith.constant 112 : i32
      %add3A_107 = arith.addi %mul3A_52, %add3A_106 : i32
      %get3A_108 = arith.index_cast %add3A_107 : i32 to index
      %get3A_109 = tpu.vector_load %arg4[%get3A_108] {strides = array<i32>} : memref<16384xf32, #tpu.memory_space<vmem>>, vector<16xf32>,
      %bitcast3A_110 = vector.bitcast %get3A_109 : vector<16xf32> to vector<16xi32>
      %shift_right_logical3A_111 = arith.constant 20 : i32
      %shift_right_logical3A_112 = vector.broadcast %shift_right_logical3A_111 : i32 to vector<16xi32>
      %shift_right_logical3A_113 = arith.shrui %bitcast3A_110, %shift_right_logical3A_112 : vector<16xi32>
      %add3A_114 = arith.constant 128 : i32
      %add3A_115 = arith.addi %mul3A_52, %add3A_114 : i32
      %get3A_116 = arith.index_cast %add3A_115 : i32 to index
      %get3A_117 = tpu.vector_load %arg4[%get3A_116] {strides = array<i32>} : memref<16384xf32, #tpu.memory_space<vmem>>, vector<16xf32>,
      %bitcast3A_118 = vector.bitcast %get3A_117 : vector<16xf32> to vector<16xi32>
      %shift_right_logical3A_119 = arith.constant 20 : i32
      %shift_right_logical3A_120 = vector.broadcast %shift_right_logical3A_119 : i32 to vector<16xi32>
      %shift_right_logical3A_121 = arith.shrui %bitcast3A_118, %shift_right_logical3A_120 : vector<16xi32>
      %add3A_122 = arith.constant 144 : i32
      %add3A_123 = arith.addi %mul3A_52, %add3A_122 : i32
      %get3A_124 = arith.index_cast %add3A_123 : i32 to index
      %get3A_125 = tpu.vector_load %arg4[%get3A_124] {strides = array<i32>} : memref<16384xf32, #tpu.memory_space<vmem>>, vector<16xf32>,
      %bitcast3A_126 = vector.bitcast %get3A_125 : vector<16xf32> to vector<16xi32>
      %shift_right_logical3A_127 = arith.constant 20 : i32
      %shift_right_logical3A_128 = vector.broadcast %shift_right_logical3A_127 : i32 to vector<16xi32>
      %shift_right_logical3A_129 = arith.shrui %bitcast3A_126, %shift_right_logical3A_128 : vector<16xi32>
      %add3A_130 = arith.constant 160 : i32
      %add3A_131 = arith.addi %mul3A_52, %add3A_130 : i32
      %get3A_132 = arith.index_cast %add3A_131 : i32 to index
      %get3A_133 = tpu.vector_load %arg4[%get3A_132] {strides = array<i32>} : memref<16384xf32, #tpu.memory_space<vmem>>, vector<16xf32>,
      %bitcast3A_134 = vector.bitcast %get3A_133 : vector<16xf32> to vector<16xi32>
      %shift_right_logical3A_135 = arith.constant 20 : i32
      %shift_right_logical3A_136 = vector.broadcast %shift_right_logical3A_135 : i32 to vector<16xi32>
      %shift_right_logical3A_137 = arith.shrui %bitcast3A_134, %shift_right_logical3A_136 : vector<16xi32>
      %add3A_138 = arith.constant 176 : i32
      %add3A_139 = arith.addi %mul3A_52, %add3A_138 : i32
      %get3A_140 = arith.index_cast %add3A_139 : i32 to index
      %get3A_141 = tpu.vector_load %arg4[%get3A_140] {strides = array<i32>} : memref<16384xf32, #tpu.memory_space<vmem>>, vector<16xf32>,
      %bitcast3A_142 = vector.bitcast %get3A_141 : vector<16xf32> to vector<16xi32>
      %shift_right_logical3A_143 = arith.constant 20 : i32
      %shift_right_logical3A_144 = vector.broadcast %shift_right_logical3A_143 : i32 to vector<16xi32>
      %shift_right_logical3A_145 = arith.shrui %bitcast3A_142, %shift_right_logical3A_144 : vector<16xi32>
      %add3A_146 = arith.constant 192 : i32
      %add3A_147 = arith.addi %mul3A_52, %add3A_146 : i32
      %get3A_148 = arith.index_cast %add3A_147 : i32 to index
      %get3A_149 = tpu.vector_load %arg4[%get3A_148] {strides = array<i32>} : memref<16384xf32, #tpu.memory_space<vmem>>, vector<16xf32>,
      %bitcast3A_150 = vector.bitcast %get3A_149 : vector<16xf32> to vector<16xi32>
      %shift_right_logical3A_151 = arith.constant 20 : i32
      %shift_right_logical3A_152 = vector.broadcast %shift_right_logical3A_151 : i32 to vector<16xi32>
      %shift_right_logical3A_153 = arith.shrui %bitcast3A_150, %shift_right_logical3A_152 : vector<16xi32>
      %add3A_154 = arith.constant 208 : i32
      %add3A_155 = arith.addi %mul3A_52, %add3A_154 : i32
      %get3A_156 = arith.index_cast %add3A_155 : i32 to index
      %get3A_157 = tpu.vector_load %arg4[%get3A_156] {strides = array<i32>} : memref<16384xf32, #tpu.memory_space<vmem>>, vector<16xf32>,
      %bitcast3A_158 = vector.bitcast %get3A_157 : vector<16xf32> to vector<16xi32>
      %shift_right_logical3A_159 = arith.constant 20 : i32
      %shift_right_logical3A_160 = vector.broadcast %shift_right_logical3A_159 : i32 to vector<16xi32>
      %shift_right_logical3A_161 = arith.shrui %bitcast3A_158, %shift_right_logical3A_160 : vector<16xi32>
      %add3A_162 = arith.constant 224 : i32
      %add3A_163 = arith.addi %mul3A_52, %add3A_162 : i32
      %get3A_164 = arith.index_cast %add3A_163 : i32 to index
      %get3A_165 = tpu.vector_load %arg4[%get3A_164] {strides = array<i32>} : memref<16384xf32, #tpu.memory_space<vmem>>, vector<16xf32>,
      %bitcast3A_166 = vector.bitcast %get3A_165 : vector<16xf32> to vector<16xi32>
      %shift_right_logical3A_167 = arith.constant 20 : i32
      %shift_right_logical3A_168 = vector.broadcast %shift_right_logical3A_167 : i32 to vector<16xi32>
      %shift_right_logical3A_169 = arith.shrui %bitcast3A_166, %shift_right_logical3A_168 : vector<16xi32>
      %add3A_170 = arith.constant 240 : i32
      %add3A_171 = arith.addi %mul3A_52, %add3A_170 : i32
      %get3A_172 = arith.index_cast %add3A_171 : i32 to index
      %get3A_173 = tpu.vector_load %arg4[%get3A_172] {strides = array<i32>} : memref<16384xf32, #tpu.memory_space<vmem>>, vector<16xf32>,
      %bitcast3A_174 = vector.bitcast %get3A_173 : vector<16xf32> to vector<16xi32>
      %shift_right_logical3A_175 = arith.constant 20 : i32
      %shift_right_logical3A_176 = vector.broadcast %shift_right_logical3A_175 : i32 to vector<16xi32>
      %shift_right_logical3A_177 = arith.shrui %bitcast3A_174, %shift_right_logical3A_176 : vector<16xi32>
      tpu.vector_store_idx %arg6[%shift_right_logical3A_57, %iota3A], %broadcast_in_dim3A_15 {add = true} : memref<2048x16xi32, #tpu.memory_space<vmem>>[vector<16xi32>, vector<16xi32>], vector<16xi32>,
      tpu.vector_store_idx %arg6[%shift_right_logical3A_65, %iota3A], %broadcast_in_dim3A_15 {add = true} : memref<2048x16xi32, #tpu.memory_space<vmem>>[vector<16xi32>, vector<16xi32>], vector<16xi32>,
      tpu.vector_store_idx %arg6[%shift_right_logical3A_73, %iota3A], %broadcast_in_dim3A_15 {add = true} : memref<2048x16xi32, #tpu.memory_space<vmem>>[vector<16xi32>, vector<16xi32>], vector<16xi32>,
      tpu.vector_store_idx %arg6[%shift_right_logical3A_81, %iota3A], %broadcast_in_dim3A_15 {add = true} : memref<2048x16xi32, #tpu.memory_space<vmem>>[vector<16xi32>, vector<16xi32>], vector<16xi32>,
      tpu.vector_store_idx %arg6[%shift_right_logical3A_89, %iota3A], %broadcast_in_dim3A_15 {add = true} : memref<2048x16xi32, #tpu.memory_space<vmem>>[vector<16xi32>, vector<16xi32>], vector<16xi32>,
      tpu.vector_store_idx %arg6[%shift_right_logical3A_97, %iota3A], %broadcast_in_dim3A_15 {add = true} : memref<2048x16xi32, #tpu.memory_space<vmem>>[vector<16xi32>, vector<16xi32>], vector<16xi32>,
      tpu.vector_store_idx %arg6[%shift_right_logical3A_105, %iota3A], %broadcast_in_dim3A_15 {add = true} : memref<2048x16xi32, #tpu.memory_space<vmem>>[vector<16xi32>, vector<16xi32>], vector<16xi32>,
      tpu.vector_store_idx %arg6[%shift_right_logical3A_113, %iota3A], %broadcast_in_dim3A_15 {add = true} : memref<2048x16xi32, #tpu.memory_space<vmem>>[vector<16xi32>, vector<16xi32>], vector<16xi32>,
      tpu.vector_store_idx %arg6[%shift_right_logical3A_121, %iota3A], %broadcast_in_dim3A_15 {add = true} : memref<2048x16xi32, #tpu.memory_space<vmem>>[vector<16xi32>, vector<16xi32>], vector<16xi32>,
      tpu.vector_store_idx %arg6[%shift_right_logical3A_129, %iota3A], %broadcast_in_dim3A_15 {add = true} : memref<2048x16xi32, #tpu.memory_space<vmem>>[vector<16xi32>, vector<16xi32>], vector<16xi32>,
      tpu.vector_store_idx %arg6[%shift_right_logical3A_137, %iota3A], %broadcast_in_dim3A_15 {add = true} : memref<2048x16xi32, #tpu.memory_space<vmem>>[vector<16xi32>, vector<16xi32>], vector<16xi32>,
      tpu.vector_store_idx %arg6[%shift_right_logical3A_145, %iota3A], %broadcast_in_dim3A_15 {add = true} : memref<2048x16xi32, #tpu.memory_space<vmem>>[vector<16xi32>, vector<16xi32>], vector<16xi32>,
      tpu.vector_store_idx %arg6[%shift_right_logical3A_153, %iota3A], %broadcast_in_dim3A_15 {add = true} : memref<2048x16xi32, #tpu.memory_space<vmem>>[vector<16xi32>, vector<16xi32>], vector<16xi32>,
      tpu.vector_store_idx %arg6[%shift_right_logical3A_161, %iota3A], %broadcast_in_dim3A_15 {add = true} : memref<2048x16xi32, #tpu.memory_space<vmem>>[vector<16xi32>, vector<16xi32>], vector<16xi32>,
      tpu.vector_store_idx %arg6[%shift_right_logical3A_169, %iota3A], %broadcast_in_dim3A_15 {add = true} : memref<2048x16xi32, #tpu.memory_space<vmem>>[vector<16xi32>, vector<16xi32>], vector<16xi32>,
      tpu.vector_store_idx %arg6[%shift_right_logical3A_177, %iota3A], %broadcast_in_dim3A_15 {add = true} : memref<2048x16xi32, #tpu.memory_space<vmem>>[vector<16xi32>, vector<16xi32>], vector<16xi32>,
    }
    %scan3A_32 = arith.constant 64 : i32
    %add3A_33 = arith.constant 16384 : i32
    %add3A_34 = arith.addi %add3A_25, %add3A_33 : i32
    %dma_wait3A_35 = tpu.memref_slice %arg2[%add3A_34] : memref<4194304xf32, #tpu.memory_space<hbm>> -> memref<16384xf32, #tpu.memory_space<hbm>>
    %dma_wait3A_36 = tpu.memref_slice %arg2[%add3A_34] : memref<4194304xf32, #tpu.memory_space<hbm>> -> memref<16384xf32, #tpu.memory_space<hbm>>
    tpu.wait_dma2 semaphore(%arg9 : memref<!tpu.dma_semaphore, #tpu.memory_space<semaphore_mem>>) src(%dma_wait3A_36 : memref<16384xf32, #tpu.memory_space<hbm>>) dst(%arg5 : memref<16384xf32, #tpu.memory_space<vmem>>)
    %scan3A_37 = arith.constant 0 : i32
    %scan3A_38 = arith.constant 0 : i32
    %scan3A_39 = arith.constant 64 : i32
    %scan3A_40 = arith.addi %scan3A_38, %scan3A_39 : i32
    %scan3A_41 = arith.constant 1 : i32
    scf.for %scan3A_50 = %scan3A_38 to %scan3A_40 step %scan3A_41  : i32 {
      %mul3A_51 = arith.constant 256 : i32
      %mul3A_52 = arith.muli %scan3A_50, %mul3A_51 : i32
      %add3A_53 = arith.constant 0 : i32
      %add3A_54 = arith.addi %mul3A_52, %add3A_53 : i32
      %get3A = arith.index_cast %add3A_54 : i32 to index
      %get3A_55 = tpu.vector_load %arg5[%get3A] {strides = array<i32>} : memref<16384xf32, #tpu.memory_space<vmem>>, vector<16xf32>,
      %bitcast3A = vector.bitcast %get3A_55 : vector<16xf32> to vector<16xi32>
      %shift_right_logical3A = arith.constant 20 : i32
      %shift_right_logical3A_56 = vector.broadcast %shift_right_logical3A : i32 to vector<16xi32>
      %shift_right_logical3A_57 = arith.shrui %bitcast3A, %shift_right_logical3A_56 : vector<16xi32>
      %add3A_58 = arith.constant 16 : i32
      %add3A_59 = arith.addi %mul3A_52, %add3A_58 : i32
      %get3A_60 = arith.index_cast %add3A_59 : i32 to index
      %get3A_61 = tpu.vector_load %arg5[%get3A_60] {strides = array<i32>} : memref<16384xf32, #tpu.memory_space<vmem>>, vector<16xf32>,
      %bitcast3A_62 = vector.bitcast %get3A_61 : vector<16xf32> to vector<16xi32>
      %shift_right_logical3A_63 = arith.constant 20 : i32
      %shift_right_logical3A_64 = vector.broadcast %shift_right_logical3A_63 : i32 to vector<16xi32>
      %shift_right_logical3A_65 = arith.shrui %bitcast3A_62, %shift_right_logical3A_64 : vector<16xi32>
      %add3A_66 = arith.constant 32 : i32
      %add3A_67 = arith.addi %mul3A_52, %add3A_66 : i32
      %get3A_68 = arith.index_cast %add3A_67 : i32 to index
      %get3A_69 = tpu.vector_load %arg5[%get3A_68] {strides = array<i32>} : memref<16384xf32, #tpu.memory_space<vmem>>, vector<16xf32>,
      %bitcast3A_70 = vector.bitcast %get3A_69 : vector<16xf32> to vector<16xi32>
      %shift_right_logical3A_71 = arith.constant 20 : i32
      %shift_right_logical3A_72 = vector.broadcast %shift_right_logical3A_71 : i32 to vector<16xi32>
      %shift_right_logical3A_73 = arith.shrui %bitcast3A_70, %shift_right_logical3A_72 : vector<16xi32>
      %add3A_74 = arith.constant 48 : i32
      %add3A_75 = arith.addi %mul3A_52, %add3A_74 : i32
      %get3A_76 = arith.index_cast %add3A_75 : i32 to index
      %get3A_77 = tpu.vector_load %arg5[%get3A_76] {strides = array<i32>} : memref<16384xf32, #tpu.memory_space<vmem>>, vector<16xf32>,
      %bitcast3A_78 = vector.bitcast %get3A_77 : vector<16xf32> to vector<16xi32>
      %shift_right_logical3A_79 = arith.constant 20 : i32
      %shift_right_logical3A_80 = vector.broadcast %shift_right_logical3A_79 : i32 to vector<16xi32>
      %shift_right_logical3A_81 = arith.shrui %bitcast3A_78, %shift_right_logical3A_80 : vector<16xi32>
      %add3A_82 = arith.constant 64 : i32
      %add3A_83 = arith.addi %mul3A_52, %add3A_82 : i32
      %get3A_84 = arith.index_cast %add3A_83 : i32 to index
      %get3A_85 = tpu.vector_load %arg5[%get3A_84] {strides = array<i32>} : memref<16384xf32, #tpu.memory_space<vmem>>, vector<16xf32>,
      %bitcast3A_86 = vector.bitcast %get3A_85 : vector<16xf32> to vector<16xi32>
      %shift_right_logical3A_87 = arith.constant 20 : i32
      %shift_right_logical3A_88 = vector.broadcast %shift_right_logical3A_87 : i32 to vector<16xi32>
      %shift_right_logical3A_89 = arith.shrui %bitcast3A_86, %shift_right_logical3A_88 : vector<16xi32>
      %add3A_90 = arith.constant 80 : i32
      %add3A_91 = arith.addi %mul3A_52, %add3A_90 : i32
      %get3A_92 = arith.index_cast %add3A_91 : i32 to index
      %get3A_93 = tpu.vector_load %arg5[%get3A_92] {strides = array<i32>} : memref<16384xf32, #tpu.memory_space<vmem>>, vector<16xf32>,
      %bitcast3A_94 = vector.bitcast %get3A_93 : vector<16xf32> to vector<16xi32>
      %shift_right_logical3A_95 = arith.constant 20 : i32
      %shift_right_logical3A_96 = vector.broadcast %shift_right_logical3A_95 : i32 to vector<16xi32>
      %shift_right_logical3A_97 = arith.shrui %bitcast3A_94, %shift_right_logical3A_96 : vector<16xi32>
      %add3A_98 = arith.constant 96 : i32
      %add3A_99 = arith.addi %mul3A_52, %add3A_98 : i32
      %get3A_100 = arith.index_cast %add3A_99 : i32 to index
      %get3A_101 = tpu.vector_load %arg5[%get3A_100] {strides = array<i32>} : memref<16384xf32, #tpu.memory_space<vmem>>, vector<16xf32>,
      %bitcast3A_102 = vector.bitcast %get3A_101 : vector<16xf32> to vector<16xi32>
      %shift_right_logical3A_103 = arith.constant 20 : i32
      %shift_right_logical3A_104 = vector.broadcast %shift_right_logical3A_103 : i32 to vector<16xi32>
      %shift_right_logical3A_105 = arith.shrui %bitcast3A_102, %shift_right_logical3A_104 : vector<16xi32>
      %add3A_106 = arith.constant 112 : i32
      %add3A_107 = arith.addi %mul3A_52, %add3A_106 : i32
      %get3A_108 = arith.index_cast %add3A_107 : i32 to index
      %get3A_109 = tpu.vector_load %arg5[%get3A_108] {strides = array<i32>} : memref<16384xf32, #tpu.memory_space<vmem>>, vector<16xf32>,
      %bitcast3A_110 = vector.bitcast %get3A_109 : vector<16xf32> to vector<16xi32>
      %shift_right_logical3A_111 = arith.constant 20 : i32
      %shift_right_logical3A_112 = vector.broadcast %shift_right_logical3A_111 : i32 to vector<16xi32>
      %shift_right_logical3A_113 = arith.shrui %bitcast3A_110, %shift_right_logical3A_112 : vector<16xi32>
      %add3A_114 = arith.constant 128 : i32
      %add3A_115 = arith.addi %mul3A_52, %add3A_114 : i32
      %get3A_116 = arith.index_cast %add3A_115 : i32 to index
      %get3A_117 = tpu.vector_load %arg5[%get3A_116] {strides = array<i32>} : memref<16384xf32, #tpu.memory_space<vmem>>, vector<16xf32>,
      %bitcast3A_118 = vector.bitcast %get3A_117 : vector<16xf32> to vector<16xi32>
      %shift_right_logical3A_119 = arith.constant 20 : i32
      %shift_right_logical3A_120 = vector.broadcast %shift_right_logical3A_119 : i32 to vector<16xi32>
      %shift_right_logical3A_121 = arith.shrui %bitcast3A_118, %shift_right_logical3A_120 : vector<16xi32>
      %add3A_122 = arith.constant 144 : i32
      %add3A_123 = arith.addi %mul3A_52, %add3A_122 : i32
      %get3A_124 = arith.index_cast %add3A_123 : i32 to index
      %get3A_125 = tpu.vector_load %arg5[%get3A_124] {strides = array<i32>} : memref<16384xf32, #tpu.memory_space<vmem>>, vector<16xf32>,
      %bitcast3A_126 = vector.bitcast %get3A_125 : vector<16xf32> to vector<16xi32>
      %shift_right_logical3A_127 = arith.constant 20 : i32
      %shift_right_logical3A_128 = vector.broadcast %shift_right_logical3A_127 : i32 to vector<16xi32>
      %shift_right_logical3A_129 = arith.shrui %bitcast3A_126, %shift_right_logical3A_128 : vector<16xi32>
      %add3A_130 = arith.constant 160 : i32
      %add3A_131 = arith.addi %mul3A_52, %add3A_130 : i32
      %get3A_132 = arith.index_cast %add3A_131 : i32 to index
      %get3A_133 = tpu.vector_load %arg5[%get3A_132] {strides = array<i32>} : memref<16384xf32, #tpu.memory_space<vmem>>, vector<16xf32>,
      %bitcast3A_134 = vector.bitcast %get3A_133 : vector<16xf32> to vector<16xi32>
      %shift_right_logical3A_135 = arith.constant 20 : i32
      %shift_right_logical3A_136 = vector.broadcast %shift_right_logical3A_135 : i32 to vector<16xi32>
      %shift_right_logical3A_137 = arith.shrui %bitcast3A_134, %shift_right_logical3A_136 : vector<16xi32>
      %add3A_138 = arith.constant 176 : i32
      %add3A_139 = arith.addi %mul3A_52, %add3A_138 : i32
      %get3A_140 = arith.index_cast %add3A_139 : i32 to index
      %get3A_141 = tpu.vector_load %arg5[%get3A_140] {strides = array<i32>} : memref<16384xf32, #tpu.memory_space<vmem>>, vector<16xf32>,
      %bitcast3A_142 = vector.bitcast %get3A_141 : vector<16xf32> to vector<16xi32>
      %shift_right_logical3A_143 = arith.constant 20 : i32
      %shift_right_logical3A_144 = vector.broadcast %shift_right_logical3A_143 : i32 to vector<16xi32>
      %shift_right_logical3A_145 = arith.shrui %bitcast3A_142, %shift_right_logical3A_144 : vector<16xi32>
      %add3A_146 = arith.constant 192 : i32
      %add3A_147 = arith.addi %mul3A_52, %add3A_146 : i32
      %get3A_148 = arith.index_cast %add3A_147 : i32 to index
      %get3A_149 = tpu.vector_load %arg5[%get3A_148] {strides = array<i32>} : memref<16384xf32, #tpu.memory_space<vmem>>, vector<16xf32>,
      %bitcast3A_150 = vector.bitcast %get3A_149 : vector<16xf32> to vector<16xi32>
      %shift_right_logical3A_151 = arith.constant 20 : i32
      %shift_right_logical3A_152 = vector.broadcast %shift_right_logical3A_151 : i32 to vector<16xi32>
      %shift_right_logical3A_153 = arith.shrui %bitcast3A_150, %shift_right_logical3A_152 : vector<16xi32>
      %add3A_154 = arith.constant 208 : i32
      %add3A_155 = arith.addi %mul3A_52, %add3A_154 : i32
      %get3A_156 = arith.index_cast %add3A_155 : i32 to index
      %get3A_157 = tpu.vector_load %arg5[%get3A_156] {strides = array<i32>} : memref<16384xf32, #tpu.memory_space<vmem>>, vector<16xf32>,
      %bitcast3A_158 = vector.bitcast %get3A_157 : vector<16xf32> to vector<16xi32>
      %shift_right_logical3A_159 = arith.constant 20 : i32
      %shift_right_logical3A_160 = vector.broadcast %shift_right_logical3A_159 : i32 to vector<16xi32>
      %shift_right_logical3A_161 = arith.shrui %bitcast3A_158, %shift_right_logical3A_160 : vector<16xi32>
      %add3A_162 = arith.constant 224 : i32
      %add3A_163 = arith.addi %mul3A_52, %add3A_162 : i32
      %get3A_164 = arith.index_cast %add3A_163 : i32 to index
      %get3A_165 = tpu.vector_load %arg5[%get3A_164] {strides = array<i32>} : memref<16384xf32, #tpu.memory_space<vmem>>, vector<16xf32>,
      %bitcast3A_166 = vector.bitcast %get3A_165 : vector<16xf32> to vector<16xi32>
      %shift_right_logical3A_167 = arith.constant 20 : i32
      %shift_right_logical3A_168 = vector.broadcast %shift_right_logical3A_167 : i32 to vector<16xi32>
      %shift_right_logical3A_169 = arith.shrui %bitcast3A_166, %shift_right_logical3A_168 : vector<16xi32>
      %add3A_170 = arith.constant 240 : i32
      %add3A_171 = arith.addi %mul3A_52, %add3A_170 : i32
      %get3A_172 = arith.index_cast %add3A_171 : i32 to index
      %get3A_173 = tpu.vector_load %arg5[%get3A_172] {strides = array<i32>} : memref<16384xf32, #tpu.memory_space<vmem>>, vector<16xf32>,
      %bitcast3A_174 = vector.bitcast %get3A_173 : vector<16xf32> to vector<16xi32>
      %shift_right_logical3A_175 = arith.constant 20 : i32
      %shift_right_logical3A_176 = vector.broadcast %shift_right_logical3A_175 : i32 to vector<16xi32>
      %shift_right_logical3A_177 = arith.shrui %bitcast3A_174, %shift_right_logical3A_176 : vector<16xi32>
      tpu.vector_store_idx %arg6[%shift_right_logical3A_57, %iota3A], %broadcast_in_dim3A_15 {add = true} : memref<2048x16xi32, #tpu.memory_space<vmem>>[vector<16xi32>, vector<16xi32>], vector<16xi32>,
      tpu.vector_store_idx %arg6[%shift_right_logical3A_65, %iota3A], %broadcast_in_dim3A_15 {add = true} : memref<2048x16xi32, #tpu.memory_space<vmem>>[vector<16xi32>, vector<16xi32>], vector<16xi32>,
      tpu.vector_store_idx %arg6[%shift_right_logical3A_73, %iota3A], %broadcast_in_dim3A_15 {add = true} : memref<2048x16xi32, #tpu.memory_space<vmem>>[vector<16xi32>, vector<16xi32>], vector<16xi32>,
      tpu.vector_store_idx %arg6[%shift_right_logical3A_81, %iota3A], %broadcast_in_dim3A_15 {add = true} : memref<2048x16xi32, #tpu.memory_space<vmem>>[vector<16xi32>, vector<16xi32>], vector<16xi32>,
      tpu.vector_store_idx %arg6[%shift_right_logical3A_89, %iota3A], %broadcast_in_dim3A_15 {add = true} : memref<2048x16xi32, #tpu.memory_space<vmem>>[vector<16xi32>, vector<16xi32>], vector<16xi32>,
      tpu.vector_store_idx %arg6[%shift_right_logical3A_97, %iota3A], %broadcast_in_dim3A_15 {add = true} : memref<2048x16xi32, #tpu.memory_space<vmem>>[vector<16xi32>, vector<16xi32>], vector<16xi32>,
      tpu.vector_store_idx %arg6[%shift_right_logical3A_105, %iota3A], %broadcast_in_dim3A_15 {add = true} : memref<2048x16xi32, #tpu.memory_space<vmem>>[vector<16xi32>, vector<16xi32>], vector<16xi32>,
      tpu.vector_store_idx %arg6[%shift_right_logical3A_113, %iota3A], %broadcast_in_dim3A_15 {add = true} : memref<2048x16xi32, #tpu.memory_space<vmem>>[vector<16xi32>, vector<16xi32>], vector<16xi32>,
      tpu.vector_store_idx %arg6[%shift_right_logical3A_121, %iota3A], %broadcast_in_dim3A_15 {add = true} : memref<2048x16xi32, #tpu.memory_space<vmem>>[vector<16xi32>, vector<16xi32>], vector<16xi32>,
      tpu.vector_store_idx %arg6[%shift_right_logical3A_129, %iota3A], %broadcast_in_dim3A_15 {add = true} : memref<2048x16xi32, #tpu.memory_space<vmem>>[vector<16xi32>, vector<16xi32>], vector<16xi32>,
      tpu.vector_store_idx %arg6[%shift_right_logical3A_137, %iota3A], %broadcast_in_dim3A_15 {add = true} : memref<2048x16xi32, #tpu.memory_space<vmem>>[vector<16xi32>, vector<16xi32>], vector<16xi32>,
      tpu.vector_store_idx %arg6[%shift_right_logical3A_145, %iota3A], %broadcast_in_dim3A_15 {add = true} : memref<2048x16xi32, #tpu.memory_space<vmem>>[vector<16xi32>, vector<16xi32>], vector<16xi32>,
      tpu.vector_store_idx %arg6[%shift_right_logical3A_153, %iota3A], %broadcast_in_dim3A_15 {add = true} : memref<2048x16xi32, #tpu.memory_space<vmem>>[vector<16xi32>, vector<16xi32>], vector<16xi32>,
      tpu.vector_store_idx %arg6[%shift_right_logical3A_161, %iota3A], %broadcast_in_dim3A_15 {add = true} : memref<2048x16xi32, #tpu.memory_space<vmem>>[vector<16xi32>, vector<16xi32>], vector<16xi32>,
      tpu.vector_store_idx %arg6[%shift_right_logical3A_169, %iota3A], %broadcast_in_dim3A_15 {add = true} : memref<2048x16xi32, #tpu.memory_space<vmem>>[vector<16xi32>, vector<16xi32>], vector<16xi32>,
      tpu.vector_store_idx %arg6[%shift_right_logical3A_177, %iota3A], %broadcast_in_dim3A_15 {add = true} : memref<2048x16xi32, #tpu.memory_space<vmem>>[vector<16xi32>, vector<16xi32>], vector<16xi32>,
    }
    %scan3A_42 = arith.constant 64 : i32
    %iota3A_43 = tpu.iota {dimensions = array<i32: 0>} : vector<16xi32>
    %scan3A_44 = arith.constant 0 : i32
    %scan3A_45 = arith.constant 0 : i32
    %scan3A_46 = arith.constant 128 : i32
    %scan3A_47 = arith.addi %scan3A_45, %scan3A_46 : i32
    %scan3A_48 = arith.constant 1 : i32
    scf.for %scan3A_50 = %scan3A_45 to %scan3A_47 step %scan3A_48  : i32 {
      %mul3A_51 = arith.constant 16 : i32
      %mul3A_52 = arith.muli %scan3A_50, %mul3A_51 : i32
      %add3A_53 = vector.broadcast %mul3A_52 : i32 to vector<16xi32>
      %add3A_54 = arith.addi %add3A_53, %iota3A_43 : vector<16xi32>
      %broadcast_in_dim3A_55 = arith.constant 0 : i32
      %broadcast_in_dim3A_56 = vector.broadcast %broadcast_in_dim3A_55 : i32 to vector<16xi32>
      %broadcast_in_dim3A_57 = arith.constant 0 : i32
      %broadcast_in_dim3A_58 = vector.broadcast %broadcast_in_dim3A_57 : i32 to vector<16xi32>
      %gather3A = tpu.vector_load_idx %arg6[%add3A_54, %broadcast_in_dim3A_58] : memref<2048x16xi32, #tpu.memory_space<vmem>>[vector<16xi32>, vector<16xi32>], vector<16xi32>,
      %add3A_59 = arith.addi %broadcast_in_dim3A_56, %gather3A : vector<16xi32>
      %broadcast_in_dim3A_60 = arith.constant 1 : i32
      %broadcast_in_dim3A_61 = vector.broadcast %broadcast_in_dim3A_60 : i32 to vector<16xi32>
      %gather3A_62 = tpu.vector_load_idx %arg6[%add3A_54, %broadcast_in_dim3A_61] : memref<2048x16xi32, #tpu.memory_space<vmem>>[vector<16xi32>, vector<16xi32>], vector<16xi32>,
      %add3A_63 = arith.addi %add3A_59, %gather3A_62 : vector<16xi32>
      %broadcast_in_dim3A_64 = arith.constant 2 : i32
      %broadcast_in_dim3A_65 = vector.broadcast %broadcast_in_dim3A_64 : i32 to vector<16xi32>
      %gather3A_66 = tpu.vector_load_idx %arg6[%add3A_54, %broadcast_in_dim3A_65] : memref<2048x16xi32, #tpu.memory_space<vmem>>[vector<16xi32>, vector<16xi32>], vector<16xi32>,
      %add3A_67 = arith.addi %add3A_63, %gather3A_66 : vector<16xi32>
      %broadcast_in_dim3A_68 = arith.constant 3 : i32
      %broadcast_in_dim3A_69 = vector.broadcast %broadcast_in_dim3A_68 : i32 to vector<16xi32>
      %gather3A_70 = tpu.vector_load_idx %arg6[%add3A_54, %broadcast_in_dim3A_69] : memref<2048x16xi32, #tpu.memory_space<vmem>>[vector<16xi32>, vector<16xi32>], vector<16xi32>,
      %add3A_71 = arith.addi %add3A_67, %gather3A_70 : vector<16xi32>
      %broadcast_in_dim3A_72 = arith.constant 4 : i32
      %broadcast_in_dim3A_73 = vector.broadcast %broadcast_in_dim3A_72 : i32 to vector<16xi32>
      %gather3A_74 = tpu.vector_load_idx %arg6[%add3A_54, %broadcast_in_dim3A_73] : memref<2048x16xi32, #tpu.memory_space<vmem>>[vector<16xi32>, vector<16xi32>], vector<16xi32>,
      %add3A_75 = arith.addi %add3A_71, %gather3A_74 : vector<16xi32>
      %broadcast_in_dim3A_76 = arith.constant 5 : i32
      %broadcast_in_dim3A_77 = vector.broadcast %broadcast_in_dim3A_76 : i32 to vector<16xi32>
      %gather3A_78 = tpu.vector_load_idx %arg6[%add3A_54, %broadcast_in_dim3A_77] : memref<2048x16xi32, #tpu.memory_space<vmem>>[vector<16xi32>, vector<16xi32>], vector<16xi32>,
      %add3A_79 = arith.addi %add3A_75, %gather3A_78 : vector<16xi32>
      %broadcast_in_dim3A_80 = arith.constant 6 : i32
      %broadcast_in_dim3A_81 = vector.broadcast %broadcast_in_dim3A_80 : i32 to vector<16xi32>
      %gather3A_82 = tpu.vector_load_idx %arg6[%add3A_54, %broadcast_in_dim3A_81] : memref<2048x16xi32, #tpu.memory_space<vmem>>[vector<16xi32>, vector<16xi32>], vector<16xi32>,
      %add3A_83 = arith.addi %add3A_79, %gather3A_82 : vector<16xi32>
      %broadcast_in_dim3A_84 = arith.constant 7 : i32
      %broadcast_in_dim3A_85 = vector.broadcast %broadcast_in_dim3A_84 : i32 to vector<16xi32>
      %gather3A_86 = tpu.vector_load_idx %arg6[%add3A_54, %broadcast_in_dim3A_85] : memref<2048x16xi32, #tpu.memory_space<vmem>>[vector<16xi32>, vector<16xi32>], vector<16xi32>,
      %add3A_87 = arith.addi %add3A_83, %gather3A_86 : vector<16xi32>
      %broadcast_in_dim3A_88 = arith.constant 8 : i32
      %broadcast_in_dim3A_89 = vector.broadcast %broadcast_in_dim3A_88 : i32 to vector<16xi32>
      %gather3A_90 = tpu.vector_load_idx %arg6[%add3A_54, %broadcast_in_dim3A_89] : memref<2048x16xi32, #tpu.memory_space<vmem>>[vector<16xi32>, vector<16xi32>], vector<16xi32>,
      %add3A_91 = arith.addi %add3A_87, %gather3A_90 : vector<16xi32>
      %broadcast_in_dim3A_92 = arith.constant 9 : i32
      %broadcast_in_dim3A_93 = vector.broadcast %broadcast_in_dim3A_92 : i32 to vector<16xi32>
      %gather3A_94 = tpu.vector_load_idx %arg6[%add3A_54, %broadcast_in_dim3A_93] : memref<2048x16xi32, #tpu.memory_space<vmem>>[vector<16xi32>, vector<16xi32>], vector<16xi32>,
      %add3A_95 = arith.addi %add3A_91, %gather3A_94 : vector<16xi32>
      %broadcast_in_dim3A_96 = arith.constant 10 : i32
      %broadcast_in_dim3A_97 = vector.broadcast %broadcast_in_dim3A_96 : i32 to vector<16xi32>
      %gather3A_98 = tpu.vector_load_idx %arg6[%add3A_54, %broadcast_in_dim3A_97] : memref<2048x16xi32, #tpu.memory_space<vmem>>[vector<16xi32>, vector<16xi32>], vector<16xi32>,
      %add3A_99 = arith.addi %add3A_95, %gather3A_98 : vector<16xi32>
      %broadcast_in_dim3A_100 = arith.constant 11 : i32
      %broadcast_in_dim3A_101 = vector.broadcast %broadcast_in_dim3A_100 : i32 to vector<16xi32>
      %gather3A_102 = tpu.vector_load_idx %arg6[%add3A_54, %broadcast_in_dim3A_101] : memref<2048x16xi32, #tpu.memory_space<vmem>>[vector<16xi32>, vector<16xi32>], vector<16xi32>,
      %add3A_103 = arith.addi %add3A_99, %gather3A_102 : vector<16xi32>
      %broadcast_in_dim3A_104 = arith.constant 12 : i32
      %broadcast_in_dim3A_105 = vector.broadcast %broadcast_in_dim3A_104 : i32 to vector<16xi32>
      %gather3A_106 = tpu.vector_load_idx %arg6[%add3A_54, %broadcast_in_dim3A_105] : memref<2048x16xi32, #tpu.memory_space<vmem>>[vector<16xi32>, vector<16xi32>], vector<16xi32>,
      %add3A_107 = arith.addi %add3A_103, %gather3A_106 : vector<16xi32>
      %broadcast_in_dim3A_108 = arith.constant 13 : i32
      %broadcast_in_dim3A_109 = vector.broadcast %broadcast_in_dim3A_108 : i32 to vector<16xi32>
      %gather3A_110 = tpu.vector_load_idx %arg6[%add3A_54, %broadcast_in_dim3A_109] : memref<2048x16xi32, #tpu.memory_space<vmem>>[vector<16xi32>, vector<16xi32>], vector<16xi32>,
      %add3A_111 = arith.addi %add3A_107, %gather3A_110 : vector<16xi32>
      %broadcast_in_dim3A_112 = arith.constant 14 : i32
      %broadcast_in_dim3A_113 = vector.broadcast %broadcast_in_dim3A_112 : i32 to vector<16xi32>
      %gather3A_114 = tpu.vector_load_idx %arg6[%add3A_54, %broadcast_in_dim3A_113] : memref<2048x16xi32, #tpu.memory_space<vmem>>[vector<16xi32>, vector<16xi32>], vector<16xi32>,
      %add3A_115 = arith.addi %add3A_111, %gather3A_114 : vector<16xi32>
      %broadcast_in_dim3A_116 = arith.constant 15 : i32
      %broadcast_in_dim3A_117 = vector.broadcast %broadcast_in_dim3A_116 : i32 to vector<16xi32>
      %gather3A_118 = tpu.vector_load_idx %arg6[%add3A_54, %broadcast_in_dim3A_117] : memref<2048x16xi32, #tpu.memory_space<vmem>>[vector<16xi32>, vector<16xi32>], vector<16xi32>,
      %add3A_119 = arith.addi %add3A_115, %gather3A_118 : vector<16xi32>
      %mul3A_120 = arith.constant 16 : i32
      %mul3A_121 = arith.muli %scan3A_50, %mul3A_120 : i32
      %swap3A = arith.index_cast %mul3A_121 : i32 to index
      %swap3A_122 = tpu.vector_load %arg7[%swap3A] {strides = array<i32>} : memref<2048xi32, #tpu.memory_space<vmem>>, vector<16xi32>,
      tpu.vector_store %arg7[%swap3A], %add3A_119 {strides = array<i32>} : memref<2048xi32, #tpu.memory_space<vmem>>, vector<16xi32>,
    }
    %scan3A_49 = arith.constant 128 : i32
    "tpu.region"() ({
      %run_scoped3A = tpu.sem_alloc : memref<!tpu.dma_semaphore, #tpu.memory_space<semaphore_mem>>
      %dma_start3A_50 = arith.constant 0 : i32
      %dma_start3A_51 = tpu.memref_slice %arg3[%add3A, %dma_start3A_50] : memref<32x2048xi32, #tpu.memory_space<hbm>> -> memref<1x2048xi32, #tpu.memory_space<hbm>>
      %dma_start3A_52 = tpu.memref_squeeze %dma_start3A_51 : memref<1x2048xi32, #tpu.memory_space<hbm>> -> memref<2048xi32, #tpu.memory_space<hbm>>
      %dma_start3A_53 = arith.constant 0 : i32
      %dma_start3A_54 = tpu.memref_slice %arg3[%add3A, %dma_start3A_53] : memref<32x2048xi32, #tpu.memory_space<hbm>> -> memref<1x2048xi32, #tpu.memory_space<hbm>>
      %dma_start3A_55 = tpu.memref_squeeze %dma_start3A_54 : memref<1x2048xi32, #tpu.memory_space<hbm>> -> memref<2048xi32, #tpu.memory_space<hbm>>
      tpu.enqueue_dma source(%arg7 : memref<2048xi32, #tpu.memory_space<vmem>>) target(%dma_start3A_55 : memref<2048xi32, #tpu.memory_space<hbm>>) target_semaphore(%run_scoped3A : memref<!tpu.dma_semaphore, #tpu.memory_space<semaphore_mem>>)
      %dma_wait3A_56 = arith.constant 0 : i32
      %dma_wait3A_57 = tpu.memref_slice %arg3[%add3A, %dma_wait3A_56] : memref<32x2048xi32, #tpu.memory_space<hbm>> -> memref<1x2048xi32, #tpu.memory_space<hbm>>
      %dma_wait3A_58 = tpu.memref_squeeze %dma_wait3A_57 : memref<1x2048xi32, #tpu.memory_space<hbm>> -> memref<2048xi32, #tpu.memory_space<hbm>>
      %dma_wait3A_59 = arith.constant 0 : i32
      %dma_wait3A_60 = tpu.memref_slice %arg3[%add3A, %dma_wait3A_59] : memref<32x2048xi32, #tpu.memory_space<hbm>> -> memref<1x2048xi32, #tpu.memory_space<hbm>>
      %dma_wait3A_61 = tpu.memref_squeeze %dma_wait3A_60 : memref<1x2048xi32, #tpu.memory_space<hbm>> -> memref<2048xi32, #tpu.memory_space<hbm>>
      tpu.wait_dma2 semaphore(%run_scoped3A : memref<!tpu.dma_semaphore, #tpu.memory_space<semaphore_mem>>) src(%arg7 : memref<2048xi32, #tpu.memory_space<vmem>>) dst(%dma_wait3A_61 : memref<2048xi32, #tpu.memory_space<hbm>>)
      tpu.yield
    }) : () -> ()
    return
  }
}

module attributes {stable_mosaic.version = 14 : i64} {
  func.func @_bce_body(%arg0: i32, %arg1: memref<8x32768xf32, #tpu.memory_space<vmem>>, %arg2: memref<8x32768xf32, #tpu.memory_space<vmem>>, %arg3: memref<262144xf32, #tpu.memory_space<vmem>>) attributes {dimension_semantics = [#tpu.dimension_semantics<arbitrary>], iteration_bounds = array<i64: 16>, scalar_prefetch = 0 : i64, scratch_operands = 0 : i64, tpu.core_type = #tpu.core_type<tc>, window_params = [{transform_indices = @transform_0, window_bounds = array<i64: 8, 32768>}, {transform_indices = @transform_1, window_bounds = array<i64: 8, 32768>}, {transform_indices = @transform_2, window_bounds = array<i64: 262144>}]} {
    %get3A = arith.constant 0 : index
    %get3A_0 = arith.constant 0 : index
    %get3A_1 = vector.load %arg1[%get3A, %get3A_0] : memref<8x32768xf32, #tpu.memory_space<vmem>>, vector<8x32768xf32>
    %get3A_2 = arith.constant 0 : index
    %get3A_3 = arith.constant 0 : index
    %get3A_4 = vector.load %arg2[%get3A_2, %get3A_3] : memref<8x32768xf32, #tpu.memory_space<vmem>>, vector<8x32768xf32>
    %max3A = arith.constant 0.000000e+00 : f32
    %max3A_5 = vector.broadcast %max3A : f32 to vector<8x32768xf32>
    %max3A_6 = arith.maximumf %get3A_1, %max3A_5 : vector<8x32768xf32>
    %mul3A = arith.mulf %get3A_1, %get3A_4 : vector<8x32768xf32>
    %sub3A = arith.subf %max3A_6, %mul3A : vector<8x32768xf32>
    %abs3A = math.absf %get3A_1 : vector<8x32768xf32>
    %neg3A = arith.constant 0.000000e+00 : f32
    %neg3A_7 = vector.broadcast %neg3A : f32 to vector<8x32768xf32>
    %neg3A_8 = arith.subf %neg3A_7, %abs3A : vector<8x32768xf32>
    %exp3A = math.exp %neg3A_8 : vector<8x32768xf32>
    %log1p3A = math.log1p %exp3A : vector<8x32768xf32>
    %add3A = arith.addf %sub3A, %log1p3A : vector<8x32768xf32>
    %reshape3A = vector.shape_cast %add3A : vector<8x32768xf32> to vector<262144xf32>
    %swap3A = arith.constant 0 : index
    %swap3A_9 = vector.load %arg3[%swap3A] : memref<262144xf32, #tpu.memory_space<vmem>>, vector<262144xf32>
    tpu.vector_store %arg3[%swap3A], %reshape3A {strides = array<i32>} : memref<262144xf32, #tpu.memory_space<vmem>>, vector<262144xf32>,
    return
  }
  func.func @transform_0(%arg0: i32) -> (i32, i32) {
    %c0_i32 = arith.constant 0 : i32
    %c0_i32_0 = arith.constant 0 : i32
    return %arg0, %c0_i32 : i32, i32
  }
  func.func @transform_1(%arg0: i32) -> (i32, i32) {
    %c0_i32 = arith.constant 0 : i32
    %c0_i32_0 = arith.constant 0 : i32
    return %arg0, %c0_i32 : i32, i32
  }
  func.func @transform_2(%arg0: i32) -> i32 {
    %c0_i32 = arith.constant 0 : i32
    return %arg0 : i32
  }
}

module attributes {stable_mosaic.version = 14 : i64} {
  func.func @_scan1_body(%arg0: memref<32x2048xi32, #tpu.memory_space<vmem>>, %arg1: memref<8x128xi32, #tpu.memory_space<vmem>>) attributes {dimension_semantics = [], scalar_prefetch = 0 : i64, scratch_operands = 0 : i64, tpu.core_type = #tpu.core_type<tc>} {
    %get3A = arith.constant 0 : index
    %get3A_0 = arith.constant 0 : index
    %get3A_1 = vector.load %arg0[%get3A, %get3A_0] : memref<32x2048xi32, #tpu.memory_space<vmem>>, vector<32x2048xi32>
    %convert_element_type3A = arith.sitofp %get3A_1 : vector<32x2048xi32> to vector<32x2048xf32>
    %reduce_sum3A = arith.constant dense<0.000000e+00> : vector<2048xf32>
    %reduce_sum3A_2 = vector.multi_reduction <add>, %convert_element_type3A, %reduce_sum3A [0] : vector<32x2048xf32> to vector<2048xf32>
    %reshape3A = vector.shape_cast %reduce_sum3A_2 : vector<2048xf32> to vector<16x128xf32>
    %slice3A = vector.extract_strided_slice %reshape3A {offsets = [0, 1], sizes = [16, 127], strides = [1, 1]} : vector<16x128xf32> to vector<16x127xf32>
    %broadcast_in_dim3A = arith.constant 0.000000e+00 : f32
    %broadcast_in_dim3A_3 = vector.broadcast %broadcast_in_dim3A : f32 to vector<16x1xf32>
    %concatenate3A = tpu.concatenate %slice3A, %broadcast_in_dim3A_3 in 1 : vector<16x127xf32>, vector<16x1xf32> -> vector<16x128xf32>
    %add3A = arith.addf %reshape3A, %concatenate3A : vector<16x128xf32>
    %slice3A_4 = vector.extract_strided_slice %add3A {offsets = [0, 2], sizes = [16, 126], strides = [1, 1]} : vector<16x128xf32> to vector<16x126xf32>
    %broadcast_in_dim3A_5 = arith.constant 0.000000e+00 : f32
    %broadcast_in_dim3A_6 = vector.broadcast %broadcast_in_dim3A_5 : f32 to vector<16x2xf32>
    %concatenate3A_7 = tpu.concatenate %slice3A_4, %broadcast_in_dim3A_6 in 1 : vector<16x126xf32>, vector<16x2xf32> -> vector<16x128xf32>
    %add3A_8 = arith.addf %add3A, %concatenate3A_7 : vector<16x128xf32>
    %slice3A_9 = vector.extract_strided_slice %add3A_8 {offsets = [0, 4], sizes = [16, 124], strides = [1, 1]} : vector<16x128xf32> to vector<16x124xf32>
    %broadcast_in_dim3A_10 = arith.constant 0.000000e+00 : f32
    %broadcast_in_dim3A_11 = vector.broadcast %broadcast_in_dim3A_10 : f32 to vector<16x4xf32>
    %concatenate3A_12 = tpu.concatenate %slice3A_9, %broadcast_in_dim3A_11 in 1 : vector<16x124xf32>, vector<16x4xf32> -> vector<16x128xf32>
    %add3A_13 = arith.addf %add3A_8, %concatenate3A_12 : vector<16x128xf32>
    %slice3A_14 = vector.extract_strided_slice %add3A_13 {offsets = [0, 8], sizes = [16, 120], strides = [1, 1]} : vector<16x128xf32> to vector<16x120xf32>
    %broadcast_in_dim3A_15 = arith.constant 0.000000e+00 : f32
    %broadcast_in_dim3A_16 = vector.broadcast %broadcast_in_dim3A_15 : f32 to vector<16x8xf32>
    %concatenate3A_17 = tpu.concatenate %slice3A_14, %broadcast_in_dim3A_16 in 1 : vector<16x120xf32>, vector<16x8xf32> -> vector<16x128xf32>
    %add3A_18 = arith.addf %add3A_13, %concatenate3A_17 : vector<16x128xf32>
    %slice3A_19 = vector.extract_strided_slice %add3A_18 {offsets = [0, 16], sizes = [16, 112], strides = [1, 1]} : vector<16x128xf32> to vector<16x112xf32>
    %broadcast_in_dim3A_20 = arith.constant 0.000000e+00 : f32
    %broadcast_in_dim3A_21 = vector.broadcast %broadcast_in_dim3A_20 : f32 to vector<16x16xf32>
    %concatenate3A_22 = tpu.concatenate %slice3A_19, %broadcast_in_dim3A_21 in 1 : vector<16x112xf32>, vector<16x16xf32> -> vector<16x128xf32>
    %add3A_23 = arith.addf %add3A_18, %concatenate3A_22 : vector<16x128xf32>
    %slice3A_24 = vector.extract_strided_slice %add3A_23 {offsets = [0, 32], sizes = [16, 96], strides = [1, 1]} : vector<16x128xf32> to vector<16x96xf32>
    %broadcast_in_dim3A_25 = arith.constant 0.000000e+00 : f32
    %broadcast_in_dim3A_26 = vector.broadcast %broadcast_in_dim3A_25 : f32 to vector<16x32xf32>
    %concatenate3A_27 = tpu.concatenate %slice3A_24, %broadcast_in_dim3A_26 in 1 : vector<16x96xf32>, vector<16x32xf32> -> vector<16x128xf32>
    %add3A_28 = arith.addf %add3A_23, %concatenate3A_27 : vector<16x128xf32>
    %slice3A_29 = vector.extract_strided_slice %add3A_28 {offsets = [0, 64], sizes = [16, 64], strides = [1, 1]} : vector<16x128xf32> to vector<16x64xf32>
    %broadcast_in_dim3A_30 = arith.constant 0.000000e+00 : f32
    %broadcast_in_dim3A_31 = vector.broadcast %broadcast_in_dim3A_30 : f32 to vector<16x64xf32>
    %concatenate3A_32 = tpu.concatenate %slice3A_29, %broadcast_in_dim3A_31 in 1 : vector<16x64xf32>, vector<16x64xf32> -> vector<16x128xf32>
    %add3A_33 = arith.addf %add3A_28, %concatenate3A_32 : vector<16x128xf32>
    %slice3A_34 = vector.extract_strided_slice %add3A_33 {offsets = [0, 0], sizes = [16, 1], strides = [1, 1]} : vector<16x128xf32> to vector<16x1xf32>
    %iota3A = tpu.iota {dimensions = array<i32: 0>} : vector<16x16xi32>
    %iota3A_35 = tpu.iota {dimensions = array<i32: 1>} : vector<16x16xi32>
    %gt3A = arith.cmpi sgt, %iota3A, %iota3A_35 : vector<16x16xi32>
    %jit3A = arith.constant 0.000000e+00 : f32
    %broadcast_in_dim3A_36 = vector.shape_cast %slice3A_34 : vector<16x1xf32> to vector<16x1xf32>
    %broadcast_in_dim3A_37 = vector.broadcast %broadcast_in_dim3A_36 : vector<16x1xf32> to vector<16x16xf32>
    %broadcast_in_dim3A_38 = vector.broadcast %jit3A : f32 to vector<16x16xf32>
    %select_n3A = arith.select %gt3A, %broadcast_in_dim3A_37, %broadcast_in_dim3A_38 : vector<16x16xi1>, vector<16x16xf32>
    %reduce_sum3A_39 = arith.constant dense<0.000000e+00> : vector<16xf32>
    %reduce_sum3A_40 = vector.multi_reduction <add>, %select_n3A, %reduce_sum3A_39 [0] : vector<16x16xf32> to vector<16xf32>
    %broadcast_in_dim3A_41 = vector.shape_cast %reduce_sum3A_40 : vector<16xf32> to vector<16x1xf32>
    %add3A_42 = vector.broadcast %broadcast_in_dim3A_41 : vector<16x1xf32> to vector<16x128xf32>
    %add3A_43 = arith.addf %add3A_33, %add3A_42 : vector<16x128xf32>
    %ge3A = arith.constant 4.194300e+05 : f32
    %ge3A_44 = vector.broadcast %ge3A : f32 to vector<16x128xf32>
    %ge3A_45 = arith.cmpf oge, %add3A_43, %ge3A_44 : vector<16x128xf32>
    %convert_element_type3A_46 = arith.extui %ge3A_45 : vector<16x128xi1> to vector<16x128xi32>
    %convert_element_type3A_47 = arith.sitofp %convert_element_type3A_46 : vector<16x128xi32> to vector<16x128xf32>
    %reduce_sum3A_48 = vector.shape_cast %convert_element_type3A_47 : vector<16x128xf32> to vector<1x16x128xf32>
    %reduce_sum3A_49 = arith.constant dense<0.000000e+00> : vector<1xf32>
    %reduce_sum3A_50 = vector.multi_reduction <add>, %reduce_sum3A_48, %reduce_sum3A_49 [1, 2] : vector<1x16x128xf32> to vector<1xf32>
    %reduce_sum3A_51 = vector.shape_cast %reduce_sum3A_50 : vector<1xf32> to vector<1x1x1xf32>
    %reduce_sum3A_52 = vector.extract %reduce_sum3A_51[0, 0, 0] : f32 from vector<1x1x1xf32>
    %sub3A = arith.constant 1.000000e+00 : f32
    %sub3A_53 = arith.subf %reduce_sum3A_52, %sub3A : f32
    %iota3A_54 = tpu.iota {dimensions = array<i32: 0>} : vector<16x128xi32>
    %mul3A = arith.constant 128 : i32
    %mul3A_55 = vector.broadcast %mul3A : i32 to vector<16x128xi32>
    %mul3A_56 = arith.muli %iota3A_54, %mul3A_55 : vector<16x128xi32>
    %iota3A_57 = tpu.iota {dimensions = array<i32: 1>} : vector<16x128xi32>
    %add3A_58 = arith.addi %mul3A_56, %iota3A_57 : vector<16x128xi32>
    %convert_element_type3A_59 = arith.sitofp %add3A_58 : vector<16x128xi32> to vector<16x128xf32>
    %gt3A_60 = vector.broadcast %sub3A_53 : f32 to vector<16x128xf32>
    %gt3A_61 = arith.cmpf ogt, %convert_element_type3A_59, %gt3A_60 : vector<16x128xf32>
    %jit3A_62 = arith.constant 0.000000e+00 : f32
    %broadcast_in_dim3A_63 = vector.broadcast %jit3A_62 : f32 to vector<16x128xf32>
    %select_n3A_64 = arith.select %gt3A_61, %reshape3A, %broadcast_in_dim3A_63 : vector<16x128xi1>, vector<16x128xf32>
    %reduce_sum3A_65 = vector.shape_cast %select_n3A_64 : vector<16x128xf32> to vector<1x16x128xf32>
    %reduce_sum3A_66 = arith.constant dense<0.000000e+00> : vector<1xf32>
    %reduce_sum3A_67 = vector.multi_reduction <add>, %reduce_sum3A_65, %reduce_sum3A_66 [1, 2] : vector<1x16x128xf32> to vector<1xf32>
    %reduce_sum3A_68 = vector.shape_cast %reduce_sum3A_67 : vector<1xf32> to vector<1x1x1xf32>
    %reduce_sum3A_69 = vector.extract %reduce_sum3A_68[0, 0, 0] : f32 from vector<1x1x1xf32>
    %sub3A_70 = arith.constant 4.194300e+05 : f32
    %sub3A_71 = arith.subf %sub3A_70, %reduce_sum3A_69 : f32
    %iota3A_72 = tpu.iota {dimensions = array<i32: 0>} : vector<8x128xi32>
    %eq3A = arith.constant 0 : i32
    %eq3A_73 = vector.broadcast %eq3A : i32 to vector<8x128xi32>
    %eq3A_74 = arith.cmpi eq, %iota3A_72, %eq3A_73 : vector<8x128xi32>
    %convert_element_type3A_75 = arith.fptosi %sub3A_53 : f32 to i32
    %eq3A_76 = arith.constant 1 : i32
    %eq3A_77 = vector.broadcast %eq3A_76 : i32 to vector<8x128xi32>
    %eq3A_78 = arith.cmpi eq, %iota3A_72, %eq3A_77 : vector<8x128xi32>
    %convert_element_type3A_79 = arith.fptosi %sub3A_71 : f32 to i32
    %jit3A_80 = arith.constant 0 : i32
    %broadcast_in_dim3A_81 = vector.broadcast %convert_element_type3A_79 : i32 to vector<8x128xi32>
    %broadcast_in_dim3A_82 = vector.broadcast %jit3A_80 : i32 to vector<8x128xi32>
    %select_n3A_83 = arith.select %eq3A_78, %broadcast_in_dim3A_81, %broadcast_in_dim3A_82 : vector<8x128xi1>, vector<8x128xi32>
    %broadcast_in_dim3A_84 = vector.broadcast %convert_element_type3A_75 : i32 to vector<8x128xi32>
    %select_n3A_85 = arith.select %eq3A_74, %broadcast_in_dim3A_84, %select_n3A_83 : vector<8x128xi1>, vector<8x128xi32>
    %swap3A = arith.constant 0 : index
    %swap3A_86 = arith.constant 0 : index
    %swap3A_87 = vector.load %arg1[%swap3A, %swap3A_86] : memref<8x128xi32, #tpu.memory_space<vmem>>, vector<8x128xi32>
    tpu.vector_store %arg1[%swap3A, %swap3A_86], %select_n3A_85 {strides = array<i32>} : memref<8x128xi32, #tpu.memory_space<vmem>>, vector<8x128xi32>,
    return
  }
}

module attributes {stable_mosaic.version = 14 : i64} {
  func.func @_final_body(%arg0: memref<32x2048xi32, #tpu.memory_space<vmem>>, %arg1: memref<32x16xf32, #tpu.memory_space<vmem>>, %arg2: memref<8x128xi32, #tpu.memory_space<vmem>>, %arg3: memref<1x1xf32, #tpu.memory_space<vmem>>) attributes {dimension_semantics = [], scalar_prefetch = 0 : i64, scratch_operands = 0 : i64, tpu.core_type = #tpu.core_type<tc>} {
    %get3A = arith.constant 0 : index
    %get3A_0 = arith.constant 0 : index
    %get3A_1 = vector.load %arg0[%get3A, %get3A_0] : memref<32x2048xi32, #tpu.memory_space<vmem>>, vector<32x2048xi32>
    %convert_element_type3A = arith.sitofp %get3A_1 : vector<32x2048xi32> to vector<32x2048xf32>
    %reduce_sum3A = arith.constant dense<0.000000e+00> : vector<2048xf32>
    %reduce_sum3A_2 = vector.multi_reduction <add>, %convert_element_type3A, %reduce_sum3A [0] : vector<32x2048xf32> to vector<2048xf32>
    %reshape3A = vector.shape_cast %reduce_sum3A_2 : vector<2048xf32> to vector<16x128xf32>
    %get3A_3 = arith.constant 0 : index
    %get3A_4 = arith.constant 0 : index
    %get3A_5 = vector.load %arg2[%get3A_3, %get3A_4] : memref<8x128xi32, #tpu.memory_space<vmem>>, vector<1x1xi32>
    %get3A_6 = vector.extract %get3A_5[0, 0] : i32 from vector<1x1xi32>
    %get3A_7 = arith.constant 1 : index
    %get3A_8 = arith.constant 0 : index
    %get3A_9 = vector.load %arg2[%get3A_7, %get3A_8] : memref<8x128xi32, #tpu.memory_space<vmem>>, vector<1x1xi32>
    %get3A_10 = vector.extract %get3A_9[0, 0] : i32 from vector<1x1xi32>
    %convert_element_type3A_11 = arith.sitofp %get3A_10 : i32 to f32
    %slice3A = vector.extract_strided_slice %reshape3A {offsets = [0, 1], sizes = [16, 127], strides = [1, 1]} : vector<16x128xf32> to vector<16x127xf32>
    %broadcast_in_dim3A = arith.constant 0.000000e+00 : f32
    %broadcast_in_dim3A_12 = vector.broadcast %broadcast_in_dim3A : f32 to vector<16x1xf32>
    %concatenate3A = tpu.concatenate %slice3A, %broadcast_in_dim3A_12 in 1 : vector<16x127xf32>, vector<16x1xf32> -> vector<16x128xf32>
    %add3A = arith.addf %reshape3A, %concatenate3A : vector<16x128xf32>
    %slice3A_13 = vector.extract_strided_slice %add3A {offsets = [0, 2], sizes = [16, 126], strides = [1, 1]} : vector<16x128xf32> to vector<16x126xf32>
    %broadcast_in_dim3A_14 = arith.constant 0.000000e+00 : f32
    %broadcast_in_dim3A_15 = vector.broadcast %broadcast_in_dim3A_14 : f32 to vector<16x2xf32>
    %concatenate3A_16 = tpu.concatenate %slice3A_13, %broadcast_in_dim3A_15 in 1 : vector<16x126xf32>, vector<16x2xf32> -> vector<16x128xf32>
    %add3A_17 = arith.addf %add3A, %concatenate3A_16 : vector<16x128xf32>
    %slice3A_18 = vector.extract_strided_slice %add3A_17 {offsets = [0, 4], sizes = [16, 124], strides = [1, 1]} : vector<16x128xf32> to vector<16x124xf32>
    %broadcast_in_dim3A_19 = arith.constant 0.000000e+00 : f32
    %broadcast_in_dim3A_20 = vector.broadcast %broadcast_in_dim3A_19 : f32 to vector<16x4xf32>
    %concatenate3A_21 = tpu.concatenate %slice3A_18, %broadcast_in_dim3A_20 in 1 : vector<16x124xf32>, vector<16x4xf32> -> vector<16x128xf32>
    %add3A_22 = arith.addf %add3A_17, %concatenate3A_21 : vector<16x128xf32>
    %slice3A_23 = vector.extract_strided_slice %add3A_22 {offsets = [0, 8], sizes = [16, 120], strides = [1, 1]} : vector<16x128xf32> to vector<16x120xf32>
    %broadcast_in_dim3A_24 = arith.constant 0.000000e+00 : f32
    %broadcast_in_dim3A_25 = vector.broadcast %broadcast_in_dim3A_24 : f32 to vector<16x8xf32>
    %concatenate3A_26 = tpu.concatenate %slice3A_23, %broadcast_in_dim3A_25 in 1 : vector<16x120xf32>, vector<16x8xf32> -> vector<16x128xf32>
    %add3A_27 = arith.addf %add3A_22, %concatenate3A_26 : vector<16x128xf32>
    %slice3A_28 = vector.extract_strided_slice %add3A_27 {offsets = [0, 16], sizes = [16, 112], strides = [1, 1]} : vector<16x128xf32> to vector<16x112xf32>
    %broadcast_in_dim3A_29 = arith.constant 0.000000e+00 : f32
    %broadcast_in_dim3A_30 = vector.broadcast %broadcast_in_dim3A_29 : f32 to vector<16x16xf32>
    %concatenate3A_31 = tpu.concatenate %slice3A_28, %broadcast_in_dim3A_30 in 1 : vector<16x112xf32>, vector<16x16xf32> -> vector<16x128xf32>
    %add3A_32 = arith.addf %add3A_27, %concatenate3A_31 : vector<16x128xf32>
    %slice3A_33 = vector.extract_strided_slice %add3A_32 {offsets = [0, 32], sizes = [16, 96], strides = [1, 1]} : vector<16x128xf32> to vector<16x96xf32>
    %broadcast_in_dim3A_34 = arith.constant 0.000000e+00 : f32
    %broadcast_in_dim3A_35 = vector.broadcast %broadcast_in_dim3A_34 : f32 to vector<16x32xf32>
    %concatenate3A_36 = tpu.concatenate %slice3A_33, %broadcast_in_dim3A_35 in 1 : vector<16x96xf32>, vector<16x32xf32> -> vector<16x128xf32>
    %add3A_37 = arith.addf %add3A_32, %concatenate3A_36 : vector<16x128xf32>
    %slice3A_38 = vector.extract_strided_slice %add3A_37 {offsets = [0, 64], sizes = [16, 64], strides = [1, 1]} : vector<16x128xf32> to vector<16x64xf32>
    %broadcast_in_dim3A_39 = arith.constant 0.000000e+00 : f32
    %broadcast_in_dim3A_40 = vector.broadcast %broadcast_in_dim3A_39 : f32 to vector<16x64xf32>
    %concatenate3A_41 = tpu.concatenate %slice3A_38, %broadcast_in_dim3A_40 in 1 : vector<16x64xf32>, vector<16x64xf32> -> vector<16x128xf32>
    %add3A_42 = arith.addf %add3A_37, %concatenate3A_41 : vector<16x128xf32>
    %slice3A_43 = vector.extract_strided_slice %add3A_42 {offsets = [0, 0], sizes = [16, 1], strides = [1, 1]} : vector<16x128xf32> to vector<16x1xf32>
    %iota3A = tpu.iota {dimensions = array<i32: 0>} : vector<16x16xi32>
    %iota3A_44 = tpu.iota {dimensions = array<i32: 1>} : vector<16x16xi32>
    %gt3A = arith.cmpi sgt, %iota3A, %iota3A_44 : vector<16x16xi32>
    %jit3A = arith.constant 0.000000e+00 : f32
    %broadcast_in_dim3A_45 = vector.shape_cast %slice3A_43 : vector<16x1xf32> to vector<16x1xf32>
    %broadcast_in_dim3A_46 = vector.broadcast %broadcast_in_dim3A_45 : vector<16x1xf32> to vector<16x16xf32>
    %broadcast_in_dim3A_47 = vector.broadcast %jit3A : f32 to vector<16x16xf32>
    %select_n3A = arith.select %gt3A, %broadcast_in_dim3A_46, %broadcast_in_dim3A_47 : vector<16x16xi1>, vector<16x16xf32>
    %reduce_sum3A_48 = arith.constant dense<0.000000e+00> : vector<16xf32>
    %reduce_sum3A_49 = vector.multi_reduction <add>, %select_n3A, %reduce_sum3A_48 [0] : vector<16x16xf32> to vector<16xf32>
    %broadcast_in_dim3A_50 = vector.shape_cast %reduce_sum3A_49 : vector<16xf32> to vector<16x1xf32>
    %add3A_51 = vector.broadcast %broadcast_in_dim3A_50 : vector<16x1xf32> to vector<16x128xf32>
    %add3A_52 = arith.addf %add3A_42, %add3A_51 : vector<16x128xf32>
    %ge3A = vector.broadcast %convert_element_type3A_11 : f32 to vector<16x128xf32>
    %ge3A_53 = arith.cmpf oge, %add3A_52, %ge3A : vector<16x128xf32>
    %convert_element_type3A_54 = arith.extui %ge3A_53 : vector<16x128xi1> to vector<16x128xi32>
    %convert_element_type3A_55 = arith.sitofp %convert_element_type3A_54 : vector<16x128xi32> to vector<16x128xf32>
    %reduce_sum3A_56 = vector.shape_cast %convert_element_type3A_55 : vector<16x128xf32> to vector<1x16x128xf32>
    %reduce_sum3A_57 = arith.constant dense<0.000000e+00> : vector<1xf32>
    %reduce_sum3A_58 = vector.multi_reduction <add>, %reduce_sum3A_56, %reduce_sum3A_57 [1, 2] : vector<1x16x128xf32> to vector<1xf32>
    %reduce_sum3A_59 = vector.shape_cast %reduce_sum3A_58 : vector<1xf32> to vector<1x1x1xf32>
    %reduce_sum3A_60 = vector.extract %reduce_sum3A_59[0, 0, 0] : f32 from vector<1x1x1xf32>
    %sub3A = arith.constant 1.000000e+00 : f32
    %sub3A_61 = arith.subf %reduce_sum3A_60, %sub3A : f32
    %iota3A_62 = tpu.iota {dimensions = array<i32: 0>} : vector<16x128xi32>
    %mul3A = arith.constant 128 : i32
    %mul3A_63 = vector.broadcast %mul3A : i32 to vector<16x128xi32>
    %mul3A_64 = arith.muli %iota3A_62, %mul3A_63 : vector<16x128xi32>
    %iota3A_65 = tpu.iota {dimensions = array<i32: 1>} : vector<16x128xi32>
    %add3A_66 = arith.addi %mul3A_64, %iota3A_65 : vector<16x128xi32>
    %convert_element_type3A_67 = arith.sitofp %add3A_66 : vector<16x128xi32> to vector<16x128xf32>
    %gt3A_68 = vector.broadcast %sub3A_61 : f32 to vector<16x128xf32>
    %gt3A_69 = arith.cmpf ogt, %convert_element_type3A_67, %gt3A_68 : vector<16x128xf32>
    %jit3A_70 = arith.constant 0.000000e+00 : f32
    %broadcast_in_dim3A_71 = vector.broadcast %jit3A_70 : f32 to vector<16x128xf32>
    %select_n3A_72 = arith.select %gt3A_69, %reshape3A, %broadcast_in_dim3A_71 : vector<16x128xi1>, vector<16x128xf32>
    %reduce_sum3A_73 = vector.shape_cast %select_n3A_72 : vector<16x128xf32> to vector<1x16x128xf32>
    %reduce_sum3A_74 = arith.constant dense<0.000000e+00> : vector<1xf32>
    %reduce_sum3A_75 = vector.multi_reduction <add>, %reduce_sum3A_73, %reduce_sum3A_74 [1, 2] : vector<1x16x128xf32> to vector<1xf32>
    %reduce_sum3A_76 = vector.shape_cast %reduce_sum3A_75 : vector<1xf32> to vector<1x1x1xf32>
    %reduce_sum3A_77 = vector.extract %reduce_sum3A_76[0, 0, 0] : f32 from vector<1x1x1xf32>
    %sub3A_78 = arith.subf %convert_element_type3A_11, %reduce_sum3A_77 : f32
    %iota3A_79 = tpu.iota {dimensions = array<i32: 0>} : vector<16x128xi32>
    %mul3A_80 = arith.constant 128 : i32
    %mul3A_81 = vector.broadcast %mul3A_80 : i32 to vector<16x128xi32>
    %mul3A_82 = arith.muli %iota3A_79, %mul3A_81 : vector<16x128xi32>
    %iota3A_83 = tpu.iota {dimensions = array<i32: 1>} : vector<16x128xi32>
    %add3A_84 = arith.addi %mul3A_82, %iota3A_83 : vector<16x128xi32>
    %shift_left3A = arith.constant 20 : i32
    %shift_left3A_85 = arith.shli %get3A_6, %shift_left3A : i32
    %shift_left3A_86 = arith.constant 9 : i32
    %shift_left3A_87 = vector.broadcast %shift_left3A_86 : i32 to vector<16x128xi32>
    %shift_left3A_88 = arith.shli %add3A_84, %shift_left3A_87 : vector<16x128xi32>
    %or3A = vector.broadcast %shift_left3A_85 : i32 to vector<16x128xi32>
    %or3A_89 = arith.ori %or3A, %shift_left3A_88 : vector<16x128xi32>
    %or3A_90 = arith.constant 256 : i32
    %or3A_91 = vector.broadcast %or3A_90 : i32 to vector<16x128xi32>
    %or3A_92 = arith.ori %or3A_89, %or3A_91 : vector<16x128xi32>
    %bitcast_convert_type3A = tpu.bitcast %or3A_92 : vector<16x128xi32> -> vector<16x128xf32>
    %gt3A_93 = vector.broadcast %sub3A_61 : f32 to vector<16x128xf32>
    %gt3A_94 = arith.cmpf ogt, %convert_element_type3A_67, %gt3A_93 : vector<16x128xf32>
    %mul3A_95 = arith.mulf %reshape3A, %bitcast_convert_type3A : vector<16x128xf32>
    %jit3A_96 = arith.constant 0.000000e+00 : f32
    %broadcast_in_dim3A_97 = vector.broadcast %jit3A_96 : f32 to vector<16x128xf32>
    %select_n3A_98 = arith.select %gt3A_94, %mul3A_95, %broadcast_in_dim3A_97 : vector<16x128xi1>, vector<16x128xf32>
    %reduce_sum3A_99 = vector.shape_cast %select_n3A_98 : vector<16x128xf32> to vector<1x16x128xf32>
    %reduce_sum3A_100 = arith.constant dense<0.000000e+00> : vector<1xf32>
    %reduce_sum3A_101 = vector.multi_reduction <add>, %reduce_sum3A_99, %reduce_sum3A_100 [1, 2] : vector<1x16x128xf32> to vector<1xf32>
    %reduce_sum3A_102 = vector.shape_cast %reduce_sum3A_101 : vector<1xf32> to vector<1x1x1xf32>
    %reduce_sum3A_103 = vector.extract %reduce_sum3A_102[0, 0, 0] : f32 from vector<1x1x1xf32>
    %eq3A = vector.broadcast %sub3A_61 : f32 to vector<16x128xf32>
    %eq3A_104 = arith.cmpf oeq, %convert_element_type3A_67, %eq3A : vector<16x128xf32>
    %jit3A_105 = arith.constant 0.000000e+00 : f32
    %broadcast_in_dim3A_106 = vector.broadcast %jit3A_105 : f32 to vector<16x128xf32>
    %select_n3A_107 = arith.select %eq3A_104, %bitcast_convert_type3A, %broadcast_in_dim3A_106 : vector<16x128xi1>, vector<16x128xf32>
    %reduce_sum3A_108 = vector.shape_cast %select_n3A_107 : vector<16x128xf32> to vector<1x16x128xf32>
    %reduce_sum3A_109 = arith.constant dense<0.000000e+00> : vector<1xf32>
    %reduce_sum3A_110 = vector.multi_reduction <add>, %reduce_sum3A_108, %reduce_sum3A_109 [1, 2] : vector<1x16x128xf32> to vector<1xf32>
    %reduce_sum3A_111 = vector.shape_cast %reduce_sum3A_110 : vector<1xf32> to vector<1x1x1xf32>
    %reduce_sum3A_112 = vector.extract %reduce_sum3A_111[0, 0, 0] : f32 from vector<1x1x1xf32>
    %get3A_113 = arith.constant 0 : index
    %get3A_114 = arith.constant 0 : index
    %get3A_115 = vector.load %arg1[%get3A_113, %get3A_114] : memref<32x16xf32, #tpu.memory_space<vmem>>, vector<32x16xf32>
    %reduce_sum3A_116 = vector.shape_cast %get3A_115 : vector<32x16xf32> to vector<1x32x16xf32>
    %reduce_sum3A_117 = arith.constant dense<0.000000e+00> : vector<1xf32>
    %reduce_sum3A_118 = vector.multi_reduction <add>, %reduce_sum3A_116, %reduce_sum3A_117 [1, 2] : vector<1x32x16xf32> to vector<1xf32>
    %reduce_sum3A_119 = vector.shape_cast %reduce_sum3A_118 : vector<1xf32> to vector<1x1x1xf32>
    %reduce_sum3A_120 = vector.extract %reduce_sum3A_119[0, 0, 0] : f32 from vector<1x1x1xf32>
    %add3A_121 = arith.addf %reduce_sum3A_120, %reduce_sum3A_103 : f32
    %mul3A_122 = arith.mulf %sub3A_78, %reduce_sum3A_112 : f32
    %add3A_123 = arith.addf %add3A_121, %mul3A_122 : f32
    %div3A = arith.constant 4.194300e+05 : f32
    %div3A_124 = arith.divf %add3A_123, %div3A : f32
    %broadcast_in_dim3A_125 = vector.broadcast %div3A_124 : f32 to vector<1x1xf32>
    %swap3A = arith.constant 0 : index
    %swap3A_126 = arith.constant 0 : index
    %swap3A_127 = vector.load %arg3[%swap3A, %swap3A_126] : memref<1x1xf32, #tpu.memory_space<vmem>>, vector<1x1xf32>
    tpu.vector_store %arg3[%swap3A, %swap3A_126], %broadcast_in_dim3A_125 {strides = array<i32>} : memref<1x1xf32, #tpu.memory_space<vmem>>, vector<1x1xf32>,
    return
  }
}

</mosaic_0001>

<sc_bundles>
// kernel: kernel.10.cloned.1.call-start
scs
__scs_entry_jumppad:
0x0: {  	(pc) =	sbr.rel $0x88, $3  }
0x1: {  	(tag) =	ssettag $0x0;
	lr =	simm.s32 $0x1  }
0x2: {  	[smem:$0x3F9F] =	sst lr;
	_ =	strace $0xD0000000  }
0x3: {  	_ = 	snop  }
0x4: {  	_ = 	snop  }
0x5: {  	_ = 	snop  }
0x6: {  	_ = 	snop  }
0x7: {  	_ = 	snop  }
__scs_overlays_trampoline_lowered:
0x8: {  	[smem:$0x3FAE] =	sst s0  }
0x9: {  	[smem:$0x3FAF] =	sst s1  }
0xa: {  	[smem:$0x3FB0] =	sst s2  }
0xb: {  	[smem:$0x3FB1] =	sst s3  }
0xc: {  	[smem:$0x3FB2] =	sst s4  }
0xd: {  	[smem:$0x3FB3] =	sst s5  }
0xe: {  	[smem:$0x3FB4] =	sst s6  }
0xf: {  	[smem:$0x3FB5] =	sst s7  }
0x10: {  	[smem:$0x3FB6] =	sst s8  }
0x11: {  	[smem:$0x3FB7] =	sst s9;
	s0 =	simm.s32 @!p0 $0x0  }
0x12: {  	s1 =	sld [smem:$0x3F9D];
	s0 =	simm.s32 @p0 $0x1  }
0x13: {  	[smem:$0x3FB8] =	sst s0;
	s0 =	simm.s32 @!p1 $0x0  }
0x14: {  	s2 =	sld [smem:$0x3F9C];
	s0 =	simm.s32 @p1 $0x1  }
0x15: {  	[smem:$0x3FB9] =	sst s0;
	s0 =	simm.s32 @!p2 $0x0  }
0x16: {  	s3 =	sld [smem:$0x3FDB];
	s0 =	simm.s32 @p2 $0x1  }
0x17: {  	s4 =	simm.s32 $0x1BF5;
	[smem:$0x3FBB] =	sst s0  }
0x18: {  	s0 =	sld [smem:$0x3F9E];
	_ =	swait.ge [sflag:s4], $0x0  }
0x19: {  	s7 =	sld [smem:$0x3F9F]  }
0x1a: {  	s8 =	sadd.s32 $0xFFFFE003, lr  }
0x1b: {  	s9 =	sadd.s32 $0xFFFFFEF7, lr;
	s5 =	simm.s32 $0xFFFFFFFF;
	p2 =	slt.u32 s8, $0xFFFFF086  }
0x1c: {  	p1 =	slt.u32 s9, $0xF7A;
	s5 =	simm.s32 @!p2 $0x0  }
0x1d: {  	s5 =	simm.s32 @p1 $0x1;
	p0 =	seq.s32 s7, s2  }
0x1e: {  	s7 =	smul.u32 @!p0 $0xF7A, s2;
	p2 =	seq.s32 @!p0 s5, $0x0  }
0x1f: {  	s9 =	smul.u32 $0xF7A, s1;
	s8 =	simm.s32 @!p0 $0x1BF5;
	p2 =	por !p2, p0  }
0x20: {  	[sflag:s8] =	ssyncset.s32 @!p0 $0xFFFFF086;
	s6 =	sadd.s32 @!p0 s3, s7;
	s7 =	simm.s32 @!p0 $0x108  }
0x21: {  	s3 =	sadd.s32 s3, s9;
	s6 =	sadd.s32 @!p0 $0x88, s6;
	s7 =	simm.s32 @p2 $0x1082  }
0x22: {  	[simem:s7], [sflag:s8] =	dma.local @!p0 [hbm:s6], $0xF7A  }
0x23: {  	s9 =	sor.u32 $0xD0000000, s2;
	s6 =	simm.s32 $0x108;
	_ =	swait.ge @!p0 [sflag:s8], $0x0  }
0x24: {  	s3 =	sadd.s32 $0x88, s3;
	s6 =	simm.s32 @!p1 $0x1082;
	[sflag:s4] =	ssyncset.s32 $0xFFFFF086  }
0x25: {  	[simem:s6], [sflag:s4] =	dma.local [hbm:s3], $0xF7A  }
0x26: {  	[smem:$0x3F9F] =	sst s1;
	(tag) =	ssettag s2;
	_ =	strace s9  }
0x27: {  	s1 =	sld [smem:$0x3FAF]  }
0x28: {  	s2 =	sld [smem:$0x3FB0]  }
0x29: {  	s4 =	sld [smem:$0x3FB2]  }
0x2a: {  	p0 =	seq.s32 s5, $0x0;
	s5 =	sld [smem:$0x3FB3]  }
0x2b: {  	s6 =	sld [smem:$0x3FB4]  }
0x2c: {  	s7 =	sld [smem:$0x3FB5]  }
0x2d: {  	s3 =	simm.s32 $0x108;
	s8 =	sld [smem:$0x3FB6]  }
0x2e: {  	s3 =	simm.s32 @!p0 $0x1082;
	s9 =	sld [smem:$0x3FB7]  }
0x2f: {  	lr =	sadd.s32 s0, s3;
	s0 =	sld [smem:$0x3FAE]  }
0x30: {  	s3 =	sld [smem:$0x3FB1]  }
0x31: {  	[smem:$0x3FBA] =	sst s10  }
0x32: {  	s10 =	sld [smem:$0x3FB8];
	_ =	sdelay $0x3  }
0x33: {  	p0 =	seq.s32 s10, $0x1;
	s10 =	sld [smem:$0x3FBA];
	_ =	sdelay $0x3  }
0x34: {  	[smem:$0x3FBA] =	sst s10  }
0x35: {  	s10 =	sld [smem:$0x3FB9];
	_ =	sdelay $0x3  }
0x36: {  	p1 =	seq.s32 s10, $0x1;
	s10 =	sld [smem:$0x3FBA];
	_ =	sdelay $0x3  }
0x37: {  	[smem:$0x3FBA] =	sst s10  }
0x38: {  	s10 =	sld [smem:$0x3FBB]  }
0x39: {  	_ = 	snop;
	(pc) =	sbr.ind lr, $3  }
0x3a: {  	_ = 	snop  }
0x3b: {  	_ = 	snop  }
0x3c: {  	p2 =	seq.s32 s10, $0x1;
	s10 =	sld [smem:$0x3FBA]  }
0x3d: {  	_ =	shalt  }
0x3e: {  	_ =	shalt  }
0x3f: {  	_ =	shalt  }
0x40: {  	_ =	shalt  }
0x41: {  	_ =	shalt  }
0x42: {  	_ =	shalt  }
0x43: {  	_ =	shalt  }
0x44: {  	_ =	shalt  }
0x45: {  	_ =	shalt  }
0x46: {  	_ =	shalt  }
0x47: {  	_ =	shalt  }
0x48: {  	_ =	shalt  }
0x49: {  	_ =	shalt  }
0x4a: {  	_ =	shalt  }
0x4b: {  	_ =	shalt  }
0x4c: {  	_ =	shalt  }
0x4d: {  	_ =	shalt  }
0x4e: {  	_ =	shalt  }
0x4f: {  	_ =	shalt  }
0x50: {  	_ =	shalt  }
0x51: {  	_ =	shalt  }
0x52: {  	_ =	shalt  }
0x53: {  	_ =	shalt  }
0x54: {  	_ =	shalt  }
0x55: {  	_ =	shalt  }
0x56: {  	_ =	shalt  }
0x57: {  	_ =	shalt  }
0x58: {  	_ =	shalt  }
0x59: {  	_ =	shalt  }
0x5a: {  	_ =	shalt  }
0x5b: {  	_ =	shalt  }
0x5c: {  	_ =	shalt  }
0x5d: {  	_ =	shalt  }
0x5e: {  	_ =	shalt  }
0x5f: {  	_ =	shalt  }
0x60: {  	_ =	shalt  }
0x61: {  	_ =	shalt  }
0x62: {  	_ =	shalt  }
0x63: {  	_ =	shalt  }
0x64: {  	_ =	shalt  }
0x65: {  	_ =	shalt  }
0x66: {  	_ =	shalt  }
0x67: {  	_ =	shalt  }
0x68: {  	_ =	shalt  }
0x69: {  	_ =	shalt  }
0x6a: {  	_ =	shalt  }
0x6b: {  	_ =	shalt  }
0x6c: {  	_ =	shalt  }
0x6d: {  	_ =	shalt  }
0x6e: {  	_ =	shalt  }
0x6f: {  	_ =	shalt  }
0x70: {  	_ =	shalt  }
0x71: {  	_ =	shalt  }
0x72: {  	_ =	shalt  }
0x73: {  	_ =	shalt  }
0x74: {  	_ =	shalt  }
0x75: {  	_ =	shalt  }
0x76: {  	_ =	shalt  }
0x77: {  	_ =	shalt  }
0x78: {  	_ =	shalt  }
0x79: {  	_ =	shalt  }
0x7a: {  	_ =	shalt  }
0x7b: {  	_ =	shalt  }
0x7c: {  	_ =	shalt  }
0x7d: {  	_ =	shalt  }
0x7e: {  	_ =	shalt  }
0x7f: {  	_ =	shalt  }
0x80: {  	_ =	shalt  }
0x81: {  	_ =	shalt  }
0x82: {  	_ =	shalt  }
0x83: {  	_ =	shalt  }
0x84: {  	_ =	shalt  }
0x85: {  	_ =	shalt  }
0x86: {  	_ =	shalt  }
0x87: {  	_ =	shalt  }
.Lfunc_end0:
.L_simem_size_0:
called_computation.1_lowered:
.L_overlay_start_0:
0x88: {  	s2 =	sld [smem:$0x3FD9]  }
0x89: {  	s3 =	sld [smem:$0x3FFE];
	_ =	sdelay $0x1  }
0x8a: {  	s1 =	srdreg.scid  }
0x8b: {  	s0 =	sand.u32 $0x1, s1  }
0x8c: {  	s16 =	sshll.u32 s0, $0xA;
	s2 =	sadd.s32 s3, s2  }
0x8d: {  	s2 =	sadd.s32 s2, s16  }
0x8e: {  	[smem:$0x3FC6] =	sst s2  }
0x8f: {  	_ = 	snop  }
0x90: {  	(tm) =	ssettm $0x1  }
0x91: {  	s17 =	sld [smem:$0x3FFB];
	_ =	sdelay $0x3  }
0x92: {  	_ =	strace s17  }
0x93: {  	s2 =	sld [smem:$0x3FFC];
	_ =	sdelay $0x3  }
0x94: {  	_ =	strace s2  }
0x95: {  	s2 =	sld [smem:$0x3FFD];
	_ =	sdelay $0x3  }
0x96: {  	_ =	strace s2  }
0x97: {  	_ =	strace $0x8FFFFFFF  }
0x98: {  	s18 =	sld [smem:$0x3FDB];
	_ =	sdelay $0x1  }
0x99: {  	s19 =	simm.s32 $_scs_section_size  }
0x9a: {  	s4 =	simm.s32 $_size__tile_overlayer_lowered;
	s5 =	simm.s32 $_tile_overlayer_lowered  }
0x9b: {  	s22 =	simm.s32 $0x1BFF;
	s21 =	sshll.u32 s5, $0x1;
	s2 =	sadd.s32 s19, s18  }
0x9c: {  	s6 =	simm.s32 $0x0;
	s20 =	sshll.u32 s4, $0x1;
	s4 =	sadd.s32 s21, s2  }
0x9d: {  	[timem:s6], [sflag:s22] =	dma.local [hbm:s4], s20  }
0x9e: {  	_ =	swait.ge [sflag:s22], s20  }
0x9f: {  	s3 =	ssub.s32 $0x0, s20;
	[sflag:s22] =	ssyncset.done $0x0  }
0xa0: {  	[sflag:s22] =	ssyncadd.s32 s3;
	_ =	sdelay $0x1  }
0xa1: {  	s23 =	simm.s32 $0x1B8B  }
0xa2: {  	_ =	swait.ge [sflag:s23], $0x1  }
0xa3: {  	[sflag:s23] =	ssyncset.done $0x0  }
0xa4: {  	s25 =	simm.s32 $0x1B8E;
	s24 =	sld [smem:$0x3FFE];
	[sflag:s23] =	ssyncadd.s32 $0xFFFFFFFF  }
0xa5: {  	s26 =	simm.s32 $execute0_lowered;
	[smem:$0x3FD2] =	sst s25  }
0xa6: {  	s4 =	sshll.u32 s26, $0x1;
	_ =	strace $0x80000049;
	[dreg:$0x1] =	wrdreg $0xFFFFFFFF  }
0xa7: {  	s28 =	simm.s32 $_size_execute0_lowered;
	s2 =	sadd.s32 s2, s4;
	[dreg:$0x0] =	wrdreg $0x0  }
0xa8: {  	s4 =	sshll.u32 s28, $0x1;
	[dreg:$0x2] =	wrdreg s2  }
0xa9: {  	[dreg:$0x3] =	wrdreg s4  }
0xaa: {  	[dreg:$0x4] =	wrdreg $0xC0  }
0xab: {  	_ =	task [dreg:s6], $0x5FFFF  }
0xac: {  	[dreg:$0x1] =	wrdreg $0xFFFFFFFF  }
0xad: {  	[dreg:$0x0] =	wrdreg $0x60  }
0xae: {  	[dreg:$0x2] =	wrdreg s24  }
0xaf: {  	[dreg:$0x3] =	wrdreg $0x9  }
0xb0: {  	_ =	task.clear_ibuf [dreg:s6], $0x4FFFF;
	_ =	strace $0x90000049  }
0xb1: {  	s29 =	simm.s32 $0x9;
	_ =	strace $0x8000004B  }
0xb2: {  	_ =	swait.ge [sflag:s29], $0x1  }
0xb3: {  	[sflag:s29] =	ssyncadd.s32 $0xFFFFFFFF  }
0xb4: {  	_ =	strace $0x9000004B  }
0xb5: {  	_ =	sfence  }
0xb6: {  	s30 =	sld [smem:$0x0];
	_ =	sdelay $0x2  }
0xb7: {  	s31 =	sshll.u32 s1, $0xD;
	s1 =	sshrl.u32 s1, $0x2  }
0xb8: {  	s3 =	sand.u32 $0x4000, s31;
	s1 =	sadd.s32 s1, s30  }
0xb9: {  	s0 =	sor.u32 s3, s0;
	s1 =	sshll.u32 s1, $0x11  }
0xba: {  	s0 =	sor.u32 s1, s0  }
0xbb: {  	s0 =	sadd.s32 $0x8F2B, s0  }
0xbc: {  	[sflag:s0] =	ssyncadd.remote.s32 $0x1  }
0xbd: {  	_ =	sfence.sel $0xFFFF  }
0xbe: {  	[dreg:$0x0] =	wrdreg $0xFFFFFFFF;
	(pc) =	sbr.abs _section_cstart, $3  }
0xbf: {  	[dreg:$0x1] =	wrdreg $0xFFFFFFFF  }
0xc0: {  	_ =	task.clear_ibuf [dreg:s6], $0x2FFFF;
	_ =	strace $0x9FFFFFFF  }
0xc1: {  	(tm) =	ssettm $0x7FFFFFFF  }
tec
execute0_lowered:
.L_overlay_start_1:
0x0: {  	(tag) =	ssettag $0x1  }
0x1: {  	s5 =	rddreg [dreg:$0x0];
	s1 =	srdreg.scid  }
0x2: {  	s0 =	rddreg [dreg:$0x1];
	s2 =	simm.s32 $0x0;
	s12 =	simm.s32 $0x10800  }
0x3: {  	s13 =	simm.s32 $0x3;
	s14 =	simm.s32 $0x1;
	s15 =	simm.s32 $0x8000  }
0x4: {  	s16 =	simm.s32 $0x2;
	s17 =	simm.s32 $0x10000;
	s18 =	simm.s32 $0x10810  }
0x5: {  	s19 =	simm.s32 $0x0;
	s6 =	sand.u32 $0x1, s1;
	s1 =	stileid.u32  }
0x6: {  	[smem:$0x7FF] =	sst s2;
	s4 =	sadd.s32 $0x81200, s5;
	s3 =	sshll.u32 s6, $0x4  }
0x7: {  	_ =	strace $0x8000004A;
	s6 =	ssub.s32 $0x2, s6;
	s7 =	sor.u32 s1, s3  }
0x8: {  	s3 =	sadd.s32 $0x1200, s5;
	s11 =	sshrl.u32 s6, $0x1;
	s8 =	sshll.u32 s7, $0x8  }
0x9: {  	s9 =	sshll.u32 s7, $0x1;
	s10 =	sshll.u32 s7, $0xE;
	s31 =	ssub.s32 s6, s11  }
0xa: {  	s6 =	sshll.u32 s7, $0x11;
	s11 =	simm.s32 $0x4000;
	s8 =	sadd.s32 s8, s5  }
0xb: {  	s9 =	sadd.s32 s9, s5;
	s5 =	sadd.s32 s3, s10;
	s10 =	smax.u32 s31, $0x1  }
0xc: {  	v0 =	vimm.s32 $0x0;
	v1 =	vlaneseq.u32;
	v2 =	vimm.s32 $0x1;
	s7 =	sadd.s32 $0x800, s5;
	s8 =	sadd.s32 $0x81400, s8;
	s9 =	sadd.s32 $0x83400, s9  }
.LBB2_1:
0xd: {  	[tilespmem:s2], [sflag:$0x1] =	stream.linear.gather [hbm4b:s5+s2], $0x4000, $0x38;
	[tilespmem:$0x10820] =	vst v63  }
0xe: {  	_ = 	snop  }
0xf: {  	[tilespmem:s11], [sflag:$0x2] =	stream.linear.gather [hbm4b:s7+s2], $0x4000, $0x38;
	[tilespmem:$0x10820] =	vst v63  }
0x10: {  	_ = 	snop  }
0x11: {  	[tilespmem:s12], [sflag:$0x3] =	stream.linear.gather [hbm4b:s4+s2], $0x10, $0x38;
	[tilespmem:$0x10820] =	vst v63  }
0x12: {  	_ =	swait.ge [sflag:s13], $0x10  }
0x13: {  	[sflag:s13] =	ssyncset.done $0x0  }
0x14: {  	[sflag:s13] =	ssyncadd.s32 $0xFFFFFFF0  }
0x15: {  	v3 =	vld [tilespmem:$0x10800];
	_ =	sdelay $0x2  }
0x16: {  	s20 =	simm.s32 $0x0;
	s21 =	simm.s32 $0x200  }
.LBB2_2:
0x17: {  	p0 =	sne.s32 s21, $0x1FE00;
	[tilespmem:s20+$0x8070] =	vst v0  }
0x18: {  	[tilespmem:s20+$0x8000] =	vst v0  }
0x19: {  	[tilespmem:s20+$0x8010] =	vst v0  }
.Ltmp0:
0x1a: {  	[tilespmem:s20+$0x8020] =	vst v0;
	(pc) =	sbr.rel @p0 .LBB2_2-.Ltmp0, $4  }
0x1b: {  	[tilespmem:s20+$0x8030] =	vst v0  }
0x1c: {  	[tilespmem:s20+$0x8040] =	vst v0  }
0x1d: {  	[tilespmem:s20+$0x8050] =	vst v0  }
0x1e: {  	[tilespmem:s20+$0x8060] =	vst v0;
	s20 =	sshra.s32 s21, $0x2;
	s21 =	sadd.s32 $0x200, s21  }
0x1f: {  	[tilespmem:s20+$0x8070] =	vst v0  }
0x20: {  	[tilespmem:s20+$0x8000] =	vst v0  }
0x21: {  	[tilespmem:s20+$0x8010] =	vst v0;
	v4 =	vimm.f32 $0.0e+00  }
0x22: {  	[tilespmem:s20+$0x8020] =	vst v0;
	v6 =	vimm.f32 $0.0e+00;
	v5 =	vimm.f32 $0.0e+00;
	v13 =	vimm.f32 $0.0e+00  }
0x23: {  	[tilespmem:s20+$0x8030] =	vst v0;
	v7 =	vimm.f32 $0.0e+00;
	v9 =	vimm.f32 $0.0e+00;
	v10 =	vimm.f32 $0.0e+00  }
0x24: {  	[tilespmem:s20+$0x8040] =	vst v0;
	v14 =	vimm.f32 $0.0e+00;
	v15 =	vimm.f32 $0.0e+00;
	v19 =	vimm.f32 $0.0e+00  }
0x25: {  	[tilespmem:s20+$0x8050] =	vst v0;
	v17 =	vimm.f32 $0.0e+00;
	v12 =	vimm.f32 $0.0e+00;
	v16 =	vimm.f32 $0.0e+00  }
0x26: {  	[tilespmem:s20+$0x8060] =	vst v0;
	s20 =	simm.s32 $0x0;
	v8 =	vimm.f32 $0.0e+00;
	v18 =	vimm.f32 $0.0e+00;
	v11 =	vimm.f32 $0.0e+00  }
.LBB2_4:
0x27: {  	_ =	swait.ge [sflag:s14], $0x4000  }
0x28: {  	[sflag:s14] =	ssyncset.done $0x0  }
0x29: {  	s21 =	simm.s32 $0x0;
	[sflag:s14] =	ssyncadd.s32 $0xFFFFC000  }
0x2a: {  	v23 =	vld [tilespmem:s21+$0x60]  }
0x2b: {  	v27 =	vld [tilespmem:s21+$0x10]  }
0x2c: {  	v20 =	vld [tilespmem:s21+$0x20]  }
0x2d: {  	v42 =	vld [tilespmem:s21+$0x30]  }
0x2e: {  	v22 =	vld [tilespmem:s21+$0x0]  }
0x2f: {  	v39 =	vld [tilespmem:s21+$0x50]  }
0x30: {  	v37 =	vld [tilespmem:s21+$0x70]  }
0x31: {  	v36 =	vshrl.u32 v23, $0x14;
	v24 =	vshrl.u32 v23, $0x5  }
0x32: {  	v26 =	vshrl.u32 v27, $0x14;
	v25 =	vshrl.u32 v27, $0x5;
	v46 =	vshrl.u32 v42, $0x14  }
0x33: {  	v47 =	vshrl.u32 v20, $0x5;
	v31 =	vshrl.u32 v22, $0x5;
	v34 =	vshrl.u32 v22, $0x14  }
0x34: {  	v30 =	vld [tilespmem:s21+$0xC0];
	v43 =	vshrl.u32 v42, $0x5;
	v40 =	vshrl.u32 v39, $0x5;
	v45 =	vshrl.u32 v39, $0x14  }
0x35: {  	v51 =	vshrl.u32 v37, $0x5;
	v38 =	vand.u32 $0x7FF0, v24;
	vm0 =	vgt.s32 v36, v3  }
0x36: {  	vm2 =	veq.s32 v26, v3;
	v29 =	vand.u32 $0x7FF0, v25;
	vm3 =	veq.s32 v46, v3  }
0x37: {  	v21 =	vld [tilespmem:s21+$0xF0];
	vm13 =	vgt.s32 v34, v3;
	v48 =	vand.u32 $0x7FF0, v31;
	vm5 =	veq.s32 v45, v3  }
0x38: {  	vm11 =	veq.s32 v34, v3;
	v44 =	vand.u32 $0x7FF0, v40;
	vm6 =	vgt.s32 v45, v3  }
0x39: {  	vm7 =	veq.s32 v36, v3;
	v50 =	vand.u32 $0x7FF0, v47;
	v47 =	vshrl.u32 v30, $0x5  }
0x3a: {  	v24 =	vld [tilespmem:s21+$0x40];
	vm12 =	vgt.s32 v46, v3;
	v46 =	vshrl.u32 v30, $0x14;
	v28 =	vnsel vm0, $0x0, v23  }
0x3b: {  	v25 =	vld [tilespmem:s21+$0xE0];
	v23 =	vshrl.u32 v20, $0x14;
	v33 =	vor.u32 v1, v29;
	vm0 =	vgt.s32 v26, v3  }
0x3c: {  	v31 =	vld [tilespmem:s21+$0x90];
	v26 =	vshrl.u32 v21, $0x5;
	v45 =	vnsel vm6, $0x0, v39;
	v39 =	vor.u32 v1, v38  }
0x3d: {  	v29 =	vld [tilespmem:s21+$0xB0];
	v52 =	vor.u32 v1, v48;
	v48 =	vand.u32 $0x7FF0, v51;
	v63 =	vnsel vm12, $0x0, v42  }
0x3e: {  	v19 =	vadd.f32 v28, v19;
	vm14 =	veq.s32 v23, v3;
	v28 =	vld [tilespmem:s21+$0xD0];
	v32 =	vnsel vm0, $0x0, v27  }
0x3f: {  	v27 =	vld [tilespmem:s21+$0xA0];
	v17 =	vadd.f32 v45, v17;
	v45 =	vshrl.u32 v37, $0x14;
	v16 =	vadd.f32 v63, v16  }
0x40: {  	v18 =	vadd.f32 v32, v18;
	v32 =	vld [tilespmem:s21+$0x80];
	vm9 =	veq.s32 v45, v3;
	v49 =	vshrl.u32 v24, $0x14  }
0x41: {  	v54 =	vshrl.u32 v24, $0x5;
	v34 =	vshrl.u32 v25, $0x14;
	v38 =	vshrl.u32 v31, $0x14  }
0x42: {  	v53 =	vshrl.u32 v31, $0x5;
	vm4 =	veq.s32 v49, v3;
	v35 =	vshrl.u32 v29, $0x14  }
0x43: {  	v51 =	vshrl.u32 v29, $0x5;
	vm6 =	vgt.s32 v49, v3;
	v54 =	vand.u32 $0x7FF0, v54  }
0x44: {  	v41 =	vshrl.u32 v28, $0x14;
	v40 =	vshrl.u32 v27, $0x14;
	v62 =	vshrl.u32 v28, $0x5  }
0x45: {  	vm8 =	veq.s32 v35, v3;
	v36 =	vand.u32 $0x7FF0, v62;
	v55 =	vshrl.u32 v32, $0x5  }
0x46: {  	s21 =	simm.s32 $0x400;
	vm10 =	vgt.s32 v41, v3;
	v42 =	vshrl.u32 v32, $0x14;
	v49 =	vand.u32 $0x7FF0, v55  }
.LBB2_5:
0x47: {  	v55 =	vimm.s32 $0x0;
	v54 =	vor.u32 v1, v54  }
0x48: {  	vm0 =	veq.s32 v38, v3;
	v61 =	vimm.s32 $0x0;
	v43 =	vand.u32 $0x7FF0, v43  }
0x49: {  	v53 =	vand.u32 $0x7FF0, v53;
	vm15 =	vgt.s32 v45, v3;
	[tilespmem:v52+s15+$0x0] =	vst.idx.add.s32.msk vm11, v2;
	v55 =	vsel vm13, $0xFFFFFFFF, v55  }
0x4a: {  	vm12 =	veq.s32 v40, v3;
	v50 =	vor.u32 v1, v50;
	[tilespmem:$0x1FFF0] =	vst v55;
	v55 =	vsel vm0, $0xFFFFFFFF, v61  }
0x4b: {  	v63 =	vshrl.u32 v27, $0x5;
	v28 =	vnsel vm10, $0x0, v28;
	v43 =	vor.u32 v1, v43;
	[tilespmem:$0x1FFE0] =	vst v55  }
0x4c: {  	v51 =	vand.u32 $0x7FF0, v51;
	v52 =	vor.u32 v1, v44;
	v5 =	vadd.f32 v28, v5;
	v28 =	vld [tilespmem:$0x1FFE0]  }
0x4d: {  	vm11 =	veq.s32 v46, v3;
	vm1 =	vgt.s32 v46, v3;
	v56 =	vor.u32 v1, v49  }
0x4e: {  	vm10 =	vgt.s32 v34, v3;
	vm13 =	veq.s32 v42, v3;
	[tilespmem:v33+s15+$0x0] =	vst.idx.add.s32.msk vm2, v2;
	v30 =	vnsel vm1, $0x0, v30  }
0x4f: {  	v24 =	vnsel vm6, $0x0, v24;
	vm0 =	vgt.s32 v40, v3;
	v13 =	vadd.f32 v30, v13;
	[tilespmem:v50+s15+$0x0] =	vst.idx.add.s32.msk vm14, v2  }
0x50: {  	v30 =	vor.u32 v1, v48;
	v27 =	vnsel vm0, $0x0, v27;
	vm0 =	vgt.s32 v38, v3;
	[tilespmem:v43+s15+$0x0] =	vst.idx.add.s32.msk vm3, v2  }
0x51: {  	v62 =	vor.u32 v1, v53;
	v31 =	vnsel vm0, $0x0, v31;
	[tilespmem:v54+s15+$0x0] =	vst.idx.add.s32.msk vm4, v2;
	vm0 =	vnez.u8 v28  }
0x52: {  	v53 =	vand.u32 $0x7FF0, v63;
	v37 =	vnsel vm15, $0x0, v37;
	vm15 =	veq.s32 v41, v3;
	[tilespmem:v52+s15+$0x0] =	vst.idx.add.s32.msk vm5, v2  }
0x53: {  	vm1 =	veq.s32 v34, v3;
	v57 =	vnsel vm10, $0x0, v25;
	v58 =	vor.u32 v1, v53;
	[tilespmem:v39+s15+$0x0] =	vst.idx.add.s32.msk vm7, v2  }
0x54: {  	v25 =	vshrl.u32 v25, $0x5;
	v59 =	vor.u32 v1, v51;
	v55 =	vand.u32 $0x7FF0, v47;
	v28 =	vld [tilespmem:$0x1FFF0]  }
0x55: {  	v12 =	vadd.f32 v24, v12;
	v24 =	vshrl.u32 v21, $0x14;
	v40 =	vor.u32 v1, v55;
	[tilespmem:v30+s15+$0x0] =	vst.idx.add.s32.msk vm9, v2  }
0x56: {  	v25 =	vand.u32 $0x7FF0, v25;
	v9 =	vadd.f32 v27, v9;
	v27 =	vor.u32 v1, v36;
	[tilespmem:v56+s15+$0x0] =	vst.idx.add.s32.msk vm13, v2  }
0x57: {  	v26 =	vand.u32 $0x7FF0, v26;
	v25 =	vor.u32 v1, v25;
	[tilespmem:v62+s15+$0x0] =	vst.idx.add.s32.msk vm0, v2;
	vm0 =	veq.s32 v24, v3  }
0x58: {  	v26 =	vor.u32 v1, v26;
	[tilespmem:v58+s15+$0x0] =	vst.idx.add.s32.msk vm12, v2  }
0x59: {  	[tilespmem:v59+s15+$0x0] =	vst.idx.add.s32.msk vm8, v2  }
0x5a: {  	[tilespmem:v40+s15+$0x0] =	vst.idx.add.s32.msk vm11, v2  }
0x5b: {  	[tilespmem:v27+s15+$0x0] =	vst.idx.add.s32.msk vm15, v2  }
0x5c: {  	s22 =	smov.u32 s21;
	vm2 =	vgt.s32 v35, v3;
	[tilespmem:v25+s15+$0x0] =	vst.idx.add.s32.msk vm1, v2  }
0x5d: {  	s22 =	sshra.s32 s22, $0x2;
	v29 =	vnsel vm2, $0x0, v29;
	vm2 =	vgt.s32 v42, v3;
	[tilespmem:v26+s15+$0x0] =	vst.idx.add.s32.msk vm0, v2  }
0x5e: {  	v32 =	vnsel vm2, $0x0, v32;
	vm3 =	vgt.s32 v23, v3;
	vm2 =	vnez.u8 v28;
	v23 =	vld [tilespmem:s22+$0x60]  }
0x5f: {  	v22 =	vnsel vm2, $0x0, v22;
	v27 =	vld [tilespmem:s22+$0x10]  }
0x60: {  	v11 =	vadd.f32 v22, v11;
	v22 =	vld [tilespmem:s22+$0x0]  }
0x61: {  	v20 =	vnsel vm3, $0x0, v20;
	v42 =	vld [tilespmem:s22+$0x30]  }
0x62: {  	v15 =	vadd.f32 v37, v15;
	v8 =	vadd.f32 v20, v8;
	v20 =	vld [tilespmem:s22+$0x20]  }
0x63: {  	v6 =	vadd.f32 v57, v6;
	v7 =	vadd.f32 v29, v7;
	vm2 =	vgt.s32 v24, v3;
	v39 =	vld [tilespmem:s22+$0x50]  }
0x64: {  	v14 =	vadd.f32 v32, v14;
	v10 =	vadd.f32 v31, v10;
	v21 =	vnsel vm2, $0x0, v21;
	v25 =	vld [tilespmem:s22+$0xE0]  }
0x65: {  	v4 =	vadd.f32 v21, v4;
	v60 =	vshrl.u32 v23, $0x14;
	v24 =	vshrl.u32 v23, $0x5  }
0x66: {  	v26 =	vshrl.u32 v27, $0x14;
	v28 =	vshrl.u32 v27, $0x5;
	v46 =	vshrl.u32 v42, $0x14  }
0x67: {  	v37 =	vld [tilespmem:s22+$0x70];
	v47 =	vshrl.u32 v20, $0x5;
	v61 =	vshrl.u32 v22, $0x5;
	v62 =	vshrl.u32 v22, $0x14  }
0x68: {  	v32 =	vld [tilespmem:s22+$0x80];
	v43 =	vshrl.u32 v42, $0x5;
	v63 =	vshrl.u32 v39, $0x5;
	v57 =	vshrl.u32 v39, $0x14  }
0x69: {  	v34 =	vshrl.u32 v25, $0x14;
	v38 =	vand.u32 $0x7FF0, v24;
	vm0 =	vgt.s32 v60, v3  }
0x6a: {  	v21 =	vld [tilespmem:s22+$0xF0];
	vm2 =	veq.s32 v26, v3;
	v30 =	vand.u32 $0x7FF0, v28;
	vm3 =	veq.s32 v46, v3  }
0x6b: {  	vm13 =	vgt.s32 v62, v3;
	v59 =	vand.u32 $0x7FF0, v61;
	vm5 =	veq.s32 v57, v3  }
0x6c: {  	vm11 =	veq.s32 v62, v3;
	v44 =	vand.u32 $0x7FF0, v63;
	vm7 =	veq.s32 v60, v3  }
0x6d: {  	v50 =	vand.u32 $0x7FF0, v47;
	v61 =	vshrl.u32 v37, $0x5;
	v62 =	vshrl.u32 v32, $0x5  }
0x6e: {  	v29 =	vnsel vm0, $0x0, v23;
	v23 =	vshrl.u32 v20, $0x14;
	v33 =	vor.u32 v1, v30  }
0x6f: {  	v24 =	vld [tilespmem:s22+$0x40];
	vm0 =	vgt.s32 v26, v3;
	v26 =	vshrl.u32 v21, $0x5;
	v52 =	vor.u32 v1, v59  }
0x70: {  	v28 =	vld [tilespmem:s22+$0xD0];
	v48 =	vand.u32 $0x7FF0, v61;
	v19 =	vadd.f32 v29, v19;
	v31 =	vnsel vm0, $0x0, v27  }
0x71: {  	vm14 =	veq.s32 v23, v3;
	vm0 =	vgt.s32 v57, v3;
	v18 =	vadd.f32 v31, v18  }
0x72: {  	v30 =	vld [tilespmem:s22+$0xC0];
	v45 =	vnsel vm0, $0x0, v39;
	v39 =	vor.u32 v1, v38;
	vm0 =	vgt.s32 v46, v3  }
0x73: {  	v29 =	vld [tilespmem:s22+$0xB0];
	v17 =	vadd.f32 v45, v17;
	v45 =	vshrl.u32 v37, $0x14;
	v63 =	vnsel vm0, $0x0, v42  }
0x74: {  	v27 =	vld [tilespmem:s22+$0xA0];
	v42 =	vshrl.u32 v32, $0x14;
	v49 =	vshrl.u32 v24, $0x14;
	v58 =	vshrl.u32 v24, $0x5  }
0x75: {  	p0 =	sne.s32 s21, $0xFC00;
	v31 =	vld [tilespmem:s22+$0x90];
	v41 =	vshrl.u32 v28, $0x14;
	v60 =	vshrl.u32 v28, $0x5;
	vm9 =	veq.s32 v45, v3  }
.Ltmp1:
0x76: {  	v16 =	vadd.f32 v63, v16;
	vm4 =	veq.s32 v49, v3;
	v36 =	vand.u32 $0x7FF0, v60;
	(pc) =	sbr.rel @p0 .LBB2_5-.Ltmp1, $4  }
0x77: {  	v47 =	vshrl.u32 v30, $0x5;
	vm6 =	vgt.s32 v49, v3;
	v49 =	vand.u32 $0x7FF0, v62  }
0x78: {  	vm10 =	vgt.s32 v41, v3;
	v54 =	vand.u32 $0x7FF0, v58;
	v46 =	vshrl.u32 v30, $0x14  }
0x79: {  	v35 =	vshrl.u32 v29, $0x14;
	v40 =	vshrl.u32 v27, $0x14;
	v51 =	vshrl.u32 v29, $0x5  }
0x7a: {  	s21 =	sadd.s32 $0x400, s21;
	v38 =	vshrl.u32 v31, $0x14;
	v53 =	vshrl.u32 v31, $0x5;
	vm8 =	veq.s32 v35, v3  }
0x7b: {  	_ =	sdelay $0x1  }
0x7c: {  	v43 =	vand.u32 $0x7FF0, v43;
	v50 =	vor.u32 v1, v50  }
0x7d: {  	v43 =	vor.u32 v1, v43  }
0x7e: {  	v54 =	vor.u32 v1, v54  }
0x7f: {  	[tilespmem:v52+s15+$0x0] =	vst.idx.add.s32.msk vm11, v2;
	v44 =	vor.u32 v1, v44  }
0x80: {  	vm0 =	veq.s32 v42, v3;
	[tilespmem:v33+s15+$0x0] =	vst.idx.add.s32.msk vm2, v2  }
0x81: {  	vm1 =	veq.s32 v38, v3;
	v48 =	vor.u32 v1, v48;
	[tilespmem:v50+s15+$0x0] =	vst.idx.add.s32.msk vm14, v2  }
0x82: {  	v63 =	vand.u32 $0x7FF0, v53;
	v52 =	vshrl.u32 v27, $0x5;
	v49 =	vor.u32 v1, v49;
	[tilespmem:v43+s15+$0x0] =	vst.idx.add.s32.msk vm3, v2  }
0x83: {  	v33 =	vor.u32 v1, v63;
	vm2 =	veq.s32 v40, v3;
	v53 =	vand.u32 $0x7FF0, v52;
	[tilespmem:v54+s15+$0x0] =	vst.idx.add.s32.msk vm4, v2  }
0x84: {  	v55 =	vand.u32 $0x7FF0, v51;
	v47 =	vand.u32 $0x7FF0, v47;
	v43 =	vor.u32 v1, v53;
	[tilespmem:v44+s15+$0x0] =	vst.idx.add.s32.msk vm5, v2  }
0x85: {  	v58 =	vshrl.u32 v25, $0x5;
	v57 =	vor.u32 v1, v55;
	vm3 =	veq.s32 v46, v3;
	[tilespmem:v39+s15+$0x0] =	vst.idx.add.s32.msk vm7, v2  }
0x86: {  	v59 =	vshrl.u32 v21, $0x14;
	v56 =	vor.u32 v1, v47;
	vm4 =	veq.s32 v41, v3;
	[tilespmem:v48+s15+$0x0] =	vst.idx.add.s32.msk vm9, v2  }
0x87: {  	v36 =	vor.u32 v1, v36;
	vm5 =	veq.s32 v34, v3;
	v39 =	vand.u32 $0x7FF0, v58;
	[tilespmem:v49+s15+$0x0] =	vst.idx.add.s32.msk vm0, v2  }
0x88: {  	v26 =	vand.u32 $0x7FF0, v26;
	v60 =	vor.u32 v1, v39;
	vm0 =	veq.s32 v59, v3;
	[tilespmem:v33+s15+$0x0] =	vst.idx.add.s32.msk vm1, v2  }
0x89: {  	v26 =	vor.u32 v1, v26;
	[tilespmem:v43+s15+$0x0] =	vst.idx.add.s32.msk vm2, v2  }
0x8a: {  	s21 =	sshll.u32 s20, $0xF;
	[tilespmem:v57+s15+$0x0] =	vst.idx.add.s32.msk vm8, v2  }
0x8b: {  	s21 =	sadd.s32 s6, s21;
	[tilespmem:v56+s15+$0x0] =	vst.idx.add.s32.msk vm3, v2  }
0x8c: {  	s21 =	sshrl.u32 s21, $0x3;
	[tilespmem:v36+s15+$0x0] =	vst.idx.add.s32.msk vm4, v2  }
0x8d: {  	s21 =	sadd.s32 s3, s21;
	vm1 =	vgt.s32 v45, v3;
	[tilespmem:v60+s15+$0x0] =	vst.idx.add.s32.msk vm5, v2  }
0x8e: {  	s23 =	simm.s32 $0x0;
	s22 =	sadd.s32 $0x1000, s21;
	v37 =	vnsel vm1, $0x0, v37;
	vm1 =	vgt.s32 v40, v3;
	[tilespmem:v26+s15+$0x0] =	vst.idx.add.s32.msk vm0, v2  }
0x8f: {  	v27 =	vnsel vm1, $0x0, v27;
	[tilespmem:s23], [sflag:$0x1] =	stream.linear.gather [hbm4b:s22+s23], $0x4000, $0x38;
	[tilespmem:$0x10820] =	vst v63  }
0x90: {  	vm2 =	vgt.s32 v46, v3;
	v9 =	vadd.f32 v27, v9;
	_ =	swait.ge [sflag:s16], $0x4000  }
0x91: {  	vm0 =	vgt.s32 v35, v3;
	v26 =	vnsel vm10, $0x0, v28;
	v28 =	vnsel vm2, $0x0, v30;
	[sflag:s16] =	ssyncset.done $0x0  }
0x92: {  	s31 =	simm.s32 $0x0;
	v29 =	vnsel vm0, $0x0, v29;
	vm0 =	vgt.s32 v42, v3;
	v13 =	vadd.f32 v28, v13;
	[sflag:s16] =	ssyncadd.s32 $0xFFFFC000  }
0x93: {  	v28 =	vnsel vm0, $0x0, v32;
	vm0 =	vgt.s32 v38, v3;
	v7 =	vadd.f32 v29, v7;
	v27 =	vld [tilespmem:s31+$0x4060]  }
0x94: {  	v14 =	vadd.f32 v28, v14;
	v28 =	vnsel vm0, $0x0, v31;
	vm0 =	vgt.s32 v59, v3;
	v29 =	vld [tilespmem:s31+$0x4010]  }
0x95: {  	vm1 =	vgt.s32 v23, v3;
	v23 =	vnsel vm0, $0x0, v21;
	v21 =	vld [tilespmem:s31+$0x4020]  }
0x96: {  	v22 =	vnsel vm13, $0x0, v22;
	v44 =	vld [tilespmem:s31+$0x4030]  }
0x97: {  	v24 =	vnsel vm6, $0x0, v24;
	v11 =	vadd.f32 v22, v11;
	v22 =	vld [tilespmem:s31+$0x4000]  }
0x98: {  	v12 =	vadd.f32 v24, v12;
	v24 =	vld [tilespmem:s31+$0x4040]  }
0x99: {  	v15 =	vadd.f32 v37, v15;
	v20 =	vnsel vm1, $0x0, v20;
	vm2 =	vgt.s32 v34, v3;
	v37 =	vld [tilespmem:s31+$0x4050]  }
0x9a: {  	v8 =	vadd.f32 v20, v8;
	v25 =	vnsel vm2, $0x0, v25;
	v5 =	vadd.f32 v26, v5;
	v30 =	vld [tilespmem:s31+$0x40D0]  }
0x9b: {  	v6 =	vadd.f32 v25, v6;
	v10 =	vadd.f32 v28, v10;
	v41 =	vld [tilespmem:s31+$0x4070]  }
0x9c: {  	v4 =	vadd.f32 v23, v4;
	v32 =	vld [tilespmem:s31+$0x4080];
	v34 =	vshrl.u32 v27, $0x14;
	v23 =	vshrl.u32 v27, $0x5  }
0x9d: {  	v26 =	vshrl.u32 v29, $0x14;
	v25 =	vshrl.u32 v29, $0x5;
	v48 =	vshrl.u32 v44, $0x14  }
0x9e: {  	v45 =	vshrl.u32 v21, $0x5;
	v61 =	vshrl.u32 v22, $0x5;
	v62 =	vshrl.u32 v22, $0x14  }
0x9f: {  	v63 =	vshrl.u32 v24, $0x14;
	v42 =	vshrl.u32 v44, $0x5;
	v57 =	vshrl.u32 v37, $0x5  }
0xa0: {  	v58 =	vshrl.u32 v37, $0x14;
	v59 =	vshrl.u32 v24, $0x5;
	v39 =	vshrl.u32 v30, $0x14  }
0xa1: {  	v50 =	vshrl.u32 v41, $0x14;
	v55 =	vshrl.u32 v32, $0x5;
	v36 =	vand.u32 $0x7FF0, v23  }
0xa2: {  	vm0 =	vgt.s32 v34, v3;
	vm2 =	veq.s32 v26, v3;
	v23 =	vshrl.u32 v21, $0x14  }
0xa3: {  	v28 =	vand.u32 $0x7FF0, v25;
	vm3 =	veq.s32 v48, v3;
	vm4 =	veq.s32 v63, v3  }
0xa4: {  	v31 =	vld [tilespmem:s31+$0x40C0];
	vm12 =	vgt.s32 v62, v3;
	v60 =	vand.u32 $0x7FF0, v61;
	vm5 =	veq.s32 v58, v3  }
0xa5: {  	v20 =	vld [tilespmem:s31+$0x40F0];
	vm10 =	veq.s32 v62, v3;
	v43 =	vand.u32 $0x7FF0, v57;
	vm7 =	vgt.s32 v58, v3  }
0xa6: {  	vm6 =	veq.s32 v34, v3;
	v61 =	vshrl.u32 v30, $0x5;
	v51 =	vand.u32 $0x7FF0, v45  }
0xa7: {  	v62 =	vshrl.u32 v41, $0x5;
	vm9 =	veq.s32 v50, v3;
	v47 =	vand.u32 $0x7FF0, v55  }
0xa8: {  	vm8 =	vgt.s32 v48, v3;
	vm11 =	vgt.s32 v39, v3;
	v54 =	vand.u32 $0x7FF0, v59  }
0xa9: {  	v25 =	vld [tilespmem:s31+$0x40E0];
	v48 =	vshrl.u32 v31, $0x14;
	v27 =	vnsel vm0, $0x0, v27;
	v33 =	vor.u32 v1, v28  }
0xaa: {  	vm13 =	veq.s32 v23, v3;
	vm0 =	vgt.s32 v26, v3;
	v26 =	vshrl.u32 v20, $0x5;
	v28 =	vld [tilespmem:s31+$0x40B0]  }
0xab: {  	v46 =	vnsel vm7, $0x0, v37;
	v19 =	vadd.f32 v27, v19;
	v29 =	vnsel vm0, $0x0, v29;
	v27 =	vld [tilespmem:s31+$0x40A0]  }
0xac: {  	v37 =	vor.u32 v1, v36;
	v34 =	vand.u32 $0x7FF0, v61;
	v18 =	vadd.f32 v29, v18;
	v29 =	vld [tilespmem:s31+$0x4090]  }
0xad: {  	v52 =	vor.u32 v1, v60;
	v45 =	vand.u32 $0x7FF0, v62;
	vm7 =	vgt.s32 v63, v3  }
0xae: {  	v63 =	vnsel vm8, $0x0, v44;
	v44 =	vshrl.u32 v32, $0x14;
	v17 =	vadd.f32 v46, v17  }
0xaf: {  	v46 =	vshrl.u32 v31, $0x5;
	v16 =	vadd.f32 v63, v16;
	v35 =	vshrl.u32 v25, $0x14  }
0xb0: {  	v40 =	vshrl.u32 v28, $0x14;
	v49 =	vshrl.u32 v28, $0x5;
	v38 =	vshrl.u32 v27, $0x14  }
0xb1: {  	s22 =	simm.s32 $0x400;
	vm8 =	veq.s32 v40, v3;
	v36 =	vshrl.u32 v29, $0x14;
	v53 =	vshrl.u32 v29, $0x5  }
.LBB2_7:
0xb2: {  	v55 =	vimm.s32 $0x0;
	v54 =	vor.u32 v1, v54  }
0xb3: {  	vm0 =	veq.s32 v36, v3;
	v61 =	vimm.s32 $0x0;
	v42 =	vand.u32 $0x7FF0, v42  }
0xb4: {  	v53 =	vand.u32 $0x7FF0, v53;
	vm15 =	vgt.s32 v50, v3;
	vm14 =	veq.s32 v38, v3;
	[tilespmem:v52+s15+$0x0] =	vst.idx.add.s32.msk vm10, v2  }
0xb5: {  	v63 =	vshrl.u32 v27, $0x5;
	v51 =	vor.u32 v1, v51;
	v55 =	vsel vm12, $0xFFFFFFFF, v55;
	[tilespmem:v33+s15+$0x0] =	vst.idx.add.s32.msk vm2, v2  }
0xb6: {  	v49 =	vand.u32 $0x7FF0, v49;
	vm2 =	vgt.s32 v40, v3;
	[tilespmem:$0x1FFD0] =	vst v55;
	v55 =	vsel vm0, $0xFFFFFFFF, v61  }
0xb7: {  	v52 =	vor.u32 v1, v43;
	v42 =	vor.u32 v1, v42;
	v28 =	vnsel vm2, $0x0, v28;
	[tilespmem:$0x1FFC0] =	vst v55  }
0xb8: {  	vm10 =	veq.s32 v48, v3;
	vm1 =	vgt.s32 v48, v3;
	v7 =	vadd.f32 v28, v7;
	v28 =	vld [tilespmem:$0x1FFC0]  }
0xb9: {  	v30 =	vnsel vm11, $0x0, v30;
	v56 =	vor.u32 v1, v47;
	vm11 =	vgt.s32 v35, v3  }
0xba: {  	vm12 =	veq.s32 v44, v3;
	v62 =	vor.u32 v1, v53;
	v31 =	vnsel vm1, $0x0, v31  }
0xbb: {  	v24 =	vnsel vm7, $0x0, v24;
	vm0 =	vgt.s32 v38, v3;
	v13 =	vadd.f32 v31, v13;
	[tilespmem:v51+s15+$0x0] =	vst.idx.add.s32.msk vm13, v2  }
0xbc: {  	v31 =	vor.u32 v1, v45;
	v27 =	vnsel vm0, $0x0, v27;
	vm0 =	vgt.s32 v36, v3;
	[tilespmem:v42+s15+$0x0] =	vst.idx.add.s32.msk vm3, v2  }
0xbd: {  	v53 =	vand.u32 $0x7FF0, v63;
	v29 =	vnsel vm0, $0x0, v29;
	[tilespmem:v54+s15+$0x0] =	vst.idx.add.s32.msk vm4, v2;
	vm0 =	vnez.u8 v28  }
0xbe: {  	v41 =	vnsel vm15, $0x0, v41;
	vm15 =	veq.s32 v39, v3;
	vm1 =	veq.s32 v35, v3;
	[tilespmem:v52+s15+$0x0] =	vst.idx.add.s32.msk vm5, v2  }
0xbf: {  	v57 =	vnsel vm11, $0x0, v25;
	v25 =	vshrl.u32 v25, $0x5;
	v58 =	vor.u32 v1, v53;
	[tilespmem:v37+s15+$0x0] =	vst.idx.add.s32.msk vm6, v2  }
0xc0: {  	v59 =	vor.u32 v1, v49;
	v12 =	vadd.f32 v24, v12;
	v55 =	vand.u32 $0x7FF0, v46;
	v28 =	vld [tilespmem:$0x1FFD0]  }
0xc1: {  	v24 =	vshrl.u32 v20, $0x14;
	v15 =	vadd.f32 v41, v15;
	v41 =	vor.u32 v1, v55;
	[tilespmem:v31+s15+$0x0] =	vst.idx.add.s32.msk vm9, v2  }
0xc2: {  	v25 =	vand.u32 $0x7FF0, v25;
	v9 =	vadd.f32 v27, v9;
	v27 =	vor.u32 v1, v34;
	[tilespmem:v56+s15+$0x0] =	vst.idx.add.s32.msk vm12, v2  }
0xc3: {  	v26 =	vand.u32 $0x7FF0, v26;
	v25 =	vor.u32 v1, v25;
	[tilespmem:v62+s15+$0x0] =	vst.idx.add.s32.msk vm0, v2;
	vm0 =	veq.s32 v24, v3  }
0xc4: {  	v26 =	vor.u32 v1, v26;
	[tilespmem:v58+s15+$0x0] =	vst.idx.add.s32.msk vm14, v2  }
0xc5: {  	[tilespmem:v59+s15+$0x0] =	vst.idx.add.s32.msk vm8, v2  }
0xc6: {  	[tilespmem:v41+s15+$0x0] =	vst.idx.add.s32.msk vm10, v2  }
0xc7: {  	[tilespmem:v27+s15+$0x0] =	vst.idx.add.s32.msk vm15, v2  }
0xc8: {  	s23 =	smov.u32 s22;
	[tilespmem:v25+s15+$0x0] =	vst.idx.add.s32.msk vm1, v2  }
0xc9: {  	s23 =	sshra.s32 s23, $0x2;
	vm2 =	vgt.s32 v44, v3;
	[tilespmem:v26+s15+$0x0] =	vst.idx.add.s32.msk vm0, v2  }
0xca: {  	v32 =	vnsel vm2, $0x0, v32;
	vm3 =	vgt.s32 v23, v3;
	vm2 =	vnez.u8 v28;
	v23 =	vld [tilespmem:s23+$0x4060]  }
0xcb: {  	v22 =	vnsel vm2, $0x0, v22;
	v27 =	vld [tilespmem:s23+$0x4010]  }
0xcc: {  	v21 =	vnsel vm3, $0x0, v21;
	v11 =	vadd.f32 v22, v11;
	v22 =	vld [tilespmem:s23+$0x4000]  }
0xcd: {  	v8 =	vadd.f32 v21, v8;
	v21 =	vld [tilespmem:s23+$0x4020]  }
0xce: {  	v44 =	vld [tilespmem:s23+$0x4030]  }
0xcf: {  	v25 =	vld [tilespmem:s23+$0x40E0]  }
0xd0: {  	v37 =	vld [tilespmem:s23+$0x4050]  }
0xd1: {  	v5 =	vadd.f32 v30, v5;
	v6 =	vadd.f32 v57, v6;
	vm2 =	vgt.s32 v24, v3;
	v30 =	vld [tilespmem:s23+$0x40D0]  }
0xd2: {  	v14 =	vadd.f32 v32, v14;
	v10 =	vadd.f32 v29, v10;
	v20 =	vnsel vm2, $0x0, v20;
	v41 =	vld [tilespmem:s23+$0x4070]  }
0xd3: {  	v4 =	vadd.f32 v20, v4;
	v60 =	vshrl.u32 v23, $0x14;
	v24 =	vshrl.u32 v23, $0x5  }
0xd4: {  	v26 =	vshrl.u32 v27, $0x14;
	v28 =	vshrl.u32 v27, $0x5;
	v48 =	vshrl.u32 v44, $0x14  }
0xd5: {  	v45 =	vshrl.u32 v21, $0x5;
	v61 =	vshrl.u32 v22, $0x5;
	v62 =	vshrl.u32 v22, $0x14  }
0xd6: {  	v42 =	vshrl.u32 v44, $0x5;
	v63 =	vshrl.u32 v37, $0x5;
	v57 =	vshrl.u32 v37, $0x14  }
0xd7: {  	v39 =	vshrl.u32 v30, $0x14;
	v35 =	vshrl.u32 v25, $0x14;
	v50 =	vshrl.u32 v41, $0x14  }
0xd8: {  	v32 =	vld [tilespmem:s23+$0x4080];
	v36 =	vand.u32 $0x7FF0, v24;
	vm0 =	vgt.s32 v60, v3;
	vm2 =	veq.s32 v26, v3  }
0xd9: {  	v28 =	vand.u32 $0x7FF0, v28;
	vm3 =	veq.s32 v48, v3;
	vm12 =	vgt.s32 v62, v3  }
0xda: {  	v20 =	vld [tilespmem:s23+$0x40F0];
	v59 =	vand.u32 $0x7FF0, v61;
	vm5 =	veq.s32 v57, v3;
	vm10 =	veq.s32 v62, v3  }
0xdb: {  	v43 =	vand.u32 $0x7FF0, v63;
	vm6 =	veq.s32 v60, v3;
	v60 =	vshrl.u32 v30, $0x5  }
0xdc: {  	v51 =	vand.u32 $0x7FF0, v45;
	v61 =	vshrl.u32 v41, $0x5;
	vm9 =	veq.s32 v50, v3  }
0xdd: {  	v62 =	vshrl.u32 v32, $0x5;
	vm11 =	vgt.s32 v39, v3;
	v29 =	vnsel vm0, $0x0, v23  }
0xde: {  	v31 =	vld [tilespmem:s23+$0x40C0];
	v23 =	vshrl.u32 v21, $0x14;
	v33 =	vor.u32 v1, v28;
	vm0 =	vgt.s32 v26, v3  }
0xdf: {  	v24 =	vld [tilespmem:s23+$0x4040];
	v26 =	vshrl.u32 v20, $0x5;
	v34 =	vand.u32 $0x7FF0, v60;
	v52 =	vor.u32 v1, v59  }
0xe0: {  	v45 =	vand.u32 $0x7FF0, v61;
	v19 =	vadd.f32 v29, v19;
	v29 =	vnsel vm0, $0x0, v27  }
0xe1: {  	v28 =	vld [tilespmem:s23+$0x40B0];
	vm13 =	veq.s32 v23, v3;
	vm0 =	vgt.s32 v57, v3;
	v18 =	vadd.f32 v29, v18  }
0xe2: {  	v27 =	vld [tilespmem:s23+$0x40A0];
	v46 =	vnsel vm0, $0x0, v37;
	v37 =	vor.u32 v1, v36;
	vm0 =	vgt.s32 v48, v3  }
0xe3: {  	p0 =	sne.s32 s22, $0xFC00;
	v29 =	vld [tilespmem:s23+$0x4090];
	v48 =	vshrl.u32 v31, $0x14;
	v17 =	vadd.f32 v46, v17;
	v46 =	vshrl.u32 v31, $0x5  }
.Ltmp2:
0xe4: {  	v63 =	vnsel vm0, $0x0, v44;
	v44 =	vshrl.u32 v32, $0x14;
	v47 =	vshrl.u32 v24, $0x14;
	(pc) =	sbr.rel @p0 .LBB2_7-.Ltmp2, $4  }
0xe5: {  	v58 =	vshrl.u32 v24, $0x5;
	v16 =	vadd.f32 v63, v16;
	vm4 =	veq.s32 v47, v3  }
0xe6: {  	v40 =	vshrl.u32 v28, $0x14;
	v49 =	vshrl.u32 v28, $0x5;
	vm7 =	vgt.s32 v47, v3  }
0xe7: {  	v47 =	vand.u32 $0x7FF0, v62;
	v54 =	vand.u32 $0x7FF0, v58;
	v38 =	vshrl.u32 v27, $0x14  }
0xe8: {  	s22 =	sadd.s32 $0x400, s22;
	vm8 =	veq.s32 v40, v3;
	v36 =	vshrl.u32 v29, $0x14;
	v53 =	vshrl.u32 v29, $0x5  }
0xe9: {  	_ = 	snop  }
0xea: {  	v42 =	vand.u32 $0x7FF0, v42;
	v51 =	vor.u32 v1, v51  }
0xeb: {  	v54 =	vor.u32 v1, v54;
	vm0 =	veq.s32 v44, v3;
	vm15 =	veq.s32 v36, v3  }
0xec: {  	v63 =	vand.u32 $0x7FF0, v53;
	v43 =	vor.u32 v1, v43;
	v42 =	vor.u32 v1, v42  }
0xed: {  	vm1 =	vgt.s32 v50, v3;
	v45 =	vor.u32 v1, v45;
	v56 =	vshrl.u32 v27, $0x5  }
0xee: {  	[tilespmem:v52+s15+$0x0] =	vst.idx.add.s32.msk vm10, v2;
	v46 =	vand.u32 $0x7FF0, v46;
	v47 =	vor.u32 v1, v47;
	v49 =	vand.u32 $0x7FF0, v49  }
0xef: {  	v30 =	vnsel vm11, $0x0, v30;
	vm11 =	vgt.s32 v40, v3;
	vm14 =	veq.s32 v35, v3;
	[tilespmem:v33+s15+$0x0] =	vst.idx.add.s32.msk vm2, v2  }
0xf0: {  	v59 =	vshrl.u32 v25, $0x5;
	v60 =	vshrl.u32 v20, $0x14;
	v34 =	vor.u32 v1, v34;
	[tilespmem:v51+s15+$0x0] =	vst.idx.add.s32.msk vm13, v2  }
0xf1: {  	vm10 =	vgt.s32 v44, v3;
	v55 =	vor.u32 v1, v63;
	v41 =	vnsel vm1, $0x0, v41;
	[tilespmem:v42+s15+$0x0] =	vst.idx.add.s32.msk vm3, v2  }
0xf2: {  	vm1 =	veq.s32 v38, v3;
	vm2 =	veq.s32 v48, v3;
	v42 =	vand.u32 $0x7FF0, v56;
	[tilespmem:v54+s15+$0x0] =	vst.idx.add.s32.msk vm4, v2  }
0xf3: {  	v26 =	vand.u32 $0x7FF0, v26;
	v46 =	vor.u32 v1, v46;
	v57 =	vor.u32 v1, v42;
	[tilespmem:v43+s15+$0x0] =	vst.idx.add.s32.msk vm5, v2  }
0xf4: {  	v24 =	vnsel vm7, $0x0, v24;
	v58 =	vor.u32 v1, v49;
	v26 =	vor.u32 v1, v26;
	[tilespmem:v37+s15+$0x0] =	vst.idx.add.s32.msk vm6, v2  }
0xf5: {  	v28 =	vnsel vm11, $0x0, v28;
	vm11 =	vgt.s32 v38, v3;
	vm3 =	veq.s32 v39, v3;
	[tilespmem:v45+s15+$0x0] =	vst.idx.add.s32.msk vm9, v2  }
0xf6: {  	v12 =	vadd.f32 v24, v12;
	v5 =	vadd.f32 v30, v5;
	v37 =	vand.u32 $0x7FF0, v59;
	[tilespmem:v47+s15+$0x0] =	vst.idx.add.s32.msk vm0, v2  }
0xf7: {  	v22 =	vnsel vm12, $0x0, v22;
	v61 =	vor.u32 v1, v37;
	[tilespmem:v55+s15+$0x0] =	vst.idx.add.s32.msk vm15, v2;
	vm15 =	veq.s32 v60, v3  }
0xf8: {  	v32 =	vnsel vm10, $0x0, v32;
	v11 =	vadd.f32 v22, v11;
	v15 =	vadd.f32 v41, v15;
	[tilespmem:v57+s15+$0x0] =	vst.idx.add.s32.msk vm1, v2  }
0xf9: {  	s20 =	sadd.s32 $0x1, s20;
	v63 =	vnsel vm11, $0x0, v27;
	v14 =	vadd.f32 v32, v14;
	vm13 =	vgt.s32 v48, v3;
	[tilespmem:v58+s15+$0x0] =	vst.idx.add.s32.msk vm8, v2  }
0xfa: {  	p0 =	sne.s32 s20, $0x3;
	v7 =	vadd.f32 v28, v7;
	v31 =	vnsel vm13, $0x0, v31;
	vm13 =	vgt.s32 v36, v3;
	[tilespmem:v46+s15+$0x0] =	vst.idx.add.s32.msk vm2, v2  }
.Ltmp3:
0xfb: {  	v9 =	vadd.f32 v63, v9;
	v13 =	vadd.f32 v31, v13;
	v29 =	vnsel vm13, $0x0, v29;
	[tilespmem:v34+s15+$0x0] =	vst.idx.add.s32.msk vm3, v2;
	(pc) =	sbr.rel @p0 .LBB2_4-.Ltmp3, $4  }
0xfc: {  	v10 =	vadd.f32 v29, v10;
	vm9 =	vgt.s32 v35, v3;
	[tilespmem:v61+s15+$0x0] =	vst.idx.add.s32.msk vm14, v2  }
0xfd: {  	v62 =	vnsel vm9, $0x0, v25;
	vm14 =	vgt.s32 v60, v3;
	[tilespmem:v26+s15+$0x0] =	vst.idx.add.s32.msk vm15, v2;
	vm15 =	vgt.s32 v23, v3  }
0xfe: {  	s21 =	sadd.s32 $0x1800, s21;
	v6 =	vadd.f32 v62, v6;
	v20 =	vnsel vm14, $0x0, v20;
	v21 =	vnsel vm15, $0x0, v21  }
0xff: {  	[tilespmem:s11], [sflag:$0x2] =	stream.linear.gather [hbm4b:s21+s2], $0x4000, $0x38;
	v4 =	vadd.f32 v20, v4;
	v8 =	vadd.f32 v21, v8;
	[tilespmem:$0x10820] =	vst v63  }
0x100: {  	_ =	swait.ge [sflag:s14], $0x4000  }
0x101: {  	[sflag:s14] =	ssyncset.done $0x0  }
0x102: {  	s20 =	simm.s32 $0x0;
	[sflag:s14] =	ssyncadd.s32 $0xFFFFC000  }
0x103: {  	v21 =	vld [tilespmem:s20+$0x60]  }
0x104: {  	v27 =	vld [tilespmem:s20+$0x10]  }
0x105: {  	v20 =	vld [tilespmem:s20+$0x20]  }
0x106: {  	v43 =	vld [tilespmem:s20+$0x30]  }
0x107: {  	v23 =	vld [tilespmem:s20+$0x0]  }
0x108: {  	v25 =	vld [tilespmem:s20+$0x40]  }
0x109: {  	v39 =	vld [tilespmem:s20+$0x50]  }
0x10a: {  	v37 =	vld [tilespmem:s20+$0x70]  }
0x10b: {  	v34 =	vshrl.u32 v21, $0x14;
	v24 =	vshrl.u32 v21, $0x5  }
0x10c: {  	v28 =	vshrl.u32 v27, $0x14;
	v26 =	vshrl.u32 v27, $0x5;
	v46 =	vshrl.u32 v43, $0x14  }
0x10d: {  	v47 =	vshrl.u32 v20, $0x5;
	v31 =	vshrl.u32 v23, $0x5;
	v35 =	vshrl.u32 v23, $0x14  }
0x10e: {  	v49 =	vshrl.u32 v25, $0x14;
	v42 =	vshrl.u32 v43, $0x5;
	v41 =	vshrl.u32 v39, $0x5  }
0x10f: {  	v45 =	vshrl.u32 v39, $0x14;
	v54 =	vshrl.u32 v25, $0x5;
	v51 =	vshrl.u32 v37, $0x5  }
0x110: {  	v30 =	vld [tilespmem:s20+$0xC0];
	v38 =	vand.u32 $0x7FF0, v24;
	vm0 =	vgt.s32 v34, v3;
	vm2 =	veq.s32 v28, v3  }
0x111: {  	v24 =	vshrl.u32 v20, $0x14;
	v29 =	vand.u32 $0x7FF0, v26;
	vm3 =	veq.s32 v46, v3  }
0x112: {  	vm4 =	veq.s32 v49, v3;
	vm13 =	vgt.s32 v35, v3;
	v48 =	vand.u32 $0x7FF0, v31  }
0x113: {  	vm5 =	veq.s32 v45, v3;
	vm10 =	veq.s32 v35, v3;
	v44 =	vand.u32 $0x7FF0, v41  }
0x114: {  	v22 =	vld [tilespmem:s20+$0xF0];
	vm6 =	vgt.s32 v45, v3;
	vm7 =	veq.s32 v34, v3;
	v50 =	vand.u32 $0x7FF0, v47  }
0x115: {  	v26 =	vld [tilespmem:s20+$0xE0];
	v47 =	vshrl.u32 v30, $0x5;
	vm12 =	vgt.s32 v46, v3;
	v54 =	vand.u32 $0x7FF0, v54  }
0x116: {  	v31 =	vld [tilespmem:s20+$0x90];
	v46 =	vshrl.u32 v30, $0x14;
	v21 =	vnsel vm0, $0x0, v21;
	v33 =	vor.u32 v1, v29  }
0x117: {  	vm14 =	veq.s32 v24, v3;
	vm0 =	vgt.s32 v28, v3;
	v28 =	vld [tilespmem:s20+$0xD0];
	v45 =	vnsel vm6, $0x0, v39  }
0x118: {  	v29 =	vld [tilespmem:s20+$0xB0];
	v39 =	vor.u32 v1, v38;
	v52 =	vor.u32 v1, v48;
	v48 =	vand.u32 $0x7FF0, v51  }
0x119: {  	vm6 =	vgt.s32 v49, v3;
	v63 =	vnsel vm12, $0x0, v43;
	v32 =	vnsel vm0, $0x0, v27;
	v27 =	vld [tilespmem:s20+$0xA0]  }
0x11a: {  	v19 =	vadd.f32 v21, v19;
	v21 =	vshrl.u32 v22, $0x5;
	v18 =	vadd.f32 v32, v18;
	v32 =	vld [tilespmem:s20+$0x80]  }
0x11b: {  	v17 =	vadd.f32 v45, v17;
	v45 =	vshrl.u32 v37, $0x14;
	v16 =	vadd.f32 v63, v16  }
0x11c: {  	vm9 =	veq.s32 v45, v3;
	v35 =	vshrl.u32 v26, $0x14;
	v38 =	vshrl.u32 v31, $0x14  }
0x11d: {  	v53 =	vshrl.u32 v31, $0x5;
	v40 =	vshrl.u32 v28, $0x14;
	v36 =	vshrl.u32 v29, $0x14  }
0x11e: {  	v62 =	vshrl.u32 v28, $0x5;
	v51 =	vshrl.u32 v29, $0x5;
	v41 =	vshrl.u32 v27, $0x14  }
0x11f: {  	v34 =	vand.u32 $0x7FF0, v62;
	vm11 =	vgt.s32 v40, v3;
	v55 =	vshrl.u32 v32, $0x5  }
0x120: {  	s20 =	simm.s32 $0x400;
	vm8 =	veq.s32 v36, v3;
	v43 =	vshrl.u32 v32, $0x14;
	v49 =	vand.u32 $0x7FF0, v55  }
.LBB2_10:
0x121: {  	v55 =	vimm.s32 $0x0;
	v54 =	vor.u32 v1, v54  }
0x122: {  	vm0 =	veq.s32 v38, v3;
	v61 =	vimm.s32 $0x0;
	v42 =	vand.u32 $0x7FF0, v42  }
0x123: {  	v53 =	vand.u32 $0x7FF0, v53;
	vm15 =	vgt.s32 v45, v3;
	[tilespmem:v52+s15+$0x0] =	vst.idx.add.s32.msk vm10, v2;
	v55 =	vsel vm13, $0xFFFFFFFF, v55  }
0x124: {  	vm12 =	veq.s32 v41, v3;
	v50 =	vor.u32 v1, v50;
	[tilespmem:$0x1FFB0] =	vst v55;
	v55 =	vsel vm0, $0xFFFFFFFF, v61  }
0x125: {  	v63 =	vshrl.u32 v27, $0x5;
	v28 =	vnsel vm11, $0x0, v28;
	v42 =	vor.u32 v1, v42;
	[tilespmem:$0x1FFA0] =	vst v55  }
0x126: {  	v51 =	vand.u32 $0x7FF0, v51;
	v52 =	vor.u32 v1, v44;
	v5 =	vadd.f32 v28, v5;
	v28 =	vld [tilespmem:$0x1FFA0]  }
0x127: {  	vm10 =	veq.s32 v46, v3;
	vm1 =	vgt.s32 v46, v3;
	v56 =	vor.u32 v1, v49  }
0x128: {  	vm11 =	vgt.s32 v35, v3;
	vm13 =	veq.s32 v43, v3;
	[tilespmem:v33+s15+$0x0] =	vst.idx.add.s32.msk vm2, v2;
	v30 =	vnsel vm1, $0x0, v30  }
0x129: {  	v25 =	vnsel vm6, $0x0, v25;
	vm0 =	vgt.s32 v41, v3;
	v13 =	vadd.f32 v30, v13;
	[tilespmem:v50+s15+$0x0] =	vst.idx.add.s32.msk vm14, v2  }
0x12a: {  	v30 =	vor.u32 v1, v48;
	v27 =	vnsel vm0, $0x0, v27;
	vm0 =	vgt.s32 v38, v3;
	[tilespmem:v42+s15+$0x0] =	vst.idx.add.s32.msk vm3, v2  }
0x12b: {  	v62 =	vor.u32 v1, v53;
	v31 =	vnsel vm0, $0x0, v31;
	[tilespmem:v54+s15+$0x0] =	vst.idx.add.s32.msk vm4, v2;
	vm0 =	vnez.u8 v28  }
0x12c: {  	v53 =	vand.u32 $0x7FF0, v63;
	v37 =	vnsel vm15, $0x0, v37;
	vm15 =	veq.s32 v40, v3;
	[tilespmem:v52+s15+$0x0] =	vst.idx.add.s32.msk vm5, v2  }
0x12d: {  	vm1 =	veq.s32 v35, v3;
	v57 =	vnsel vm11, $0x0, v26;
	v58 =	vor.u32 v1, v53;
	[tilespmem:v39+s15+$0x0] =	vst.idx.add.s32.msk vm7, v2  }
0x12e: {  	v26 =	vshrl.u32 v26, $0x5;
	v59 =	vor.u32 v1, v51;
	v55 =	vand.u32 $0x7FF0, v47;
	v28 =	vld [tilespmem:$0x1FFB0]  }
0x12f: {  	v12 =	vadd.f32 v25, v12;
	v25 =	vshrl.u32 v22, $0x14;
	v41 =	vor.u32 v1, v55;
	[tilespmem:v30+s15+$0x0] =	vst.idx.add.s32.msk vm9, v2  }
0x130: {  	v26 =	vand.u32 $0x7FF0, v26;
	v9 =	vadd.f32 v27, v9;
	v27 =	vor.u32 v1, v34;
	[tilespmem:v56+s15+$0x0] =	vst.idx.add.s32.msk vm13, v2  }
0x131: {  	v21 =	vand.u32 $0x7FF0, v21;
	v26 =	vor.u32 v1, v26;
	[tilespmem:v62+s15+$0x0] =	vst.idx.add.s32.msk vm0, v2;
	vm0 =	veq.s32 v25, v3  }
0x132: {  	v21 =	vor.u32 v1, v21;
	[tilespmem:v58+s15+$0x0] =	vst.idx.add.s32.msk vm12, v2  }
0x133: {  	[tilespmem:v59+s15+$0x0] =	vst.idx.add.s32.msk vm8, v2  }
0x134: {  	[tilespmem:v41+s15+$0x0] =	vst.idx.add.s32.msk vm10, v2  }
0x135: {  	[tilespmem:v27+s15+$0x0] =	vst.idx.add.s32.msk vm15, v2  }
0x136: {  	s21 =	smov.u32 s20;
	vm2 =	vgt.s32 v36, v3;
	[tilespmem:v26+s15+$0x0] =	vst.idx.add.s32.msk vm1, v2  }
0x137: {  	s21 =	sshra.s32 s21, $0x2;
	v29 =	vnsel vm2, $0x0, v29;
	vm2 =	vgt.s32 v43, v3;
	[tilespmem:v21+s15+$0x0] =	vst.idx.add.s32.msk vm0, v2  }
0x138: {  	v32 =	vnsel vm2, $0x0, v32;
	vm2 =	vnez.u8 v28;
	v21 =	vld [tilespmem:s21+$0x60]  }
0x139: {  	vm3 =	vgt.s32 v24, v3;
	v23 =	vnsel vm2, $0x0, v23;
	v27 =	vld [tilespmem:s21+$0x10]  }
0x13a: {  	v20 =	vnsel vm3, $0x0, v20;
	v11 =	vadd.f32 v23, v11;
	v23 =	vld [tilespmem:s21+$0x0]  }
0x13b: {  	v8 =	vadd.f32 v20, v8;
	v20 =	vld [tilespmem:s21+$0x20]  }
0x13c: {  	v43 =	vld [tilespmem:s21+$0x30]  }
0x13d: {  	v15 =	vadd.f32 v37, v15;
	vm2 =	vgt.s32 v25, v3;
	v25 =	vld [tilespmem:s21+$0x40]  }
0x13e: {  	v6 =	vadd.f32 v57, v6;
	v7 =	vadd.f32 v29, v7;
	v39 =	vld [tilespmem:s21+$0x50]  }
0x13f: {  	v14 =	vadd.f32 v32, v14;
	v10 =	vadd.f32 v31, v10;
	v22 =	vnsel vm2, $0x0, v22;
	v26 =	vld [tilespmem:s21+$0xE0]  }
0x140: {  	v4 =	vadd.f32 v22, v4;
	v60 =	vshrl.u32 v21, $0x14;
	v24 =	vshrl.u32 v21, $0x5  }
0x141: {  	v29 =	vshrl.u32 v27, $0x14;
	v28 =	vshrl.u32 v27, $0x5;
	v46 =	vshrl.u32 v43, $0x14  }
0x142: {  	v47 =	vshrl.u32 v20, $0x5;
	v61 =	vshrl.u32 v23, $0x5;
	v62 =	vshrl.u32 v23, $0x14  }
0x143: {  	v49 =	vshrl.u32 v25, $0x14;
	v42 =	vshrl.u32 v43, $0x5;
	v63 =	vshrl.u32 v39, $0x5  }
0x144: {  	v37 =	vld [tilespmem:s21+$0x70];
	v57 =	vshrl.u32 v39, $0x14;
	v58 =	vshrl.u32 v25, $0x5;
	v35 =	vshrl.u32 v26, $0x14  }
0x145: {  	v32 =	vld [tilespmem:s21+$0x80];
	v38 =	vand.u32 $0x7FF0, v24;
	vm0 =	vgt.s32 v60, v3;
	vm2 =	veq.s32 v29, v3  }
0x146: {  	v24 =	vshrl.u32 v20, $0x14;
	v30 =	vand.u32 $0x7FF0, v28;
	vm3 =	veq.s32 v46, v3  }
0x147: {  	vm4 =	veq.s32 v49, v3;
	vm13 =	vgt.s32 v62, v3;
	v59 =	vand.u32 $0x7FF0, v61  }
0x148: {  	vm5 =	veq.s32 v57, v3;
	vm10 =	veq.s32 v62, v3;
	v44 =	vand.u32 $0x7FF0, v63  }
0x149: {  	v22 =	vld [tilespmem:s21+$0xF0];
	vm7 =	veq.s32 v60, v3;
	v50 =	vand.u32 $0x7FF0, v47;
	v61 =	vshrl.u32 v37, $0x5  }
0x14a: {  	v62 =	vshrl.u32 v32, $0x5;
	vm6 =	vgt.s32 v49, v3;
	v54 =	vand.u32 $0x7FF0, v58  }
0x14b: {  	v21 =	vnsel vm0, $0x0, v21;
	v33 =	vor.u32 v1, v30;
	vm14 =	veq.s32 v24, v3  }
0x14c: {  	v28 =	vld [tilespmem:s21+$0xD0];
	vm0 =	vgt.s32 v29, v3;
	v52 =	vor.u32 v1, v59;
	v48 =	vand.u32 $0x7FF0, v61  }
0x14d: {  	v29 =	vld [tilespmem:s21+$0xB0];
	v49 =	vand.u32 $0x7FF0, v62;
	v19 =	vadd.f32 v21, v19;
	v31 =	vnsel vm0, $0x0, v27  }
0x14e: {  	v30 =	vld [tilespmem:s21+$0xC0];
	v21 =	vshrl.u32 v22, $0x5;
	vm0 =	vgt.s32 v57, v3;
	v18 =	vadd.f32 v31, v18  }
0x14f: {  	v27 =	vld [tilespmem:s21+$0xA0];
	v45 =	vnsel vm0, $0x0, v39;
	v39 =	vor.u32 v1, v38;
	vm0 =	vgt.s32 v46, v3  }
0x150: {  	p0 =	sne.s32 s20, $0xFC00;
	v31 =	vld [tilespmem:s21+$0x90];
	v17 =	vadd.f32 v45, v17;
	v45 =	vshrl.u32 v37, $0x14;
	v63 =	vnsel vm0, $0x0, v43  }
.Ltmp4:
0x151: {  	v43 =	vshrl.u32 v32, $0x14;
	v40 =	vshrl.u32 v28, $0x14;
	v60 =	vshrl.u32 v28, $0x5;
	(pc) =	sbr.rel @p0 .LBB2_10-.Ltmp4, $4  }
0x152: {  	vm9 =	veq.s32 v45, v3;
	v16 =	vadd.f32 v63, v16;
	v36 =	vshrl.u32 v29, $0x14  }
0x153: {  	v34 =	vand.u32 $0x7FF0, v60;
	v47 =	vshrl.u32 v30, $0x5;
	v51 =	vshrl.u32 v29, $0x5  }
0x154: {  	vm11 =	vgt.s32 v40, v3;
	v46 =	vshrl.u32 v30, $0x14;
	v41 =	vshrl.u32 v27, $0x14  }
0x155: {  	s20 =	sadd.s32 $0x400, s20;
	vm8 =	veq.s32 v36, v3;
	v38 =	vshrl.u32 v31, $0x14;
	v53 =	vshrl.u32 v31, $0x5  }
0x156: {  	_ =	sdelay $0x1  }
0x157: {  	v42 =	vand.u32 $0x7FF0, v42;
	v50 =	vor.u32 v1, v50  }
0x158: {  	v42 =	vor.u32 v1, v42  }
0x159: {  	v54 =	vor.u32 v1, v54  }
0x15a: {  	[tilespmem:v52+s15+$0x0] =	vst.idx.add.s32.msk vm10, v2;
	v44 =	vor.u32 v1, v44  }
0x15b: {  	vm0 =	veq.s32 v43, v3;
	[tilespmem:v33+s15+$0x0] =	vst.idx.add.s32.msk vm2, v2  }
0x15c: {  	vm1 =	veq.s32 v38, v3;
	v48 =	vor.u32 v1, v48;
	[tilespmem:v50+s15+$0x0] =	vst.idx.add.s32.msk vm14, v2  }
0x15d: {  	v62 =	vand.u32 $0x7FF0, v53;
	v63 =	vshrl.u32 v27, $0x5;
	v49 =	vor.u32 v1, v49;
	[tilespmem:v42+s15+$0x0] =	vst.idx.add.s32.msk vm3, v2  }
0x15e: {  	v33 =	vor.u32 v1, v62;
	vm2 =	veq.s32 v41, v3;
	v52 =	vand.u32 $0x7FF0, v63;
	[tilespmem:v54+s15+$0x0] =	vst.idx.add.s32.msk vm4, v2  }
0x15f: {  	v53 =	vand.u32 $0x7FF0, v51;
	v47 =	vand.u32 $0x7FF0, v47;
	v42 =	vor.u32 v1, v52;
	[tilespmem:v44+s15+$0x0] =	vst.idx.add.s32.msk vm5, v2  }
0x160: {  	v56 =	vshrl.u32 v26, $0x5;
	v55 =	vor.u32 v1, v53;
	vm3 =	veq.s32 v46, v3;
	[tilespmem:v39+s15+$0x0] =	vst.idx.add.s32.msk vm7, v2  }
0x161: {  	v57 =	vshrl.u32 v22, $0x14;
	v54 =	vor.u32 v1, v47;
	vm4 =	veq.s32 v40, v3;
	[tilespmem:v48+s15+$0x0] =	vst.idx.add.s32.msk vm9, v2  }
0x162: {  	v34 =	vor.u32 v1, v34;
	vm5 =	veq.s32 v35, v3;
	v39 =	vand.u32 $0x7FF0, v56;
	[tilespmem:v49+s15+$0x0] =	vst.idx.add.s32.msk vm0, v2  }
0x163: {  	v21 =	vand.u32 $0x7FF0, v21;
	v58 =	vor.u32 v1, v39;
	vm0 =	veq.s32 v57, v3;
	[tilespmem:v33+s15+$0x0] =	vst.idx.add.s32.msk vm1, v2  }
0x164: {  	v59 =	vor.u32 v1, v21;
	[tilespmem:v42+s15+$0x0] =	vst.idx.add.s32.msk vm2, v2  }
0x165: {  	[tilespmem:v55+s15+$0x0] =	vst.idx.add.s32.msk vm8, v2  }
0x166: {  	vm1 =	vgt.s32 v45, v3;
	[tilespmem:v54+s15+$0x0] =	vst.idx.add.s32.msk vm3, v2  }
0x167: {  	v28 =	vnsel vm11, $0x0, v28;
	v21 =	vnsel vm1, $0x0, v37;
	vm1 =	vgt.s32 v41, v3;
	[tilespmem:v34+s15+$0x0] =	vst.idx.add.s32.msk vm4, v2  }
0x168: {  	v25 =	vnsel vm6, $0x0, v25;
	vm2 =	vgt.s32 v46, v3;
	v21 =	vadd.f32 v21, v15;
	[tilespmem:v58+s15+$0x0] =	vst.idx.add.s32.msk vm5, v2  }
0x169: {  	v15 =	vnsel vm2, $0x0, v30;
	vm2 =	vgt.s32 v43, v3;
	v27 =	vnsel vm1, $0x0, v27;
	[tilespmem:v59+s15+$0x0] =	vst.idx.add.s32.msk vm0, v2  }
0x16a: {  	v13 =	vadd.f32 v15, v13;
	v15 =	vnsel vm2, $0x0, v32;
	vm2 =	vgt.s32 v38, v3;
	_ =	swait.ge [sflag:s16], $0x4000  }
0x16b: {  	vm3 =	vgt.s32 v36, v3;
	v14 =	vadd.f32 v15, v14;
	v15 =	vnsel vm2, $0x0, v31;
	[sflag:s16] =	ssyncset.done $0x0  }
0x16c: {  	s20 =	simm.s32 $0x0;
	v9 =	vadd.f32 v27, v9;
	v29 =	vnsel vm3, $0x0, v29;
	v10 =	vadd.f32 v15, v10;
	[sflag:s16] =	ssyncadd.s32 $0xFFFFC000  }
0x16d: {  	v15 =	vadd.f32 v29, v7;
	v7 =	vadd.f32 v25, v12;
	vm0 =	vgt.s32 v35, v3;
	v27 =	vld [tilespmem:s20+$0x4060]  }
0x16e: {  	v12 =	vadd.f32 v28, v5;
	v26 =	vnsel vm0, $0x0, v26;
	vm0 =	vgt.s32 v57, v3;
	v29 =	vld [tilespmem:s20+$0x4010]  }
0x16f: {  	v5 =	vadd.f32 v26, v6;
	v6 =	vnsel vm13, $0x0, v23;
	v23 =	vnsel vm0, $0x0, v22;
	v22 =	vld [tilespmem:s20+$0x4020]  }
0x170: {  	v48 =	vld [tilespmem:s20+$0x4030]  }
0x171: {  	v4 =	vadd.f32 v23, v4;
	v23 =	vld [tilespmem:s20+$0x4000]  }
0x172: {  	v25 =	vld [tilespmem:s20+$0x4040]  }
0x173: {  	v40 =	vld [tilespmem:s20+$0x4050]  }
0x174: {  	vm1 =	vgt.s32 v24, v3;
	v31 =	vld [tilespmem:s20+$0x40B0]  }
0x175: {  	v6 =	vadd.f32 v6, v11;
	v11 =	vnsel vm1, $0x0, v20;
	v39 =	vld [tilespmem:s20+$0x4070]  }
0x176: {  	v8 =	vadd.f32 v11, v8;
	v35 =	vld [tilespmem:s20+$0x4080];
	v28 =	vshrl.u32 v27, $0x14  }
0x177: {  	v34 =	vld [tilespmem:s20+$0x40C0];
	v11 =	vshrl.u32 v27, $0x5;
	v30 =	vshrl.u32 v29, $0x14;
	v24 =	vshrl.u32 v22, $0x14  }
0x178: {  	v51 =	vshrl.u32 v48, $0x14;
	v43 =	vshrl.u32 v22, $0x5;
	v60 =	vshrl.u32 v23, $0x5  }
0x179: {  	v62 =	vshrl.u32 v23, $0x14;
	v63 =	vshrl.u32 v25, $0x14;
	v42 =	vshrl.u32 v48, $0x5  }
0x17a: {  	v57 =	vshrl.u32 v40, $0x5;
	v58 =	vshrl.u32 v40, $0x14;
	v59 =	vshrl.u32 v25, $0x5  }
0x17b: {  	v38 =	vshrl.u32 v31, $0x14;
	v50 =	vshrl.u32 v39, $0x14;
	v55 =	vshrl.u32 v35, $0x5  }
0x17c: {  	v46 =	vshrl.u32 v34, $0x5;
	v52 =	vshrl.u32 v31, $0x5;
	v32 =	vand.u32 $0x7FF0, v11  }
0x17d: {  	vm0 =	vgt.s32 v28, v3;
	vm1 =	veq.s32 v30, v3;
	v11 =	vshrl.u32 v29, $0x5  }
0x17e: {  	vm3 =	veq.s32 v24, v3;
	vm4 =	veq.s32 v51, v3;
	vm5 =	veq.s32 v63, v3  }
0x17f: {  	vm15 =	vgt.s32 v62, v3;
	v60 =	vand.u32 $0x7FF0, v60;
	vm10 =	veq.s32 v62, v3  }
0x180: {  	v41 =	vand.u32 $0x7FF0, v57;
	vm6 =	vgt.s32 v58, v3;
	vm7 =	veq.s32 v28, v3  }
0x181: {  	v49 =	vand.u32 $0x7FF0, v43;
	v62 =	vshrl.u32 v39, $0x5;
	vm8 =	veq.s32 v50, v3  }
0x182: {  	vm9 =	vgt.s32 v63, v3;
	v45 =	vand.u32 $0x7FF0, v55;
	v54 =	vand.u32 $0x7FF0, v59  }
0x183: {  	v20 =	vld [tilespmem:s20+$0x40F0];
	v26 =	vnsel vm0, $0x0, v27;
	v27 =	vand.u32 $0x7FF0, v11;
	vm0 =	vgt.s32 v30, v3  }
0x184: {  	v30 =	vld [tilespmem:s20+$0x40D0];
	v40 =	vnsel vm6, $0x0, v40;
	v11 =	vadd.f32 v26, v19;
	v61 =	vnsel vm0, $0x0, v29  }
0x185: {  	v26 =	vld [tilespmem:s20+$0x40E0];
	vm0 =	veq.s32 v58, v3;
	v18 =	vadd.f32 v61, v18;
	v61 =	vimm.s32 $0x0  }
0x186: {  	v32 =	vor.u32 v1, v32;
	v47 =	vor.u32 v1, v60;
	v29 =	vld [tilespmem:s20+$0x40A0];
	v33 =	vsel vm0, $0xFFFFFFFF, v61  }
0x187: {  	v43 =	vand.u32 $0x7FF0, v62;
	vm6 =	vgt.s32 v51, v3;
	v51 =	vshrl.u32 v34, $0x14;
	[tilespmem:$0x1FF90] =	vst v33;
	v33 =	vld [tilespmem:s20+$0x4090]  }
0x188: {  	v27 =	vor.u32 v1, v27;
	v19 =	vshrl.u32 v20, $0x5;
	v17 =	vadd.f32 v40, v17  }
0x189: {  	v63 =	vnsel vm6, $0x0, v48;
	vm6 =	veq.s32 v38, v3;
	v48 =	vshrl.u32 v35, $0x14  }
0x18a: {  	v16 =	vadd.f32 v63, v16;
	v36 =	vshrl.u32 v30, $0x14;
	v28 =	vshrl.u32 v30, $0x5  }
0x18b: {  	v44 =	vshrl.u32 v29, $0x14;
	v37 =	vshrl.u32 v26, $0x14;
	v28 =	vand.u32 $0x7FF0, v28  }
0x18c: {  	s20 =	simm.s32 $0x400;
	vm14 =	vgt.s32 v36, v3;
	v40 =	vshrl.u32 v33, $0x14;
	v53 =	vshrl.u32 v33, $0x5  }
.LBB2_12:
0x18d: {  	v59 =	vld [tilespmem:$0x1FF90];
	_ =	sdelay $0x1  }
0x18e: {  	v55 =	vimm.s32 $0x0  }
0x18f: {  	v42 =	vand.u32 $0x7FF0, v42;
	v49 =	vor.u32 v1, v49;
	vm2 =	vgt.s32 v38, v3  }
0x190: {  	v42 =	vor.u32 v1, v42;
	v31 =	vnsel vm2, $0x0, v31;
	vm2 =	vgt.s32 v48, v3  }
0x191: {  	v54 =	vor.u32 v1, v54;
	[tilespmem:v47+s15+$0x0] =	vst.idx.add.s32.msk vm10, v2;
	v35 =	vnsel vm2, $0x0, v35;
	vm2 =	vnez.u8 v59  }
0x192: {  	v47 =	vor.u32 v1, v41;
	v55 =	vsel vm6, $0xFFFFFFFF, v55;
	[tilespmem:v27+s15+$0x0] =	vst.idx.add.s32.msk vm1, v2  }
0x193: {  	[tilespmem:$0x1FF80] =	vst v55  }
0x194: {  	vm12 =	veq.s32 v48, v3;
	vm11 =	veq.s32 v40, v3;
	v53 =	vand.u32 $0x7FF0, v53;
	[tilespmem:v49+s15+$0x0] =	vst.idx.add.s32.msk vm3, v2  }
0x195: {  	vm13 =	veq.s32 v44, v3;
	v63 =	vshrl.u32 v29, $0x5;
	vm0 =	vgt.s32 v44, v3;
	[tilespmem:v42+s15+$0x0] =	vst.idx.add.s32.msk vm4, v2  }
0x196: {  	v52 =	vand.u32 $0x7FF0, v52;
	v25 =	vnsel vm9, $0x0, v25;
	v29 =	vnsel vm0, $0x0, v29;
	[tilespmem:v54+s15+$0x0] =	vst.idx.add.s32.msk vm5, v2  }
0x197: {  	vm0 =	vgt.s32 v40, v3;
	v7 =	vadd.f32 v25, v7;
	v25 =	vshrl.u32 v20, $0x14;
	[tilespmem:v47+s15+$0x0] =	vst.idx.add.s32.msk vm2, v2  }
0x198: {  	v33 =	vnsel vm0, $0x0, v33;
	vm0 =	veq.s32 v25, v3;
	vm2 =	vgt.s32 v25, v3;
	v25 =	vld [tilespmem:$0x1FF80]  }
0x199: {  	vm10 =	veq.s32 v51, v3;
	v56 =	vor.u32 v1, v43;
	vm6 =	vmmov vm15  }
0x19a: {  	vm15 =	vgt.s32 v50, v3;
	v62 =	vor.u32 v1, v53;
	v53 =	vand.u32 $0x7FF0, v63  }
0x19b: {  	vm1 =	vgt.s32 v51, v3;
	v27 =	vnsel vm14, $0x0, v30;
	v30 =	vor.u32 v1, v45  }
0x19c: {  	v60 =	vor.u32 v1, v52;
	v39 =	vnsel vm15, $0x0, v39;
	vm3 =	vgt.s32 v37, v3  }
0x19d: {  	v58 =	vor.u32 v1, v53;
	v57 =	vnsel vm3, $0x0, v26;
	vm3 =	vnez.u8 v25  }
0x19e: {  	v55 =	vand.u32 $0x7FF0, v46;
	vm15 =	veq.s32 v36, v3;
	v34 =	vnsel vm1, $0x0, v34;
	[tilespmem:v32+s15+$0x0] =	vst.idx.add.s32.msk vm7, v2  }
0x19f: {  	vm1 =	veq.s32 v37, v3;
	v41 =	vor.u32 v1, v55;
	v26 =	vshrl.u32 v26, $0x5;
	[tilespmem:v56+s15+$0x0] =	vst.idx.add.s32.msk vm8, v2  }
0x1a0: {  	v12 =	vadd.f32 v27, v12;
	v27 =	vor.u32 v1, v28;
	v26 =	vand.u32 $0x7FF0, v26;
	[tilespmem:v30+s15+$0x0] =	vst.idx.add.s32.msk vm12, v2  }
0x1a1: {  	v19 =	vand.u32 $0x7FF0, v19;
	v26 =	vor.u32 v1, v26;
	[tilespmem:v62+s15+$0x0] =	vst.idx.add.s32.msk vm11, v2  }
0x1a2: {  	v19 =	vor.u32 v1, v19;
	[tilespmem:v58+s15+$0x0] =	vst.idx.add.s32.msk vm13, v2  }
0x1a3: {  	[tilespmem:v60+s15+$0x0] =	vst.idx.add.s32.msk vm3, v2  }
0x1a4: {  	[tilespmem:v41+s15+$0x0] =	vst.idx.add.s32.msk vm10, v2  }
0x1a5: {  	[tilespmem:v27+s15+$0x0] =	vst.idx.add.s32.msk vm15, v2  }
0x1a6: {  	s21 =	smov.u32 s20;
	[tilespmem:v26+s15+$0x0] =	vst.idx.add.s32.msk vm1, v2  }
0x1a7: {  	s21 =	sshra.s32 s21, $0x2;
	[tilespmem:v19+s15+$0x0] =	vst.idx.add.s32.msk vm0, v2  }
0x1a8: {  	v19 =	vld [tilespmem:s21+$0x4060]  }
0x1a9: {  	v23 =	vnsel vm6, $0x0, v23;
	vm3 =	vgt.s32 v24, v3;
	v28 =	vld [tilespmem:s21+$0x4010]  }
0x1aa: {  	v6 =	vadd.f32 v23, v6;
	v22 =	vnsel vm3, $0x0, v22;
	v23 =	vld [tilespmem:s21+$0x4000]  }
0x1ab: {  	v8 =	vadd.f32 v22, v8;
	v22 =	vld [tilespmem:s21+$0x4020]  }
0x1ac: {  	v48 =	vld [tilespmem:s21+$0x4030]  }
0x1ad: {  	v26 =	vld [tilespmem:s21+$0x40E0]  }
0x1ae: {  	v25 =	vld [tilespmem:s21+$0x4040]  }
0x1af: {  	v43 =	vld [tilespmem:s21+$0x4050]  }
0x1b0: {  	v9 =	vadd.f32 v29, v9;
	v15 =	vadd.f32 v31, v15;
	v30 =	vld [tilespmem:s21+$0x40D0]  }
0x1b1: {  	v21 =	vadd.f32 v39, v21;
	v13 =	vadd.f32 v34, v13;
	v34 =	vld [tilespmem:s21+$0x40C0]  }
0x1b2: {  	v14 =	vadd.f32 v35, v14;
	v10 =	vadd.f32 v33, v10;
	v20 =	vnsel vm2, $0x0, v20;
	v31 =	vld [tilespmem:s21+$0x40B0]  }
0x1b3: {  	v5 =	vadd.f32 v57, v5;
	v4 =	vadd.f32 v20, v4;
	v39 =	vld [tilespmem:s21+$0x4070];
	v32 =	vshrl.u32 v19, $0x14  }
0x1b4: {  	v33 =	vld [tilespmem:s21+$0x4090];
	v24 =	vshrl.u32 v19, $0x5;
	v29 =	vshrl.u32 v28, $0x14;
	v27 =	vshrl.u32 v28, $0x5  }
0x1b5: {  	v51 =	vshrl.u32 v48, $0x14;
	v45 =	vshrl.u32 v22, $0x5;
	v61 =	vshrl.u32 v23, $0x5  }
0x1b6: {  	v62 =	vshrl.u32 v23, $0x14;
	v63 =	vshrl.u32 v25, $0x14;
	v42 =	vshrl.u32 v48, $0x5  }
0x1b7: {  	v57 =	vshrl.u32 v43, $0x5;
	v58 =	vshrl.u32 v43, $0x14;
	v59 =	vshrl.u32 v25, $0x5  }
0x1b8: {  	v36 =	vshrl.u32 v30, $0x14;
	v38 =	vshrl.u32 v31, $0x14;
	v37 =	vshrl.u32 v26, $0x14  }
0x1b9: {  	v50 =	vshrl.u32 v39, $0x14;
	v46 =	vshrl.u32 v34, $0x5;
	v53 =	vshrl.u32 v33, $0x5  }
0x1ba: {  	v35 =	vld [tilespmem:s21+$0x4080];
	v52 =	vshrl.u32 v31, $0x5;
	v40 =	vand.u32 $0x7FF0, v24;
	vm0 =	vgt.s32 v32, v3  }
0x1bb: {  	vm1 =	veq.s32 v29, v3;
	v24 =	vshrl.u32 v22, $0x14;
	v27 =	vand.u32 $0x7FF0, v27  }
0x1bc: {  	vm4 =	veq.s32 v51, v3;
	vm5 =	veq.s32 v63, v3;
	vm15 =	vgt.s32 v62, v3  }
0x1bd: {  	v60 =	vand.u32 $0x7FF0, v61;
	vm10 =	veq.s32 v62, v3;
	v41 =	vand.u32 $0x7FF0, v57  }
0x1be: {  	vm7 =	veq.s32 v32, v3;
	v49 =	vand.u32 $0x7FF0, v45;
	v61 =	vshrl.u32 v39, $0x5  }
0x1bf: {  	vm8 =	veq.s32 v50, v3;
	v62 =	vshrl.u32 v35, $0x5;
	vm9 =	vgt.s32 v63, v3  }
0x1c0: {  	vm14 =	vgt.s32 v36, v3;
	v54 =	vand.u32 $0x7FF0, v59;
	vm6 =	veq.s32 v38, v3  }
0x1c1: {  	v20 =	vld [tilespmem:s21+$0x40F0];
	v19 =	vnsel vm0, $0x0, v19;
	v27 =	vor.u32 v1, v27;
	vm3 =	veq.s32 v24, v3  }
0x1c2: {  	vm0 =	vgt.s32 v29, v3;
	v29 =	vld [tilespmem:s21+$0x40A0];
	v32 =	vor.u32 v1, v40;
	v40 =	vshrl.u32 v33, $0x14  }
0x1c3: {  	v47 =	vor.u32 v1, v60;
	v45 =	vand.u32 $0x7FF0, v62;
	v28 =	vnsel vm0, $0x0, v28  }
0x1c4: {  	p0 =	sne.s32 s20, $0xFC00;
	vm0 =	veq.s32 v58, v3;
	v18 =	vadd.f32 v28, v18;
	v28 =	vimm.s32 $0x0  }
.Ltmp5:
0x1c5: {  	v11 =	vadd.f32 v19, v11;
	v28 =	vsel vm0, $0xFFFFFFFF, v28;
	vm0 =	vgt.s32 v58, v3;
	(pc) =	sbr.rel @p0 .LBB2_12-.Ltmp5, $4  }
0x1c6: {  	v19 =	vshrl.u32 v20, $0x5;
	[tilespmem:$0x1FF90] =	vst v28;
	v28 =	vshrl.u32 v30, $0x5;
	v43 =	vnsel vm0, $0x0, v43  }
0x1c7: {  	vm0 =	vgt.s32 v51, v3;
	v51 =	vshrl.u32 v34, $0x14;
	v44 =	vshrl.u32 v29, $0x14  }
0x1c8: {  	v28 =	vand.u32 $0x7FF0, v28;
	v17 =	vadd.f32 v43, v17;
	v63 =	vnsel vm0, $0x0, v48  }
0x1c9: {  	s20 =	sadd.s32 $0x400, s20;
	v43 =	vand.u32 $0x7FF0, v61;
	v48 =	vshrl.u32 v35, $0x14;
	v16 =	vadd.f32 v63, v16  }
0x1ca: {  	v54 =	vor.u32 v1, v54  }
0x1cb: {  	vm13 =	veq.s32 v48, v3;
	vm11 =	veq.s32 v40, v3;
	v42 =	vand.u32 $0x7FF0, v42  }
0x1cc: {  	v53 =	vand.u32 $0x7FF0, v53;
	vm0 =	vgt.s32 v50, v3;
	vm12 =	veq.s32 v44, v3  }
0x1cd: {  	v63 =	vshrl.u32 v29, $0x5;
	v49 =	vor.u32 v1, v49;
	v52 =	vand.u32 $0x7FF0, v52  }
0x1ce: {  	v30 =	vnsel vm14, $0x0, v30;
	vm2 =	vgt.s32 v38, v3;
	vm14 =	vgt.s32 v37, v3  }
0x1cf: {  	v38 =	vor.u32 v1, v41;
	[tilespmem:v47+s15+$0x0] =	vst.idx.add.s32.msk vm10, v2;
	v57 =	vand.u32 $0x7FF0, v46;
	vm10 =	vgt.s32 v40, v3  }
0x1d0: {  	v60 =	vor.u32 v1, v45;
	v25 =	vnsel vm9, $0x0, v25;
	v61 =	vor.u32 v1, v43  }
0x1d1: {  	v23 =	vnsel vm15, $0x0, v23;
	vm9 =	vgt.s32 v24, v3;
	v50 =	vor.u32 v1, v53  }
0x1d2: {  	v53 =	vand.u32 $0x7FF0, v63;
	v39 =	vnsel vm0, $0x0, v39;
	vm0 =	vgt.s32 v51, v3  }
0x1d3: {  	v31 =	vnsel vm2, $0x0, v31;
	v55 =	vnsel vm14, $0x0, v26;
	vm14 =	vgt.s32 v48, v3  }
0x1d4: {  	v41 =	vld [tilespmem:$0x1FF90];
	v56 =	vor.u32 v1, v42;
	v59 =	vor.u32 v1, v57;
	v33 =	vnsel vm10, $0x0, v33  }
0x1d5: {  	[tilespmem:v27+s15+$0x0] =	vst.idx.add.s32.msk vm1, v2;
	vm1 =	veq.s32 v36, v3;
	v63 =	vshrl.u32 v26, $0x5;
	v40 =	vor.u32 v1, v52  }
0x1d6: {  	v7 =	vadd.f32 v25, v7;
	v12 =	vadd.f32 v30, v12;
	v42 =	vshrl.u32 v20, $0x14  }
0x1d7: {  	v6 =	vadd.f32 v23, v6;
	v21 =	vadd.f32 v39, v21;
	v34 =	vnsel vm0, $0x0, v34  }
0x1d8: {  	vm0 =	vgt.s32 v44, v3;
	v35 =	vnsel vm14, $0x0, v35;
	vm14 =	veq.s32 v51, v3;
	[tilespmem:v49+s15+$0x0] =	vst.idx.add.s32.msk vm3, v2  }
0x1d9: {  	v22 =	vnsel vm9, $0x0, v22;
	v62 =	vor.u32 v1, v53;
	v10 =	vadd.f32 v33, v10;
	[tilespmem:v56+s15+$0x0] =	vst.idx.add.s32.msk vm4, v2  }
0x1da: {  	v15 =	vadd.f32 v31, v15;
	v26 =	vand.u32 $0x7FF0, v63;
	[tilespmem:v54+s15+$0x0] =	vst.idx.add.s32.msk vm5, v2;
	vm5 =	vnez.u8 v41  }
0x1db: {  	vm10 =	vgt.s32 v42, v3;
	v5 =	vadd.f32 v55, v5;
	v8 =	vadd.f32 v22, v8  }
0x1dc: {  	v44 =	vor.u32 v1, v28;
	vm15 =	veq.s32 v42, v3;
	v13 =	vadd.f32 v34, v13  }
0x1dd: {  	v58 =	vnsel vm0, $0x0, v29;
	v14 =	vadd.f32 v35, v14;
	v6 =	vadd.f32 v18, v6  }
0x1de: {  	v43 =	vnsel vm10, $0x0, v20;
	v7 =	vadd.f32 v17, v7;
	v9 =	vadd.f32 v58, v9  }
0x1df: {  	v45 =	vor.u32 v1, v26;
	v4 =	vadd.f32 v43, v4;
	v8 =	vadd.f32 v16, v8  }
0x1e0: {  	vm3 =	veq.s32 v37, v3;
	v3 =	vadd.f32 v21, v11;
	[tilespmem:v38+s15+$0x0] =	vst.idx.add.s32.msk vm5, v2  }
0x1e1: {  	v10 =	vadd.f32 v10, v14;
	v11 =	vand.u32 $0x7FF0, v19;
	v12 =	vadd.f32 v12, v13;
	[tilespmem:v32+s15+$0x0] =	vst.idx.add.s32.msk vm7, v2  }
0x1e2: {  	v9 =	vadd.f32 v15, v9;
	v11 =	vor.u32 v1, v11;
	[tilespmem:v61+s15+$0x0] =	vst.idx.add.s32.msk vm8, v2  }
0x1e3: {  	s20 =	simm.s32 $0x0;
	v4 =	vadd.f32 v4, v5;
	v5 =	vadd.f32 v8, v6;
	[tilespmem:v60+s15+$0x0] =	vst.idx.add.s32.msk vm13, v2  }
0x1e4: {  	v6 =	vadd.f32 v3, v7;
	v7 =	vmov s20;
	v3 =	vmul.u32 $0x10, v1;
	[tilespmem:v50+s15+$0x0] =	vst.idx.add.s32.msk vm11, v2  }
0x1e5: {  	v8 =	vadd.f32 v9, v10;
	v4 =	vadd.f32 v4, v12;
	v7 =	vshll.u32 v7, $0x4;
	[tilespmem:v62+s15+$0x0] =	vst.idx.add.s32.msk vm12, v2  }
0x1e6: {  	v7 =	vor.u32 v3, v7;
	[tilespmem:v40+s15+$0x0] =	vst.idx.add.s32.msk vm6, v2  }
0x1e7: {  	v5 =	vadd.f32 v6, v5;
	v4 =	vadd.f32 v4, v8;
	v6 =	vor.u32 $0x1, v7;
	[tilespmem:v59+s15+$0x0] =	vst.idx.add.s32.msk vm14, v2  }
0x1e8: {  	[tilespmem:v44+s15+$0x0] =	vst.idx.add.s32.msk vm1, v2  }
0x1e9: {  	v4 =	vadd.f32 v4, v5;
	v5 =	vor.u32 $0x2, v7;
	[tilespmem:v45+s15+$0x0] =	vst.idx.add.s32.msk vm3, v2  }
0x1ea: {  	v8 =	vor.u32 $0x3, v7;
	[tilespmem:v11+s15+$0x0] =	vst.idx.add.s32.msk vm15, v2  }
0x1eb: {  	[tilespmem:$0x10810] =	vst v4;
	v4 =	vor.u32 $0x4, v7  }
0x1ec: {  	v9 =	vor.u32 $0x5, v7;
	v6 =	vld.idx.msk [tilespmem:v6+s15+$0x0], $0xffff  }
0x1ed: {  	v11 =	vor.u32 $0x6, v7;
	v10 =	vld.idx.msk [tilespmem:v7+s15+$0x0], $0xffff  }
0x1ee: {  	v46 =	vor.u32 $0x7, v7;
	v5 =	vld.idx.msk [tilespmem:v5+s15+$0x0], $0xffff  }
0x1ef: {  	v47 =	vor.u32 $0x8, v7;
	v8 =	vld.idx.msk [tilespmem:v8+s15+$0x0], $0xffff  }
0x1f0: {  	v48 =	vor.u32 $0x9, v7;
	v4 =	vld.idx.msk [tilespmem:v4+s15+$0x0], $0xffff  }
0x1f1: {  	v49 =	vor.u32 $0xA, v7;
	v9 =	vld.idx.msk [tilespmem:v9+s15+$0x0], $0xffff  }
0x1f2: {  	v50 =	vor.u32 $0xB, v7;
	v11 =	vld.idx.msk [tilespmem:v11+s15+$0x0], $0xffff;
	v6 =	vadd.s32 v10, v6  }
0x1f3: {  	v51 =	vor.u32 $0xC, v7;
	v10 =	vld.idx.msk [tilespmem:v46+s15+$0x0], $0xffff;
	v5 =	vadd.s32 v5, v6  }
0x1f4: {  	v52 =	vor.u32 $0xD, v7;
	v6 =	vld.idx.msk [tilespmem:v47+s15+$0x0], $0xffff;
	v5 =	vadd.s32 v8, v5  }
0x1f5: {  	v53 =	vor.u32 $0xE, v7;
	v8 =	vld.idx.msk [tilespmem:v48+s15+$0x0], $0xffff;
	v4 =	vadd.s32 v4, v5  }
0x1f6: {  	v7 =	vor.u32 $0xF, v7;
	v5 =	vld.idx.msk [tilespmem:v49+s15+$0x0], $0xffff;
	v4 =	vadd.s32 v9, v4  }
0x1f7: {  	v9 =	vld.idx.msk [tilespmem:v50+s15+$0x0], $0xffff;
	v4 =	vadd.s32 v11, v4  }
0x1f8: {  	v11 =	vld.idx.msk [tilespmem:v51+s15+$0x0], $0xffff;
	v4 =	vadd.s32 v10, v4  }
0x1f9: {  	s31 =	simm.s32 $0x10;
	v10 =	vld.idx.msk [tilespmem:v52+s15+$0x0], $0xffff;
	v4 =	vadd.s32 v6, v4  }
0x1fa: {  	v54 =	vmov s31;
	v6 =	vld.idx.msk [tilespmem:v53+s15+$0x0], $0xffff;
	v4 =	vadd.s32 v8, v4  }
0x1fb: {  	v7 =	vld.idx.msk [tilespmem:v7+s15+$0x0], $0xffff;
	v8 =	vshll.u32 v54, $0x4;
	v4 =	vadd.s32 v5, v4  }
0x1fc: {  	v5 =	vor.u32 v3, v8;
	v4 =	vadd.s32 v9, v4  }
0x1fd: {  	v8 =	vor.u32 $0x1, v5;
	v4 =	vadd.s32 v11, v4  }
0x1fe: {  	v4 =	vadd.s32 v10, v4  }
0x1ff: {  	v9 =	vor.u32 $0x2, v5;
	v4 =	vadd.s32 v6, v4  }
0x200: {  	s20 =	simm.s32 $0x10000;
	v6 =	vor.u32 $0x3, v5;
	v4 =	vadd.s32 v7, v4  }
0x201: {  	v7 =	vor.u32 $0x4, v5;
	[tilespmem:s20+$0x0] =	vst v4  }
0x202: {  	v4 =	vld.idx.msk [tilespmem:v8+s15+$0x0], $0xffff;
	v8 =	vor.u32 $0x5, v5  }
0x203: {  	v11 =	vor.u32 $0x6, v5;
	v10 =	vld.idx.msk [tilespmem:v5+s15+$0x0], $0xffff  }
0x204: {  	v55 =	vor.u32 $0x7, v5;
	v9 =	vld.idx.msk [tilespmem:v9+s15+$0x0], $0xffff  }
0x205: {  	v56 =	vor.u32 $0x8, v5;
	v6 =	vld.idx.msk [tilespmem:v6+s15+$0x0], $0xffff  }
0x206: {  	v57 =	vor.u32 $0x9, v5;
	v7 =	vld.idx.msk [tilespmem:v7+s15+$0x0], $0xffff  }
0x207: {  	v58 =	vor.u32 $0xA, v5;
	v8 =	vld.idx.msk [tilespmem:v8+s15+$0x0], $0xffff  }
0x208: {  	v59 =	vor.u32 $0xB, v5;
	v11 =	vld.idx.msk [tilespmem:v11+s15+$0x0], $0xffff;
	v4 =	vadd.s32 v10, v4  }
0x209: {  	v60 =	vor.u32 $0xC, v5;
	v10 =	vld.idx.msk [tilespmem:v55+s15+$0x0], $0xffff;
	v4 =	vadd.s32 v9, v4  }
0x20a: {  	v61 =	vor.u32 $0xD, v5;
	v9 =	vld.idx.msk [tilespmem:v56+s15+$0x0], $0xffff;
	v4 =	vadd.s32 v6, v4  }
0x20b: {  	v62 =	vor.u32 $0xE, v5;
	v14 =	vld.idx.msk [tilespmem:v57+s15+$0x0], $0xffff;
	v4 =	vadd.s32 v7, v4  }
0x20c: {  	v63 =	vor.u32 $0xF, v5;
	v15 =	vld.idx.msk [tilespmem:v58+s15+$0x0], $0xffff;
	v5 =	vadd.s32 v8, v4  }
0x20d: {  	v4 =	vld.idx.msk [tilespmem:v59+s15+$0x0], $0xffff;
	v6 =	vadd.s32 v11, v5  }
0x20e: {  	v5 =	vld.idx.msk [tilespmem:v60+s15+$0x0], $0xffff;
	v7 =	vadd.s32 v10, v6  }
0x20f: {  	s21 =	simm.s32 $0x20;
	v6 =	vld.idx.msk [tilespmem:v61+s15+$0x0], $0xffff;
	v8 =	vadd.s32 v9, v7  }
0x210: {  	v7 =	vld.idx.msk [tilespmem:v62+s15+$0x0], $0xffff;
	v9 =	vmov s21;
	v10 =	vadd.s32 v14, v8  }
0x211: {  	s21 =	simm.s32 $0x30;
	v8 =	vld.idx.msk [tilespmem:v63+s15+$0x0], $0xffff;
	v9 =	vshll.u32 v9, $0x4;
	v10 =	vadd.s32 v15, v10  }
.LBB2_14:
0x212: {  	p0 =	sne.s32 s21, $0x7F0;
	v9 =	vor.u32 v3, v9;
	v4 =	vadd.s32 v4, v10  }
0x213: {  	v10 =	vor.u32 $0x1, v9;
	v4 =	vadd.s32 v5, v4  }
0x214: {  	v4 =	vadd.s32 v6, v4  }
0x215: {  	v5 =	vor.u32 $0x2, v9;
	v4 =	vadd.s32 v7, v4  }
0x216: {  	s20 =	sadd.s32 $0x10, s20;
	v6 =	vor.u32 $0x3, v9;
	v4 =	vadd.s32 v8, v4  }
0x217: {  	v7 =	vor.u32 $0x4, v9;
	[tilespmem:s20+$0x0] =	vst v4  }
0x218: {  	v8 =	vor.u32 $0x5, v9;
	v4 =	vld.idx.msk [tilespmem:v10+s15+$0x0], $0xffff  }
0x219: {  	v11 =	vor.u32 $0x6, v9;
	v10 =	vld.idx.msk [tilespmem:v9+s15+$0x0], $0xffff  }
0x21a: {  	v12 =	vor.u32 $0x7, v9;
	v5 =	vld.idx.msk [tilespmem:v5+s15+$0x0], $0xffff  }
0x21b: {  	v13 =	vor.u32 $0x8, v9;
	v6 =	vld.idx.msk [tilespmem:v6+s15+$0x0], $0xffff  }
0x21c: {  	v14 =	vor.u32 $0x9, v9;
	v7 =	vld.idx.msk [tilespmem:v7+s15+$0x0], $0xffff  }
0x21d: {  	v15 =	vor.u32 $0xA, v9;
	v8 =	vld.idx.msk [tilespmem:v8+s15+$0x0], $0xffff  }
0x21e: {  	v16 =	vor.u32 $0xB, v9;
	v11 =	vld.idx.msk [tilespmem:v11+s15+$0x0], $0xffff  }
0x21f: {  	v4 =	vadd.s32 v10, v4;
	v10 =	vld.idx.msk [tilespmem:v12+s15+$0x0], $0xffff;
	v12 =	vor.u32 $0xC, v9  }
0x220: {  	v17 =	vor.u32 $0xD, v9;
	v4 =	vadd.s32 v5, v4;
	v13 =	vld.idx.msk [tilespmem:v13+s15+$0x0], $0xffff  }
0x221: {  	v18 =	vor.u32 $0xE, v9;
	v4 =	vadd.s32 v6, v4;
	v14 =	vld.idx.msk [tilespmem:v14+s15+$0x0], $0xffff  }
0x222: {  	v9 =	vor.u32 $0xF, v9;
	v4 =	vadd.s32 v7, v4;
	v15 =	vld.idx.msk [tilespmem:v15+s15+$0x0], $0xffff  }
0x223: {  	v5 =	vadd.s32 v8, v4;
	v4 =	vld.idx.msk [tilespmem:v16+s15+$0x0], $0xffff  }
.Ltmp6:
0x224: {  	v6 =	vadd.s32 v11, v5;
	v5 =	vld.idx.msk [tilespmem:v12+s15+$0x0], $0xffff;
	(pc) =	sbr.rel @p0 .LBB2_14-.Ltmp6, $4  }
0x225: {  	v7 =	vadd.s32 v10, v6;
	v6 =	vld.idx.msk [tilespmem:v17+s15+$0x0], $0xffff  }
0x226: {  	v8 =	vadd.s32 v13, v7;
	v7 =	vld.idx.msk [tilespmem:v18+s15+$0x0], $0xffff  }
0x227: {  	v10 =	vmov s21;
	v11 =	vadd.s32 v14, v8;
	v8 =	vld.idx.msk [tilespmem:v9+s15+$0x0], $0xffff  }
0x228: {  	s21 =	sadd.s32 $0x10, s21;
	v9 =	vshll.u32 v10, $0x4;
	v10 =	vadd.s32 v15, v11  }
0x229: {  	v3 =	vor.u32 v3, v9;
	v4 =	vadd.s32 v4, v10  }
0x22a: {  	v9 =	vor.u32 $0x1, v3;
	v4 =	vadd.s32 v5, v4  }
0x22b: {  	v4 =	vadd.s32 v6, v4  }
0x22c: {  	v47 =	vor.u32 $0x2, v3;
	v4 =	vadd.s32 v7, v4  }
0x22d: {  	s20 =	sadd.s32 $0x10, s20;
	v48 =	vor.u32 $0x3, v3;
	v4 =	vadd.s32 v8, v4  }
0x22e: {  	v49 =	vor.u32 $0x4, v3;
	[tilespmem:s20+$0x0] =	vst v4  }
0x22f: {  	v50 =	vor.u32 $0x5, v3;
	v4 =	vld.idx.msk [tilespmem:v9+s15+$0x0], $0xffff  }
0x230: {  	v52 =	vor.u32 $0x6, v3;
	v51 =	vld.idx.msk [tilespmem:v3+s15+$0x0], $0xffff  }
0x231: {  	v11 =	vor.u32 $0x7, v3;
	v5 =	vld.idx.msk [tilespmem:v47+s15+$0x0], $0xffff  }
0x232: {  	v12 =	vor.u32 $0x8, v3;
	v6 =	vld.idx.msk [tilespmem:v48+s15+$0x0], $0xffff  }
0x233: {  	v13 =	vor.u32 $0x9, v3;
	v7 =	vld.idx.msk [tilespmem:v49+s15+$0x0], $0xffff  }
0x234: {  	v14 =	vor.u32 $0xA, v3;
	v8 =	vld.idx.msk [tilespmem:v50+s15+$0x0], $0xffff  }
0x235: {  	v15 =	vor.u32 $0xB, v3;
	v10 =	vld.idx.msk [tilespmem:v52+s15+$0x0], $0xffff;
	v4 =	vadd.s32 v51, v4  }
0x236: {  	v54 =	vor.u32 $0xC, v3;
	v53 =	vld.idx.msk [tilespmem:v11+s15+$0x0], $0xffff;
	v4 =	vadd.s32 v5, v4  }
0x237: {  	v56 =	vor.u32 $0xD, v3;
	v55 =	vld.idx.msk [tilespmem:v12+s15+$0x0], $0xffff;
	v4 =	vadd.s32 v6, v4  }
0x238: {  	v58 =	vor.u32 $0xE, v3;
	v57 =	vld.idx.msk [tilespmem:v13+s15+$0x0], $0xffff;
	v4 =	vadd.s32 v7, v4  }
0x239: {  	v59 =	vld.idx.msk [tilespmem:v14+s15+$0x0], $0xffff;
	v3 =	vor.u32 $0xF, v3;
	v4 =	vadd.s32 v8, v4  }
0x23a: {  	v60 =	vld.idx.msk [tilespmem:v15+s15+$0x0], $0xffff;
	v4 =	vadd.s32 v10, v4  }
0x23b: {  	v61 =	vld.idx.msk [tilespmem:v54+s15+$0x0], $0xffff;
	v4 =	vadd.s32 v53, v4  }
0x23c: {  	v62 =	vld.idx.msk [tilespmem:v56+s15+$0x0], $0xffff;
	v4 =	vadd.s32 v55, v4  }
0x23d: {  	v63 =	vld.idx.msk [tilespmem:v58+s15+$0x0], $0xffff;
	v4 =	vadd.s32 v57, v4  }
0x23e: {  	v3 =	vld.idx.msk [tilespmem:v3+s15+$0x0], $0xffff;
	v4 =	vadd.s32 v59, v4  }
0x23f: {  	v4 =	vadd.s32 v60, v4  }
0x240: {  	v4 =	vadd.s32 v61, v4  }
0x241: {  	v4 =	vadd.s32 v62, v4  }
0x242: {  	v4 =	vadd.s32 v63, v4  }
0x243: {  	s20 =	sadd.s32 $0x10, s20;
	v3 =	vadd.s32 v3, v4  }
0x244: {  	[tilespmem:s20+$0x0] =	vst v3  }
0x245: {  	[hbm4b:s8+s2] =	stream.linear.scatter [tilespmem:s17], [sflag:$0x3], $0x800, $0x38;
	[tilespmem:$0x10820] =	vst v63  }
0x246: {  	s19 =	sadd.s32 $0x1, s19;
	_ =	swait.ge [sflag:s13], $0x800  }
0x247: {  	p0 =	sne.s32 s19, s10;
	[sflag:s13] =	ssyncset.done $0x0  }
.Ltmp7:
0x248: {  	[sflag:s13] =	ssyncadd.s32 $0xFFFFF800;
	(pc) =	sbr.rel @p0 .LBB2_1-.Ltmp7, $4  }
0x249: {  	[hbm4b:s9+s2] =	stream.linear.scatter [tilespmem:s18], [sflag:$0x3], $0x10, $0x38;
	[tilespmem:$0x10820] =	vst v63  }
0x24a: {  	_ =	swait.ge [sflag:s13], $0x10  }
0x24b: {  	[sflag:s13] =	ssyncset.done $0x0  }
0x24c: {  	[sflag:s13] =	ssyncadd.s32 $0xFFFFFFF0  }
0x24d: {  	_ =	sfence.sel $0x180000  }
0x24e: {  	[bflag:$0x0] =	sbarrier.arrive $0xFFFF  }
0x24f: {  	p0 =	sne.s32 s1, $0x0;
	_ =	strace $0x9000004A  }
0x250: {  	s0 =	sadd.s32 @!p0 $0x100000, s0;
	[bflag:$0x2] =	sbarrier.arrive $0xFFFF  }
0x251: {  	[sflag:s0] =	ssyncadd.tile.s32 @!p0 $0x1;
	_ =	shalt  }
.Lfunc_end2:
_tile_overlayer_lowered:
.L_overlay_start_2:
0x252: {  	(tag) =	ssettag $0x2  }
0x253: {  	s0 =	rddreg [dreg:$0x0];
	s2 =	stileid.u32  }
0x254: {  	s1 =	rddreg [dreg:$0x1];
	p0 =	sne.s32 s2, $0x0  }
0x255: {  	s3 =	rddreg [dreg:$0x2];
	[bflag:$0x3] =	sbarrier.arrive $0xFFFF;
	s2 =	simm.s32 @!p0 $0x1C03  }
0x256: {  	[timem:s3], [sflag:s2] =	dma.local @!p0 [hbm:s0], s1  }
0x257: {  	s0 =	simm.s32 @!p0 $0x3  }
0x258: {  	_ =	swait.ge @!p0 [sflag:s0], s1  }
0x259: {  	s1 =	ssub.s32 @!p0 $0x0, s1;
	[sflag:s0] =	ssyncset.done @!p0 $0x0  }
0x25a: {  	[sflag:s0] =	ssyncadd.s32 @!p0 s1  }
0x25b: {  	[bflag:$0x3] =	sbarrier.arrive $0xFFFF  }
0x25c: {  	_ =	shalt  }

// kernel: kernel.7.cloned.1.call-start
scs
__scs_entry_jumppad:
0x0: {  	(pc) =	sbr.rel $0x88, $3  }
0x1: {  	(tag) =	ssettag $0x0;
	lr =	simm.s32 $0x1  }
0x2: {  	[smem:$0x3F9F] =	sst lr;
	_ =	strace $0xD0000000  }
0x3: {  	_ = 	snop  }
0x4: {  	_ = 	snop  }
0x5: {  	_ = 	snop  }
0x6: {  	_ = 	snop  }
0x7: {  	_ = 	snop  }
__scs_overlays_trampoline_lowered:
0x8: {  	[smem:$0x3FAE] =	sst s0  }
0x9: {  	[smem:$0x3FAF] =	sst s1  }
0xa: {  	[smem:$0x3FB0] =	sst s2  }
0xb: {  	[smem:$0x3FB1] =	sst s3  }
0xc: {  	[smem:$0x3FB2] =	sst s4  }
0xd: {  	[smem:$0x3FB3] =	sst s5  }
0xe: {  	[smem:$0x3FB4] =	sst s6  }
0xf: {  	[smem:$0x3FB5] =	sst s7  }
0x10: {  	[smem:$0x3FB6] =	sst s8  }
0x11: {  	[smem:$0x3FB7] =	sst s9;
	s0 =	simm.s32 @!p0 $0x0  }
0x12: {  	s1 =	sld [smem:$0x3F9D];
	s0 =	simm.s32 @p0 $0x1  }
0x13: {  	[smem:$0x3FB8] =	sst s0;
	s0 =	simm.s32 @!p1 $0x0  }
0x14: {  	s2 =	sld [smem:$0x3F9C];
	s0 =	simm.s32 @p1 $0x1  }
0x15: {  	[smem:$0x3FB9] =	sst s0;
	s0 =	simm.s32 @!p2 $0x0  }
0x16: {  	s3 =	sld [smem:$0x3FDB];
	s0 =	simm.s32 @p2 $0x1  }
0x17: {  	s4 =	simm.s32 $0x1BF5;
	[smem:$0x3FBB] =	sst s0  }
0x18: {  	s0 =	sld [smem:$0x3F9E];
	_ =	swait.ge [sflag:s4], $0x0  }
0x19: {  	s7 =	sld [smem:$0x3F9F]  }
0x1a: {  	s8 =	sadd.s32 $0xFFFFE003, lr  }
0x1b: {  	s9 =	sadd.s32 $0xFFFFFEF7, lr;
	s5 =	simm.s32 $0xFFFFFFFF;
	p2 =	slt.u32 s8, $0xFFFFF086  }
0x1c: {  	p1 =	slt.u32 s9, $0xF7A;
	s5 =	simm.s32 @!p2 $0x0  }
0x1d: {  	s5 =	simm.s32 @p1 $0x1;
	p0 =	seq.s32 s7, s2  }
0x1e: {  	s7 =	smul.u32 @!p0 $0xF7A, s2;
	p2 =	seq.s32 @!p0 s5, $0x0  }
0x1f: {  	s9 =	smul.u32 $0xF7A, s1;
	s8 =	simm.s32 @!p0 $0x1BF5;
	p2 =	por !p2, p0  }
0x20: {  	[sflag:s8] =	ssyncset.s32 @!p0 $0xFFFFF086;
	s6 =	sadd.s32 @!p0 s3, s7;
	s7 =	simm.s32 @!p0 $0x108  }
0x21: {  	s3 =	sadd.s32 s3, s9;
	s6 =	sadd.s32 @!p0 $0x88, s6;
	s7 =	simm.s32 @p2 $0x1082  }
0x22: {  	[simem:s7], [sflag:s8] =	dma.local @!p0 [hbm:s6], $0xF7A  }
0x23: {  	s9 =	sor.u32 $0xD0000000, s2;
	s6 =	simm.s32 $0x108;
	_ =	swait.ge @!p0 [sflag:s8], $0x0  }
0x24: {  	s3 =	sadd.s32 $0x88, s3;
	s6 =	simm.s32 @!p1 $0x1082;
	[sflag:s4] =	ssyncset.s32 $0xFFFFF086  }
0x25: {  	[simem:s6], [sflag:s4] =	dma.local [hbm:s3], $0xF7A  }
0x26: {  	[smem:$0x3F9F] =	sst s1;
	(tag) =	ssettag s2;
	_ =	strace s9  }
0x27: {  	s1 =	sld [smem:$0x3FAF]  }
0x28: {  	s2 =	sld [smem:$0x3FB0]  }
0x29: {  	s4 =	sld [smem:$0x3FB2]  }
0x2a: {  	p0 =	seq.s32 s5, $0x0;
	s5 =	sld [smem:$0x3FB3]  }
0x2b: {  	s6 =	sld [smem:$0x3FB4]  }
0x2c: {  	s7 =	sld [smem:$0x3FB5]  }
0x2d: {  	s3 =	simm.s32 $0x108;
	s8 =	sld [smem:$0x3FB6]  }
0x2e: {  	s3 =	simm.s32 @!p0 $0x1082;
	s9 =	sld [smem:$0x3FB7]  }
0x2f: {  	lr =	sadd.s32 s0, s3;
	s0 =	sld [smem:$0x3FAE]  }
0x30: {  	s3 =	sld [smem:$0x3FB1]  }
0x31: {  	[smem:$0x3FBA] =	sst s10  }
0x32: {  	s10 =	sld [smem:$0x3FB8];
	_ =	sdelay $0x3  }
0x33: {  	p0 =	seq.s32 s10, $0x1;
	s10 =	sld [smem:$0x3FBA];
	_ =	sdelay $0x3  }
0x34: {  	[smem:$0x3FBA] =	sst s10  }
0x35: {  	s10 =	sld [smem:$0x3FB9];
	_ =	sdelay $0x3  }
0x36: {  	p1 =	seq.s32 s10, $0x1;
	s10 =	sld [smem:$0x3FBA];
	_ =	sdelay $0x3  }
0x37: {  	[smem:$0x3FBA] =	sst s10  }
0x38: {  	s10 =	sld [smem:$0x3FBB]  }
0x39: {  	_ = 	snop;
	(pc) =	sbr.ind lr, $3  }
0x3a: {  	_ = 	snop  }
0x3b: {  	_ = 	snop  }
0x3c: {  	p2 =	seq.s32 s10, $0x1;
	s10 =	sld [smem:$0x3FBA]  }
0x3d: {  	_ =	shalt  }
0x3e: {  	_ =	shalt  }
0x3f: {  	_ =	shalt  }
0x40: {  	_ =	shalt  }
0x41: {  	_ =	shalt  }
0x42: {  	_ =	shalt  }
0x43: {  	_ =	shalt  }
0x44: {  	_ =	shalt  }
0x45: {  	_ =	shalt  }
0x46: {  	_ =	shalt  }
0x47: {  	_ =	shalt  }
0x48: {  	_ =	shalt  }
0x49: {  	_ =	shalt  }
0x4a: {  	_ =	shalt  }
0x4b: {  	_ =	shalt  }
0x4c: {  	_ =	shalt  }
0x4d: {  	_ =	shalt  }
0x4e: {  	_ =	shalt  }
0x4f: {  	_ =	shalt  }
0x50: {  	_ =	shalt  }
0x51: {  	_ =	shalt  }
0x52: {  	_ =	shalt  }
0x53: {  	_ =	shalt  }
0x54: {  	_ =	shalt  }
0x55: {  	_ =	shalt  }
0x56: {  	_ =	shalt  }
0x57: {  	_ =	shalt  }
0x58: {  	_ =	shalt  }
0x59: {  	_ =	shalt  }
0x5a: {  	_ =	shalt  }
0x5b: {  	_ =	shalt  }
0x5c: {  	_ =	shalt  }
0x5d: {  	_ =	shalt  }
0x5e: {  	_ =	shalt  }
0x5f: {  	_ =	shalt  }
0x60: {  	_ =	shalt  }
0x61: {  	_ =	shalt  }
0x62: {  	_ =	shalt  }
0x63: {  	_ =	shalt  }
0x64: {  	_ =	shalt  }
0x65: {  	_ =	shalt  }
0x66: {  	_ =	shalt  }
0x67: {  	_ =	shalt  }
0x68: {  	_ =	shalt  }
0x69: {  	_ =	shalt  }
0x6a: {  	_ =	shalt  }
0x6b: {  	_ =	shalt  }
0x6c: {  	_ =	shalt  }
0x6d: {  	_ =	shalt  }
0x6e: {  	_ =	shalt  }
0x6f: {  	_ =	shalt  }
0x70: {  	_ =	shalt  }
0x71: {  	_ =	shalt  }
0x72: {  	_ =	shalt  }
0x73: {  	_ =	shalt  }
0x74: {  	_ =	shalt  }
0x75: {  	_ =	shalt  }
0x76: {  	_ =	shalt  }
0x77: {  	_ =	shalt  }
0x78: {  	_ =	shalt  }
0x79: {  	_ =	shalt  }
0x7a: {  	_ =	shalt  }
0x7b: {  	_ =	shalt  }
0x7c: {  	_ =	shalt  }
0x7d: {  	_ =	shalt  }
0x7e: {  	_ =	shalt  }
0x7f: {  	_ =	shalt  }
0x80: {  	_ =	shalt  }
0x81: {  	_ =	shalt  }
0x82: {  	_ =	shalt  }
0x83: {  	_ =	shalt  }
0x84: {  	_ =	shalt  }
0x85: {  	_ =	shalt  }
0x86: {  	_ =	shalt  }
0x87: {  	_ =	shalt  }
.Lfunc_end0:
.L_simem_size_0:
called_computation_lowered:
.L_overlay_start_0:
0x88: {  	s2 =	sld [smem:$0x3FD9]  }
0x89: {  	s3 =	sld [smem:$0x3FFE];
	_ =	sdelay $0x1  }
0x8a: {  	s1 =	srdreg.scid  }
0x8b: {  	s0 =	sand.u32 $0x1, s1  }
0x8c: {  	s16 =	sshll.u32 s0, $0xA;
	s2 =	sadd.s32 s3, s2  }
0x8d: {  	s2 =	sadd.s32 s2, s16  }
0x8e: {  	[smem:$0x3FC6] =	sst s2  }
0x8f: {  	_ = 	snop  }
0x90: {  	(tm) =	ssettm $0x1  }
0x91: {  	s17 =	sld [smem:$0x3FFB];
	_ =	sdelay $0x3  }
0x92: {  	_ =	strace s17  }
0x93: {  	s2 =	sld [smem:$0x3FFC];
	_ =	sdelay $0x3  }
0x94: {  	_ =	strace s2  }
0x95: {  	s2 =	sld [smem:$0x3FFD];
	_ =	sdelay $0x3  }
0x96: {  	_ =	strace s2  }
0x97: {  	_ =	strace $0x8FFFFFFF  }
0x98: {  	s18 =	sld [smem:$0x3FDB];
	_ =	sdelay $0x1  }
0x99: {  	s19 =	simm.s32 $_scs_section_size  }
0x9a: {  	s4 =	simm.s32 $_size__tile_overlayer_lowered;
	s5 =	simm.s32 $_tile_overlayer_lowered  }
0x9b: {  	s22 =	simm.s32 $0x1BFF;
	s21 =	sshll.u32 s5, $0x1;
	s2 =	sadd.s32 s19, s18  }
0x9c: {  	s6 =	simm.s32 $0x0;
	s20 =	sshll.u32 s4, $0x1;
	s4 =	sadd.s32 s21, s2  }
0x9d: {  	[timem:s6], [sflag:s22] =	dma.local [hbm:s4], s20  }
0x9e: {  	_ =	swait.ge [sflag:s22], s20  }
0x9f: {  	s3 =	ssub.s32 $0x0, s20;
	[sflag:s22] =	ssyncset.done $0x0  }
0xa0: {  	[sflag:s22] =	ssyncadd.s32 s3;
	_ =	sdelay $0x1  }
0xa1: {  	s23 =	simm.s32 $0x1B8B  }
0xa2: {  	_ =	swait.ge [sflag:s23], $0x1  }
0xa3: {  	[sflag:s23] =	ssyncset.done $0x0  }
0xa4: {  	s25 =	simm.s32 $0x1B8E;
	s24 =	sld [smem:$0x3FFE];
	[sflag:s23] =	ssyncadd.s32 $0xFFFFFFFF  }
0xa5: {  	s26 =	simm.s32 $execute0_lowered;
	[smem:$0x3FD2] =	sst s25  }
0xa6: {  	s4 =	sshll.u32 s26, $0x1;
	_ =	strace $0x80000046;
	[dreg:$0x1] =	wrdreg $0xFFFFFFFF  }
0xa7: {  	s28 =	simm.s32 $_size_execute0_lowered;
	s2 =	sadd.s32 s2, s4;
	[dreg:$0x0] =	wrdreg $0x0  }
0xa8: {  	s4 =	sshll.u32 s28, $0x1;
	[dreg:$0x2] =	wrdreg s2  }
0xa9: {  	[dreg:$0x3] =	wrdreg s4  }
0xaa: {  	[dreg:$0x4] =	wrdreg $0xC0  }
0xab: {  	_ =	task [dreg:s6], $0x5FFFF  }
0xac: {  	[dreg:$0x1] =	wrdreg $0xFFFFFFFF  }
0xad: {  	[dreg:$0x0] =	wrdreg $0x60  }
0xae: {  	[dreg:$0x2] =	wrdreg s24  }
0xaf: {  	[dreg:$0x3] =	wrdreg $0x9  }
0xb0: {  	_ =	task.clear_ibuf [dreg:s6], $0x4FFFF;
	_ =	strace $0x90000046  }
0xb1: {  	s29 =	simm.s32 $0x9;
	_ =	strace $0x80000048  }
0xb2: {  	_ =	swait.ge [sflag:s29], $0x1  }
0xb3: {  	[sflag:s29] =	ssyncadd.s32 $0xFFFFFFFF  }
0xb4: {  	_ =	strace $0x90000048  }
0xb5: {  	_ =	sfence  }
0xb6: {  	s30 =	sld [smem:$0x0];
	_ =	sdelay $0x2  }
0xb7: {  	s31 =	sshll.u32 s1, $0xD;
	s1 =	sshrl.u32 s1, $0x2  }
0xb8: {  	s3 =	sand.u32 $0x4000, s31;
	s1 =	sadd.s32 s1, s30  }
0xb9: {  	s0 =	sor.u32 s3, s0;
	s1 =	sshll.u32 s1, $0x11  }
0xba: {  	s0 =	sor.u32 s1, s0  }
0xbb: {  	s0 =	sadd.s32 $0x8F2B, s0  }
0xbc: {  	[sflag:s0] =	ssyncadd.remote.s32 $0x1  }
0xbd: {  	_ =	sfence.sel $0xFFFF  }
0xbe: {  	[dreg:$0x0] =	wrdreg $0xFFFFFFFF;
	(pc) =	sbr.abs _section_cstart, $3  }
0xbf: {  	[dreg:$0x1] =	wrdreg $0xFFFFFFFF  }
0xc0: {  	_ =	task.clear_ibuf [dreg:s6], $0x2FFFF;
	_ =	strace $0x9FFFFFFF  }
0xc1: {  	(tm) =	ssettm $0x7FFFFFFF  }
tec
execute0_lowered:
.L_overlay_start_1:
0x0: {  	(tag) =	ssettag $0x1  }
0x1: {  	s4 =	rddreg [dreg:$0x0];
	s1 =	srdreg.scid  }
0x2: {  	s0 =	rddreg [dreg:$0x1];
	s2 =	simm.s32 $0x0;
	s10 =	simm.s32 $0x1  }
0x3: {  	s11 =	simm.s32 $0x8000;
	s12 =	simm.s32 $0x2;
	s13 =	simm.s32 $0x10000  }
0x4: {  	s14 =	simm.s32 $0x3;
	s15 =	simm.s32 $0x0;
	s5 =	sand.u32 $0x1, s1  }
0x5: {  	[smem:$0x7FF] =	sst s2;
	s1 =	stileid.u32;
	s6 =	sshll.u32 s5, $0x4  }
0x6: {  	s3 =	sadd.s32 $0x1200, s4;
	s5 =	ssub.s32 $0x2, s5;
	s6 =	sor.u32 s1, s6  }
0x7: {  	_ =	strace $0x80000047;
	s9 =	sshrl.u32 s5, $0x1;
	s7 =	sshll.u32 s6, $0x8  }
0x8: {  	v0 =	vlaneseq.u32;
	s8 =	sshll.u32 s6, $0xE;
	s31 =	ssub.s32 s5, s9;
	s5 =	sshll.u32 s6, $0x11  }
0x9: {  	v3 =	vmul.u32 $0x10, v0;
	s9 =	simm.s32 $0x4000;
	s7 =	sadd.s32 s7, s4;
	s4 =	sadd.s32 s3, s8  }
0xa: {  	v1 =	vimm.s32 $0x0;
	v2 =	vimm.s32 $0x1;
	s8 =	smax.u32 s31, $0x1;
	s6 =	sadd.s32 $0x800, s4;
	s7 =	sadd.s32 $0x81200, s7  }
.LBB2_1:
0xb: {  	[tilespmem:s2], [sflag:$0x1] =	stream.linear.gather [hbm4b:s4+s2], $0x4000, $0x38;
	[tilespmem:$0x10800] =	vst v63  }
0xc: {  	s17 =	simm.s32 $0x0;
	s16 =	simm.s32 $0x200  }
0xd: {  	[tilespmem:s9], [sflag:$0x2] =	stream.linear.gather [hbm4b:s6+s2], $0x4000, $0x38;
	[tilespmem:$0x10800] =	vst v63  }
.LBB2_2:
0xe: {  	p0 =	sne.s32 s16, $0x1FE00;
	[tilespmem:s17+$0x8070] =	vst v1  }
0xf: {  	[tilespmem:s17+$0x8000] =	vst v1  }
0x10: {  	[tilespmem:s17+$0x8010] =	vst v1  }
.Ltmp0:
0x11: {  	[tilespmem:s17+$0x8020] =	vst v1;
	(pc) =	sbr.rel @p0 .LBB2_2-.Ltmp0, $4  }
0x12: {  	[tilespmem:s17+$0x8030] =	vst v1  }
0x13: {  	[tilespmem:s17+$0x8040] =	vst v1  }
0x14: {  	[tilespmem:s17+$0x8050] =	vst v1  }
0x15: {  	[tilespmem:s17+$0x8060] =	vst v1;
	s17 =	sshra.s32 s16, $0x2;
	s16 =	sadd.s32 $0x200, s16  }
0x16: {  	[tilespmem:s17+$0x8070] =	vst v1  }
0x17: {  	[tilespmem:s17+$0x8000] =	vst v1  }
0x18: {  	[tilespmem:s17+$0x8010] =	vst v1  }
0x19: {  	[tilespmem:s17+$0x8020] =	vst v1  }
0x1a: {  	[tilespmem:s17+$0x8030] =	vst v1  }
0x1b: {  	[tilespmem:s17+$0x8040] =	vst v1  }
0x1c: {  	[tilespmem:s17+$0x8050] =	vst v1  }
0x1d: {  	s16 =	simm.s32 $0x0;
	[tilespmem:s17+$0x8060] =	vst v1  }
.LBB2_4:
0x1e: {  	_ =	swait.ge [sflag:s10], $0x4000  }
0x1f: {  	[sflag:s10] =	ssyncset.done $0x0  }
0x20: {  	s17 =	simm.s32 $0x0;
	[sflag:s10] =	ssyncadd.s32 $0xFFFFC000  }
0x21: {  	v4 =	vld [tilespmem:s17+$0x40]  }
0x22: {  	v5 =	vld [tilespmem:s17+$0x30]  }
0x23: {  	v6 =	vld [tilespmem:s17+$0x20]  }
0x24: {  	v7 =	vld [tilespmem:s17+$0x10]  }
0x25: {  	v8 =	vld [tilespmem:s17+$0x0]  }
0x26: {  	v9 =	vld [tilespmem:s17+$0x50]  }
0x27: {  	v10 =	vld [tilespmem:s17+$0xC0]  }
0x28: {  	v11 =	vld [tilespmem:s17+$0x60]  }
0x29: {  	v12 =	vld [tilespmem:s17+$0x70]  }
0x2a: {  	v13 =	vld [tilespmem:s17+$0x80];
	v8 =	vshrl.u32 v8, $0x10  }
0x2b: {  	v14 =	vld [tilespmem:s17+$0x90];
	v7 =	vshrl.u32 v7, $0x10;
	v8 =	vand.u32 $0xFFF0, v8  }
0x2c: {  	v15 =	vld [tilespmem:s17+$0xA0];
	v6 =	vshrl.u32 v6, $0x10;
	v7 =	vand.u32 $0xFFF0, v7;
	v8 =	vor.u32 v0, v8  }
0x2d: {  	v16 =	vld [tilespmem:s17+$0xB0];
	v5 =	vshrl.u32 v5, $0x10;
	v6 =	vand.u32 $0xFFF0, v6;
	v7 =	vor.u32 v0, v7  }
0x2e: {  	v17 =	vld [tilespmem:s17+$0xD0];
	v4 =	vshrl.u32 v4, $0x10;
	v5 =	vand.u32 $0xFFF0, v5;
	v6 =	vor.u32 v0, v6  }
0x2f: {  	v18 =	vld [tilespmem:s17+$0xF0];
	v9 =	vshrl.u32 v9, $0x10;
	v4 =	vand.u32 $0xFFF0, v4;
	v5 =	vor.u32 v0, v5  }
0x30: {  	v19 =	vld [tilespmem:s17+$0xE0];
	v11 =	vshrl.u32 v11, $0x10;
	v9 =	vand.u32 $0xFFF0, v9;
	v4 =	vor.u32 v0, v4  }
0x31: {  	v12 =	vshrl.u32 v12, $0x10;
	v11 =	vand.u32 $0xFFF0, v11;
	v48 =	vor.u32 v0, v9;
	[tilespmem:v8+s11+$0x0] =	vst.idx.add.s32.msk $0xffff, v2  }
0x32: {  	v50 =	vshrl.u32 v13, $0x10;
	v49 =	vand.u32 $0xFFF0, v12;
	[tilespmem:v7+s11+$0x0] =	vst.idx.add.s32.msk $0xffff, v2;
	v7 =	vor.u32 v0, v11  }
0x33: {  	v52 =	vshrl.u32 v14, $0x10;
	v51 =	vand.u32 $0xFFF0, v50;
	[tilespmem:v6+s11+$0x0] =	vst.idx.add.s32.msk $0xffff, v2;
	v6 =	vor.u32 v0, v49  }
0x34: {  	v53 =	vand.u32 $0xFFF0, v52;
	[tilespmem:v5+s11+$0x0] =	vst.idx.add.s32.msk $0xffff, v2;
	v5 =	vor.u32 v0, v51  }
0x35: {  	v54 =	vshrl.u32 v15, $0x10;
	[tilespmem:v4+s11+$0x0] =	vst.idx.add.s32.msk $0xffff, v2;
	v4 =	vor.u32 v0, v53  }
0x36: {  	v56 =	vshrl.u32 v16, $0x10;
	v55 =	vand.u32 $0xFFF0, v54;
	[tilespmem:v48+s11+$0x0] =	vst.idx.add.s32.msk $0xffff, v2  }
0x37: {  	v57 =	vshrl.u32 v10, $0x10;
	v58 =	vand.u32 $0xFFF0, v56;
	v59 =	vor.u32 v0, v55;
	[tilespmem:v7+s11+$0x0] =	vst.idx.add.s32.msk $0xffff, v2  }
0x38: {  	v60 =	vshrl.u32 v17, $0x10;
	v9 =	vand.u32 $0xFFF0, v57;
	v7 =	vor.u32 v0, v58;
	[tilespmem:v6+s11+$0x0] =	vst.idx.add.s32.msk $0xffff, v2  }
0x39: {  	v62 =	vshrl.u32 v19, $0x10;
	v61 =	vand.u32 $0xFFF0, v60;
	v6 =	vor.u32 v0, v9;
	[tilespmem:v5+s11+$0x0] =	vst.idx.add.s32.msk $0xffff, v2  }
0x3a: {  	v63 =	vand.u32 $0xFFF0, v62;
	v5 =	vor.u32 v0, v61;
	[tilespmem:v4+s11+$0x0] =	vst.idx.add.s32.msk $0xffff, v2;
	v4 =	vshrl.u32 v18, $0x10  }
0x3b: {  	v9 =	vor.u32 v0, v63;
	v4 =	vand.u32 $0xFFF0, v4  }
0x3c: {  	[tilespmem:v59+s11+$0x0] =	vst.idx.add.s32.msk $0xffff, v2;
	v4 =	vor.u32 v0, v4  }
0x3d: {  	[tilespmem:v7+s11+$0x0] =	vst.idx.add.s32.msk $0xffff, v2  }
0x3e: {  	[tilespmem:v6+s11+$0x0] =	vst.idx.add.s32.msk $0xffff, v2  }
0x3f: {  	[tilespmem:v5+s11+$0x0] =	vst.idx.add.s32.msk $0xffff, v2  }
0x40: {  	s17 =	simm.s32 $0x400;
	[tilespmem:v9+s11+$0x0] =	vst.idx.add.s32.msk $0xffff, v2  }
.LBB2_5:
0x41: {  	s18 =	sshra.s32 s17, $0x2;
	p0 =	sne.s32 s17, $0xFC00;
	s17 =	sadd.s32 $0x400, s17;
	[tilespmem:v4+s11+$0x0] =	vst.idx.add.s32.msk $0xffff, v2  }
0x42: {  	v4 =	vld [tilespmem:s18+$0x40]  }
0x43: {  	v5 =	vld [tilespmem:s18+$0x30]  }
0x44: {  	v6 =	vld [tilespmem:s18+$0x20]  }
0x45: {  	v7 =	vld [tilespmem:s18+$0x10]  }
0x46: {  	v8 =	vld [tilespmem:s18+$0x0]  }
0x47: {  	v9 =	vld [tilespmem:s18+$0x50];
	v4 =	vshrl.u32 v4, $0x10  }
0x48: {  	v10 =	vld [tilespmem:s18+$0xC0];
	v5 =	vshrl.u32 v5, $0x10;
	v4 =	vand.u32 $0xFFF0, v4  }
0x49: {  	v11 =	vld [tilespmem:s18+$0x60];
	v6 =	vshrl.u32 v6, $0x10;
	v5 =	vand.u32 $0xFFF0, v5  }
0x4a: {  	v12 =	vld [tilespmem:s18+$0x70];
	v7 =	vshrl.u32 v7, $0x10;
	v6 =	vand.u32 $0xFFF0, v6  }
0x4b: {  	v13 =	vld [tilespmem:s18+$0x80];
	v8 =	vshrl.u32 v8, $0x10;
	v7 =	vand.u32 $0xFFF0, v7  }
0x4c: {  	v14 =	vld [tilespmem:s18+$0x90];
	v8 =	vand.u32 $0xFFF0, v8;
	v9 =	vshrl.u32 v9, $0x10  }
0x4d: {  	v15 =	vld [tilespmem:s18+$0xA0];
	v8 =	vor.u32 v0, v8;
	v9 =	vand.u32 $0xFFF0, v9;
	v10 =	vshrl.u32 v10, $0x10  }
0x4e: {  	v7 =	vor.u32 v0, v7;
	v16 =	vld [tilespmem:s18+$0xB0];
	v11 =	vshrl.u32 v11, $0x10;
	v10 =	vand.u32 $0xFFF0, v10  }
0x4f: {  	v6 =	vor.u32 v0, v6;
	v17 =	vld [tilespmem:s18+$0xD0];
	v11 =	vand.u32 $0xFFF0, v11;
	v12 =	vshrl.u32 v12, $0x10  }
0x50: {  	v5 =	vor.u32 v0, v5;
	v18 =	vld [tilespmem:s18+$0xF0];
	v12 =	vand.u32 $0xFFF0, v12;
	v13 =	vshrl.u32 v13, $0x10  }
0x51: {  	v4 =	vor.u32 v0, v4;
	v19 =	vld [tilespmem:s18+$0xE0];
	v13 =	vand.u32 $0xFFF0, v13;
	v14 =	vshrl.u32 v14, $0x10  }
0x52: {  	[tilespmem:v8+s11+$0x0] =	vst.idx.add.s32.msk $0xffff, v2;
	v8 =	vor.u32 v0, v9;
	v9 =	vand.u32 $0xFFF0, v14;
	v14 =	vshrl.u32 v15, $0x10  }
0x53: {  	[tilespmem:v7+s11+$0x0] =	vst.idx.add.s32.msk $0xffff, v2;
	v7 =	vor.u32 v0, v11;
	v11 =	vand.u32 $0xFFF0, v14;
	v14 =	vshrl.u32 v16, $0x10  }
0x54: {  	[tilespmem:v6+s11+$0x0] =	vst.idx.add.s32.msk $0xffff, v2;
	v6 =	vor.u32 v0, v12;
	v12 =	vand.u32 $0xFFF0, v14;
	v14 =	vshrl.u32 v17, $0x10  }
0x55: {  	[tilespmem:v5+s11+$0x0] =	vst.idx.add.s32.msk $0xffff, v2;
	v5 =	vor.u32 v0, v13;
	v13 =	vand.u32 $0xFFF0, v14;
	v14 =	vshrl.u32 v18, $0x10  }
0x56: {  	[tilespmem:v4+s11+$0x0] =	vst.idx.add.s32.msk $0xffff, v2;
	v4 =	vor.u32 v0, v9;
	v9 =	vshrl.u32 v19, $0x10;
	v14 =	vand.u32 $0xFFF0, v14  }
0x57: {  	[tilespmem:v8+s11+$0x0] =	vst.idx.add.s32.msk $0xffff, v2;
	v8 =	vor.u32 v0, v11;
	v9 =	vand.u32 $0xFFF0, v9  }
0x58: {  	[tilespmem:v7+s11+$0x0] =	vst.idx.add.s32.msk $0xffff, v2;
	v7 =	vor.u32 v0, v12  }
0x59: {  	[tilespmem:v6+s11+$0x0] =	vst.idx.add.s32.msk $0xffff, v2;
	v6 =	vor.u32 v0, v10  }
0x5a: {  	[tilespmem:v5+s11+$0x0] =	vst.idx.add.s32.msk $0xffff, v2;
	v5 =	vor.u32 v0, v13  }
0x5b: {  	v9 =	vor.u32 v0, v9;
	[tilespmem:v4+s11+$0x0] =	vst.idx.add.s32.msk $0xffff, v2  }
.Ltmp1:
0x5c: {  	v4 =	vor.u32 v0, v14;
	[tilespmem:v8+s11+$0x0] =	vst.idx.add.s32.msk $0xffff, v2;
	(pc) =	sbr.rel @p0 .LBB2_5-.Ltmp1, $4  }
0x5d: {  	[tilespmem:v7+s11+$0x0] =	vst.idx.add.s32.msk $0xffff, v2  }
0x5e: {  	[tilespmem:v6+s11+$0x0] =	vst.idx.add.s32.msk $0xffff, v2  }
0x5f: {  	[tilespmem:v5+s11+$0x0] =	vst.idx.add.s32.msk $0xffff, v2  }
0x60: {  	[tilespmem:v9+s11+$0x0] =	vst.idx.add.s32.msk $0xffff, v2  }
0x61: {  	s17 =	sshll.u32 s16, $0xF  }
0x62: {  	s17 =	sadd.s32 s5, s17  }
0x63: {  	s17 =	sshrl.u32 s17, $0x3  }
0x64: {  	s17 =	sadd.s32 s3, s17  }
0x65: {  	[tilespmem:v4+s11+$0x0] =	vst.idx.add.s32.msk $0xffff, v2;
	s19 =	simm.s32 $0x0;
	s18 =	sadd.s32 $0x1000, s17  }
0x66: {  	[tilespmem:s19], [sflag:$0x1] =	stream.linear.gather [hbm4b:s18+s19], $0x4000, $0x38;
	[tilespmem:$0x10800] =	vst v63  }
0x67: {  	_ =	swait.ge [sflag:s12], $0x4000  }
0x68: {  	[sflag:s12] =	ssyncset.done $0x0  }
0x69: {  	s31 =	simm.s32 $0x0;
	[sflag:s12] =	ssyncadd.s32 $0xFFFFC000  }
0x6a: {  	v4 =	vld [tilespmem:s31+$0x4040]  }
0x6b: {  	v5 =	vld [tilespmem:s31+$0x4030]  }
0x6c: {  	v6 =	vld [tilespmem:s31+$0x4020]  }
0x6d: {  	v7 =	vld [tilespmem:s31+$0x4010]  }
0x6e: {  	v8 =	vld [tilespmem:s31+$0x4000]  }
0x6f: {  	v9 =	vld [tilespmem:s31+$0x4050]  }
0x70: {  	v10 =	vld [tilespmem:s31+$0x40C0]  }
0x71: {  	v11 =	vld [tilespmem:s31+$0x4060]  }
0x72: {  	v12 =	vld [tilespmem:s31+$0x4070]  }
0x73: {  	v13 =	vld [tilespmem:s31+$0x4080];
	v8 =	vshrl.u32 v8, $0x10  }
0x74: {  	v14 =	vld [tilespmem:s31+$0x4090];
	v7 =	vshrl.u32 v7, $0x10;
	v8 =	vand.u32 $0xFFF0, v8  }
0x75: {  	v15 =	vld [tilespmem:s31+$0x40A0];
	v6 =	vshrl.u32 v6, $0x10;
	v7 =	vand.u32 $0xFFF0, v7;
	v8 =	vor.u32 v0, v8  }
0x76: {  	v16 =	vld [tilespmem:s31+$0x40B0];
	v5 =	vshrl.u32 v5, $0x10;
	v6 =	vand.u32 $0xFFF0, v6;
	v7 =	vor.u32 v0, v7  }
0x77: {  	v17 =	vld [tilespmem:s31+$0x40D0];
	v4 =	vshrl.u32 v4, $0x10;
	v5 =	vand.u32 $0xFFF0, v5;
	v6 =	vor.u32 v0, v6  }
0x78: {  	v18 =	vld [tilespmem:s31+$0x40F0];
	v9 =	vshrl.u32 v9, $0x10;
	v4 =	vand.u32 $0xFFF0, v4;
	v5 =	vor.u32 v0, v5  }
0x79: {  	v19 =	vld [tilespmem:s31+$0x40E0];
	v11 =	vshrl.u32 v11, $0x10;
	v9 =	vand.u32 $0xFFF0, v9;
	v4 =	vor.u32 v0, v4  }
0x7a: {  	v12 =	vshrl.u32 v12, $0x10;
	v11 =	vand.u32 $0xFFF0, v11;
	v48 =	vor.u32 v0, v9;
	[tilespmem:v8+s11+$0x0] =	vst.idx.add.s32.msk $0xffff, v2  }
0x7b: {  	v50 =	vshrl.u32 v13, $0x10;
	v49 =	vand.u32 $0xFFF0, v12;
	[tilespmem:v7+s11+$0x0] =	vst.idx.add.s32.msk $0xffff, v2;
	v7 =	vor.u32 v0, v11  }
0x7c: {  	v52 =	vshrl.u32 v14, $0x10;
	v51 =	vand.u32 $0xFFF0, v50;
	[tilespmem:v6+s11+$0x0] =	vst.idx.add.s32.msk $0xffff, v2;
	v6 =	vor.u32 v0, v49  }
0x7d: {  	v53 =	vand.u32 $0xFFF0, v52;
	[tilespmem:v5+s11+$0x0] =	vst.idx.add.s32.msk $0xffff, v2;
	v5 =	vor.u32 v0, v51  }
0x7e: {  	v54 =	vshrl.u32 v15, $0x10;
	[tilespmem:v4+s11+$0x0] =	vst.idx.add.s32.msk $0xffff, v2;
	v4 =	vor.u32 v0, v53  }
0x7f: {  	v56 =	vshrl.u32 v16, $0x10;
	v55 =	vand.u32 $0xFFF0, v54;
	[tilespmem:v48+s11+$0x0] =	vst.idx.add.s32.msk $0xffff, v2  }
0x80: {  	v57 =	vshrl.u32 v10, $0x10;
	v58 =	vand.u32 $0xFFF0, v56;
	v59 =	vor.u32 v0, v55;
	[tilespmem:v7+s11+$0x0] =	vst.idx.add.s32.msk $0xffff, v2  }
0x81: {  	v60 =	vshrl.u32 v17, $0x10;
	v9 =	vand.u32 $0xFFF0, v57;
	v7 =	vor.u32 v0, v58;
	[tilespmem:v6+s11+$0x0] =	vst.idx.add.s32.msk $0xffff, v2  }
0x82: {  	v62 =	vshrl.u32 v19, $0x10;
	v61 =	vand.u32 $0xFFF0, v60;
	v6 =	vor.u32 v0, v9;
	[tilespmem:v5+s11+$0x0] =	vst.idx.add.s32.msk $0xffff, v2  }
0x83: {  	v63 =	vand.u32 $0xFFF0, v62;
	v5 =	vor.u32 v0, v61;
	[tilespmem:v4+s11+$0x0] =	vst.idx.add.s32.msk $0xffff, v2;
	v4 =	vshrl.u32 v18, $0x10  }
0x84: {  	v9 =	vor.u32 v0, v63;
	v4 =	vand.u32 $0xFFF0, v4  }
0x85: {  	[tilespmem:v59+s11+$0x0] =	vst.idx.add.s32.msk $0xffff, v2;
	v4 =	vor.u32 v0, v4  }
0x86: {  	[tilespmem:v7+s11+$0x0] =	vst.idx.add.s32.msk $0xffff, v2  }
0x87: {  	[tilespmem:v6+s11+$0x0] =	vst.idx.add.s32.msk $0xffff, v2  }
0x88: {  	[tilespmem:v5+s11+$0x0] =	vst.idx.add.s32.msk $0xffff, v2  }
0x89: {  	s18 =	simm.s32 $0x400;
	[tilespmem:v9+s11+$0x0] =	vst.idx.add.s32.msk $0xffff, v2  }
.LBB2_7:
0x8a: {  	s19 =	sshra.s32 s18, $0x2;
	p0 =	sne.s32 s18, $0xFC00;
	s18 =	sadd.s32 $0x400, s18;
	[tilespmem:v4+s11+$0x0] =	vst.idx.add.s32.msk $0xffff, v2  }
0x8b: {  	v4 =	vld [tilespmem:s19+$0x4040]  }
0x8c: {  	v5 =	vld [tilespmem:s19+$0x4030]  }
0x8d: {  	v6 =	vld [tilespmem:s19+$0x4020]  }
0x8e: {  	v7 =	vld [tilespmem:s19+$0x4010]  }
0x8f: {  	v8 =	vld [tilespmem:s19+$0x4000]  }
0x90: {  	v9 =	vld [tilespmem:s19+$0x4050];
	v4 =	vshrl.u32 v4, $0x10  }
0x91: {  	v10 =	vld [tilespmem:s19+$0x40C0];
	v5 =	vshrl.u32 v5, $0x10;
	v4 =	vand.u32 $0xFFF0, v4  }
0x92: {  	v11 =	vld [tilespmem:s19+$0x4060];
	v6 =	vshrl.u32 v6, $0x10;
	v5 =	vand.u32 $0xFFF0, v5  }
0x93: {  	v12 =	vld [tilespmem:s19+$0x4070];
	v7 =	vshrl.u32 v7, $0x10;
	v6 =	vand.u32 $0xFFF0, v6  }
0x94: {  	v13 =	vld [tilespmem:s19+$0x4080];
	v8 =	vshrl.u32 v8, $0x10;
	v7 =	vand.u32 $0xFFF0, v7  }
0x95: {  	v14 =	vld [tilespmem:s19+$0x4090];
	v8 =	vand.u32 $0xFFF0, v8;
	v9 =	vshrl.u32 v9, $0x10  }
0x96: {  	v15 =	vld [tilespmem:s19+$0x40A0];
	v8 =	vor.u32 v0, v8;
	v9 =	vand.u32 $0xFFF0, v9;
	v10 =	vshrl.u32 v10, $0x10  }
0x97: {  	v7 =	vor.u32 v0, v7;
	v16 =	vld [tilespmem:s19+$0x40B0];
	v11 =	vshrl.u32 v11, $0x10;
	v10 =	vand.u32 $0xFFF0, v10  }
0x98: {  	v6 =	vor.u32 v0, v6;
	v17 =	vld [tilespmem:s19+$0x40D0];
	v11 =	vand.u32 $0xFFF0, v11;
	v12 =	vshrl.u32 v12, $0x10  }
0x99: {  	v5 =	vor.u32 v0, v5;
	v18 =	vld [tilespmem:s19+$0x40F0];
	v12 =	vand.u32 $0xFFF0, v12;
	v13 =	vshrl.u32 v13, $0x10  }
0x9a: {  	v4 =	vor.u32 v0, v4;
	v19 =	vld [tilespmem:s19+$0x40E0];
	v13 =	vand.u32 $0xFFF0, v13;
	v14 =	vshrl.u32 v14, $0x10  }
0x9b: {  	[tilespmem:v8+s11+$0x0] =	vst.idx.add.s32.msk $0xffff, v2;
	v8 =	vor.u32 v0, v9;
	v9 =	vand.u32 $0xFFF0, v14;
	v14 =	vshrl.u32 v15, $0x10  }
0x9c: {  	[tilespmem:v7+s11+$0x0] =	vst.idx.add.s32.msk $0xffff, v2;
	v7 =	vor.u32 v0, v11;
	v11 =	vand.u32 $0xFFF0, v14;
	v14 =	vshrl.u32 v16, $0x10  }
0x9d: {  	[tilespmem:v6+s11+$0x0] =	vst.idx.add.s32.msk $0xffff, v2;
	v6 =	vor.u32 v0, v12;
	v12 =	vand.u32 $0xFFF0, v14;
	v14 =	vshrl.u32 v17, $0x10  }
0x9e: {  	[tilespmem:v5+s11+$0x0] =	vst.idx.add.s32.msk $0xffff, v2;
	v5 =	vor.u32 v0, v13;
	v13 =	vand.u32 $0xFFF0, v14;
	v14 =	vshrl.u32 v18, $0x10  }
0x9f: {  	[tilespmem:v4+s11+$0x0] =	vst.idx.add.s32.msk $0xffff, v2;
	v4 =	vor.u32 v0, v9;
	v9 =	vshrl.u32 v19, $0x10;
	v14 =	vand.u32 $0xFFF0, v14  }
0xa0: {  	[tilespmem:v8+s11+$0x0] =	vst.idx.add.s32.msk $0xffff, v2;
	v8 =	vor.u32 v0, v11;
	v9 =	vand.u32 $0xFFF0, v9  }
0xa1: {  	[tilespmem:v7+s11+$0x0] =	vst.idx.add.s32.msk $0xffff, v2;
	v7 =	vor.u32 v0, v12  }
0xa2: {  	[tilespmem:v6+s11+$0x0] =	vst.idx.add.s32.msk $0xffff, v2;
	v6 =	vor.u32 v0, v10  }
0xa3: {  	[tilespmem:v5+s11+$0x0] =	vst.idx.add.s32.msk $0xffff, v2;
	v5 =	vor.u32 v0, v13  }
0xa4: {  	v9 =	vor.u32 v0, v9;
	[tilespmem:v4+s11+$0x0] =	vst.idx.add.s32.msk $0xffff, v2  }
.Ltmp2:
0xa5: {  	v4 =	vor.u32 v0, v14;
	[tilespmem:v8+s11+$0x0] =	vst.idx.add.s32.msk $0xffff, v2;
	(pc) =	sbr.rel @p0 .LBB2_7-.Ltmp2, $4  }
0xa6: {  	[tilespmem:v7+s11+$0x0] =	vst.idx.add.s32.msk $0xffff, v2  }
0xa7: {  	[tilespmem:v6+s11+$0x0] =	vst.idx.add.s32.msk $0xffff, v2  }
0xa8: {  	[tilespmem:v5+s11+$0x0] =	vst.idx.add.s32.msk $0xffff, v2  }
0xa9: {  	[tilespmem:v9+s11+$0x0] =	vst.idx.add.s32.msk $0xffff, v2  }
0xaa: {  	s16 =	sadd.s32 $0x1, s16  }
0xab: {  	p0 =	sne.s32 s16, $0x3  }
.Ltmp3:
0xac: {  	_ = 	snop;
	(pc) =	sbr.rel @p0 .LBB2_4-.Ltmp3, $3  }
0xad: {  	_ =	sdelay $0x1  }
0xae: {  	[tilespmem:v4+s11+$0x0] =	vst.idx.add.s32.msk $0xffff, v2;
	s17 =	sadd.s32 $0x1800, s17  }
0xaf: {  	[tilespmem:s9], [sflag:$0x2] =	stream.linear.gather [hbm4b:s17+s2], $0x4000, $0x38;
	[tilespmem:$0x10800] =	vst v63  }
0xb0: {  	_ =	swait.ge [sflag:s10], $0x4000  }
0xb1: {  	[sflag:s10] =	ssyncset.done $0x0  }
0xb2: {  	s16 =	simm.s32 $0x0;
	[sflag:s10] =	ssyncadd.s32 $0xFFFFC000  }
0xb3: {  	v4 =	vld [tilespmem:s16+$0x40]  }
0xb4: {  	v5 =	vld [tilespmem:s16+$0x30]  }
0xb5: {  	v6 =	vld [tilespmem:s16+$0x20]  }
0xb6: {  	v7 =	vld [tilespmem:s16+$0x10]  }
0xb7: {  	v8 =	vld [tilespmem:s16+$0x0]  }
0xb8: {  	v9 =	vld [tilespmem:s16+$0x50]  }
0xb9: {  	v10 =	vld [tilespmem:s16+$0xC0]  }
0xba: {  	v11 =	vld [tilespmem:s16+$0x60]  }
0xbb: {  	v12 =	vld [tilespmem:s16+$0x70]  }
0xbc: {  	v13 =	vld [tilespmem:s16+$0x80];
	v8 =	vshrl.u32 v8, $0x10  }
0xbd: {  	v14 =	vld [tilespmem:s16+$0x90];
	v7 =	vshrl.u32 v7, $0x10;
	v8 =	vand.u32 $0xFFF0, v8  }
0xbe: {  	v15 =	vld [tilespmem:s16+$0xA0];
	v6 =	vshrl.u32 v6, $0x10;
	v7 =	vand.u32 $0xFFF0, v7;
	v8 =	vor.u32 v0, v8  }
0xbf: {  	v16 =	vld [tilespmem:s16+$0xB0];
	v5 =	vshrl.u32 v5, $0x10;
	v6 =	vand.u32 $0xFFF0, v6;
	v7 =	vor.u32 v0, v7  }
0xc0: {  	v17 =	vld [tilespmem:s16+$0xD0];
	v4 =	vshrl.u32 v4, $0x10;
	v5 =	vand.u32 $0xFFF0, v5;
	v6 =	vor.u32 v0, v6  }
0xc1: {  	v18 =	vld [tilespmem:s16+$0xF0];
	v9 =	vshrl.u32 v9, $0x10;
	v4 =	vand.u32 $0xFFF0, v4;
	v5 =	vor.u32 v0, v5  }
0xc2: {  	v19 =	vld [tilespmem:s16+$0xE0];
	v11 =	vshrl.u32 v11, $0x10;
	v9 =	vand.u32 $0xFFF0, v9;
	v4 =	vor.u32 v0, v4  }
0xc3: {  	v12 =	vshrl.u32 v12, $0x10;
	v11 =	vand.u32 $0xFFF0, v11;
	v48 =	vor.u32 v0, v9;
	[tilespmem:v8+s11+$0x0] =	vst.idx.add.s32.msk $0xffff, v2  }
0xc4: {  	v50 =	vshrl.u32 v13, $0x10;
	v49 =	vand.u32 $0xFFF0, v12;
	[tilespmem:v7+s11+$0x0] =	vst.idx.add.s32.msk $0xffff, v2;
	v7 =	vor.u32 v0, v11  }
0xc5: {  	v52 =	vshrl.u32 v14, $0x10;
	v51 =	vand.u32 $0xFFF0, v50;
	[tilespmem:v6+s11+$0x0] =	vst.idx.add.s32.msk $0xffff, v2;
	v6 =	vor.u32 v0, v49  }
0xc6: {  	v53 =	vand.u32 $0xFFF0, v52;
	[tilespmem:v5+s11+$0x0] =	vst.idx.add.s32.msk $0xffff, v2;
	v5 =	vor.u32 v0, v51  }
0xc7: {  	v54 =	vshrl.u32 v15, $0x10;
	[tilespmem:v4+s11+$0x0] =	vst.idx.add.s32.msk $0xffff, v2;
	v4 =	vor.u32 v0, v53  }
0xc8: {  	v56 =	vshrl.u32 v16, $0x10;
	v55 =	vand.u32 $0xFFF0, v54;
	[tilespmem:v48+s11+$0x0] =	vst.idx.add.s32.msk $0xffff, v2  }
0xc9: {  	v57 =	vshrl.u32 v10, $0x10;
	v58 =	vand.u32 $0xFFF0, v56;
	v59 =	vor.u32 v0, v55;
	[tilespmem:v7+s11+$0x0] =	vst.idx.add.s32.msk $0xffff, v2  }
0xca: {  	v60 =	vshrl.u32 v17, $0x10;
	v9 =	vand.u32 $0xFFF0, v57;
	v7 =	vor.u32 v0, v58;
	[tilespmem:v6+s11+$0x0] =	vst.idx.add.s32.msk $0xffff, v2  }
0xcb: {  	v62 =	vshrl.u32 v19, $0x10;
	v61 =	vand.u32 $0xFFF0, v60;
	v6 =	vor.u32 v0, v9;
	[tilespmem:v5+s11+$0x0] =	vst.idx.add.s32.msk $0xffff, v2  }
0xcc: {  	v63 =	vand.u32 $0xFFF0, v62;
	v5 =	vor.u32 v0, v61;
	[tilespmem:v4+s11+$0x0] =	vst.idx.add.s32.msk $0xffff, v2;
	v4 =	vshrl.u32 v18, $0x10  }
0xcd: {  	v9 =	vor.u32 v0, v63;
	v4 =	vand.u32 $0xFFF0, v4  }
0xce: {  	[tilespmem:v59+s11+$0x0] =	vst.idx.add.s32.msk $0xffff, v2;
	v4 =	vor.u32 v0, v4  }
0xcf: {  	[tilespmem:v7+s11+$0x0] =	vst.idx.add.s32.msk $0xffff, v2  }
0xd0: {  	[tilespmem:v6+s11+$0x0] =	vst.idx.add.s32.msk $0xffff, v2  }
0xd1: {  	[tilespmem:v5+s11+$0x0] =	vst.idx.add.s32.msk $0xffff, v2  }
0xd2: {  	s16 =	simm.s32 $0x400;
	[tilespmem:v9+s11+$0x0] =	vst.idx.add.s32.msk $0xffff, v2  }
.LBB2_10:
0xd3: {  	s17 =	sshra.s32 s16, $0x2;
	p0 =	sne.s32 s16, $0xFC00;
	s16 =	sadd.s32 $0x400, s16;
	[tilespmem:v4+s11+$0x0] =	vst.idx.add.s32.msk $0xffff, v2  }
0xd4: {  	v4 =	vld [tilespmem:s17+$0x40]  }
0xd5: {  	v5 =	vld [tilespmem:s17+$0x30]  }
0xd6: {  	v6 =	vld [tilespmem:s17+$0x20]  }
0xd7: {  	v7 =	vld [tilespmem:s17+$0x10]  }
0xd8: {  	v8 =	vld [tilespmem:s17+$0x0]  }
0xd9: {  	v9 =	vld [tilespmem:s17+$0x50];
	v4 =	vshrl.u32 v4, $0x10  }
0xda: {  	v10 =	vld [tilespmem:s17+$0xC0];
	v5 =	vshrl.u32 v5, $0x10;
	v4 =	vand.u32 $0xFFF0, v4  }
0xdb: {  	v11 =	vld [tilespmem:s17+$0x60];
	v6 =	vshrl.u32 v6, $0x10;
	v5 =	vand.u32 $0xFFF0, v5  }
0xdc: {  	v12 =	vld [tilespmem:s17+$0x70];
	v7 =	vshrl.u32 v7, $0x10;
	v6 =	vand.u32 $0xFFF0, v6  }
0xdd: {  	v13 =	vld [tilespmem:s17+$0x80];
	v8 =	vshrl.u32 v8, $0x10;
	v7 =	vand.u32 $0xFFF0, v7  }
0xde: {  	v14 =	vld [tilespmem:s17+$0x90];
	v8 =	vand.u32 $0xFFF0, v8;
	v9 =	vshrl.u32 v9, $0x10  }
0xdf: {  	v15 =	vld [tilespmem:s17+$0xA0];
	v8 =	vor.u32 v0, v8;
	v9 =	vand.u32 $0xFFF0, v9;
	v10 =	vshrl.u32 v10, $0x10  }
0xe0: {  	v7 =	vor.u32 v0, v7;
	v16 =	vld [tilespmem:s17+$0xB0];
	v11 =	vshrl.u32 v11, $0x10;
	v10 =	vand.u32 $0xFFF0, v10  }
0xe1: {  	v6 =	vor.u32 v0, v6;
	v17 =	vld [tilespmem:s17+$0xD0];
	v11 =	vand.u32 $0xFFF0, v11;
	v12 =	vshrl.u32 v12, $0x10  }
0xe2: {  	v5 =	vor.u32 v0, v5;
	v18 =	vld [tilespmem:s17+$0xF0];
	v12 =	vand.u32 $0xFFF0, v12;
	v13 =	vshrl.u32 v13, $0x10  }
0xe3: {  	v4 =	vor.u32 v0, v4;
	v19 =	vld [tilespmem:s17+$0xE0];
	v13 =	vand.u32 $0xFFF0, v13;
	v14 =	vshrl.u32 v14, $0x10  }
0xe4: {  	[tilespmem:v8+s11+$0x0] =	vst.idx.add.s32.msk $0xffff, v2;
	v8 =	vor.u32 v0, v9;
	v9 =	vand.u32 $0xFFF0, v14;
	v14 =	vshrl.u32 v15, $0x10  }
0xe5: {  	[tilespmem:v7+s11+$0x0] =	vst.idx.add.s32.msk $0xffff, v2;
	v7 =	vor.u32 v0, v11;
	v11 =	vand.u32 $0xFFF0, v14;
	v14 =	vshrl.u32 v16, $0x10  }
0xe6: {  	[tilespmem:v6+s11+$0x0] =	vst.idx.add.s32.msk $0xffff, v2;
	v6 =	vor.u32 v0, v12;
	v12 =	vand.u32 $0xFFF0, v14;
	v14 =	vshrl.u32 v17, $0x10  }
0xe7: {  	[tilespmem:v5+s11+$0x0] =	vst.idx.add.s32.msk $0xffff, v2;
	v5 =	vor.u32 v0, v13;
	v13 =	vand.u32 $0xFFF0, v14;
	v14 =	vshrl.u32 v18, $0x10  }
0xe8: {  	[tilespmem:v4+s11+$0x0] =	vst.idx.add.s32.msk $0xffff, v2;
	v4 =	vor.u32 v0, v9;
	v9 =	vshrl.u32 v19, $0x10;
	v14 =	vand.u32 $0xFFF0, v14  }
0xe9: {  	[tilespmem:v8+s11+$0x0] =	vst.idx.add.s32.msk $0xffff, v2;
	v8 =	vor.u32 v0, v11;
	v9 =	vand.u32 $0xFFF0, v9  }
0xea: {  	[tilespmem:v7+s11+$0x0] =	vst.idx.add.s32.msk $0xffff, v2;
	v7 =	vor.u32 v0, v12  }
0xeb: {  	[tilespmem:v6+s11+$0x0] =	vst.idx.add.s32.msk $0xffff, v2;
	v6 =	vor.u32 v0, v10  }
0xec: {  	[tilespmem:v5+s11+$0x0] =	vst.idx.add.s32.msk $0xffff, v2;
	v5 =	vor.u32 v0, v13  }
0xed: {  	v9 =	vor.u32 v0, v9;
	[tilespmem:v4+s11+$0x0] =	vst.idx.add.s32.msk $0xffff, v2  }
.Ltmp4:
0xee: {  	v4 =	vor.u32 v0, v14;
	[tilespmem:v8+s11+$0x0] =	vst.idx.add.s32.msk $0xffff, v2;
	(pc) =	sbr.rel @p0 .LBB2_10-.Ltmp4, $4  }
0xef: {  	[tilespmem:v7+s11+$0x0] =	vst.idx.add.s32.msk $0xffff, v2  }
0xf0: {  	[tilespmem:v6+s11+$0x0] =	vst.idx.add.s32.msk $0xffff, v2  }
0xf1: {  	[tilespmem:v5+s11+$0x0] =	vst.idx.add.s32.msk $0xffff, v2  }
0xf2: {  	[tilespmem:v9+s11+$0x0] =	vst.idx.add.s32.msk $0xffff, v2  }
0xf3: {  	_ =	sdelay $0x3  }
0xf4: {  	[tilespmem:v4+s11+$0x0] =	vst.idx.add.s32.msk $0xffff, v2  }
0xf5: {  	_ =	swait.ge [sflag:s12], $0x4000  }
0xf6: {  	[sflag:s12] =	ssyncset.done $0x0  }
0xf7: {  	s16 =	simm.s32 $0x0;
	[sflag:s12] =	ssyncadd.s32 $0xFFFFC000  }
0xf8: {  	v4 =	vld [tilespmem:s16+$0x4040]  }
0xf9: {  	v5 =	vld [tilespmem:s16+$0x4030]  }
0xfa: {  	v6 =	vld [tilespmem:s16+$0x4020]  }
0xfb: {  	v7 =	vld [tilespmem:s16+$0x4010]  }
0xfc: {  	v8 =	vld [tilespmem:s16+$0x4000]  }
0xfd: {  	v9 =	vld [tilespmem:s16+$0x4050]  }
0xfe: {  	v10 =	vld [tilespmem:s16+$0x40C0]  }
0xff: {  	v11 =	vld [tilespmem:s16+$0x4060]  }
0x100: {  	v12 =	vld [tilespmem:s16+$0x4070]  }
0x101: {  	v13 =	vld [tilespmem:s16+$0x4080];
	v8 =	vshrl.u32 v8, $0x10  }
0x102: {  	v14 =	vld [tilespmem:s16+$0x4090];
	v7 =	vshrl.u32 v7, $0x10;
	v8 =	vand.u32 $0xFFF0, v8  }
0x103: {  	v15 =	vld [tilespmem:s16+$0x40A0];
	v6 =	vshrl.u32 v6, $0x10;
	v7 =	vand.u32 $0xFFF0, v7;
	v8 =	vor.u32 v0, v8  }
0x104: {  	v16 =	vld [tilespmem:s16+$0x40B0];
	v5 =	vshrl.u32 v5, $0x10;
	v6 =	vand.u32 $0xFFF0, v6;
	v7 =	vor.u32 v0, v7  }
0x105: {  	v17 =	vld [tilespmem:s16+$0x40D0];
	v4 =	vshrl.u32 v4, $0x10;
	v5 =	vand.u32 $0xFFF0, v5;
	v6 =	vor.u32 v0, v6  }
0x106: {  	v18 =	vld [tilespmem:s16+$0x40F0];
	v9 =	vshrl.u32 v9, $0x10;
	v4 =	vand.u32 $0xFFF0, v4;
	v5 =	vor.u32 v0, v5  }
0x107: {  	v19 =	vld [tilespmem:s16+$0x40E0];
	v11 =	vshrl.u32 v11, $0x10;
	v9 =	vand.u32 $0xFFF0, v9;
	v4 =	vor.u32 v0, v4  }
0x108: {  	v12 =	vshrl.u32 v12, $0x10;
	v11 =	vand.u32 $0xFFF0, v11;
	v48 =	vor.u32 v0, v9;
	[tilespmem:v8+s11+$0x0] =	vst.idx.add.s32.msk $0xffff, v2  }
0x109: {  	v50 =	vshrl.u32 v13, $0x10;
	v49 =	vand.u32 $0xFFF0, v12;
	[tilespmem:v7+s11+$0x0] =	vst.idx.add.s32.msk $0xffff, v2;
	v7 =	vor.u32 v0, v11  }
0x10a: {  	v52 =	vshrl.u32 v14, $0x10;
	v51 =	vand.u32 $0xFFF0, v50;
	[tilespmem:v6+s11+$0x0] =	vst.idx.add.s32.msk $0xffff, v2;
	v6 =	vor.u32 v0, v49  }
0x10b: {  	v53 =	vand.u32 $0xFFF0, v52;
	[tilespmem:v5+s11+$0x0] =	vst.idx.add.s32.msk $0xffff, v2;
	v5 =	vor.u32 v0, v51  }
0x10c: {  	v54 =	vshrl.u32 v15, $0x10;
	[tilespmem:v4+s11+$0x0] =	vst.idx.add.s32.msk $0xffff, v2;
	v4 =	vor.u32 v0, v53  }
0x10d: {  	v56 =	vshrl.u32 v16, $0x10;
	v55 =	vand.u32 $0xFFF0, v54;
	[tilespmem:v48+s11+$0x0] =	vst.idx.add.s32.msk $0xffff, v2  }
0x10e: {  	v57 =	vshrl.u32 v10, $0x10;
	v58 =	vand.u32 $0xFFF0, v56;
	v59 =	vor.u32 v0, v55;
	[tilespmem:v7+s11+$0x0] =	vst.idx.add.s32.msk $0xffff, v2  }
0x10f: {  	v60 =	vshrl.u32 v17, $0x10;
	v9 =	vand.u32 $0xFFF0, v57;
	v7 =	vor.u32 v0, v58;
	[tilespmem:v6+s11+$0x0] =	vst.idx.add.s32.msk $0xffff, v2  }
0x110: {  	v62 =	vshrl.u32 v19, $0x10;
	v61 =	vand.u32 $0xFFF0, v60;
	v6 =	vor.u32 v0, v9;
	[tilespmem:v5+s11+$0x0] =	vst.idx.add.s32.msk $0xffff, v2  }
0x111: {  	v63 =	vand.u32 $0xFFF0, v62;
	v5 =	vor.u32 v0, v61;
	[tilespmem:v4+s11+$0x0] =	vst.idx.add.s32.msk $0xffff, v2;
	v4 =	vshrl.u32 v18, $0x10  }
0x112: {  	v9 =	vor.u32 v0, v63;
	v4 =	vand.u32 $0xFFF0, v4  }
0x113: {  	[tilespmem:v59+s11+$0x0] =	vst.idx.add.s32.msk $0xffff, v2;
	v4 =	vor.u32 v0, v4  }
0x114: {  	[tilespmem:v7+s11+$0x0] =	vst.idx.add.s32.msk $0xffff, v2  }
0x115: {  	[tilespmem:v6+s11+$0x0] =	vst.idx.add.s32.msk $0xffff, v2  }
0x116: {  	[tilespmem:v5+s11+$0x0] =	vst.idx.add.s32.msk $0xffff, v2  }
0x117: {  	s17 =	simm.s32 $0x400;
	s16 =	simm.s32 $0x0;
	[tilespmem:v9+s11+$0x0] =	vst.idx.add.s32.msk $0xffff, v2  }
.LBB2_12:
0x118: {  	s18 =	sshra.s32 s17, $0x2;
	p0 =	sne.s32 s17, $0xFC00;
	s17 =	sadd.s32 $0x400, s17;
	[tilespmem:v4+s11+$0x0] =	vst.idx.add.s32.msk $0xffff, v2  }
0x119: {  	v4 =	vld [tilespmem:s18+$0x4040]  }
0x11a: {  	v5 =	vld [tilespmem:s18+$0x4030]  }
0x11b: {  	v6 =	vld [tilespmem:s18+$0x4020]  }
0x11c: {  	v7 =	vld [tilespmem:s18+$0x4010]  }
0x11d: {  	v8 =	vld [tilespmem:s18+$0x4000]  }
0x11e: {  	v9 =	vld [tilespmem:s18+$0x4050];
	v4 =	vshrl.u32 v4, $0x10  }
0x11f: {  	v10 =	vld [tilespmem:s18+$0x40C0];
	v5 =	vshrl.u32 v5, $0x10;
	v4 =	vand.u32 $0xFFF0, v4  }
0x120: {  	v11 =	vld [tilespmem:s18+$0x4060];
	v6 =	vshrl.u32 v6, $0x10;
	v5 =	vand.u32 $0xFFF0, v5  }
0x121: {  	v12 =	vld [tilespmem:s18+$0x4070];
	v7 =	vshrl.u32 v7, $0x10;
	v6 =	vand.u32 $0xFFF0, v6  }
0x122: {  	v13 =	vld [tilespmem:s18+$0x4080];
	v8 =	vshrl.u32 v8, $0x10;
	v7 =	vand.u32 $0xFFF0, v7  }
0x123: {  	v14 =	vld [tilespmem:s18+$0x4090];
	v8 =	vand.u32 $0xFFF0, v8;
	v9 =	vshrl.u32 v9, $0x10  }
0x124: {  	v15 =	vld [tilespmem:s18+$0x40A0];
	v8 =	vor.u32 v0, v8;
	v9 =	vand.u32 $0xFFF0, v9;
	v10 =	vshrl.u32 v10, $0x10  }
0x125: {  	v7 =	vor.u32 v0, v7;
	v16 =	vld [tilespmem:s18+$0x40B0];
	v11 =	vshrl.u32 v11, $0x10;
	v10 =	vand.u32 $0xFFF0, v10  }
0x126: {  	v6 =	vor.u32 v0, v6;
	v17 =	vld [tilespmem:s18+$0x40D0];
	v11 =	vand.u32 $0xFFF0, v11;
	v12 =	vshrl.u32 v12, $0x10  }
0x127: {  	v5 =	vor.u32 v0, v5;
	v18 =	vld [tilespmem:s18+$0x40F0];
	v12 =	vand.u32 $0xFFF0, v12;
	v13 =	vshrl.u32 v13, $0x10  }
0x128: {  	v4 =	vor.u32 v0, v4;
	v19 =	vld [tilespmem:s18+$0x40E0];
	v13 =	vand.u32 $0xFFF0, v13;
	v14 =	vshrl.u32 v14, $0x10  }
0x129: {  	[tilespmem:v8+s11+$0x0] =	vst.idx.add.s32.msk $0xffff, v2;
	v8 =	vor.u32 v0, v9;
	v9 =	vand.u32 $0xFFF0, v14;
	v14 =	vshrl.u32 v15, $0x10  }
0x12a: {  	[tilespmem:v7+s11+$0x0] =	vst.idx.add.s32.msk $0xffff, v2;
	v7 =	vor.u32 v0, v11;
	v11 =	vand.u32 $0xFFF0, v14;
	v14 =	vshrl.u32 v16, $0x10  }
0x12b: {  	[tilespmem:v6+s11+$0x0] =	vst.idx.add.s32.msk $0xffff, v2;
	v6 =	vor.u32 v0, v12;
	v12 =	vand.u32 $0xFFF0, v14;
	v14 =	vshrl.u32 v17, $0x10  }
0x12c: {  	[tilespmem:v5+s11+$0x0] =	vst.idx.add.s32.msk $0xffff, v2;
	v5 =	vor.u32 v0, v13;
	v13 =	vand.u32 $0xFFF0, v14;
	v14 =	vshrl.u32 v18, $0x10  }
0x12d: {  	[tilespmem:v4+s11+$0x0] =	vst.idx.add.s32.msk $0xffff, v2;
	v4 =	vor.u32 v0, v9;
	v9 =	vshrl.u32 v19, $0x10;
	v14 =	vand.u32 $0xFFF0, v14  }
0x12e: {  	[tilespmem:v8+s11+$0x0] =	vst.idx.add.s32.msk $0xffff, v2;
	v8 =	vor.u32 v0, v11;
	v9 =	vand.u32 $0xFFF0, v9  }
0x12f: {  	[tilespmem:v7+s11+$0x0] =	vst.idx.add.s32.msk $0xffff, v2;
	v7 =	vor.u32 v0, v12  }
0x130: {  	[tilespmem:v6+s11+$0x0] =	vst.idx.add.s32.msk $0xffff, v2;
	v6 =	vor.u32 v0, v10  }
0x131: {  	[tilespmem:v5+s11+$0x0] =	vst.idx.add.s32.msk $0xffff, v2;
	v5 =	vor.u32 v0, v13  }
0x132: {  	v9 =	vor.u32 v0, v9;
	[tilespmem:v4+s11+$0x0] =	vst.idx.add.s32.msk $0xffff, v2  }
.Ltmp5:
0x133: {  	v4 =	vor.u32 v0, v14;
	[tilespmem:v8+s11+$0x0] =	vst.idx.add.s32.msk $0xffff, v2;
	(pc) =	sbr.rel @p0 .LBB2_12-.Ltmp5, $4  }
0x134: {  	[tilespmem:v7+s11+$0x0] =	vst.idx.add.s32.msk $0xffff, v2  }
0x135: {  	[tilespmem:v6+s11+$0x0] =	vst.idx.add.s32.msk $0xffff, v2  }
0x136: {  	[tilespmem:v5+s11+$0x0] =	vst.idx.add.s32.msk $0xffff, v2  }
0x137: {  	[tilespmem:v9+s11+$0x0] =	vst.idx.add.s32.msk $0xffff, v2  }
0x138: {  	v5 =	vmov s16  }
0x139: {  	v5 =	vshll.u32 v5, $0x4  }
0x13a: {  	v5 =	vor.u32 v3, v5  }
0x13b: {  	v6 =	vor.u32 $0x1, v5  }
0x13c: {  	v7 =	vor.u32 $0x2, v5  }
0x13d: {  	v8 =	vor.u32 $0x3, v5  }
0x13e: {  	[tilespmem:v4+s11+$0x0] =	vst.idx.add.s32.msk $0xffff, v2;
	v4 =	vor.u32 $0x4, v5  }
0x13f: {  	v9 =	vor.u32 $0x5, v5;
	v10 =	vld.idx.msk [tilespmem:v5+s11+$0x0], $0xffff  }
0x140: {  	v11 =	vor.u32 $0x6, v5;
	v6 =	vld.idx.msk [tilespmem:v6+s11+$0x0], $0xffff  }
0x141: {  	v12 =	vor.u32 $0x7, v5;
	v7 =	vld.idx.msk [tilespmem:v7+s11+$0x0], $0xffff  }
0x142: {  	v13 =	vor.u32 $0x8, v5;
	v8 =	vld.idx.msk [tilespmem:v8+s11+$0x0], $0xffff  }
0x143: {  	v14 =	vor.u32 $0x9, v5;
	v4 =	vld.idx.msk [tilespmem:v4+s11+$0x0], $0xffff  }
0x144: {  	v15 =	vor.u32 $0xA, v5;
	v9 =	vld.idx.msk [tilespmem:v9+s11+$0x0], $0xffff  }
0x145: {  	v16 =	vor.u32 $0xB, v5;
	v11 =	vld.idx.msk [tilespmem:v11+s11+$0x0], $0xffff;
	v6 =	vadd.s32 v10, v6  }
0x146: {  	v53 =	vor.u32 $0xC, v5;
	v10 =	vld.idx.msk [tilespmem:v12+s11+$0x0], $0xffff;
	v6 =	vadd.s32 v7, v6  }
0x147: {  	v54 =	vor.u32 $0xD, v5;
	v7 =	vld.idx.msk [tilespmem:v13+s11+$0x0], $0xffff;
	v6 =	vadd.s32 v8, v6  }
0x148: {  	v55 =	vor.u32 $0xE, v5;
	v8 =	vld.idx.msk [tilespmem:v14+s11+$0x0], $0xffff;
	v4 =	vadd.s32 v4, v6  }
0x149: {  	v5 =	vor.u32 $0xF, v5;
	v6 =	vld.idx.msk [tilespmem:v15+s11+$0x0], $0xffff;
	v4 =	vadd.s32 v9, v4  }
0x14a: {  	v9 =	vld.idx.msk [tilespmem:v16+s11+$0x0], $0xffff;
	v4 =	vadd.s32 v11, v4  }
0x14b: {  	v11 =	vld.idx.msk [tilespmem:v53+s11+$0x0], $0xffff;
	v4 =	vadd.s32 v10, v4  }
0x14c: {  	s31 =	simm.s32 $0x10;
	v10 =	vld.idx.msk [tilespmem:v54+s11+$0x0], $0xffff;
	v4 =	vadd.s32 v7, v4  }
0x14d: {  	v56 =	vmov s31;
	v7 =	vld.idx.msk [tilespmem:v55+s11+$0x0], $0xffff;
	v4 =	vadd.s32 v8, v4  }
0x14e: {  	v5 =	vld.idx.msk [tilespmem:v5+s11+$0x0], $0xffff;
	v8 =	vshll.u32 v56, $0x4;
	v4 =	vadd.s32 v6, v4  }
0x14f: {  	v6 =	vor.u32 v3, v8;
	v4 =	vadd.s32 v9, v4  }
0x150: {  	v8 =	vor.u32 $0x1, v6;
	v4 =	vadd.s32 v11, v4  }
0x151: {  	v4 =	vadd.s32 v10, v4  }
0x152: {  	v9 =	vor.u32 $0x2, v6;
	v4 =	vadd.s32 v7, v4  }
0x153: {  	s16 =	simm.s32 $0x10000;
	v7 =	vor.u32 $0x3, v6;
	v4 =	vadd.s32 v5, v4  }
0x154: {  	v5 =	vor.u32 $0x4, v6;
	[tilespmem:s16+$0x0] =	vst v4  }
0x155: {  	v4 =	vld.idx.msk [tilespmem:v8+s11+$0x0], $0xffff;
	v8 =	vor.u32 $0x5, v6  }
0x156: {  	v11 =	vor.u32 $0x6, v6;
	v10 =	vld.idx.msk [tilespmem:v6+s11+$0x0], $0xffff  }
0x157: {  	v57 =	vor.u32 $0x7, v6;
	v9 =	vld.idx.msk [tilespmem:v9+s11+$0x0], $0xffff  }
0x158: {  	v58 =	vor.u32 $0x8, v6;
	v7 =	vld.idx.msk [tilespmem:v7+s11+$0x0], $0xffff  }
0x159: {  	v59 =	vor.u32 $0x9, v6;
	v5 =	vld.idx.msk [tilespmem:v5+s11+$0x0], $0xffff  }
0x15a: {  	v60 =	vor.u32 $0xA, v6;
	v8 =	vld.idx.msk [tilespmem:v8+s11+$0x0], $0xffff  }
0x15b: {  	v61 =	vor.u32 $0xB, v6;
	v11 =	vld.idx.msk [tilespmem:v11+s11+$0x0], $0xffff;
	v4 =	vadd.s32 v10, v4  }
0x15c: {  	v62 =	vor.u32 $0xC, v6;
	v10 =	vld.idx.msk [tilespmem:v57+s11+$0x0], $0xffff;
	v4 =	vadd.s32 v9, v4  }
0x15d: {  	v63 =	vor.u32 $0xD, v6;
	v9 =	vld.idx.msk [tilespmem:v58+s11+$0x0], $0xffff;
	v4 =	vadd.s32 v7, v4  }
0x15e: {  	v14 =	vld.idx.msk [tilespmem:v59+s11+$0x0], $0xffff;
	v7 =	vor.u32 $0xE, v6;
	v4 =	vadd.s32 v5, v4  }
0x15f: {  	v17 =	vor.u32 $0xF, v6;
	v15 =	vld.idx.msk [tilespmem:v60+s11+$0x0], $0xffff;
	v5 =	vadd.s32 v8, v4  }
0x160: {  	v4 =	vld.idx.msk [tilespmem:v61+s11+$0x0], $0xffff;
	v6 =	vadd.s32 v11, v5  }
0x161: {  	v5 =	vld.idx.msk [tilespmem:v62+s11+$0x0], $0xffff;
	v8 =	vadd.s32 v10, v6  }
0x162: {  	s17 =	simm.s32 $0x20;
	v6 =	vld.idx.msk [tilespmem:v63+s11+$0x0], $0xffff;
	v8 =	vadd.s32 v9, v8  }
0x163: {  	v7 =	vld.idx.msk [tilespmem:v7+s11+$0x0], $0xffff;
	v9 =	vmov s17;
	v10 =	vadd.s32 v14, v8  }
0x164: {  	s17 =	simm.s32 $0x30;
	v8 =	vld.idx.msk [tilespmem:v17+s11+$0x0], $0xffff;
	v9 =	vshll.u32 v9, $0x4;
	v10 =	vadd.s32 v15, v10  }
.LBB2_14:
0x165: {  	p0 =	sne.s32 s17, $0x7F0;
	v9 =	vor.u32 v3, v9;
	v4 =	vadd.s32 v4, v10  }
0x166: {  	v10 =	vor.u32 $0x1, v9;
	v4 =	vadd.s32 v5, v4  }
0x167: {  	v4 =	vadd.s32 v6, v4  }
0x168: {  	v5 =	vor.u32 $0x2, v9;
	v4 =	vadd.s32 v7, v4  }
0x169: {  	s16 =	sadd.s32 $0x10, s16;
	v6 =	vor.u32 $0x3, v9;
	v4 =	vadd.s32 v8, v4  }
0x16a: {  	v7 =	vor.u32 $0x4, v9;
	[tilespmem:s16+$0x0] =	vst v4  }
0x16b: {  	v8 =	vor.u32 $0x5, v9;
	v4 =	vld.idx.msk [tilespmem:v10+s11+$0x0], $0xffff  }
0x16c: {  	v11 =	vor.u32 $0x6, v9;
	v10 =	vld.idx.msk [tilespmem:v9+s11+$0x0], $0xffff  }
0x16d: {  	v12 =	vor.u32 $0x7, v9;
	v5 =	vld.idx.msk [tilespmem:v5+s11+$0x0], $0xffff  }
0x16e: {  	v13 =	vor.u32 $0x8, v9;
	v6 =	vld.idx.msk [tilespmem:v6+s11+$0x0], $0xffff  }
0x16f: {  	v14 =	vor.u32 $0x9, v9;
	v7 =	vld.idx.msk [tilespmem:v7+s11+$0x0], $0xffff  }
0x170: {  	v15 =	vor.u32 $0xA, v9;
	v8 =	vld.idx.msk [tilespmem:v8+s11+$0x0], $0xffff  }
0x171: {  	v16 =	vor.u32 $0xB, v9;
	v11 =	vld.idx.msk [tilespmem:v11+s11+$0x0], $0xffff  }
0x172: {  	v4 =	vadd.s32 v10, v4;
	v10 =	vld.idx.msk [tilespmem:v12+s11+$0x0], $0xffff;
	v12 =	vor.u32 $0xC, v9  }
0x173: {  	v17 =	vor.u32 $0xD, v9;
	v4 =	vadd.s32 v5, v4;
	v13 =	vld.idx.msk [tilespmem:v13+s11+$0x0], $0xffff  }
0x174: {  	v18 =	vor.u32 $0xE, v9;
	v4 =	vadd.s32 v6, v4;
	v14 =	vld.idx.msk [tilespmem:v14+s11+$0x0], $0xffff  }
0x175: {  	v9 =	vor.u32 $0xF, v9;
	v4 =	vadd.s32 v7, v4;
	v15 =	vld.idx.msk [tilespmem:v15+s11+$0x0], $0xffff  }
0x176: {  	v5 =	vadd.s32 v8, v4;
	v4 =	vld.idx.msk [tilespmem:v16+s11+$0x0], $0xffff  }
.Ltmp6:
0x177: {  	v6 =	vadd.s32 v11, v5;
	v5 =	vld.idx.msk [tilespmem:v12+s11+$0x0], $0xffff;
	(pc) =	sbr.rel @p0 .LBB2_14-.Ltmp6, $4  }
0x178: {  	v7 =	vadd.s32 v10, v6;
	v6 =	vld.idx.msk [tilespmem:v17+s11+$0x0], $0xffff  }
0x179: {  	v8 =	vadd.s32 v13, v7;
	v7 =	vld.idx.msk [tilespmem:v18+s11+$0x0], $0xffff  }
0x17a: {  	v10 =	vmov s17;
	v11 =	vadd.s32 v14, v8;
	v8 =	vld.idx.msk [tilespmem:v9+s11+$0x0], $0xffff  }
0x17b: {  	s17 =	sadd.s32 $0x10, s17;
	v9 =	vshll.u32 v10, $0x4;
	v10 =	vadd.s32 v15, v11  }
0x17c: {  	v9 =	vor.u32 v3, v9;
	v4 =	vadd.s32 v4, v10  }
0x17d: {  	v49 =	vor.u32 $0x1, v9;
	v4 =	vadd.s32 v5, v4  }
0x17e: {  	v4 =	vadd.s32 v6, v4  }
0x17f: {  	v5 =	vor.u32 $0x2, v9;
	v4 =	vadd.s32 v7, v4  }
0x180: {  	s16 =	sadd.s32 $0x10, s16;
	v50 =	vor.u32 $0x3, v9;
	v4 =	vadd.s32 v8, v4  }
0x181: {  	v51 =	vor.u32 $0x4, v9;
	[tilespmem:s16+$0x0] =	vst v4  }
0x182: {  	v52 =	vor.u32 $0x5, v9;
	v4 =	vld.idx.msk [tilespmem:v49+s11+$0x0], $0xffff  }
0x183: {  	v11 =	vor.u32 $0x6, v9;
	v53 =	vld.idx.msk [tilespmem:v9+s11+$0x0], $0xffff  }
0x184: {  	v12 =	vor.u32 $0x7, v9;
	v5 =	vld.idx.msk [tilespmem:v5+s11+$0x0], $0xffff  }
0x185: {  	v13 =	vor.u32 $0x8, v9;
	v6 =	vld.idx.msk [tilespmem:v50+s11+$0x0], $0xffff  }
0x186: {  	v14 =	vor.u32 $0x9, v9;
	v7 =	vld.idx.msk [tilespmem:v51+s11+$0x0], $0xffff  }
0x187: {  	v15 =	vor.u32 $0xA, v9;
	v8 =	vld.idx.msk [tilespmem:v52+s11+$0x0], $0xffff  }
0x188: {  	v16 =	vor.u32 $0xB, v9;
	v11 =	vld.idx.msk [tilespmem:v11+s11+$0x0], $0xffff;
	v4 =	vadd.s32 v53, v4  }
0x189: {  	v55 =	vor.u32 $0xC, v9;
	v54 =	vld.idx.msk [tilespmem:v12+s11+$0x0], $0xffff;
	v4 =	vadd.s32 v5, v4  }
0x18a: {  	v56 =	vor.u32 $0xD, v9;
	v5 =	vld.idx.msk [tilespmem:v13+s11+$0x0], $0xffff;
	v4 =	vadd.s32 v6, v4  }
0x18b: {  	v58 =	vor.u32 $0xE, v9;
	v57 =	vld.idx.msk [tilespmem:v14+s11+$0x0], $0xffff;
	v4 =	vadd.s32 v7, v4  }
0x18c: {  	v59 =	vld.idx.msk [tilespmem:v15+s11+$0x0], $0xffff;
	v9 =	vor.u32 $0xF, v9;
	v4 =	vadd.s32 v8, v4  }
0x18d: {  	v60 =	vld.idx.msk [tilespmem:v16+s11+$0x0], $0xffff;
	v4 =	vadd.s32 v11, v4  }
0x18e: {  	v61 =	vld.idx.msk [tilespmem:v55+s11+$0x0], $0xffff;
	v4 =	vadd.s32 v54, v4  }
0x18f: {  	v62 =	vld.idx.msk [tilespmem:v56+s11+$0x0], $0xffff;
	v4 =	vadd.s32 v5, v4  }
0x190: {  	v5 =	vld.idx.msk [tilespmem:v58+s11+$0x0], $0xffff;
	v4 =	vadd.s32 v57, v4  }
0x191: {  	v63 =	vld.idx.msk [tilespmem:v9+s11+$0x0], $0xffff;
	v4 =	vadd.s32 v59, v4  }
0x192: {  	v4 =	vadd.s32 v60, v4  }
0x193: {  	v4 =	vadd.s32 v61, v4  }
0x194: {  	v4 =	vadd.s32 v62, v4  }
0x195: {  	s15 =	sadd.s32 $0x1, s15;
	v4 =	vadd.s32 v5, v4  }
0x196: {  	p0 =	sne.s32 s15, s8;
	s16 =	sadd.s32 $0x10, s16;
	v4 =	vadd.s32 v63, v4  }
.Ltmp7:
0x197: {  	[tilespmem:s16+$0x0] =	vst v4;
	(pc) =	sbr.rel @p0 .LBB2_1-.Ltmp7, $4  }
0x198: {  	[hbm4b:s7+s2] =	stream.linear.scatter [tilespmem:s13], [sflag:$0x3], $0x800, $0x38;
	[tilespmem:$0x10800] =	vst v63  }
0x199: {  	_ =	swait.ge [sflag:s14], $0x800  }
0x19a: {  	[sflag:s14] =	ssyncset.done $0x0  }
0x19b: {  	[sflag:s14] =	ssyncadd.s32 $0xFFFFF800  }
0x19c: {  	_ =	sfence.sel $0x180000  }
0x19d: {  	[bflag:$0x0] =	sbarrier.arrive $0xFFFF  }
0x19e: {  	p0 =	sne.s32 s1, $0x0;
	_ =	strace $0x90000047  }
0x19f: {  	s0 =	sadd.s32 @!p0 $0x100000, s0;
	[bflag:$0x2] =	sbarrier.arrive $0xFFFF  }
0x1a0: {  	[sflag:s0] =	ssyncadd.tile.s32 @!p0 $0x1;
	_ =	shalt  }
.Lfunc_end2:
_tile_overlayer_lowered:
.L_overlay_start_2:
0x1a1: {  	(tag) =	ssettag $0x2  }
0x1a2: {  	s0 =	rddreg [dreg:$0x0];
	s2 =	stileid.u32  }
0x1a3: {  	s1 =	rddreg [dreg:$0x1];
	p0 =	sne.s32 s2, $0x0  }
0x1a4: {  	s3 =	rddreg [dreg:$0x2];
	[bflag:$0x3] =	sbarrier.arrive $0xFFFF;
	s2 =	simm.s32 @!p0 $0x1C03  }
0x1a5: {  	[timem:s3], [sflag:s2] =	dma.local @!p0 [hbm:s0], s1  }
0x1a6: {  	s0 =	simm.s32 @!p0 $0x3  }
0x1a7: {  	_ =	swait.ge @!p0 [sflag:s0], s1  }
0x1a8: {  	s1 =	ssub.s32 @!p0 $0x0, s1;
	[sflag:s0] =	ssyncset.done @!p0 $0x0  }
0x1a9: {  	[sflag:s0] =	ssyncadd.s32 @!p0 s1  }
0x1aa: {  	[bflag:$0x3] =	sbarrier.arrive $0xFFFF  }
0x1ab: {  	_ =	shalt  }

</sc_bundles>
